<compile_context>
chip_gen: v7x
topology: tpu7x:2x2x1
jax: 0.10.2.dev20260603
libtpu: 0.0.44.dev20260713+nightly
codegen_flags: <defaults>
</compile_context>

<pallas_src>
import functools

import jax
import jax.numpy as jnp
from jax import lax
from jax.experimental import pallas as pl
from jax.experimental.pallas import tpu as pltpu
from jax.experimental.pallas import tpu_sc as plsc

N = 50000
E = 800000

NC = 2
NS = 16
NW = NC * NS

CHUNK = 128
JJ = 8
OUTER = 25
PER_TILE = CHUNK * JJ * OUTER
EP = PER_TILE * NW
NP = 50008

f32 = jnp.float32
i32 = jnp.int32



def _make_sc_gather(D):
  RSTEP = 512
  JR = RSTEP // CHUNK
  NIT = PER_TILE // RSTEP
  IDXROWS = PER_TILE // CHUNK
  mesh = plsc.VectorSubcoreMesh(core_axis_name="c", subcore_axis_name="s",
                                num_cores=NC, num_subcores=NS)

  @functools.partial(
      pl.kernel,
      out_type=(
          jax.ShapeDtypeStruct((EP, D), f32),
          jax.ShapeDtypeStruct((EP, D), f32),
      ),
      mesh=mesh,
      scratch_types=[
          pltpu.VMEM((IDXROWS, CHUNK), i32),
          pltpu.VMEM((IDXROWS, CHUNK), i32),
          pltpu.VMEM((RSTEP, D), f32),
          pltpu.VMEM((RSTEP, D), f32),
          pltpu.VMEM((RSTEP, D), f32),
          pltpu.VMEM((RSTEP, D), f32),
          pltpu.SemaphoreType.DMA,
          pltpu.SemaphoreType.DMA,
          pltpu.SemaphoreType.DMA,
          pltpu.SemaphoreType.DMA,
      ],
      compiler_params=pltpu.CompilerParams(use_tc_tiling_on_sc=False),
  )
  def gather_kernel(table, dsti, srci, out_d, out_s,
                    idx_da, idx_sa, rows_d0, rows_d1, rows_s0, rows_s1,
                    semg0, semg1, semw0, semw1):
    cid = lax.axis_index("c")
    sid = lax.axis_index("s")
    wid = sid * NC + cid
    ibase = wid * IDXROWS
    ebase = wid * PER_TILE
    rows_d = (rows_d0, rows_d1)
    rows_s = (rows_s0, rows_s1)
    semg = (semg0, semg1)
    semw = (semw0, semw1)

    pltpu.sync_copy(dsti.at[pl.ds(ibase, IDXROWS)], idx_da)
    pltpu.sync_copy(srci.at[pl.ds(ibase, IDXROWS)], idx_sa)

    def gather_cps(it, b):
      r0 = it * JR
      cps = []
      for j in range(JR):
        cps.append(pltpu.make_async_copy(
            table.at[idx_da.at[r0 + j]],
            rows_d[b].at[pl.ds(j * CHUNK, CHUNK)], semg[b]))
        cps.append(pltpu.make_async_copy(
            table.at[idx_sa.at[r0 + j]],
            rows_s[b].at[pl.ds(j * CHUNK, CHUNK)], semg[b]))
      return cps

    def wb_cps(it, b):
      e0 = ebase + it * RSTEP
      return [
          pltpu.make_async_copy(rows_d[b], out_d.at[pl.ds(e0, RSTEP)], semw[b]),
          pltpu.make_async_copy(rows_s[b], out_s.at[pl.ds(e0, RSTEP)], semw[b]),
      ]

    def outer(t, carry):
      for b in (0, 1):
        it = 2 * t + b

        @pl.when(t > 0)
        def _reuse():
          for cp in wb_cps(it - 2, b):
            cp.wait()

        for cp in gather_cps(it, b):
          cp.start()

        def _finish_prev():
          for cp in gather_cps(it - 1, 1 - b):
            cp.wait()
          for cp in wb_cps(it - 1, 1 - b):
            cp.start()

        if b == 1:
          _finish_prev()
        else:
          pl.when(t > 0)(_finish_prev)
      return carry

    lax.fori_loop(0, NIT // 2, outer, 0)

    for cp in gather_cps(NIT - 1, 1):
      cp.wait()
    for cp in wb_cps(NIT - 1, 1):
      cp.start()
    for cp in wb_cps(NIT - 2, 0):
      cp.wait()
    for cp in wb_cps(NIT - 1, 1):
      cp.wait()

  return gather_kernel


def _make_sc_scatter_add():
  mesh = plsc.VectorSubcoreMesh(core_axis_name="c", subcore_axis_name="s", num_cores=NC, num_subcores=NS)

  @functools.partial(
      pl.kernel,
      out_type=jax.ShapeDtypeStruct((NC, NP, 8), f32),
      mesh=mesh,
      scratch_types=[
          pltpu.VMEM((JJ, CHUNK), i32),
          pltpu.VMEM((JJ * CHUNK, 8), f32),
          pltpu.VMEM_SHARED((NP, 8), f32),
      ],
      compiler_params=pltpu.CompilerParams(use_tc_tiling_on_sc=False),
  )
  def scatter_kernel(m, dsti, zeros, out, idx_d, m_v, acc):
    cid = lax.axis_index("c")
    sid = lax.axis_index("s")
    wid = sid * NC + cid

    @pl.when(sid == 0)
    def _init():
      pltpu.sync_copy(zeros, acc)

    plsc.subcore_barrier()

    def body(i, carry):
      r0 = wid * (PER_TILE // CHUNK) + i * JJ
      e0 = wid * PER_TILE + i * (JJ * CHUNK)
      pltpu.sync_copy(dsti.at[pl.ds(r0, JJ)], idx_d)
      pltpu.sync_copy(m.at[pl.ds(e0, JJ * CHUNK)], m_v)
      for j in range(JJ):
        pltpu.sync_copy(m_v.at[pl.ds(j * CHUNK, CHUNK)],
                        acc.at[idx_d.at[j]], add=True)
      return carry

    lax.fori_loop(0, OUTER, body, 0)

    plsc.subcore_barrier()

    @pl.when(sid == 0)
    def _dump():
      pltpu.sync_copy(acc, out.at[cid])

  return scatter_kernel



NB = 2000
EB = 4096


def _dot(x, w):
  return jnp.dot(x, w, preferred_element_type=f32)


def _mlp(x, w1, b1, w2, b2):
  return jnp.tanh(_dot(jax.nn.relu(_dot(x, w1) + b1), w2) + b2)


def _full(shape):
  return pl.BlockSpec(shape, lambda i: tuple(0 for _ in shape))


def _rows(shape):
  return pl.BlockSpec(shape, lambda i: (i,) + tuple(0 for _ in shape[1:]))


def _tc_prep_body(x_ref, fl_ref, emb_ref, w1_ref, b1_ref, w2_ref, b2_ref,
                  nf_ref, o1_ref):
  fl = fl_ref[...]
  oh = (lax.broadcasted_iota(i32, (NB, 4), 1) == fl).astype(f32)
  nf = jnp.concatenate([x_ref[...], _dot(oh, emb_ref[...])], axis=1)
  nf_ref[...] = nf
  o1_ref[...] = _mlp(nf, w1_ref[...], b1_ref[...], w2_ref[...], b2_ref[...])


def _tc_prep(x, fl, emb, w1, b1, w2, b2):
  return pl.pallas_call(
      _tc_prep_body,
      grid=(N // NB,),
      in_specs=[
          _rows((NB, 13)), _rows((NB, 1)), _full((4, 3)),
          _full((16, 12)), _full((1, 12)), _full((12, 8)), _full((1, 8)),
      ],
      out_specs=[_rows((NB, 16)), _rows((NB, 8))],
      out_shape=[
          jax.ShapeDtypeStruct((N, 16), f32),
          jax.ShapeDtypeStruct((N, 8), f32),
      ],
  )(x, fl, emb, w1, b1, w2, b2)


EBP = 1024
bf16 = jnp.bfloat16


def _make_tc_edge_packed(n_in, P, H):
  ROWS = EP // P

  def body(*refs):
    in_refs = refs[:n_in]
    dr_ref, w1_ref, s_ref, b1_ref, w2_ref, b2_ref, m_ref = refs[n_in:]
    x = jnp.concatenate([r[...] for r in in_refs], axis=1).astype(bf16)
    g = (_dot(x, w1_ref[...]) + _dot(dr_ref[...], s_ref[...]) + b1_ref[...])
    m_ref[...] = jnp.tanh(
        _dot(jax.nn.relu(g).astype(bf16), w2_ref[...]) + b2_ref[...])

  def run(ins, dr, w1bd, s, b1t, w2bd, b2t):
    din = ins[0].shape[1]
    return pl.pallas_call(
        body,
        grid=(ROWS // EBP,),
        in_specs=(
            [_rows((EBP, din)) for _ in ins]
            + [_rows((EBP, P)),
               _full((n_in * din, P * H)), _full((P, P * H)),
               _full((1, P * H)), _full((P * H, P * 8)), _full((1, P * 8))]
        ),
        out_specs=_rows((EBP, P * 8)),
        out_shape=jax.ShapeDtypeStruct((ROWS, P * 8), f32),
    )(*ins, dr, w1bd, s, b1t, w2bd, b2t)

  return run


def _blockdiag_weights(P, w_parts, w_dr, b1, w2, b2):
  eye = jnp.eye(P, dtype=f32)
  w1bd = jnp.concatenate([jnp.kron(eye, w) for w in w_parts], axis=0)
  s = jnp.kron(eye, w_dr.reshape(1, -1))
  w2bd = jnp.kron(eye, w2)
  b1t = jnp.tile(b1.reshape(1, -1), (1, P))
  b2t = jnp.tile(b2.reshape(1, -1), (1, P))
  return (w1bd.astype(bf16), s, b1t, w2bd.astype(bf16), b2t)


def _normalize(h):
  return h * lax.rsqrt(jnp.sum(h * h, axis=1, keepdims=True))


def _tc_node0_body(p_ref, o1_ref, nf_ref, bw1_ref, bb1_ref, bw2_ref, bb2_ref,
                   aw1_ref, ab1_ref, aw2_ref, ab2_ref, h_ref, o11_ref):
  p = p_ref[...]
  msum = p[0] + p[1]
  out2 = _mlp(msum, bw1_ref[...], bb1_ref[...], bw2_ref[...], bb2_ref[...])
  h = _normalize(jnp.concatenate([o1_ref[...], out2], axis=1))
  h_ref[...] = h
  cat = jnp.concatenate([nf_ref[...], h], axis=1)
  o11_ref[...] = _mlp(cat, aw1_ref[...], ab1_ref[...], aw2_ref[...],
                      ab2_ref[...])


def _tc_node0(partials, o1, nf, bw1, bb1, bw2, bb2, aw1, ab1, aw2, ab2):
  return pl.pallas_call(
      _tc_node0_body,
      grid=(N // NB,),
      in_specs=[
          pl.BlockSpec((2, NB, 8), lambda i: (0, i, 0)),
          _rows((NB, 8)), _rows((NB, 16)),
          _full((8, 8)), _full((1, 8)), _full((8, 8)), _full((1, 8)),
          _full((32, 20)), _full((1, 20)), _full((20, 8)), _full((1, 8)),
      ],
      out_specs=[_rows((NB, 16)), _rows((NB, 8))],
      out_shape=[
          jax.ShapeDtypeStruct((N, 16), f32),
          jax.ShapeDtypeStruct((N, 8), f32),
      ],
  )(partials, o1, nf, bw1, bb1, bw2, bb2, aw1, ab1, aw2, ab2)


def _tc_final_body(p_ref, o1_ref, nf_ref, bw1_ref, bb1_ref, bw2_ref, bb2_ref,
                   cw1_ref, cb1_ref, cw2_ref, cb2_ref, cw3_ref, cb3_ref,
                   out_ref):
  p = p_ref[...]
  msum = p[0] + p[1]
  out2 = _mlp(msum, bw1_ref[...], bb1_ref[...], bw2_ref[...], bb2_ref[...])
  h = _normalize(jnp.concatenate([o1_ref[...], out2], axis=1))
  cat = jnp.concatenate([nf_ref[...], h], axis=1)
  hid = jax.nn.relu(_dot(cat, cw1_ref[...]) + cb1_ref[...])
  hid = jax.nn.relu(_dot(hid, cw2_ref[...]) + cb2_ref[...])
  out_ref[...] = _dot(hid, cw3_ref[...]) + cb3_ref[...]


def _tc_final(partials, o1, nf, bw1, bb1, bw2, bb2, cw1, cb1, cw2, cb2,
              cw3, cb3):
  return pl.pallas_call(
      _tc_final_body,
      grid=(N // NB,),
      in_specs=[
          pl.BlockSpec((2, NB, 8), lambda i: (0, i, 0)),
          _rows((NB, 8)), _rows((NB, 16)),
          _full((8, 8)), _full((1, 8)), _full((8, 8)), _full((1, 8)),
          _full((32, 64)), _full((1, 64)), _full((64, 64)), _full((1, 64)),
          _full((64, 1)), _full((1, 1)),
      ],
      out_specs=_rows((NB, 1)),
      out_shape=jax.ShapeDtypeStruct((N, 1), f32),
  )(partials, o1, nf, bw1, bb1, bw2, bb2, cw1, cb1, cw2, cb2, cw3, cb3)



_make_sc_gather = functools.cache(_make_sc_gather)
_make_sc_scatter_add = functools.cache(_make_sc_scatter_add)
_edge0 = _make_tc_edge_packed(2, 8, 20)
_edge1 = _make_tc_edge_packed(4, 4, 36)


@jax.jit
def kernel(node_features, flav_indices, edge_index, dR,
           emb,
           e0_W1, e0_b1, e0_W2, e0_b2,
           n0a_W1, n0a_b1, n0a_W2, n0a_b2,
           n0b_W1, n0b_b1, n0b_W2, n0b_b2,
           e1_W1, e1_b1, e1_W2, e1_b2,
           n1a_W1, n1a_b1, n1a_W2, n1a_b2,
           n1b_W1, n1b_b1, n1b_W2, n1b_b2,
           c_W1, c_b1, c_W2, c_b2,
           c_W3, c_b3):
  r2 = lambda b: b.reshape(1, -1).astype(f32)

  src = edge_index[0].astype(i32)
  dst = edge_index[1].astype(i32)
  pad = EP - E
  dsti = jnp.pad(dst, (0, pad), constant_values=N).reshape(EP // CHUNK, CHUNK)
  srci = jnp.pad(src, (0, pad), constant_values=N).reshape(EP // CHUNK, CHUNK)
  drp = jnp.pad(dR.astype(f32), (0, pad))
  zeros = jnp.zeros((NP, 8), f32)

  fl = flav_indices.astype(i32).reshape(N, 1)
  nf, out1_0 = _tc_prep(node_features.astype(f32), fl, emb.astype(f32),
                        n0a_W1, r2(n0a_b1), n0a_W2, r2(n0a_b2))

  nf_p = jnp.pad(nf, ((0, NP - N), (0, 0)))
  hd0, hs0 = _make_sc_gather(16)(nf_p, dsti, srci)
  w0 = _blockdiag_weights(8, [e0_W1[0:16], e0_W1[16:32]], e0_W1[32],
                          e0_b1, e0_W2, e0_b2)
  m0p = _edge0([hd0.reshape(EP // 8, 128), hs0.reshape(EP // 8, 128)],
               drp.reshape(EP // 8, 8), *w0)
  m0 = m0p.reshape(EP, 8)
  part0 = _make_sc_scatter_add()(m0, dsti, zeros)
  h1, out1_1 = _tc_node0(part0, out1_0, nf,
                         n0b_W1, r2(n0b_b1), n0b_W2, r2(n0b_b2),
                         n1a_W1, r2(n1a_b1), n1a_W2, r2(n1a_b2))

  h1_p = jnp.pad(h1, ((0, NP - N), (0, 0)))
  h1d, h1s = _make_sc_gather(16)(h1_p, dsti, srci)
  w1 = _blockdiag_weights(4, [e1_W1[0:16], e1_W1[16:32], e1_W1[32:48],
                              e1_W1[48:64]], e1_W1[64],
                          e1_b1, e1_W2, e1_b2)
  m1p = _edge1([hd0.reshape(EP // 4, 64), h1d.reshape(EP // 4, 64),
                hs0.reshape(EP // 4, 64), h1s.reshape(EP // 4, 64)],
               drp.reshape(EP // 4, 4), *w1)
  m1 = m1p.reshape(EP, 8)
  part1 = _make_sc_scatter_add()(m1, dsti, zeros)

  return _tc_final(part1, out1_1, nf,
                   n1b_W1, r2(n1b_b1), n1b_W2, r2(n1b_b2),
                   c_W1, r2(c_b1), c_W2, r2(c_b2), c_W3, r2(c_b3))

# --- scband reference (transcript-rebuilt; emitter-appended) ---
"""Pipeline reference for scband-jet-efficiency-net-34196529611291 (READ-ONLY COPY).

The authoritative reference and input builder live on the scoring server;
editing this copy changes nothing except your own understanding.
"""

import jax, jax.numpy as jnp
import numpy as np

N = 50000
E = 800000

# in_features=16 (13 raw + 3 embedding), feats=[16,16], correction_layers=[64,64]
# EdgeNetwork0: in=16, out=8, mid=(2*16+8)//2=20 -> Linear(33,20),ReLU,Linear(20,8),Tanh
# NodeNetwork0: net1 Linear(16,12),ReLU,Linear(12,8),Tanh ; net2 Linear(8,8),ReLU,Linear(8,8),Tanh
# EdgeNetwork1: in=32, out=8, mid=(64+8)//2=36 -> Linear(65,36),ReLU,Linear(36,8),Tanh
# NodeNetwork1: net1 Linear(32,20),ReLU,Linear(20,8),Tanh ; net2 Linear(8,8)x2
# eff_correction: Linear(32,64),ReLU,Linear(64,64),ReLU,Linear(64,1)
PARAM_SHAPES = {
    "emb": (4, 3),
    "e0_W1": (33, 20), "e0_b1": (20,), "e0_W2": (20, 8), "e0_b2": (8,),
    "n0a_W1": (16, 12), "n0a_b1": (12,), "n0a_W2": (12, 8), "n0a_b2": (8,),
    "n0b_W1": (8, 8), "n0b_b1": (8,), "n0b_W2": (8, 8), "n0b_b2": (8,),
    "e1_W1": (65, 36), "e1_b1": (36,), "e1_W2": (36, 8), "e1_b2": (8,),
    "n1a_W1": (32, 20), "n1a_b1": (20,), "n1a_W2": (20, 8), "n1a_b2": (8,),
    "n1b_W1": (8, 8), "n1b_b1": (8,), "n1b_W2": (8, 8), "n1b_b2": (8,),
    "c_W1": (32, 64), "c_b1": (64,), "c_W2": (64, 64), "c_b2": (64,),
    "c_W3": (64, 1), "c_b3": (1,),
}


def setup_inputs(seed: int = 0) -> dict:
    key = jax.random.key(seed)
    ks = jax.random.split(key, 4 + len(PARAM_SHAPES))
    d = {}
    d["node_features"] = jax.random.normal(ks[0], (N, 13), dtype=jnp.float32)
    d["flav_indices"] = jax.random.randint(ks[1], (N,), 0, 4)
    d["edge_index"] = jax.random.randint(ks[2], (2, E), 0, N)
    d["dR"] = jax.random.uniform(ks[3], (E,), dtype=jnp.float32)
    for i, (name, shp) in enumerate(PARAM_SHAPES.items()):
        d[name] = jax.random.normal(ks[4 + i], shp, dtype=jnp.float32) * 0.1
    return d


def _mlp(x, W1, b1, W2, b2):
    return jnp.tanh(jax.nn.relu(x @ W1 + b1) @ W2 + b2)


def _forward(p, node_features, dR, flav_indices, edge_index):
    # g.ndata['node_features'] = cat(node_features, embedding(flav_indices))
    nf = jnp.concatenate([node_features, p["emb"][flav_indices]], axis=1)  # [N,16]
    src = edge_index[0]
    dst = edge_index[1]
    h = nf  # node_hidden_state
    # ---- message-passing layer 0 (first=True) ----
    ein = jnp.concatenate([h[dst], h[src], dR[:, None]], axis=1)  # [E,33]
    m = _mlp(ein, p["e0_W1"], p["e0_b1"], p["e0_W2"], p["e0_b2"])  # [E,8]
    msum = jax.ops.segment_sum(m, dst, num_segments=N)  # mailbox sum
    out1 = _mlp(h, p["n0a_W1"], p["n0a_b1"], p["n0a_W2"], p["n0a_b2"])
    out2 = _mlp(msum, p["n0b_W1"], p["n0b_b1"], p["n0b_W2"], p["n0b_b2"])
    h = jnp.concatenate([out1, out2], axis=1)
    h = h / jnp.linalg.norm(h, axis=1, keepdims=True)
    # ---- message-passing layer 1 ----
    ein = jnp.concatenate([nf[dst], h[dst], nf[src], h[src], dR[:, None]], axis=1)  # [E,65]
    m = _mlp(ein, p["e1_W1"], p["e1_b1"], p["e1_W2"], p["e1_b2"])  # [E,8]
    msum = jax.ops.segment_sum(m, dst, num_segments=N)
    out1 = _mlp(jnp.concatenate([nf, h], axis=1), p["n1a_W1"], p["n1a_b1"], p["n1a_W2"], p["n1a_b2"])
    out2 = _mlp(msum, p["n1b_W1"], p["n1b_b1"], p["n1b_W2"], p["n1b_b2"])
    h = jnp.concatenate([out1, out2], axis=1)
    h = h / jnp.linalg.norm(h, axis=1, keepdims=True)
    # ---- efficiency correction head ----
    cat = jnp.concatenate([nf, h], axis=1)  # [N,32]
    hid = jax.nn.relu(cat @ p["c_W1"] + p["c_b1"])
    hid = jax.nn.relu(hid @ p["c_W2"] + p["c_b2"])
    return hid @ p["c_W3"] + p["c_b3"]  # [N,1]


def reference(node_features, flav_indices, edge_index, dR,
              emb,
              e0_W1, e0_b1, e0_W2, e0_b2,
              n0a_W1, n0a_b1, n0a_W2, n0a_b2,
              n0b_W1, n0b_b1, n0b_W2, n0b_b2,
              e1_W1, e1_b1, e1_W2, e1_b2,
              n1a_W1, n1a_b1, n1a_W2, n1a_b2,
              n1b_W1, n1b_b1, n1b_W2, n1b_b2,
              c_W1, c_b1, c_W2, c_b2,
              c_W3, c_b3):
    local = locals()
    p = {name: local[name] for name in PARAM_SHAPES}
    return _forward(p, node_features, dR, flav_indices, edge_index)

if __name__ == "__main__":
    import jax
    _d = setup_inputs()
    print(jax.jit(kernel)(*tuple(_d.values())))

</pallas_src>

<mosaic_0001>
#map = affine_map<(d0, d1) -> (0, 0)>
module attributes {stable_mosaic.version = 14 : i64} {
  func.func @gather_kernel(%arg0: i32, %arg1: i32, %arg2: memref<50008x16xf32, #tpu.memory_space<hbm>>, %arg3: memref<6400x128xi32, #tpu.memory_space<hbm>>, %arg4: memref<6400x128xi32, #tpu.memory_space<hbm>>, %arg5: memref<819200x16xf32, #tpu.memory_space<hbm>>, %arg6: memref<819200x16xf32, #tpu.memory_space<hbm>>, %arg7: memref<200x128xi32, #tpu.memory_space<vmem>>, %arg8: memref<200x128xi32, #tpu.memory_space<vmem>>, %arg9: memref<512x16xf32, #tpu.memory_space<vmem>>, %arg10: memref<512x16xf32, #tpu.memory_space<vmem>>, %arg11: memref<512x16xf32, #tpu.memory_space<vmem>>, %arg12: memref<512x16xf32, #tpu.memory_space<vmem>>, %arg13: memref<!tpu.dma_semaphore, #tpu.memory_space<semaphore_mem>>, %arg14: memref<!tpu.dma_semaphore, #tpu.memory_space<semaphore_mem>>, %arg15: memref<!tpu.dma_semaphore, #tpu.memory_space<semaphore_mem>>, %arg16: memref<!tpu.dma_semaphore, #tpu.memory_space<semaphore_mem>>) attributes {dimension_semantics = [#tpu.dimension_semantics<core_parallel>, #tpu.dimension_semantics<subcore_parallel>], iteration_bounds = array<i64: 2, 16>, scalar_prefetch = 0 : i64, scratch_operands = 10 : i64, tpu.core_type = #tpu.core_type<sc_vector_subcore>, window_params = [{transform_indices = #map}, {transform_indices = #map}, {transform_indices = #map}, {transform_indices = #map}, {transform_indices = #map}]} {
    %mul3A = arith.constant 2 : i32
    %mul3A_0 = arith.muli %arg1, %mul3A : i32
    %add3A = arith.addi %mul3A_0, %arg0 : i32
    %mul3A_1 = arith.constant 200 : i32
    %mul3A_2 = arith.muli %add3A, %mul3A_1 : i32
    %mul3A_3 = arith.constant 25600 : i32
    %mul3A_4 = arith.muli %add3A, %mul3A_3 : i32
    "tpu.region"() ({
      %run_scoped3A = tpu.sem_alloc : memref<!tpu.dma_semaphore, #tpu.memory_space<semaphore_mem>>
      %dma_start3A_118 = arith.constant 0 : i32
      %dma_start3A_119 = tpu.memref_slice %arg3[%mul3A_2, %dma_start3A_118] : memref<6400x128xi32, #tpu.memory_space<hbm>> -> memref<200x128xi32, #tpu.memory_space<hbm>>
      %dma_start3A_120 = arith.constant 0 : i32
      %dma_start3A_121 = tpu.memref_slice %arg3[%mul3A_2, %dma_start3A_120] : memref<6400x128xi32, #tpu.memory_space<hbm>> -> memref<200x128xi32, #tpu.memory_space<hbm>>
      tpu.enqueue_dma source(%dma_start3A_121 : memref<200x128xi32, #tpu.memory_space<hbm>>) target(%arg7 : memref<200x128xi32, #tpu.memory_space<vmem>>) target_semaphore(%run_scoped3A : memref<!tpu.dma_semaphore, #tpu.memory_space<semaphore_mem>>)
      %dma_wait3A_122 = arith.constant 0 : i32
      %dma_wait3A_123 = tpu.memref_slice %arg3[%mul3A_2, %dma_wait3A_122] : memref<6400x128xi32, #tpu.memory_space<hbm>> -> memref<200x128xi32, #tpu.memory_space<hbm>>
      %dma_wait3A_124 = arith.constant 0 : i32
      %dma_wait3A_125 = tpu.memref_slice %arg3[%mul3A_2, %dma_wait3A_124] : memref<6400x128xi32, #tpu.memory_space<hbm>> -> memref<200x128xi32, #tpu.memory_space<hbm>>
      tpu.wait_dma2 semaphore(%run_scoped3A : memref<!tpu.dma_semaphore, #tpu.memory_space<semaphore_mem>>) src(%dma_wait3A_125 : memref<200x128xi32, #tpu.memory_space<hbm>>) dst(%arg7 : memref<200x128xi32, #tpu.memory_space<vmem>>)
      tpu.yield
    }) : () -> ()
    "tpu.region"() ({
      %run_scoped3A = tpu.sem_alloc : memref<!tpu.dma_semaphore, #tpu.memory_space<semaphore_mem>>
      %dma_start3A_118 = arith.constant 0 : i32
      %dma_start3A_119 = tpu.memref_slice %arg4[%mul3A_2, %dma_start3A_118] : memref<6400x128xi32, #tpu.memory_space<hbm>> -> memref<200x128xi32, #tpu.memory_space<hbm>>
      %dma_start3A_120 = arith.constant 0 : i32
      %dma_start3A_121 = tpu.memref_slice %arg4[%mul3A_2, %dma_start3A_120] : memref<6400x128xi32, #tpu.memory_space<hbm>> -> memref<200x128xi32, #tpu.memory_space<hbm>>
      tpu.enqueue_dma source(%dma_start3A_121 : memref<200x128xi32, #tpu.memory_space<hbm>>) target(%arg8 : memref<200x128xi32, #tpu.memory_space<vmem>>) target_semaphore(%run_scoped3A : memref<!tpu.dma_semaphore, #tpu.memory_space<semaphore_mem>>)
      %dma_wait3A_122 = arith.constant 0 : i32
      %dma_wait3A_123 = tpu.memref_slice %arg4[%mul3A_2, %dma_wait3A_122] : memref<6400x128xi32, #tpu.memory_space<hbm>> -> memref<200x128xi32, #tpu.memory_space<hbm>>
      %dma_wait3A_124 = arith.constant 0 : i32
      %dma_wait3A_125 = tpu.memref_slice %arg4[%mul3A_2, %dma_wait3A_124] : memref<6400x128xi32, #tpu.memory_space<hbm>> -> memref<200x128xi32, #tpu.memory_space<hbm>>
      tpu.wait_dma2 semaphore(%run_scoped3A : memref<!tpu.dma_semaphore, #tpu.memory_space<semaphore_mem>>) src(%dma_wait3A_125 : memref<200x128xi32, #tpu.memory_space<hbm>>) dst(%arg8 : memref<200x128xi32, #tpu.memory_space<vmem>>)
      tpu.yield
    }) : () -> ()
    %scan3A = arith.constant 0 : i32
    %scan3A_5 = arith.constant 0 : i32
    %scan3A_6 = arith.constant 25 : i32
    %scan3A_7 = arith.addi %scan3A_5, %scan3A_6 : i32
    %scan3A_8 = arith.constant 1 : i32
    scf.for %scan3A_118 = %scan3A_5 to %scan3A_7 step %scan3A_8  : i32 {
      %mul3A_119 = arith.constant 2 : i32
      %mul3A_120 = arith.muli %mul3A_119, %scan3A_118 : i32
      %add3A_121 = arith.constant 0 : i32
      %add3A_122 = arith.addi %mul3A_120, %add3A_121 : i32
      %gt3A = arith.constant 0 : i32
      %gt3A_123 = arith.cmpi sgt, %scan3A_118, %gt3A : i32
      %convert_element_type3A = arith.extui %gt3A_123 : i1 to i32
      %cond3A = arith.constant 0 : i32
      %cond3A_124 = arith.cmpi ne, %convert_element_type3A, %cond3A : i32
      scf.if %cond3A_124 {
        %sub3A_423 = arith.constant 2 : i32
        %sub3A_424 = arith.subi %add3A_122, %sub3A_423 : i32
        %mul3A_425 = arith.constant 512 : i32
        %mul3A_426 = arith.muli %sub3A_424, %mul3A_425 : i32
        %add3A_427 = arith.addi %mul3A_4, %mul3A_426 : i32
        %dma_wait3A_428 = arith.constant 0 : i32
        %dma_wait3A_429 = tpu.memref_slice %arg5[%add3A_427, %dma_wait3A_428] : memref<819200x16xf32, #tpu.memory_space<hbm>> -> memref<512x16xf32, #tpu.memory_space<hbm>>
        %dma_wait3A_430 = arith.constant 0 : i32
        %dma_wait3A_431 = tpu.memref_slice %arg5[%add3A_427, %dma_wait3A_430] : memref<819200x16xf32, #tpu.memory_space<hbm>> -> memref<512x16xf32, #tpu.memory_space<hbm>>
        tpu.wait_dma2 semaphore(%arg15 : memref<!tpu.dma_semaphore, #tpu.memory_space<semaphore_mem>>) src(%arg9 : memref<512x16xf32, #tpu.memory_space<vmem>>) dst(%dma_wait3A_431 : memref<512x16xf32, #tpu.memory_space<hbm>>)
        %dma_wait3A_432 = arith.constant 0 : i32
        %dma_wait3A_433 = tpu.memref_slice %arg6[%add3A_427, %dma_wait3A_432] : memref<819200x16xf32, #tpu.memory_space<hbm>> -> memref<512x16xf32, #tpu.memory_space<hbm>>
        %dma_wait3A_434 = arith.constant 0 : i32
        %dma_wait3A_435 = tpu.memref_slice %arg6[%add3A_427, %dma_wait3A_434] : memref<819200x16xf32, #tpu.memory_space<hbm>> -> memref<512x16xf32, #tpu.memory_space<hbm>>
        tpu.wait_dma2 semaphore(%arg15 : memref<!tpu.dma_semaphore, #tpu.memory_space<semaphore_mem>>) src(%arg11 : memref<512x16xf32, #tpu.memory_space<vmem>>) dst(%dma_wait3A_435 : memref<512x16xf32, #tpu.memory_space<hbm>>)
      } else {
      }
      %mul3A_125 = arith.constant 4 : i32
      %mul3A_126 = arith.muli %add3A_122, %mul3A_125 : i32
      %add3A_127 = arith.constant 0 : i32
      %add3A_128 = arith.addi %mul3A_126, %add3A_127 : i32
      %add3A_129 = arith.constant 0 : i32
      %add3A_130 = arith.addi %mul3A_126, %add3A_129 : i32
      %add3A_131 = arith.constant 1 : i32
      %add3A_132 = arith.addi %mul3A_126, %add3A_131 : i32
      %add3A_133 = arith.constant 1 : i32
      %add3A_134 = arith.addi %mul3A_126, %add3A_133 : i32
      %add3A_135 = arith.constant 2 : i32
      %add3A_136 = arith.addi %mul3A_126, %add3A_135 : i32
      %add3A_137 = arith.constant 2 : i32
      %add3A_138 = arith.addi %mul3A_126, %add3A_137 : i32
      %add3A_139 = arith.constant 3 : i32
      %add3A_140 = arith.addi %mul3A_126, %add3A_139 : i32
      %add3A_141 = arith.constant 3 : i32
      %add3A_142 = arith.addi %mul3A_126, %add3A_141 : i32
      %dma_start3A_143 = arith.constant 0 : i32
      %dma_start3A_144 = arith.constant 0 : i32
      %dma_start3A_145 = tpu.memref_slice %arg9[%dma_start3A_143, %dma_start3A_144] : memref<512x16xf32, #tpu.memory_space<vmem>> -> memref<128x16xf32, #tpu.memory_space<vmem>>
      %dma_start3A_146 = arith.constant 0 : i32
      %dma_start3A_147 = tpu.memref_slice %arg7[%add3A_128, %dma_start3A_146] : memref<200x128xi32, #tpu.memory_space<vmem>> -> memref<1x128xi32, #tpu.memory_space<vmem>>
      %dma_start3A_148 = tpu.memref_squeeze %dma_start3A_147 : memref<1x128xi32, #tpu.memory_space<vmem>> -> memref<128xi32, #tpu.memory_space<vmem>>
      %dma_start3A_149 = arith.constant 0 : i32
      %dma_start3A_150 = arith.constant 0 : i32
      %dma_start3A_151 = tpu.memref_slice %arg2[%dma_start3A_149, %dma_start3A_150] : memref<50008x16xf32, #tpu.memory_space<hbm>> -> memref<50008x16xf32, #tpu.memory_space<hbm>>
      tpu.enqueue_indirect_dma source(%dma_start3A_151 : memref<50008x16xf32, #tpu.memory_space<hbm>>) target(%dma_start3A_145 : memref<128x16xf32, #tpu.memory_space<vmem>>) offsets(%dma_start3A_148 : memref<128xi32, #tpu.memory_space<vmem>>) semaphore(%arg13 : memref<!tpu.dma_semaphore, #tpu.memory_space<semaphore_mem>>)
      %dma_start3A_152 = arith.constant 0 : i32
      %dma_start3A_153 = arith.constant 0 : i32
      %dma_start3A_154 = tpu.memref_slice %arg11[%dma_start3A_152, %dma_start3A_153] : memref<512x16xf32, #tpu.memory_space<vmem>> -> memref<128x16xf32, #tpu.memory_space<vmem>>
      %dma_start3A_155 = arith.constant 0 : i32
      %dma_start3A_156 = tpu.memref_slice %arg8[%add3A_130, %dma_start3A_155] : memref<200x128xi32, #tpu.memory_space<vmem>> -> memref<1x128xi32, #tpu.memory_space<vmem>>
      %dma_start3A_157 = tpu.memref_squeeze %dma_start3A_156 : memref<1x128xi32, #tpu.memory_space<vmem>> -> memref<128xi32, #tpu.memory_space<vmem>>
      %dma_start3A_158 = arith.constant 0 : i32
      %dma_start3A_159 = arith.constant 0 : i32
      %dma_start3A_160 = tpu.memref_slice %arg2[%dma_start3A_158, %dma_start3A_159] : memref<50008x16xf32, #tpu.memory_space<hbm>> -> memref<50008x16xf32, #tpu.memory_space<hbm>>
      tpu.enqueue_indirect_dma source(%dma_start3A_160 : memref<50008x16xf32, #tpu.memory_space<hbm>>) target(%dma_start3A_154 : memref<128x16xf32, #tpu.memory_space<vmem>>) offsets(%dma_start3A_157 : memref<128xi32, #tpu.memory_space<vmem>>) semaphore(%arg13 : memref<!tpu.dma_semaphore, #tpu.memory_space<semaphore_mem>>)
      %dma_start3A_161 = arith.constant 128 : i32
      %dma_start3A_162 = arith.constant 0 : i32
      %dma_start3A_163 = tpu.memref_slice %arg9[%dma_start3A_161, %dma_start3A_162] : memref<512x16xf32, #tpu.memory_space<vmem>> -> memref<128x16xf32, #tpu.memory_space<vmem>>
      %dma_start3A_164 = arith.constant 0 : i32
      %dma_start3A_165 = tpu.memref_slice %arg7[%add3A_132, %dma_start3A_164] : memref<200x128xi32, #tpu.memory_space<vmem>> -> memref<1x128xi32, #tpu.memory_space<vmem>>
      %dma_start3A_166 = tpu.memref_squeeze %dma_start3A_165 : memref<1x128xi32, #tpu.memory_space<vmem>> -> memref<128xi32, #tpu.memory_space<vmem>>
      %dma_start3A_167 = arith.constant 0 : i32
      %dma_start3A_168 = arith.constant 0 : i32
      %dma_start3A_169 = tpu.memref_slice %arg2[%dma_start3A_167, %dma_start3A_168] : memref<50008x16xf32, #tpu.memory_space<hbm>> -> memref<50008x16xf32, #tpu.memory_space<hbm>>
      tpu.enqueue_indirect_dma source(%dma_start3A_169 : memref<50008x16xf32, #tpu.memory_space<hbm>>) target(%dma_start3A_163 : memref<128x16xf32, #tpu.memory_space<vmem>>) offsets(%dma_start3A_166 : memref<128xi32, #tpu.memory_space<vmem>>) semaphore(%arg13 : memref<!tpu.dma_semaphore, #tpu.memory_space<semaphore_mem>>)
      %dma_start3A_170 = arith.constant 128 : i32
      %dma_start3A_171 = arith.constant 0 : i32
      %dma_start3A_172 = tpu.memref_slice %arg11[%dma_start3A_170, %dma_start3A_171] : memref<512x16xf32, #tpu.memory_space<vmem>> -> memref<128x16xf32, #tpu.memory_space<vmem>>
      %dma_start3A_173 = arith.constant 0 : i32
      %dma_start3A_174 = tpu.memref_slice %arg8[%add3A_134, %dma_start3A_173] : memref<200x128xi32, #tpu.memory_space<vmem>> -> memref<1x128xi32, #tpu.memory_space<vmem>>
      %dma_start3A_175 = tpu.memref_squeeze %dma_start3A_174 : memref<1x128xi32, #tpu.memory_space<vmem>> -> memref<128xi32, #tpu.memory_space<vmem>>
      %dma_start3A_176 = arith.constant 0 : i32
      %dma_start3A_177 = arith.constant 0 : i32
      %dma_start3A_178 = tpu.memref_slice %arg2[%dma_start3A_176, %dma_start3A_177] : memref<50008x16xf32, #tpu.memory_space<hbm>> -> memref<50008x16xf32, #tpu.memory_space<hbm>>
      tpu.enqueue_indirect_dma source(%dma_start3A_178 : memref<50008x16xf32, #tpu.memory_space<hbm>>) target(%dma_start3A_172 : memref<128x16xf32, #tpu.memory_space<vmem>>) offsets(%dma_start3A_175 : memref<128xi32, #tpu.memory_space<vmem>>) semaphore(%arg13 : memref<!tpu.dma_semaphore, #tpu.memory_space<semaphore_mem>>)
      %dma_start3A_179 = arith.constant 256 : i32
      %dma_start3A_180 = arith.constant 0 : i32
      %dma_start3A_181 = tpu.memref_slice %arg9[%dma_start3A_179, %dma_start3A_180] : memref<512x16xf32, #tpu.memory_space<vmem>> -> memref<128x16xf32, #tpu.memory_space<vmem>>
      %dma_start3A_182 = arith.constant 0 : i32
      %dma_start3A_183 = tpu.memref_slice %arg7[%add3A_136, %dma_start3A_182] : memref<200x128xi32, #tpu.memory_space<vmem>> -> memref<1x128xi32, #tpu.memory_space<vmem>>
      %dma_start3A_184 = tpu.memref_squeeze %dma_start3A_183 : memref<1x128xi32, #tpu.memory_space<vmem>> -> memref<128xi32, #tpu.memory_space<vmem>>
      %dma_start3A_185 = arith.constant 0 : i32
      %dma_start3A_186 = arith.constant 0 : i32
      %dma_start3A_187 = tpu.memref_slice %arg2[%dma_start3A_185, %dma_start3A_186] : memref<50008x16xf32, #tpu.memory_space<hbm>> -> memref<50008x16xf32, #tpu.memory_space<hbm>>
      tpu.enqueue_indirect_dma source(%dma_start3A_187 : memref<50008x16xf32, #tpu.memory_space<hbm>>) target(%dma_start3A_181 : memref<128x16xf32, #tpu.memory_space<vmem>>) offsets(%dma_start3A_184 : memref<128xi32, #tpu.memory_space<vmem>>) semaphore(%arg13 : memref<!tpu.dma_semaphore, #tpu.memory_space<semaphore_mem>>)
      %dma_start3A_188 = arith.constant 256 : i32
      %dma_start3A_189 = arith.constant 0 : i32
      %dma_start3A_190 = tpu.memref_slice %arg11[%dma_start3A_188, %dma_start3A_189] : memref<512x16xf32, #tpu.memory_space<vmem>> -> memref<128x16xf32, #tpu.memory_space<vmem>>
      %dma_start3A_191 = arith.constant 0 : i32
      %dma_start3A_192 = tpu.memref_slice %arg8[%add3A_138, %dma_start3A_191] : memref<200x128xi32, #tpu.memory_space<vmem>> -> memref<1x128xi32, #tpu.memory_space<vmem>>
      %dma_start3A_193 = tpu.memref_squeeze %dma_start3A_192 : memref<1x128xi32, #tpu.memory_space<vmem>> -> memref<128xi32, #tpu.memory_space<vmem>>
      %dma_start3A_194 = arith.constant 0 : i32
      %dma_start3A_195 = arith.constant 0 : i32
      %dma_start3A_196 = tpu.memref_slice %arg2[%dma_start3A_194, %dma_start3A_195] : memref<50008x16xf32, #tpu.memory_space<hbm>> -> memref<50008x16xf32, #tpu.memory_space<hbm>>
      tpu.enqueue_indirect_dma source(%dma_start3A_196 : memref<50008x16xf32, #tpu.memory_space<hbm>>) target(%dma_start3A_190 : memref<128x16xf32, #tpu.memory_space<vmem>>) offsets(%dma_start3A_193 : memref<128xi32, #tpu.memory_space<vmem>>) semaphore(%arg13 : memref<!tpu.dma_semaphore, #tpu.memory_space<semaphore_mem>>)
      %dma_start3A_197 = arith.constant 384 : i32
      %dma_start3A_198 = arith.constant 0 : i32
      %dma_start3A_199 = tpu.memref_slice %arg9[%dma_start3A_197, %dma_start3A_198] : memref<512x16xf32, #tpu.memory_space<vmem>> -> memref<128x16xf32, #tpu.memory_space<vmem>>
      %dma_start3A_200 = arith.constant 0 : i32
      %dma_start3A_201 = tpu.memref_slice %arg7[%add3A_140, %dma_start3A_200] : memref<200x128xi32, #tpu.memory_space<vmem>> -> memref<1x128xi32, #tpu.memory_space<vmem>>
      %dma_start3A_202 = tpu.memref_squeeze %dma_start3A_201 : memref<1x128xi32, #tpu.memory_space<vmem>> -> memref<128xi32, #tpu.memory_space<vmem>>
      %dma_start3A_203 = arith.constant 0 : i32
      %dma_start3A_204 = arith.constant 0 : i32
      %dma_start3A_205 = tpu.memref_slice %arg2[%dma_start3A_203, %dma_start3A_204] : memref<50008x16xf32, #tpu.memory_space<hbm>> -> memref<50008x16xf32, #tpu.memory_space<hbm>>
      tpu.enqueue_indirect_dma source(%dma_start3A_205 : memref<50008x16xf32, #tpu.memory_space<hbm>>) target(%dma_start3A_199 : memref<128x16xf32, #tpu.memory_space<vmem>>) offsets(%dma_start3A_202 : memref<128xi32, #tpu.memory_space<vmem>>) semaphore(%arg13 : memref<!tpu.dma_semaphore, #tpu.memory_space<semaphore_mem>>)
      %dma_start3A_206 = arith.constant 384 : i32
      %dma_start3A_207 = arith.constant 0 : i32
      %dma_start3A_208 = tpu.memref_slice %arg11[%dma_start3A_206, %dma_start3A_207] : memref<512x16xf32, #tpu.memory_space<vmem>> -> memref<128x16xf32, #tpu.memory_space<vmem>>
      %dma_start3A_209 = arith.constant 0 : i32
      %dma_start3A_210 = tpu.memref_slice %arg8[%add3A_142, %dma_start3A_209] : memref<200x128xi32, #tpu.memory_space<vmem>> -> memref<1x128xi32, #tpu.memory_space<vmem>>
      %dma_start3A_211 = tpu.memref_squeeze %dma_start3A_210 : memref<1x128xi32, #tpu.memory_space<vmem>> -> memref<128xi32, #tpu.memory_space<vmem>>
      %dma_start3A_212 = arith.constant 0 : i32
      %dma_start3A_213 = arith.constant 0 : i32
      %dma_start3A_214 = tpu.memref_slice %arg2[%dma_start3A_212, %dma_start3A_213] : memref<50008x16xf32, #tpu.memory_space<hbm>> -> memref<50008x16xf32, #tpu.memory_space<hbm>>
      tpu.enqueue_indirect_dma source(%dma_start3A_214 : memref<50008x16xf32, #tpu.memory_space<hbm>>) target(%dma_start3A_208 : memref<128x16xf32, #tpu.memory_space<vmem>>) offsets(%dma_start3A_211 : memref<128xi32, #tpu.memory_space<vmem>>) semaphore(%arg13 : memref<!tpu.dma_semaphore, #tpu.memory_space<semaphore_mem>>)
      %gt3A_215 = arith.constant 0 : i32
      %gt3A_216 = arith.cmpi sgt, %scan3A_118, %gt3A_215 : i32
      %convert_element_type3A_217 = arith.extui %gt3A_216 : i1 to i32
      %cond3A_218 = arith.constant 0 : i32
      %cond3A_219 = arith.cmpi ne, %convert_element_type3A_217, %cond3A_218 : i32
      scf.if %cond3A_219 {
        %sub3A_423 = arith.constant 1 : i32
        %sub3A_424 = arith.subi %add3A_122, %sub3A_423 : i32
        %mul3A_425 = arith.constant 4 : i32
        %mul3A_426 = arith.muli %sub3A_424, %mul3A_425 : i32
        %add3A_427 = arith.constant 0 : i32
        %add3A_428 = arith.addi %mul3A_426, %add3A_427 : i32
        %add3A_429 = arith.constant 0 : i32
        %add3A_430 = arith.addi %mul3A_426, %add3A_429 : i32
        %add3A_431 = arith.constant 1 : i32
        %add3A_432 = arith.addi %mul3A_426, %add3A_431 : i32
        %add3A_433 = arith.constant 1 : i32
        %add3A_434 = arith.addi %mul3A_426, %add3A_433 : i32
        %add3A_435 = arith.constant 2 : i32
        %add3A_436 = arith.addi %mul3A_426, %add3A_435 : i32
        %add3A_437 = arith.constant 2 : i32
        %add3A_438 = arith.addi %mul3A_426, %add3A_437 : i32
        %add3A_439 = arith.constant 3 : i32
        %add3A_440 = arith.addi %mul3A_426, %add3A_439 : i32
        %add3A_441 = arith.constant 3 : i32
        %add3A_442 = arith.addi %mul3A_426, %add3A_441 : i32
        %dma_wait3A_443 = arith.constant 0 : i32
        %dma_wait3A_444 = arith.constant 0 : i32
        %dma_wait3A_445 = tpu.memref_slice %arg10[%dma_wait3A_443, %dma_wait3A_444] : memref<512x16xf32, #tpu.memory_space<vmem>> -> memref<128x16xf32, #tpu.memory_space<vmem>>
        %dma_wait3A_446 = arith.constant 0 : i32
        %dma_wait3A_447 = tpu.memref_slice %arg7[%add3A_428, %dma_wait3A_446] : memref<200x128xi32, #tpu.memory_space<vmem>> -> memref<1x128xi32, #tpu.memory_space<vmem>>
        %dma_wait3A_448 = tpu.memref_squeeze %dma_wait3A_447 : memref<1x128xi32, #tpu.memory_space<vmem>> -> memref<128xi32, #tpu.memory_space<vmem>>
        %dma_wait3A_449 = arith.constant 0 : i32
        %dma_wait3A_450 = arith.constant 0 : i32
        %dma_wait3A_451 = tpu.memref_slice %arg2[%dma_wait3A_449, %dma_wait3A_450] : memref<50008x16xf32, #tpu.memory_space<hbm>> -> memref<50008x16xf32, #tpu.memory_space<hbm>>
        tpu.wait_indirect_dma semaphore(%arg14 : memref<!tpu.dma_semaphore, #tpu.memory_space<semaphore_mem>>) src(%dma_wait3A_451 : memref<50008x16xf32, #tpu.memory_space<hbm>>) dst(%dma_wait3A_445 : memref<128x16xf32, #tpu.memory_space<vmem>>)
        %dma_wait3A_452 = arith.constant 0 : i32
        %dma_wait3A_453 = arith.constant 0 : i32
        %dma_wait3A_454 = tpu.memref_slice %arg12[%dma_wait3A_452, %dma_wait3A_453] : memref<512x16xf32, #tpu.memory_space<vmem>> -> memref<128x16xf32, #tpu.memory_space<vmem>>
        %dma_wait3A_455 = arith.constant 0 : i32
        %dma_wait3A_456 = tpu.memref_slice %arg8[%add3A_430, %dma_wait3A_455] : memref<200x128xi32, #tpu.memory_space<vmem>> -> memref<1x128xi32, #tpu.memory_space<vmem>>
        %dma_wait3A_457 = tpu.memref_squeeze %dma_wait3A_456 : memref<1x128xi32, #tpu.memory_space<vmem>> -> memref<128xi32, #tpu.memory_space<vmem>>
        %dma_wait3A_458 = arith.constant 0 : i32
        %dma_wait3A_459 = arith.constant 0 : i32
        %dma_wait3A_460 = tpu.memref_slice %arg2[%dma_wait3A_458, %dma_wait3A_459] : memref<50008x16xf32, #tpu.memory_space<hbm>> -> memref<50008x16xf32, #tpu.memory_space<hbm>>
        tpu.wait_indirect_dma semaphore(%arg14 : memref<!tpu.dma_semaphore, #tpu.memory_space<semaphore_mem>>) src(%dma_wait3A_460 : memref<50008x16xf32, #tpu.memory_space<hbm>>) dst(%dma_wait3A_454 : memref<128x16xf32, #tpu.memory_space<vmem>>)
        %dma_wait3A_461 = arith.constant 128 : i32
        %dma_wait3A_462 = arith.constant 0 : i32
        %dma_wait3A_463 = tpu.memref_slice %arg10[%dma_wait3A_461, %dma_wait3A_462] : memref<512x16xf32, #tpu.memory_space<vmem>> -> memref<128x16xf32, #tpu.memory_space<vmem>>
        %dma_wait3A_464 = arith.constant 0 : i32
        %dma_wait3A_465 = tpu.memref_slice %arg7[%add3A_432, %dma_wait3A_464] : memref<200x128xi32, #tpu.memory_space<vmem>> -> memref<1x128xi32, #tpu.memory_space<vmem>>
        %dma_wait3A_466 = tpu.memref_squeeze %dma_wait3A_465 : memref<1x128xi32, #tpu.memory_space<vmem>> -> memref<128xi32, #tpu.memory_space<vmem>>
        %dma_wait3A_467 = arith.constant 0 : i32
        %dma_wait3A_468 = arith.constant 0 : i32
        %dma_wait3A_469 = tpu.memref_slice %arg2[%dma_wait3A_467, %dma_wait3A_468] : memref<50008x16xf32, #tpu.memory_space<hbm>> -> memref<50008x16xf32, #tpu.memory_space<hbm>>
        tpu.wait_indirect_dma semaphore(%arg14 : memref<!tpu.dma_semaphore, #tpu.memory_space<semaphore_mem>>) src(%dma_wait3A_469 : memref<50008x16xf32, #tpu.memory_space<hbm>>) dst(%dma_wait3A_463 : memref<128x16xf32, #tpu.memory_space<vmem>>)
        %dma_wait3A_470 = arith.constant 128 : i32
        %dma_wait3A_471 = arith.constant 0 : i32
        %dma_wait3A_472 = tpu.memref_slice %arg12[%dma_wait3A_470, %dma_wait3A_471] : memref<512x16xf32, #tpu.memory_space<vmem>> -> memref<128x16xf32, #tpu.memory_space<vmem>>
        %dma_wait3A_473 = arith.constant 0 : i32
        %dma_wait3A_474 = tpu.memref_slice %arg8[%add3A_434, %dma_wait3A_473] : memref<200x128xi32, #tpu.memory_space<vmem>> -> memref<1x128xi32, #tpu.memory_space<vmem>>
        %dma_wait3A_475 = tpu.memref_squeeze %dma_wait3A_474 : memref<1x128xi32, #tpu.memory_space<vmem>> -> memref<128xi32, #tpu.memory_space<vmem>>
        %dma_wait3A_476 = arith.constant 0 : i32
        %dma_wait3A_477 = arith.constant 0 : i32
        %dma_wait3A_478 = tpu.memref_slice %arg2[%dma_wait3A_476, %dma_wait3A_477] : memref<50008x16xf32, #tpu.memory_space<hbm>> -> memref<50008x16xf32, #tpu.memory_space<hbm>>
        tpu.wait_indirect_dma semaphore(%arg14 : memref<!tpu.dma_semaphore, #tpu.memory_space<semaphore_mem>>) src(%dma_wait3A_478 : memref<50008x16xf32, #tpu.memory_space<hbm>>) dst(%dma_wait3A_472 : memref<128x16xf32, #tpu.memory_space<vmem>>)
        %dma_wait3A_479 = arith.constant 256 : i32
        %dma_wait3A_480 = arith.constant 0 : i32
        %dma_wait3A_481 = tpu.memref_slice %arg10[%dma_wait3A_479, %dma_wait3A_480] : memref<512x16xf32, #tpu.memory_space<vmem>> -> memref<128x16xf32, #tpu.memory_space<vmem>>
        %dma_wait3A_482 = arith.constant 0 : i32
        %dma_wait3A_483 = tpu.memref_slice %arg7[%add3A_436, %dma_wait3A_482] : memref<200x128xi32, #tpu.memory_space<vmem>> -> memref<1x128xi32, #tpu.memory_space<vmem>>
        %dma_wait3A_484 = tpu.memref_squeeze %dma_wait3A_483 : memref<1x128xi32, #tpu.memory_space<vmem>> -> memref<128xi32, #tpu.memory_space<vmem>>
        %dma_wait3A_485 = arith.constant 0 : i32
        %dma_wait3A_486 = arith.constant 0 : i32
        %dma_wait3A_487 = tpu.memref_slice %arg2[%dma_wait3A_485, %dma_wait3A_486] : memref<50008x16xf32, #tpu.memory_space<hbm>> -> memref<50008x16xf32, #tpu.memory_space<hbm>>
        tpu.wait_indirect_dma semaphore(%arg14 : memref<!tpu.dma_semaphore, #tpu.memory_space<semaphore_mem>>) src(%dma_wait3A_487 : memref<50008x16xf32, #tpu.memory_space<hbm>>) dst(%dma_wait3A_481 : memref<128x16xf32, #tpu.memory_space<vmem>>)
        %dma_wait3A_488 = arith.constant 256 : i32
        %dma_wait3A_489 = arith.constant 0 : i32
        %dma_wait3A_490 = tpu.memref_slice %arg12[%dma_wait3A_488, %dma_wait3A_489] : memref<512x16xf32, #tpu.memory_space<vmem>> -> memref<128x16xf32, #tpu.memory_space<vmem>>
        %dma_wait3A_491 = arith.constant 0 : i32
        %dma_wait3A_492 = tpu.memref_slice %arg8[%add3A_438, %dma_wait3A_491] : memref<200x128xi32, #tpu.memory_space<vmem>> -> memref<1x128xi32, #tpu.memory_space<vmem>>
        %dma_wait3A_493 = tpu.memref_squeeze %dma_wait3A_492 : memref<1x128xi32, #tpu.memory_space<vmem>> -> memref<128xi32, #tpu.memory_space<vmem>>
        %dma_wait3A_494 = arith.constant 0 : i32
        %dma_wait3A_495 = arith.constant 0 : i32
        %dma_wait3A_496 = tpu.memref_slice %arg2[%dma_wait3A_494, %dma_wait3A_495] : memref<50008x16xf32, #tpu.memory_space<hbm>> -> memref<50008x16xf32, #tpu.memory_space<hbm>>
        tpu.wait_indirect_dma semaphore(%arg14 : memref<!tpu.dma_semaphore, #tpu.memory_space<semaphore_mem>>) src(%dma_wait3A_496 : memref<50008x16xf32, #tpu.memory_space<hbm>>) dst(%dma_wait3A_490 : memref<128x16xf32, #tpu.memory_space<vmem>>)
        %dma_wait3A_497 = arith.constant 384 : i32
        %dma_wait3A_498 = arith.constant 0 : i32
        %dma_wait3A_499 = tpu.memref_slice %arg10[%dma_wait3A_497, %dma_wait3A_498] : memref<512x16xf32, #tpu.memory_space<vmem>> -> memref<128x16xf32, #tpu.memory_space<vmem>>
        %dma_wait3A_500 = arith.constant 0 : i32
        %dma_wait3A_501 = tpu.memref_slice %arg7[%add3A_440, %dma_wait3A_500] : memref<200x128xi32, #tpu.memory_space<vmem>> -> memref<1x128xi32, #tpu.memory_space<vmem>>
        %dma_wait3A_502 = tpu.memref_squeeze %dma_wait3A_501 : memref<1x128xi32, #tpu.memory_space<vmem>> -> memref<128xi32, #tpu.memory_space<vmem>>
        %dma_wait3A_503 = arith.constant 0 : i32
        %dma_wait3A_504 = arith.constant 0 : i32
        %dma_wait3A_505 = tpu.memref_slice %arg2[%dma_wait3A_503, %dma_wait3A_504] : memref<50008x16xf32, #tpu.memory_space<hbm>> -> memref<50008x16xf32, #tpu.memory_space<hbm>>
        tpu.wait_indirect_dma semaphore(%arg14 : memref<!tpu.dma_semaphore, #tpu.memory_space<semaphore_mem>>) src(%dma_wait3A_505 : memref<50008x16xf32, #tpu.memory_space<hbm>>) dst(%dma_wait3A_499 : memref<128x16xf32, #tpu.memory_space<vmem>>)
        %dma_wait3A_506 = arith.constant 384 : i32
        %dma_wait3A_507 = arith.constant 0 : i32
        %dma_wait3A_508 = tpu.memref_slice %arg12[%dma_wait3A_506, %dma_wait3A_507] : memref<512x16xf32, #tpu.memory_space<vmem>> -> memref<128x16xf32, #tpu.memory_space<vmem>>
        %dma_wait3A_509 = arith.constant 0 : i32
        %dma_wait3A_510 = tpu.memref_slice %arg8[%add3A_442, %dma_wait3A_509] : memref<200x128xi32, #tpu.memory_space<vmem>> -> memref<1x128xi32, #tpu.memory_space<vmem>>
        %dma_wait3A_511 = tpu.memref_squeeze %dma_wait3A_510 : memref<1x128xi32, #tpu.memory_space<vmem>> -> memref<128xi32, #tpu.memory_space<vmem>>
        %dma_wait3A_512 = arith.constant 0 : i32
        %dma_wait3A_513 = arith.constant 0 : i32
        %dma_wait3A_514 = tpu.memref_slice %arg2[%dma_wait3A_512, %dma_wait3A_513] : memref<50008x16xf32, #tpu.memory_space<hbm>> -> memref<50008x16xf32, #tpu.memory_space<hbm>>
        tpu.wait_indirect_dma semaphore(%arg14 : memref<!tpu.dma_semaphore, #tpu.memory_space<semaphore_mem>>) src(%dma_wait3A_514 : memref<50008x16xf32, #tpu.memory_space<hbm>>) dst(%dma_wait3A_508 : memref<128x16xf32, #tpu.memory_space<vmem>>)
        %sub3A_515 = arith.constant 1 : i32
        %sub3A_516 = arith.subi %add3A_122, %sub3A_515 : i32
        %mul3A_517 = arith.constant 512 : i32
        %mul3A_518 = arith.muli %sub3A_516, %mul3A_517 : i32
        %add3A_519 = arith.addi %mul3A_4, %mul3A_518 : i32
        %dma_start3A_520 = arith.constant 0 : i32
        %dma_start3A_521 = tpu.memref_slice %arg5[%add3A_519, %dma_start3A_520] : memref<819200x16xf32, #tpu.memory_space<hbm>> -> memref<512x16xf32, #tpu.memory_space<hbm>>
        %dma_start3A_522 = arith.constant 0 : i32
        %dma_start3A_523 = tpu.memref_slice %arg5[%add3A_519, %dma_start3A_522] : memref<819200x16xf32, #tpu.memory_space<hbm>> -> memref<512x16xf32, #tpu.memory_space<hbm>>
        tpu.enqueue_dma source(%arg10 : memref<512x16xf32, #tpu.memory_space<vmem>>) target(%dma_start3A_523 : memref<512x16xf32, #tpu.memory_space<hbm>>) target_semaphore(%arg16 : memref<!tpu.dma_semaphore, #tpu.memory_space<semaphore_mem>>)
        %dma_start3A_524 = arith.constant 0 : i32
        %dma_start3A_525 = tpu.memref_slice %arg6[%add3A_519, %dma_start3A_524] : memref<819200x16xf32, #tpu.memory_space<hbm>> -> memref<512x16xf32, #tpu.memory_space<hbm>>
        %dma_start3A_526 = arith.constant 0 : i32
        %dma_start3A_527 = tpu.memref_slice %arg6[%add3A_519, %dma_start3A_526] : memref<819200x16xf32, #tpu.memory_space<hbm>> -> memref<512x16xf32, #tpu.memory_space<hbm>>
        tpu.enqueue_dma source(%arg12 : memref<512x16xf32, #tpu.memory_space<vmem>>) target(%dma_start3A_527 : memref<512x16xf32, #tpu.memory_space<hbm>>) target_semaphore(%arg16 : memref<!tpu.dma_semaphore, #tpu.memory_space<semaphore_mem>>)
      } else {
      }
      %mul3A_220 = arith.constant 2 : i32
      %mul3A_221 = arith.muli %mul3A_220, %scan3A_118 : i32
      %add3A_222 = arith.constant 1 : i32
      %add3A_223 = arith.addi %mul3A_221, %add3A_222 : i32
      %gt3A_224 = arith.constant 0 : i32
      %gt3A_225 = arith.cmpi sgt, %scan3A_118, %gt3A_224 : i32
      %convert_element_type3A_226 = arith.extui %gt3A_225 : i1 to i32
      %cond3A_227 = arith.constant 0 : i32
      %cond3A_228 = arith.cmpi ne, %convert_element_type3A_226, %cond3A_227 : i32
      scf.if %cond3A_228 {
        %sub3A_423 = arith.constant 2 : i32
        %sub3A_424 = arith.subi %add3A_223, %sub3A_423 : i32
        %mul3A_425 = arith.constant 512 : i32
        %mul3A_426 = arith.muli %sub3A_424, %mul3A_425 : i32
        %add3A_427 = arith.addi %mul3A_4, %mul3A_426 : i32
        %dma_wait3A_428 = arith.constant 0 : i32
        %dma_wait3A_429 = tpu.memref_slice %arg5[%add3A_427, %dma_wait3A_428] : memref<819200x16xf32, #tpu.memory_space<hbm>> -> memref<512x16xf32, #tpu.memory_space<hbm>>
        %dma_wait3A_430 = arith.constant 0 : i32
        %dma_wait3A_431 = tpu.memref_slice %arg5[%add3A_427, %dma_wait3A_430] : memref<819200x16xf32, #tpu.memory_space<hbm>> -> memref<512x16xf32, #tpu.memory_space<hbm>>
        tpu.wait_dma2 semaphore(%arg16 : memref<!tpu.dma_semaphore, #tpu.memory_space<semaphore_mem>>) src(%arg10 : memref<512x16xf32, #tpu.memory_space<vmem>>) dst(%dma_wait3A_431 : memref<512x16xf32, #tpu.memory_space<hbm>>)
        %dma_wait3A_432 = arith.constant 0 : i32
        %dma_wait3A_433 = tpu.memref_slice %arg6[%add3A_427, %dma_wait3A_432] : memref<819200x16xf32, #tpu.memory_space<hbm>> -> memref<512x16xf32, #tpu.memory_space<hbm>>
        %dma_wait3A_434 = arith.constant 0 : i32
        %dma_wait3A_435 = tpu.memref_slice %arg6[%add3A_427, %dma_wait3A_434] : memref<819200x16xf32, #tpu.memory_space<hbm>> -> memref<512x16xf32, #tpu.memory_space<hbm>>
        tpu.wait_dma2 semaphore(%arg16 : memref<!tpu.dma_semaphore, #tpu.memory_space<semaphore_mem>>) src(%arg12 : memref<512x16xf32, #tpu.memory_space<vmem>>) dst(%dma_wait3A_435 : memref<512x16xf32, #tpu.memory_space<hbm>>)
      } else {
      }
      %mul3A_229 = arith.constant 4 : i32
      %mul3A_230 = arith.muli %add3A_223, %mul3A_229 : i32
      %add3A_231 = arith.constant 0 : i32
      %add3A_232 = arith.addi %mul3A_230, %add3A_231 : i32
      %add3A_233 = arith.constant 0 : i32
      %add3A_234 = arith.addi %mul3A_230, %add3A_233 : i32
      %add3A_235 = arith.constant 1 : i32
      %add3A_236 = arith.addi %mul3A_230, %add3A_235 : i32
      %add3A_237 = arith.constant 1 : i32
      %add3A_238 = arith.addi %mul3A_230, %add3A_237 : i32
      %add3A_239 = arith.constant 2 : i32
      %add3A_240 = arith.addi %mul3A_230, %add3A_239 : i32
      %add3A_241 = arith.constant 2 : i32
      %add3A_242 = arith.addi %mul3A_230, %add3A_241 : i32
      %add3A_243 = arith.constant 3 : i32
      %add3A_244 = arith.addi %mul3A_230, %add3A_243 : i32
      %add3A_245 = arith.constant 3 : i32
      %add3A_246 = arith.addi %mul3A_230, %add3A_245 : i32
      %dma_start3A_247 = arith.constant 0 : i32
      %dma_start3A_248 = arith.constant 0 : i32
      %dma_start3A_249 = tpu.memref_slice %arg10[%dma_start3A_247, %dma_start3A_248] : memref<512x16xf32, #tpu.memory_space<vmem>> -> memref<128x16xf32, #tpu.memory_space<vmem>>
      %dma_start3A_250 = arith.constant 0 : i32
      %dma_start3A_251 = tpu.memref_slice %arg7[%add3A_232, %dma_start3A_250] : memref<200x128xi32, #tpu.memory_space<vmem>> -> memref<1x128xi32, #tpu.memory_space<vmem>>
      %dma_start3A_252 = tpu.memref_squeeze %dma_start3A_251 : memref<1x128xi32, #tpu.memory_space<vmem>> -> memref<128xi32, #tpu.memory_space<vmem>>
      %dma_start3A_253 = arith.constant 0 : i32
      %dma_start3A_254 = arith.constant 0 : i32
      %dma_start3A_255 = tpu.memref_slice %arg2[%dma_start3A_253, %dma_start3A_254] : memref<50008x16xf32, #tpu.memory_space<hbm>> -> memref<50008x16xf32, #tpu.memory_space<hbm>>
      tpu.enqueue_indirect_dma source(%dma_start3A_255 : memref<50008x16xf32, #tpu.memory_space<hbm>>) target(%dma_start3A_249 : memref<128x16xf32, #tpu.memory_space<vmem>>) offsets(%dma_start3A_252 : memref<128xi32, #tpu.memory_space<vmem>>) semaphore(%arg14 : memref<!tpu.dma_semaphore, #tpu.memory_space<semaphore_mem>>)
      %dma_start3A_256 = arith.constant 0 : i32
      %dma_start3A_257 = arith.constant 0 : i32
      %dma_start3A_258 = tpu.memref_slice %arg12[%dma_start3A_256, %dma_start3A_257] : memref<512x16xf32, #tpu.memory_space<vmem>> -> memref<128x16xf32, #tpu.memory_space<vmem>>
      %dma_start3A_259 = arith.constant 0 : i32
      %dma_start3A_260 = tpu.memref_slice %arg8[%add3A_234, %dma_start3A_259] : memref<200x128xi32, #tpu.memory_space<vmem>> -> memref<1x128xi32, #tpu.memory_space<vmem>>
      %dma_start3A_261 = tpu.memref_squeeze %dma_start3A_260 : memref<1x128xi32, #tpu.memory_space<vmem>> -> memref<128xi32, #tpu.memory_space<vmem>>
      %dma_start3A_262 = arith.constant 0 : i32
      %dma_start3A_263 = arith.constant 0 : i32
      %dma_start3A_264 = tpu.memref_slice %arg2[%dma_start3A_262, %dma_start3A_263] : memref<50008x16xf32, #tpu.memory_space<hbm>> -> memref<50008x16xf32, #tpu.memory_space<hbm>>
      tpu.enqueue_indirect_dma source(%dma_start3A_264 : memref<50008x16xf32, #tpu.memory_space<hbm>>) target(%dma_start3A_258 : memref<128x16xf32, #tpu.memory_space<vmem>>) offsets(%dma_start3A_261 : memref<128xi32, #tpu.memory_space<vmem>>) semaphore(%arg14 : memref<!tpu.dma_semaphore, #tpu.memory_space<semaphore_mem>>)
      %dma_start3A_265 = arith.constant 128 : i32
      %dma_start3A_266 = arith.constant 0 : i32
      %dma_start3A_267 = tpu.memref_slice %arg10[%dma_start3A_265, %dma_start3A_266] : memref<512x16xf32, #tpu.memory_space<vmem>> -> memref<128x16xf32, #tpu.memory_space<vmem>>
      %dma_start3A_268 = arith.constant 0 : i32
      %dma_start3A_269 = tpu.memref_slice %arg7[%add3A_236, %dma_start3A_268] : memref<200x128xi32, #tpu.memory_space<vmem>> -> memref<1x128xi32, #tpu.memory_space<vmem>>
      %dma_start3A_270 = tpu.memref_squeeze %dma_start3A_269 : memref<1x128xi32, #tpu.memory_space<vmem>> -> memref<128xi32, #tpu.memory_space<vmem>>
      %dma_start3A_271 = arith.constant 0 : i32
      %dma_start3A_272 = arith.constant 0 : i32
      %dma_start3A_273 = tpu.memref_slice %arg2[%dma_start3A_271, %dma_start3A_272] : memref<50008x16xf32, #tpu.memory_space<hbm>> -> memref<50008x16xf32, #tpu.memory_space<hbm>>
      tpu.enqueue_indirect_dma source(%dma_start3A_273 : memref<50008x16xf32, #tpu.memory_space<hbm>>) target(%dma_start3A_267 : memref<128x16xf32, #tpu.memory_space<vmem>>) offsets(%dma_start3A_270 : memref<128xi32, #tpu.memory_space<vmem>>) semaphore(%arg14 : memref<!tpu.dma_semaphore, #tpu.memory_space<semaphore_mem>>)
      %dma_start3A_274 = arith.constant 128 : i32
      %dma_start3A_275 = arith.constant 0 : i32
      %dma_start3A_276 = tpu.memref_slice %arg12[%dma_start3A_274, %dma_start3A_275] : memref<512x16xf32, #tpu.memory_space<vmem>> -> memref<128x16xf32, #tpu.memory_space<vmem>>
      %dma_start3A_277 = arith.constant 0 : i32
      %dma_start3A_278 = tpu.memref_slice %arg8[%add3A_238, %dma_start3A_277] : memref<200x128xi32, #tpu.memory_space<vmem>> -> memref<1x128xi32, #tpu.memory_space<vmem>>
      %dma_start3A_279 = tpu.memref_squeeze %dma_start3A_278 : memref<1x128xi32, #tpu.memory_space<vmem>> -> memref<128xi32, #tpu.memory_space<vmem>>
      %dma_start3A_280 = arith.constant 0 : i32
      %dma_start3A_281 = arith.constant 0 : i32
      %dma_start3A_282 = tpu.memref_slice %arg2[%dma_start3A_280, %dma_start3A_281] : memref<50008x16xf32, #tpu.memory_space<hbm>> -> memref<50008x16xf32, #tpu.memory_space<hbm>>
      tpu.enqueue_indirect_dma source(%dma_start3A_282 : memref<50008x16xf32, #tpu.memory_space<hbm>>) target(%dma_start3A_276 : memref<128x16xf32, #tpu.memory_space<vmem>>) offsets(%dma_start3A_279 : memref<128xi32, #tpu.memory_space<vmem>>) semaphore(%arg14 : memref<!tpu.dma_semaphore, #tpu.memory_space<semaphore_mem>>)
      %dma_start3A_283 = arith.constant 256 : i32
      %dma_start3A_284 = arith.constant 0 : i32
      %dma_start3A_285 = tpu.memref_slice %arg10[%dma_start3A_283, %dma_start3A_284] : memref<512x16xf32, #tpu.memory_space<vmem>> -> memref<128x16xf32, #tpu.memory_space<vmem>>
      %dma_start3A_286 = arith.constant 0 : i32
      %dma_start3A_287 = tpu.memref_slice %arg7[%add3A_240, %dma_start3A_286] : memref<200x128xi32, #tpu.memory_space<vmem>> -> memref<1x128xi32, #tpu.memory_space<vmem>>
      %dma_start3A_288 = tpu.memref_squeeze %dma_start3A_287 : memref<1x128xi32, #tpu.memory_space<vmem>> -> memref<128xi32, #tpu.memory_space<vmem>>
      %dma_start3A_289 = arith.constant 0 : i32
      %dma_start3A_290 = arith.constant 0 : i32
      %dma_start3A_291 = tpu.memref_slice %arg2[%dma_start3A_289, %dma_start3A_290] : memref<50008x16xf32, #tpu.memory_space<hbm>> -> memref<50008x16xf32, #tpu.memory_space<hbm>>
      tpu.enqueue_indirect_dma source(%dma_start3A_291 : memref<50008x16xf32, #tpu.memory_space<hbm>>) target(%dma_start3A_285 : memref<128x16xf32, #tpu.memory_space<vmem>>) offsets(%dma_start3A_288 : memref<128xi32, #tpu.memory_space<vmem>>) semaphore(%arg14 : memref<!tpu.dma_semaphore, #tpu.memory_space<semaphore_mem>>)
      %dma_start3A_292 = arith.constant 256 : i32
      %dma_start3A_293 = arith.constant 0 : i32
      %dma_start3A_294 = tpu.memref_slice %arg12[%dma_start3A_292, %dma_start3A_293] : memref<512x16xf32, #tpu.memory_space<vmem>> -> memref<128x16xf32, #tpu.memory_space<vmem>>
      %dma_start3A_295 = arith.constant 0 : i32
      %dma_start3A_296 = tpu.memref_slice %arg8[%add3A_242, %dma_start3A_295] : memref<200x128xi32, #tpu.memory_space<vmem>> -> memref<1x128xi32, #tpu.memory_space<vmem>>
      %dma_start3A_297 = tpu.memref_squeeze %dma_start3A_296 : memref<1x128xi32, #tpu.memory_space<vmem>> -> memref<128xi32, #tpu.memory_space<vmem>>
      %dma_start3A_298 = arith.constant 0 : i32
      %dma_start3A_299 = arith.constant 0 : i32
      %dma_start3A_300 = tpu.memref_slice %arg2[%dma_start3A_298, %dma_start3A_299] : memref<50008x16xf32, #tpu.memory_space<hbm>> -> memref<50008x16xf32, #tpu.memory_space<hbm>>
      tpu.enqueue_indirect_dma source(%dma_start3A_300 : memref<50008x16xf32, #tpu.memory_space<hbm>>) target(%dma_start3A_294 : memref<128x16xf32, #tpu.memory_space<vmem>>) offsets(%dma_start3A_297 : memref<128xi32, #tpu.memory_space<vmem>>) semaphore(%arg14 : memref<!tpu.dma_semaphore, #tpu.memory_space<semaphore_mem>>)
      %dma_start3A_301 = arith.constant 384 : i32
      %dma_start3A_302 = arith.constant 0 : i32
      %dma_start3A_303 = tpu.memref_slice %arg10[%dma_start3A_301, %dma_start3A_302] : memref<512x16xf32, #tpu.memory_space<vmem>> -> memref<128x16xf32, #tpu.memory_space<vmem>>
      %dma_start3A_304 = arith.constant 0 : i32
      %dma_start3A_305 = tpu.memref_slice %arg7[%add3A_244, %dma_start3A_304] : memref<200x128xi32, #tpu.memory_space<vmem>> -> memref<1x128xi32, #tpu.memory_space<vmem>>
      %dma_start3A_306 = tpu.memref_squeeze %dma_start3A_305 : memref<1x128xi32, #tpu.memory_space<vmem>> -> memref<128xi32, #tpu.memory_space<vmem>>
      %dma_start3A_307 = arith.constant 0 : i32
      %dma_start3A_308 = arith.constant 0 : i32
      %dma_start3A_309 = tpu.memref_slice %arg2[%dma_start3A_307, %dma_start3A_308] : memref<50008x16xf32, #tpu.memory_space<hbm>> -> memref<50008x16xf32, #tpu.memory_space<hbm>>
      tpu.enqueue_indirect_dma source(%dma_start3A_309 : memref<50008x16xf32, #tpu.memory_space<hbm>>) target(%dma_start3A_303 : memref<128x16xf32, #tpu.memory_space<vmem>>) offsets(%dma_start3A_306 : memref<128xi32, #tpu.memory_space<vmem>>) semaphore(%arg14 : memref<!tpu.dma_semaphore, #tpu.memory_space<semaphore_mem>>)
      %dma_start3A_310 = arith.constant 384 : i32
      %dma_start3A_311 = arith.constant 0 : i32
      %dma_start3A_312 = tpu.memref_slice %arg12[%dma_start3A_310, %dma_start3A_311] : memref<512x16xf32, #tpu.memory_space<vmem>> -> memref<128x16xf32, #tpu.memory_space<vmem>>
      %dma_start3A_313 = arith.constant 0 : i32
      %dma_start3A_314 = tpu.memref_slice %arg8[%add3A_246, %dma_start3A_313] : memref<200x128xi32, #tpu.memory_space<vmem>> -> memref<1x128xi32, #tpu.memory_space<vmem>>
      %dma_start3A_315 = tpu.memref_squeeze %dma_start3A_314 : memref<1x128xi32, #tpu.memory_space<vmem>> -> memref<128xi32, #tpu.memory_space<vmem>>
      %dma_start3A_316 = arith.constant 0 : i32
      %dma_start3A_317 = arith.constant 0 : i32
      %dma_start3A_318 = tpu.memref_slice %arg2[%dma_start3A_316, %dma_start3A_317] : memref<50008x16xf32, #tpu.memory_space<hbm>> -> memref<50008x16xf32, #tpu.memory_space<hbm>>
      tpu.enqueue_indirect_dma source(%dma_start3A_318 : memref<50008x16xf32, #tpu.memory_space<hbm>>) target(%dma_start3A_312 : memref<128x16xf32, #tpu.memory_space<vmem>>) offsets(%dma_start3A_315 : memref<128xi32, #tpu.memory_space<vmem>>) semaphore(%arg14 : memref<!tpu.dma_semaphore, #tpu.memory_space<semaphore_mem>>)
      %sub3A = arith.constant 1 : i32
      %sub3A_319 = arith.subi %add3A_223, %sub3A : i32
      %mul3A_320 = arith.constant 4 : i32
      %mul3A_321 = arith.muli %sub3A_319, %mul3A_320 : i32
      %add3A_322 = arith.constant 0 : i32
      %add3A_323 = arith.addi %mul3A_321, %add3A_322 : i32
      %add3A_324 = arith.constant 0 : i32
      %add3A_325 = arith.addi %mul3A_321, %add3A_324 : i32
      %add3A_326 = arith.constant 1 : i32
      %add3A_327 = arith.addi %mul3A_321, %add3A_326 : i32
      %add3A_328 = arith.constant 1 : i32
      %add3A_329 = arith.addi %mul3A_321, %add3A_328 : i32
      %add3A_330 = arith.constant 2 : i32
      %add3A_331 = arith.addi %mul3A_321, %add3A_330 : i32
      %add3A_332 = arith.constant 2 : i32
      %add3A_333 = arith.addi %mul3A_321, %add3A_332 : i32
      %add3A_334 = arith.constant 3 : i32
      %add3A_335 = arith.addi %mul3A_321, %add3A_334 : i32
      %add3A_336 = arith.constant 3 : i32
      %add3A_337 = arith.addi %mul3A_321, %add3A_336 : i32
      %dma_wait3A_338 = arith.constant 0 : i32
      %dma_wait3A_339 = arith.constant 0 : i32
      %dma_wait3A_340 = tpu.memref_slice %arg9[%dma_wait3A_338, %dma_wait3A_339] : memref<512x16xf32, #tpu.memory_space<vmem>> -> memref<128x16xf32, #tpu.memory_space<vmem>>
      %dma_wait3A_341 = arith.constant 0 : i32
      %dma_wait3A_342 = tpu.memref_slice %arg7[%add3A_323, %dma_wait3A_341] : memref<200x128xi32, #tpu.memory_space<vmem>> -> memref<1x128xi32, #tpu.memory_space<vmem>>
      %dma_wait3A_343 = tpu.memref_squeeze %dma_wait3A_342 : memref<1x128xi32, #tpu.memory_space<vmem>> -> memref<128xi32, #tpu.memory_space<vmem>>
      %dma_wait3A_344 = arith.constant 0 : i32
      %dma_wait3A_345 = arith.constant 0 : i32
      %dma_wait3A_346 = tpu.memref_slice %arg2[%dma_wait3A_344, %dma_wait3A_345] : memref<50008x16xf32, #tpu.memory_space<hbm>> -> memref<50008x16xf32, #tpu.memory_space<hbm>>
      tpu.wait_indirect_dma semaphore(%arg13 : memref<!tpu.dma_semaphore, #tpu.memory_space<semaphore_mem>>) src(%dma_wait3A_346 : memref<50008x16xf32, #tpu.memory_space<hbm>>) dst(%dma_wait3A_340 : memref<128x16xf32, #tpu.memory_space<vmem>>)
      %dma_wait3A_347 = arith.constant 0 : i32
      %dma_wait3A_348 = arith.constant 0 : i32
      %dma_wait3A_349 = tpu.memref_slice %arg11[%dma_wait3A_347, %dma_wait3A_348] : memref<512x16xf32, #tpu.memory_space<vmem>> -> memref<128x16xf32, #tpu.memory_space<vmem>>
      %dma_wait3A_350 = arith.constant 0 : i32
      %dma_wait3A_351 = tpu.memref_slice %arg8[%add3A_325, %dma_wait3A_350] : memref<200x128xi32, #tpu.memory_space<vmem>> -> memref<1x128xi32, #tpu.memory_space<vmem>>
      %dma_wait3A_352 = tpu.memref_squeeze %dma_wait3A_351 : memref<1x128xi32, #tpu.memory_space<vmem>> -> memref<128xi32, #tpu.memory_space<vmem>>
      %dma_wait3A_353 = arith.constant 0 : i32
      %dma_wait3A_354 = arith.constant 0 : i32
      %dma_wait3A_355 = tpu.memref_slice %arg2[%dma_wait3A_353, %dma_wait3A_354] : memref<50008x16xf32, #tpu.memory_space<hbm>> -> memref<50008x16xf32, #tpu.memory_space<hbm>>
      tpu.wait_indirect_dma semaphore(%arg13 : memref<!tpu.dma_semaphore, #tpu.memory_space<semaphore_mem>>) src(%dma_wait3A_355 : memref<50008x16xf32, #tpu.memory_space<hbm>>) dst(%dma_wait3A_349 : memref<128x16xf32, #tpu.memory_space<vmem>>)
      %dma_wait3A_356 = arith.constant 128 : i32
      %dma_wait3A_357 = arith.constant 0 : i32
      %dma_wait3A_358 = tpu.memref_slice %arg9[%dma_wait3A_356, %dma_wait3A_357] : memref<512x16xf32, #tpu.memory_space<vmem>> -> memref<128x16xf32, #tpu.memory_space<vmem>>
      %dma_wait3A_359 = arith.constant 0 : i32
      %dma_wait3A_360 = tpu.memref_slice %arg7[%add3A_327, %dma_wait3A_359] : memref<200x128xi32, #tpu.memory_space<vmem>> -> memref<1x128xi32, #tpu.memory_space<vmem>>
      %dma_wait3A_361 = tpu.memref_squeeze %dma_wait3A_360 : memref<1x128xi32, #tpu.memory_space<vmem>> -> memref<128xi32, #tpu.memory_space<vmem>>
      %dma_wait3A_362 = arith.constant 0 : i32
      %dma_wait3A_363 = arith.constant 0 : i32
      %dma_wait3A_364 = tpu.memref_slice %arg2[%dma_wait3A_362, %dma_wait3A_363] : memref<50008x16xf32, #tpu.memory_space<hbm>> -> memref<50008x16xf32, #tpu.memory_space<hbm>>
      tpu.wait_indirect_dma semaphore(%arg13 : memref<!tpu.dma_semaphore, #tpu.memory_space<semaphore_mem>>) src(%dma_wait3A_364 : memref<50008x16xf32, #tpu.memory_space<hbm>>) dst(%dma_wait3A_358 : memref<128x16xf32, #tpu.memory_space<vmem>>)
      %dma_wait3A_365 = arith.constant 128 : i32
      %dma_wait3A_366 = arith.constant 0 : i32
      %dma_wait3A_367 = tpu.memref_slice %arg11[%dma_wait3A_365, %dma_wait3A_366] : memref<512x16xf32, #tpu.memory_space<vmem>> -> memref<128x16xf32, #tpu.memory_space<vmem>>
      %dma_wait3A_368 = arith.constant 0 : i32
      %dma_wait3A_369 = tpu.memref_slice %arg8[%add3A_329, %dma_wait3A_368] : memref<200x128xi32, #tpu.memory_space<vmem>> -> memref<1x128xi32, #tpu.memory_space<vmem>>
      %dma_wait3A_370 = tpu.memref_squeeze %dma_wait3A_369 : memref<1x128xi32, #tpu.memory_space<vmem>> -> memref<128xi32, #tpu.memory_space<vmem>>
      %dma_wait3A_371 = arith.constant 0 : i32
      %dma_wait3A_372 = arith.constant 0 : i32
      %dma_wait3A_373 = tpu.memref_slice %arg2[%dma_wait3A_371, %dma_wait3A_372] : memref<50008x16xf32, #tpu.memory_space<hbm>> -> memref<50008x16xf32, #tpu.memory_space<hbm>>
      tpu.wait_indirect_dma semaphore(%arg13 : memref<!tpu.dma_semaphore, #tpu.memory_space<semaphore_mem>>) src(%dma_wait3A_373 : memref<50008x16xf32, #tpu.memory_space<hbm>>) dst(%dma_wait3A_367 : memref<128x16xf32, #tpu.memory_space<vmem>>)
      %dma_wait3A_374 = arith.constant 256 : i32
      %dma_wait3A_375 = arith.constant 0 : i32
      %dma_wait3A_376 = tpu.memref_slice %arg9[%dma_wait3A_374, %dma_wait3A_375] : memref<512x16xf32, #tpu.memory_space<vmem>> -> memref<128x16xf32, #tpu.memory_space<vmem>>
      %dma_wait3A_377 = arith.constant 0 : i32
      %dma_wait3A_378 = tpu.memref_slice %arg7[%add3A_331, %dma_wait3A_377] : memref<200x128xi32, #tpu.memory_space<vmem>> -> memref<1x128xi32, #tpu.memory_space<vmem>>
      %dma_wait3A_379 = tpu.memref_squeeze %dma_wait3A_378 : memref<1x128xi32, #tpu.memory_space<vmem>> -> memref<128xi32, #tpu.memory_space<vmem>>
      %dma_wait3A_380 = arith.constant 0 : i32
      %dma_wait3A_381 = arith.constant 0 : i32
      %dma_wait3A_382 = tpu.memref_slice %arg2[%dma_wait3A_380, %dma_wait3A_381] : memref<50008x16xf32, #tpu.memory_space<hbm>> -> memref<50008x16xf32, #tpu.memory_space<hbm>>
      tpu.wait_indirect_dma semaphore(%arg13 : memref<!tpu.dma_semaphore, #tpu.memory_space<semaphore_mem>>) src(%dma_wait3A_382 : memref<50008x16xf32, #tpu.memory_space<hbm>>) dst(%dma_wait3A_376 : memref<128x16xf32, #tpu.memory_space<vmem>>)
      %dma_wait3A_383 = arith.constant 256 : i32
      %dma_wait3A_384 = arith.constant 0 : i32
      %dma_wait3A_385 = tpu.memref_slice %arg11[%dma_wait3A_383, %dma_wait3A_384] : memref<512x16xf32, #tpu.memory_space<vmem>> -> memref<128x16xf32, #tpu.memory_space<vmem>>
      %dma_wait3A_386 = arith.constant 0 : i32
      %dma_wait3A_387 = tpu.memref_slice %arg8[%add3A_333, %dma_wait3A_386] : memref<200x128xi32, #tpu.memory_space<vmem>> -> memref<1x128xi32, #tpu.memory_space<vmem>>
      %dma_wait3A_388 = tpu.memref_squeeze %dma_wait3A_387 : memref<1x128xi32, #tpu.memory_space<vmem>> -> memref<128xi32, #tpu.memory_space<vmem>>
      %dma_wait3A_389 = arith.constant 0 : i32
      %dma_wait3A_390 = arith.constant 0 : i32
      %dma_wait3A_391 = tpu.memref_slice %arg2[%dma_wait3A_389, %dma_wait3A_390] : memref<50008x16xf32, #tpu.memory_space<hbm>> -> memref<50008x16xf32, #tpu.memory_space<hbm>>
      tpu.wait_indirect_dma semaphore(%arg13 : memref<!tpu.dma_semaphore, #tpu.memory_space<semaphore_mem>>) src(%dma_wait3A_391 : memref<50008x16xf32, #tpu.memory_space<hbm>>) dst(%dma_wait3A_385 : memref<128x16xf32, #tpu.memory_space<vmem>>)
      %dma_wait3A_392 = arith.constant 384 : i32
      %dma_wait3A_393 = arith.constant 0 : i32
      %dma_wait3A_394 = tpu.memref_slice %arg9[%dma_wait3A_392, %dma_wait3A_393] : memref<512x16xf32, #tpu.memory_space<vmem>> -> memref<128x16xf32, #tpu.memory_space<vmem>>
      %dma_wait3A_395 = arith.constant 0 : i32
      %dma_wait3A_396 = tpu.memref_slice %arg7[%add3A_335, %dma_wait3A_395] : memref<200x128xi32, #tpu.memory_space<vmem>> -> memref<1x128xi32, #tpu.memory_space<vmem>>
      %dma_wait3A_397 = tpu.memref_squeeze %dma_wait3A_396 : memref<1x128xi32, #tpu.memory_space<vmem>> -> memref<128xi32, #tpu.memory_space<vmem>>
      %dma_wait3A_398 = arith.constant 0 : i32
      %dma_wait3A_399 = arith.constant 0 : i32
      %dma_wait3A_400 = tpu.memref_slice %arg2[%dma_wait3A_398, %dma_wait3A_399] : memref<50008x16xf32, #tpu.memory_space<hbm>> -> memref<50008x16xf32, #tpu.memory_space<hbm>>
      tpu.wait_indirect_dma semaphore(%arg13 : memref<!tpu.dma_semaphore, #tpu.memory_space<semaphore_mem>>) src(%dma_wait3A_400 : memref<50008x16xf32, #tpu.memory_space<hbm>>) dst(%dma_wait3A_394 : memref<128x16xf32, #tpu.memory_space<vmem>>)
      %dma_wait3A_401 = arith.constant 384 : i32
      %dma_wait3A_402 = arith.constant 0 : i32
      %dma_wait3A_403 = tpu.memref_slice %arg11[%dma_wait3A_401, %dma_wait3A_402] : memref<512x16xf32, #tpu.memory_space<vmem>> -> memref<128x16xf32, #tpu.memory_space<vmem>>
      %dma_wait3A_404 = arith.constant 0 : i32
      %dma_wait3A_405 = tpu.memref_slice %arg8[%add3A_337, %dma_wait3A_404] : memref<200x128xi32, #tpu.memory_space<vmem>> -> memref<1x128xi32, #tpu.memory_space<vmem>>
      %dma_wait3A_406 = tpu.memref_squeeze %dma_wait3A_405 : memref<1x128xi32, #tpu.memory_space<vmem>> -> memref<128xi32, #tpu.memory_space<vmem>>
      %dma_wait3A_407 = arith.constant 0 : i32
      %dma_wait3A_408 = arith.constant 0 : i32
      %dma_wait3A_409 = tpu.memref_slice %arg2[%dma_wait3A_407, %dma_wait3A_408] : memref<50008x16xf32, #tpu.memory_space<hbm>> -> memref<50008x16xf32, #tpu.memory_space<hbm>>
      tpu.wait_indirect_dma semaphore(%arg13 : memref<!tpu.dma_semaphore, #tpu.memory_space<semaphore_mem>>) src(%dma_wait3A_409 : memref<50008x16xf32, #tpu.memory_space<hbm>>) dst(%dma_wait3A_403 : memref<128x16xf32, #tpu.memory_space<vmem>>)
      %sub3A_410 = arith.constant 1 : i32
      %sub3A_411 = arith.subi %add3A_223, %sub3A_410 : i32
      %mul3A_412 = arith.constant 512 : i32
      %mul3A_413 = arith.muli %sub3A_411, %mul3A_412 : i32
      %add3A_414 = arith.addi %mul3A_4, %mul3A_413 : i32
      %dma_start3A_415 = arith.constant 0 : i32
      %dma_start3A_416 = tpu.memref_slice %arg5[%add3A_414, %dma_start3A_415] : memref<819200x16xf32, #tpu.memory_space<hbm>> -> memref<512x16xf32, #tpu.memory_space<hbm>>
      %dma_start3A_417 = arith.constant 0 : i32
      %dma_start3A_418 = tpu.memref_slice %arg5[%add3A_414, %dma_start3A_417] : memref<819200x16xf32, #tpu.memory_space<hbm>> -> memref<512x16xf32, #tpu.memory_space<hbm>>
      tpu.enqueue_dma source(%arg9 : memref<512x16xf32, #tpu.memory_space<vmem>>) target(%dma_start3A_418 : memref<512x16xf32, #tpu.memory_space<hbm>>) target_semaphore(%arg15 : memref<!tpu.dma_semaphore, #tpu.memory_space<semaphore_mem>>)
      %dma_start3A_419 = arith.constant 0 : i32
      %dma_start3A_420 = tpu.memref_slice %arg6[%add3A_414, %dma_start3A_419] : memref<819200x16xf32, #tpu.memory_space<hbm>> -> memref<512x16xf32, #tpu.memory_space<hbm>>
      %dma_start3A_421 = arith.constant 0 : i32
      %dma_start3A_422 = tpu.memref_slice %arg6[%add3A_414, %dma_start3A_421] : memref<819200x16xf32, #tpu.memory_space<hbm>> -> memref<512x16xf32, #tpu.memory_space<hbm>>
      tpu.enqueue_dma source(%arg11 : memref<512x16xf32, #tpu.memory_space<vmem>>) target(%dma_start3A_422 : memref<512x16xf32, #tpu.memory_space<hbm>>) target_semaphore(%arg15 : memref<!tpu.dma_semaphore, #tpu.memory_space<semaphore_mem>>)
    }
    %scan3A_9 = arith.constant 25 : i32
    %dma_wait3A = arith.constant 196 : i32
    %dma_wait3A_10 = arith.constant 0 : i32
    %dma_wait3A_11 = arith.constant 0 : i32
    %dma_wait3A_12 = tpu.memref_slice %arg10[%dma_wait3A_10, %dma_wait3A_11] : memref<512x16xf32, #tpu.memory_space<vmem>> -> memref<128x16xf32, #tpu.memory_space<vmem>>
    %dma_wait3A_13 = arith.constant 0 : i32
    %dma_wait3A_14 = tpu.memref_slice %arg7[%dma_wait3A, %dma_wait3A_13] : memref<200x128xi32, #tpu.memory_space<vmem>> -> memref<1x128xi32, #tpu.memory_space<vmem>>
    %dma_wait3A_15 = tpu.memref_squeeze %dma_wait3A_14 : memref<1x128xi32, #tpu.memory_space<vmem>> -> memref<128xi32, #tpu.memory_space<vmem>>
    %dma_wait3A_16 = arith.constant 0 : i32
    %dma_wait3A_17 = arith.constant 0 : i32
    %dma_wait3A_18 = tpu.memref_slice %arg2[%dma_wait3A_16, %dma_wait3A_17] : memref<50008x16xf32, #tpu.memory_space<hbm>> -> memref<50008x16xf32, #tpu.memory_space<hbm>>
    tpu.wait_indirect_dma semaphore(%arg14 : memref<!tpu.dma_semaphore, #tpu.memory_space<semaphore_mem>>) src(%dma_wait3A_18 : memref<50008x16xf32, #tpu.memory_space<hbm>>) dst(%dma_wait3A_12 : memref<128x16xf32, #tpu.memory_space<vmem>>)
    %dma_wait3A_19 = arith.constant 196 : i32
    %dma_wait3A_20 = arith.constant 0 : i32
    %dma_wait3A_21 = arith.constant 0 : i32
    %dma_wait3A_22 = tpu.memref_slice %arg12[%dma_wait3A_20, %dma_wait3A_21] : memref<512x16xf32, #tpu.memory_space<vmem>> -> memref<128x16xf32, #tpu.memory_space<vmem>>
    %dma_wait3A_23 = arith.constant 0 : i32
    %dma_wait3A_24 = tpu.memref_slice %arg8[%dma_wait3A_19, %dma_wait3A_23] : memref<200x128xi32, #tpu.memory_space<vmem>> -> memref<1x128xi32, #tpu.memory_space<vmem>>
    %dma_wait3A_25 = tpu.memref_squeeze %dma_wait3A_24 : memref<1x128xi32, #tpu.memory_space<vmem>> -> memref<128xi32, #tpu.memory_space<vmem>>
    %dma_wait3A_26 = arith.constant 0 : i32
    %dma_wait3A_27 = arith.constant 0 : i32
    %dma_wait3A_28 = tpu.memref_slice %arg2[%dma_wait3A_26, %dma_wait3A_27] : memref<50008x16xf32, #tpu.memory_space<hbm>> -> memref<50008x16xf32, #tpu.memory_space<hbm>>
    tpu.wait_indirect_dma semaphore(%arg14 : memref<!tpu.dma_semaphore, #tpu.memory_space<semaphore_mem>>) src(%dma_wait3A_28 : memref<50008x16xf32, #tpu.memory_space<hbm>>) dst(%dma_wait3A_22 : memref<128x16xf32, #tpu.memory_space<vmem>>)
    %dma_wait3A_29 = arith.constant 197 : i32
    %dma_wait3A_30 = arith.constant 128 : i32
    %dma_wait3A_31 = arith.constant 0 : i32
    %dma_wait3A_32 = tpu.memref_slice %arg10[%dma_wait3A_30, %dma_wait3A_31] : memref<512x16xf32, #tpu.memory_space<vmem>> -> memref<128x16xf32, #tpu.memory_space<vmem>>
    %dma_wait3A_33 = arith.constant 0 : i32
    %dma_wait3A_34 = tpu.memref_slice %arg7[%dma_wait3A_29, %dma_wait3A_33] : memref<200x128xi32, #tpu.memory_space<vmem>> -> memref<1x128xi32, #tpu.memory_space<vmem>>
    %dma_wait3A_35 = tpu.memref_squeeze %dma_wait3A_34 : memref<1x128xi32, #tpu.memory_space<vmem>> -> memref<128xi32, #tpu.memory_space<vmem>>
    %dma_wait3A_36 = arith.constant 0 : i32
    %dma_wait3A_37 = arith.constant 0 : i32
    %dma_wait3A_38 = tpu.memref_slice %arg2[%dma_wait3A_36, %dma_wait3A_37] : memref<50008x16xf32, #tpu.memory_space<hbm>> -> memref<50008x16xf32, #tpu.memory_space<hbm>>
    tpu.wait_indirect_dma semaphore(%arg14 : memref<!tpu.dma_semaphore, #tpu.memory_space<semaphore_mem>>) src(%dma_wait3A_38 : memref<50008x16xf32, #tpu.memory_space<hbm>>) dst(%dma_wait3A_32 : memref<128x16xf32, #tpu.memory_space<vmem>>)
    %dma_wait3A_39 = arith.constant 197 : i32
    %dma_wait3A_40 = arith.constant 128 : i32
    %dma_wait3A_41 = arith.constant 0 : i32
    %dma_wait3A_42 = tpu.memref_slice %arg12[%dma_wait3A_40, %dma_wait3A_41] : memref<512x16xf32, #tpu.memory_space<vmem>> -> memref<128x16xf32, #tpu.memory_space<vmem>>
    %dma_wait3A_43 = arith.constant 0 : i32
    %dma_wait3A_44 = tpu.memref_slice %arg8[%dma_wait3A_39, %dma_wait3A_43] : memref<200x128xi32, #tpu.memory_space<vmem>> -> memref<1x128xi32, #tpu.memory_space<vmem>>
    %dma_wait3A_45 = tpu.memref_squeeze %dma_wait3A_44 : memref<1x128xi32, #tpu.memory_space<vmem>> -> memref<128xi32, #tpu.memory_space<vmem>>
    %dma_wait3A_46 = arith.constant 0 : i32
    %dma_wait3A_47 = arith.constant 0 : i32
    %dma_wait3A_48 = tpu.memref_slice %arg2[%dma_wait3A_46, %dma_wait3A_47] : memref<50008x16xf32, #tpu.memory_space<hbm>> -> memref<50008x16xf32, #tpu.memory_space<hbm>>
    tpu.wait_indirect_dma semaphore(%arg14 : memref<!tpu.dma_semaphore, #tpu.memory_space<semaphore_mem>>) src(%dma_wait3A_48 : memref<50008x16xf32, #tpu.memory_space<hbm>>) dst(%dma_wait3A_42 : memref<128x16xf32, #tpu.memory_space<vmem>>)
    %dma_wait3A_49 = arith.constant 198 : i32
    %dma_wait3A_50 = arith.constant 256 : i32
    %dma_wait3A_51 = arith.constant 0 : i32
    %dma_wait3A_52 = tpu.memref_slice %arg10[%dma_wait3A_50, %dma_wait3A_51] : memref<512x16xf32, #tpu.memory_space<vmem>> -> memref<128x16xf32, #tpu.memory_space<vmem>>
    %dma_wait3A_53 = arith.constant 0 : i32
    %dma_wait3A_54 = tpu.memref_slice %arg7[%dma_wait3A_49, %dma_wait3A_53] : memref<200x128xi32, #tpu.memory_space<vmem>> -> memref<1x128xi32, #tpu.memory_space<vmem>>
    %dma_wait3A_55 = tpu.memref_squeeze %dma_wait3A_54 : memref<1x128xi32, #tpu.memory_space<vmem>> -> memref<128xi32, #tpu.memory_space<vmem>>
    %dma_wait3A_56 = arith.constant 0 : i32
    %dma_wait3A_57 = arith.constant 0 : i32
    %dma_wait3A_58 = tpu.memref_slice %arg2[%dma_wait3A_56, %dma_wait3A_57] : memref<50008x16xf32, #tpu.memory_space<hbm>> -> memref<50008x16xf32, #tpu.memory_space<hbm>>
    tpu.wait_indirect_dma semaphore(%arg14 : memref<!tpu.dma_semaphore, #tpu.memory_space<semaphore_mem>>) src(%dma_wait3A_58 : memref<50008x16xf32, #tpu.memory_space<hbm>>) dst(%dma_wait3A_52 : memref<128x16xf32, #tpu.memory_space<vmem>>)
    %dma_wait3A_59 = arith.constant 198 : i32
    %dma_wait3A_60 = arith.constant 256 : i32
    %dma_wait3A_61 = arith.constant 0 : i32
    %dma_wait3A_62 = tpu.memref_slice %arg12[%dma_wait3A_60, %dma_wait3A_61] : memref<512x16xf32, #tpu.memory_space<vmem>> -> memref<128x16xf32, #tpu.memory_space<vmem>>
    %dma_wait3A_63 = arith.constant 0 : i32
    %dma_wait3A_64 = tpu.memref_slice %arg8[%dma_wait3A_59, %dma_wait3A_63] : memref<200x128xi32, #tpu.memory_space<vmem>> -> memref<1x128xi32, #tpu.memory_space<vmem>>
    %dma_wait3A_65 = tpu.memref_squeeze %dma_wait3A_64 : memref<1x128xi32, #tpu.memory_space<vmem>> -> memref<128xi32, #tpu.memory_space<vmem>>
    %dma_wait3A_66 = arith.constant 0 : i32
    %dma_wait3A_67 = arith.constant 0 : i32
    %dma_wait3A_68 = tpu.memref_slice %arg2[%dma_wait3A_66, %dma_wait3A_67] : memref<50008x16xf32, #tpu.memory_space<hbm>> -> memref<50008x16xf32, #tpu.memory_space<hbm>>
    tpu.wait_indirect_dma semaphore(%arg14 : memref<!tpu.dma_semaphore, #tpu.memory_space<semaphore_mem>>) src(%dma_wait3A_68 : memref<50008x16xf32, #tpu.memory_space<hbm>>) dst(%dma_wait3A_62 : memref<128x16xf32, #tpu.memory_space<vmem>>)
    %dma_wait3A_69 = arith.constant 199 : i32
    %dma_wait3A_70 = arith.constant 384 : i32
    %dma_wait3A_71 = arith.constant 0 : i32
    %dma_wait3A_72 = tpu.memref_slice %arg10[%dma_wait3A_70, %dma_wait3A_71] : memref<512x16xf32, #tpu.memory_space<vmem>> -> memref<128x16xf32, #tpu.memory_space<vmem>>
    %dma_wait3A_73 = arith.constant 0 : i32
    %dma_wait3A_74 = tpu.memref_slice %arg7[%dma_wait3A_69, %dma_wait3A_73] : memref<200x128xi32, #tpu.memory_space<vmem>> -> memref<1x128xi32, #tpu.memory_space<vmem>>
    %dma_wait3A_75 = tpu.memref_squeeze %dma_wait3A_74 : memref<1x128xi32, #tpu.memory_space<vmem>> -> memref<128xi32, #tpu.memory_space<vmem>>
    %dma_wait3A_76 = arith.constant 0 : i32
    %dma_wait3A_77 = arith.constant 0 : i32
    %dma_wait3A_78 = tpu.memref_slice %arg2[%dma_wait3A_76, %dma_wait3A_77] : memref<50008x16xf32, #tpu.memory_space<hbm>> -> memref<50008x16xf32, #tpu.memory_space<hbm>>
    tpu.wait_indirect_dma semaphore(%arg14 : memref<!tpu.dma_semaphore, #tpu.memory_space<semaphore_mem>>) src(%dma_wait3A_78 : memref<50008x16xf32, #tpu.memory_space<hbm>>) dst(%dma_wait3A_72 : memref<128x16xf32, #tpu.memory_space<vmem>>)
    %dma_wait3A_79 = arith.constant 199 : i32
    %dma_wait3A_80 = arith.constant 384 : i32
    %dma_wait3A_81 = arith.constant 0 : i32
    %dma_wait3A_82 = tpu.memref_slice %arg12[%dma_wait3A_80, %dma_wait3A_81] : memref<512x16xf32, #tpu.memory_space<vmem>> -> memref<128x16xf32, #tpu.memory_space<vmem>>
    %dma_wait3A_83 = arith.constant 0 : i32
    %dma_wait3A_84 = tpu.memref_slice %arg8[%dma_wait3A_79, %dma_wait3A_83] : memref<200x128xi32, #tpu.memory_space<vmem>> -> memref<1x128xi32, #tpu.memory_space<vmem>>
    %dma_wait3A_85 = tpu.memref_squeeze %dma_wait3A_84 : memref<1x128xi32, #tpu.memory_space<vmem>> -> memref<128xi32, #tpu.memory_space<vmem>>
    %dma_wait3A_86 = arith.constant 0 : i32
    %dma_wait3A_87 = arith.constant 0 : i32
    %dma_wait3A_88 = tpu.memref_slice %arg2[%dma_wait3A_86, %dma_wait3A_87] : memref<50008x16xf32, #tpu.memory_space<hbm>> -> memref<50008x16xf32, #tpu.memory_space<hbm>>
    tpu.wait_indirect_dma semaphore(%arg14 : memref<!tpu.dma_semaphore, #tpu.memory_space<semaphore_mem>>) src(%dma_wait3A_88 : memref<50008x16xf32, #tpu.memory_space<hbm>>) dst(%dma_wait3A_82 : memref<128x16xf32, #tpu.memory_space<vmem>>)
    %add3A_89 = arith.constant 25088 : i32
    %add3A_90 = arith.addi %mul3A_4, %add3A_89 : i32
    %dma_start3A = arith.constant 0 : i32
    %dma_start3A_91 = tpu.memref_slice %arg5[%add3A_90, %dma_start3A] : memref<819200x16xf32, #tpu.memory_space<hbm>> -> memref<512x16xf32, #tpu.memory_space<hbm>>
    %dma_start3A_92 = arith.constant 0 : i32
    %dma_start3A_93 = tpu.memref_slice %arg5[%add3A_90, %dma_start3A_92] : memref<819200x16xf32, #tpu.memory_space<hbm>> -> memref<512x16xf32, #tpu.memory_space<hbm>>
    tpu.enqueue_dma source(%arg10 : memref<512x16xf32, #tpu.memory_space<vmem>>) target(%dma_start3A_93 : memref<512x16xf32, #tpu.memory_space<hbm>>) target_semaphore(%arg16 : memref<!tpu.dma_semaphore, #tpu.memory_space<semaphore_mem>>)
    %dma_start3A_94 = arith.constant 0 : i32
    %dma_start3A_95 = tpu.memref_slice %arg6[%add3A_90, %dma_start3A_94] : memref<819200x16xf32, #tpu.memory_space<hbm>> -> memref<512x16xf32, #tpu.memory_space<hbm>>
    %dma_start3A_96 = arith.constant 0 : i32
    %dma_start3A_97 = tpu.memref_slice %arg6[%add3A_90, %dma_start3A_96] : memref<819200x16xf32, #tpu.memory_space<hbm>> -> memref<512x16xf32, #tpu.memory_space<hbm>>
    tpu.enqueue_dma source(%arg12 : memref<512x16xf32, #tpu.memory_space<vmem>>) target(%dma_start3A_97 : memref<512x16xf32, #tpu.memory_space<hbm>>) target_semaphore(%arg16 : memref<!tpu.dma_semaphore, #tpu.memory_space<semaphore_mem>>)
    %add3A_98 = arith.constant 24576 : i32
    %add3A_99 = arith.addi %mul3A_4, %add3A_98 : i32
    %dma_wait3A_100 = arith.constant 0 : i32
    %dma_wait3A_101 = tpu.memref_slice %arg5[%add3A_99, %dma_wait3A_100] : memref<819200x16xf32, #tpu.memory_space<hbm>> -> memref<512x16xf32, #tpu.memory_space<hbm>>
    %dma_wait3A_102 = arith.constant 0 : i32
    %dma_wait3A_103 = tpu.memref_slice %arg5[%add3A_99, %dma_wait3A_102] : memref<819200x16xf32, #tpu.memory_space<hbm>> -> memref<512x16xf32, #tpu.memory_space<hbm>>
    tpu.wait_dma2 semaphore(%arg15 : memref<!tpu.dma_semaphore, #tpu.memory_space<semaphore_mem>>) src(%arg9 : memref<512x16xf32, #tpu.memory_space<vmem>>) dst(%dma_wait3A_103 : memref<512x16xf32, #tpu.memory_space<hbm>>)
    %dma_wait3A_104 = arith.constant 0 : i32
    %dma_wait3A_105 = tpu.memref_slice %arg6[%add3A_99, %dma_wait3A_104] : memref<819200x16xf32, #tpu.memory_space<hbm>> -> memref<512x16xf32, #tpu.memory_space<hbm>>
    %dma_wait3A_106 = arith.constant 0 : i32
    %dma_wait3A_107 = tpu.memref_slice %arg6[%add3A_99, %dma_wait3A_106] : memref<819200x16xf32, #tpu.memory_space<hbm>> -> memref<512x16xf32, #tpu.memory_space<hbm>>
    tpu.wait_dma2 semaphore(%arg15 : memref<!tpu.dma_semaphore, #tpu.memory_space<semaphore_mem>>) src(%arg11 : memref<512x16xf32, #tpu.memory_space<vmem>>) dst(%dma_wait3A_107 : memref<512x16xf32, #tpu.memory_space<hbm>>)
    %add3A_108 = arith.constant 25088 : i32
    %add3A_109 = arith.addi %mul3A_4, %add3A_108 : i32
    %dma_wait3A_110 = arith.constant 0 : i32
    %dma_wait3A_111 = tpu.memref_slice %arg5[%add3A_109, %dma_wait3A_110] : memref<819200x16xf32, #tpu.memory_space<hbm>> -> memref<512x16xf32, #tpu.memory_space<hbm>>
    %dma_wait3A_112 = arith.constant 0 : i32
    %dma_wait3A_113 = tpu.memref_slice %arg5[%add3A_109, %dma_wait3A_112] : memref<819200x16xf32, #tpu.memory_space<hbm>> -> memref<512x16xf32, #tpu.memory_space<hbm>>
    tpu.wait_dma2 semaphore(%arg16 : memref<!tpu.dma_semaphore, #tpu.memory_space<semaphore_mem>>) src(%arg10 : memref<512x16xf32, #tpu.memory_space<vmem>>) dst(%dma_wait3A_113 : memref<512x16xf32, #tpu.memory_space<hbm>>)
    %dma_wait3A_114 = arith.constant 0 : i32
    %dma_wait3A_115 = tpu.memref_slice %arg6[%add3A_109, %dma_wait3A_114] : memref<819200x16xf32, #tpu.memory_space<hbm>> -> memref<512x16xf32, #tpu.memory_space<hbm>>
    %dma_wait3A_116 = arith.constant 0 : i32
    %dma_wait3A_117 = tpu.memref_slice %arg6[%add3A_109, %dma_wait3A_116] : memref<819200x16xf32, #tpu.memory_space<hbm>> -> memref<512x16xf32, #tpu.memory_space<hbm>>
    tpu.wait_dma2 semaphore(%arg16 : memref<!tpu.dma_semaphore, #tpu.memory_space<semaphore_mem>>) src(%arg12 : memref<512x16xf32, #tpu.memory_space<vmem>>) dst(%dma_wait3A_117 : memref<512x16xf32, #tpu.memory_space<hbm>>)
    return
  }
}

#map = affine_map<(d0, d1) -> (0, 0)>
#map1 = affine_map<(d0, d1) -> (0, 0, 0)>
module attributes {stable_mosaic.version = 14 : i64} {
  func.func @scatter_kernel(%arg0: i32, %arg1: i32, %arg2: memref<819200x8xf32, #tpu.memory_space<hbm>>, %arg3: memref<6400x128xi32, #tpu.memory_space<hbm>>, %arg4: memref<50008x8xf32, #tpu.memory_space<hbm>>, %arg5: memref<2x50008x8xf32, #tpu.memory_space<hbm>>, %arg6: memref<8x128xi32, #tpu.memory_space<vmem>>, %arg7: memref<1024x8xf32, #tpu.memory_space<vmem>>, %arg8: memref<50008x8xf32, #tpu.memory_space<vmem_shared>>) attributes {dimension_semantics = [#tpu.dimension_semantics<core_parallel>, #tpu.dimension_semantics<subcore_parallel>], iteration_bounds = array<i64: 2, 16>, scalar_prefetch = 0 : i64, scratch_operands = 3 : i64, tpu.core_type = #tpu.core_type<sc_vector_subcore>, window_params = [{transform_indices = #map}, {transform_indices = #map}, {transform_indices = #map}, {transform_indices = #map1}]} {
    %mul3A = arith.constant 2 : i32
    %mul3A_0 = arith.muli %arg1, %mul3A : i32
    %add3A = arith.addi %mul3A_0, %arg0 : i32
    %eq3A = arith.constant 0 : i32
    %eq3A_1 = arith.cmpi eq, %arg1, %eq3A : i32
    %convert_element_type3A = arith.extui %eq3A_1 : i1 to i32
    %cond3A = arith.constant 0 : i32
    %cond3A_2 = arith.cmpi ne, %convert_element_type3A, %cond3A : i32
    scf.if %cond3A_2 {
      "tpu.region"() ({
        %run_scoped3A = tpu.sem_alloc : memref<!tpu.dma_semaphore, #tpu.memory_space<semaphore_mem>>
        tpu.enqueue_dma source(%arg4 : memref<50008x8xf32, #tpu.memory_space<hbm>>) target(%arg8 : memref<50008x8xf32, #tpu.memory_space<vmem_shared>>) target_semaphore(%run_scoped3A : memref<!tpu.dma_semaphore, #tpu.memory_space<semaphore_mem>>)
        tpu.wait_dma2 semaphore(%run_scoped3A : memref<!tpu.dma_semaphore, #tpu.memory_space<semaphore_mem>>) src(%arg4 : memref<50008x8xf32, #tpu.memory_space<hbm>>) dst(%arg8 : memref<50008x8xf32, #tpu.memory_space<vmem_shared>>)
        tpu.yield
      }) : () -> ()
    } else {
    }
    %barrier3A = arith.constant 0 : index
    tpu.barrier barrier_id(%barrier3A)
    %scan3A = arith.constant 0 : i32
    %scan3A_3 = arith.constant 0 : i32
    %scan3A_4 = arith.constant 25 : i32
    %scan3A_5 = arith.addi %scan3A_3, %scan3A_4 : i32
    %scan3A_6 = arith.constant 1 : i32
    scf.for %scan3A_14 = %scan3A_3 to %scan3A_5 step %scan3A_6  : i32 {
      %mul3A_15 = arith.constant 200 : i32
      %mul3A_16 = arith.muli %add3A, %mul3A_15 : i32
      %mul3A_17 = arith.constant 8 : i32
      %mul3A_18 = arith.muli %scan3A_14, %mul3A_17 : i32
      %add3A_19 = arith.addi %mul3A_16, %mul3A_18 : i32
      %mul3A_20 = arith.constant 25600 : i32
      %mul3A_21 = arith.muli %add3A, %mul3A_20 : i32
      %mul3A_22 = arith.constant 1024 : i32
      %mul3A_23 = arith.muli %scan3A_14, %mul3A_22 : i32
      %add3A_24 = arith.addi %mul3A_21, %mul3A_23 : i32
      "tpu.region"() ({
        %run_scoped3A_32 = tpu.sem_alloc : memref<!tpu.dma_semaphore, #tpu.memory_space<semaphore_mem>>
        %dma_start3A = arith.constant 0 : i32
        %dma_start3A_33 = tpu.memref_slice %arg3[%add3A_19, %dma_start3A] : memref<6400x128xi32, #tpu.memory_space<hbm>> -> memref<8x128xi32, #tpu.memory_space<hbm>>
        %dma_start3A_34 = arith.constant 0 : i32
        %dma_start3A_35 = tpu.memref_slice %arg3[%add3A_19, %dma_start3A_34] : memref<6400x128xi32, #tpu.memory_space<hbm>> -> memref<8x128xi32, #tpu.memory_space<hbm>>
        tpu.enqueue_dma source(%dma_start3A_35 : memref<8x128xi32, #tpu.memory_space<hbm>>) target(%arg6 : memref<8x128xi32, #tpu.memory_space<vmem>>) target_semaphore(%run_scoped3A_32 : memref<!tpu.dma_semaphore, #tpu.memory_space<semaphore_mem>>)
        %dma_wait3A = arith.constant 0 : i32
        %dma_wait3A_36 = tpu.memref_slice %arg3[%add3A_19, %dma_wait3A] : memref<6400x128xi32, #tpu.memory_space<hbm>> -> memref<8x128xi32, #tpu.memory_space<hbm>>
        %dma_wait3A_37 = arith.constant 0 : i32
        %dma_wait3A_38 = tpu.memref_slice %arg3[%add3A_19, %dma_wait3A_37] : memref<6400x128xi32, #tpu.memory_space<hbm>> -> memref<8x128xi32, #tpu.memory_space<hbm>>
        tpu.wait_dma2 semaphore(%run_scoped3A_32 : memref<!tpu.dma_semaphore, #tpu.memory_space<semaphore_mem>>) src(%dma_wait3A_38 : memref<8x128xi32, #tpu.memory_space<hbm>>) dst(%arg6 : memref<8x128xi32, #tpu.memory_space<vmem>>)
        tpu.yield
      }) : () -> ()
      "tpu.region"() ({
        %run_scoped3A_32 = tpu.sem_alloc : memref<!tpu.dma_semaphore, #tpu.memory_space<semaphore_mem>>
        %dma_start3A = arith.constant 0 : i32
        %dma_start3A_33 = tpu.memref_slice %arg2[%add3A_24, %dma_start3A] : memref<819200x8xf32, #tpu.memory_space<hbm>> -> memref<1024x8xf32, #tpu.memory_space<hbm>>
        %dma_start3A_34 = arith.constant 0 : i32
        %dma_start3A_35 = tpu.memref_slice %arg2[%add3A_24, %dma_start3A_34] : memref<819200x8xf32, #tpu.memory_space<hbm>> -> memref<1024x8xf32, #tpu.memory_space<hbm>>
        tpu.enqueue_dma source(%dma_start3A_35 : memref<1024x8xf32, #tpu.memory_space<hbm>>) target(%arg7 : memref<1024x8xf32, #tpu.memory_space<vmem>>) target_semaphore(%run_scoped3A_32 : memref<!tpu.dma_semaphore, #tpu.memory_space<semaphore_mem>>)
        %dma_wait3A = arith.constant 0 : i32
        %dma_wait3A_36 = tpu.memref_slice %arg2[%add3A_24, %dma_wait3A] : memref<819200x8xf32, #tpu.memory_space<hbm>> -> memref<1024x8xf32, #tpu.memory_space<hbm>>
        %dma_wait3A_37 = arith.constant 0 : i32
        %dma_wait3A_38 = tpu.memref_slice %arg2[%add3A_24, %dma_wait3A_37] : memref<819200x8xf32, #tpu.memory_space<hbm>> -> memref<1024x8xf32, #tpu.memory_space<hbm>>
        tpu.wait_dma2 semaphore(%run_scoped3A_32 : memref<!tpu.dma_semaphore, #tpu.memory_space<semaphore_mem>>) src(%dma_wait3A_38 : memref<1024x8xf32, #tpu.memory_space<hbm>>) dst(%arg7 : memref<1024x8xf32, #tpu.memory_space<vmem>>)
        tpu.yield
      }) : () -> ()
      %run_scoped3A = arith.constant 0 : i32
      "tpu.region"() ({
        %run_scoped3A_32 = tpu.sem_alloc : memref<!tpu.dma_semaphore, #tpu.memory_space<semaphore_mem>>
        %dma_start3A = arith.constant 0 : i32
        %dma_start3A_33 = arith.constant 0 : i32
        %dma_start3A_34 = tpu.memref_slice %arg7[%dma_start3A, %dma_start3A_33] : memref<1024x8xf32, #tpu.memory_space<vmem>> -> memref<128x8xf32, #tpu.memory_space<vmem>>
        %dma_start3A_35 = arith.constant 0 : i32
        %dma_start3A_36 = tpu.memref_slice %arg6[%run_scoped3A, %dma_start3A_35] : memref<8x128xi32, #tpu.memory_space<vmem>> -> memref<1x128xi32, #tpu.memory_space<vmem>>
        %dma_start3A_37 = tpu.memref_squeeze %dma_start3A_36 : memref<1x128xi32, #tpu.memory_space<vmem>> -> memref<128xi32, #tpu.memory_space<vmem>>
        %dma_start3A_38 = arith.constant 0 : i32
        %dma_start3A_39 = arith.constant 0 : i32
        %dma_start3A_40 = tpu.memref_slice %arg8[%dma_start3A_38, %dma_start3A_39] : memref<50008x8xf32, #tpu.memory_space<vmem_shared>> -> memref<50008x8xf32, #tpu.memory_space<vmem_shared>>
        tpu.enqueue_indirect_dma source(%dma_start3A_34 : memref<128x8xf32, #tpu.memory_space<vmem>>) target(%dma_start3A_40 : memref<50008x8xf32, #tpu.memory_space<vmem_shared>>) offsets(%dma_start3A_37 : memref<128xi32, #tpu.memory_space<vmem>>) semaphore(%run_scoped3A_32 : memref<!tpu.dma_semaphore, #tpu.memory_space<semaphore_mem>>) {add = true}
        %dma_wait3A = arith.constant 0 : i32
        %dma_wait3A_41 = arith.constant 0 : i32
        %dma_wait3A_42 = tpu.memref_slice %arg7[%dma_wait3A, %dma_wait3A_41] : memref<1024x8xf32, #tpu.memory_space<vmem>> -> memref<128x8xf32, #tpu.memory_space<vmem>>
        %dma_wait3A_43 = arith.constant 0 : i32
        %dma_wait3A_44 = tpu.memref_slice %arg6[%run_scoped3A, %dma_wait3A_43] : memref<8x128xi32, #tpu.memory_space<vmem>> -> memref<1x128xi32, #tpu.memory_space<vmem>>
        %dma_wait3A_45 = tpu.memref_squeeze %dma_wait3A_44 : memref<1x128xi32, #tpu.memory_space<vmem>> -> memref<128xi32, #tpu.memory_space<vmem>>
        %dma_wait3A_46 = arith.constant 0 : i32
        %dma_wait3A_47 = arith.constant 0 : i32
        %dma_wait3A_48 = tpu.memref_slice %arg8[%dma_wait3A_46, %dma_wait3A_47] : memref<50008x8xf32, #tpu.memory_space<vmem_shared>> -> memref<50008x8xf32, #tpu.memory_space<vmem_shared>>
        tpu.wait_indirect_dma semaphore(%run_scoped3A_32 : memref<!tpu.dma_semaphore, #tpu.memory_space<semaphore_mem>>) src(%dma_wait3A_42 : memref<128x8xf32, #tpu.memory_space<vmem>>) dst(%dma_wait3A_48 : memref<50008x8xf32, #tpu.memory_space<vmem_shared>>)
        tpu.yield
      }) : () -> ()
      %run_scoped3A_25 = arith.constant 1 : i32
      "tpu.region"() ({
        %run_scoped3A_32 = tpu.sem_alloc : memref<!tpu.dma_semaphore, #tpu.memory_space<semaphore_mem>>
        %dma_start3A = arith.constant 128 : i32
        %dma_start3A_33 = arith.constant 0 : i32
        %dma_start3A_34 = tpu.memref_slice %arg7[%dma_start3A, %dma_start3A_33] : memref<1024x8xf32, #tpu.memory_space<vmem>> -> memref<128x8xf32, #tpu.memory_space<vmem>>
        %dma_start3A_35 = arith.constant 0 : i32
        %dma_start3A_36 = tpu.memref_slice %arg6[%run_scoped3A_25, %dma_start3A_35] : memref<8x128xi32, #tpu.memory_space<vmem>> -> memref<1x128xi32, #tpu.memory_space<vmem>>
        %dma_start3A_37 = tpu.memref_squeeze %dma_start3A_36 : memref<1x128xi32, #tpu.memory_space<vmem>> -> memref<128xi32, #tpu.memory_space<vmem>>
        %dma_start3A_38 = arith.constant 0 : i32
        %dma_start3A_39 = arith.constant 0 : i32
        %dma_start3A_40 = tpu.memref_slice %arg8[%dma_start3A_38, %dma_start3A_39] : memref<50008x8xf32, #tpu.memory_space<vmem_shared>> -> memref<50008x8xf32, #tpu.memory_space<vmem_shared>>
        tpu.enqueue_indirect_dma source(%dma_start3A_34 : memref<128x8xf32, #tpu.memory_space<vmem>>) target(%dma_start3A_40 : memref<50008x8xf32, #tpu.memory_space<vmem_shared>>) offsets(%dma_start3A_37 : memref<128xi32, #tpu.memory_space<vmem>>) semaphore(%run_scoped3A_32 : memref<!tpu.dma_semaphore, #tpu.memory_space<semaphore_mem>>) {add = true}
        %dma_wait3A = arith.constant 128 : i32
        %dma_wait3A_41 = arith.constant 0 : i32
        %dma_wait3A_42 = tpu.memref_slice %arg7[%dma_wait3A, %dma_wait3A_41] : memref<1024x8xf32, #tpu.memory_space<vmem>> -> memref<128x8xf32, #tpu.memory_space<vmem>>
        %dma_wait3A_43 = arith.constant 0 : i32
        %dma_wait3A_44 = tpu.memref_slice %arg6[%run_scoped3A_25, %dma_wait3A_43] : memref<8x128xi32, #tpu.memory_space<vmem>> -> memref<1x128xi32, #tpu.memory_space<vmem>>
        %dma_wait3A_45 = tpu.memref_squeeze %dma_wait3A_44 : memref<1x128xi32, #tpu.memory_space<vmem>> -> memref<128xi32, #tpu.memory_space<vmem>>
        %dma_wait3A_46 = arith.constant 0 : i32
        %dma_wait3A_47 = arith.constant 0 : i32
        %dma_wait3A_48 = tpu.memref_slice %arg8[%dma_wait3A_46, %dma_wait3A_47] : memref<50008x8xf32, #tpu.memory_space<vmem_shared>> -> memref<50008x8xf32, #tpu.memory_space<vmem_shared>>
        tpu.wait_indirect_dma semaphore(%run_scoped3A_32 : memref<!tpu.dma_semaphore, #tpu.memory_space<semaphore_mem>>) src(%dma_wait3A_42 : memref<128x8xf32, #tpu.memory_space<vmem>>) dst(%dma_wait3A_48 : memref<50008x8xf32, #tpu.memory_space<vmem_shared>>)
        tpu.yield
      }) : () -> ()
      %run_scoped3A_26 = arith.constant 2 : i32
      "tpu.region"() ({
        %run_scoped3A_32 = tpu.sem_alloc : memref<!tpu.dma_semaphore, #tpu.memory_space<semaphore_mem>>
        %dma_start3A = arith.constant 256 : i32
        %dma_start3A_33 = arith.constant 0 : i32
        %dma_start3A_34 = tpu.memref_slice %arg7[%dma_start3A, %dma_start3A_33] : memref<1024x8xf32, #tpu.memory_space<vmem>> -> memref<128x8xf32, #tpu.memory_space<vmem>>
        %dma_start3A_35 = arith.constant 0 : i32
        %dma_start3A_36 = tpu.memref_slice %arg6[%run_scoped3A_26, %dma_start3A_35] : memref<8x128xi32, #tpu.memory_space<vmem>> -> memref<1x128xi32, #tpu.memory_space<vmem>>
        %dma_start3A_37 = tpu.memref_squeeze %dma_start3A_36 : memref<1x128xi32, #tpu.memory_space<vmem>> -> memref<128xi32, #tpu.memory_space<vmem>>
        %dma_start3A_38 = arith.constant 0 : i32
        %dma_start3A_39 = arith.constant 0 : i32
        %dma_start3A_40 = tpu.memref_slice %arg8[%dma_start3A_38, %dma_start3A_39] : memref<50008x8xf32, #tpu.memory_space<vmem_shared>> -> memref<50008x8xf32, #tpu.memory_space<vmem_shared>>
        tpu.enqueue_indirect_dma source(%dma_start3A_34 : memref<128x8xf32, #tpu.memory_space<vmem>>) target(%dma_start3A_40 : memref<50008x8xf32, #tpu.memory_space<vmem_shared>>) offsets(%dma_start3A_37 : memref<128xi32, #tpu.memory_space<vmem>>) semaphore(%run_scoped3A_32 : memref<!tpu.dma_semaphore, #tpu.memory_space<semaphore_mem>>) {add = true}
        %dma_wait3A = arith.constant 256 : i32
        %dma_wait3A_41 = arith.constant 0 : i32
        %dma_wait3A_42 = tpu.memref_slice %arg7[%dma_wait3A, %dma_wait3A_41] : memref<1024x8xf32, #tpu.memory_space<vmem>> -> memref<128x8xf32, #tpu.memory_space<vmem>>
        %dma_wait3A_43 = arith.constant 0 : i32
        %dma_wait3A_44 = tpu.memref_slice %arg6[%run_scoped3A_26, %dma_wait3A_43] : memref<8x128xi32, #tpu.memory_space<vmem>> -> memref<1x128xi32, #tpu.memory_space<vmem>>
        %dma_wait3A_45 = tpu.memref_squeeze %dma_wait3A_44 : memref<1x128xi32, #tpu.memory_space<vmem>> -> memref<128xi32, #tpu.memory_space<vmem>>
        %dma_wait3A_46 = arith.constant 0 : i32
        %dma_wait3A_47 = arith.constant 0 : i32
        %dma_wait3A_48 = tpu.memref_slice %arg8[%dma_wait3A_46, %dma_wait3A_47] : memref<50008x8xf32, #tpu.memory_space<vmem_shared>> -> memref<50008x8xf32, #tpu.memory_space<vmem_shared>>
        tpu.wait_indirect_dma semaphore(%run_scoped3A_32 : memref<!tpu.dma_semaphore, #tpu.memory_space<semaphore_mem>>) src(%dma_wait3A_42 : memref<128x8xf32, #tpu.memory_space<vmem>>) dst(%dma_wait3A_48 : memref<50008x8xf32, #tpu.memory_space<vmem_shared>>)
        tpu.yield
      }) : () -> ()
      %run_scoped3A_27 = arith.constant 3 : i32
      "tpu.region"() ({
        %run_scoped3A_32 = tpu.sem_alloc : memref<!tpu.dma_semaphore, #tpu.memory_space<semaphore_mem>>
        %dma_start3A = arith.constant 384 : i32
        %dma_start3A_33 = arith.constant 0 : i32
        %dma_start3A_34 = tpu.memref_slice %arg7[%dma_start3A, %dma_start3A_33] : memref<1024x8xf32, #tpu.memory_space<vmem>> -> memref<128x8xf32, #tpu.memory_space<vmem>>
        %dma_start3A_35 = arith.constant 0 : i32
        %dma_start3A_36 = tpu.memref_slice %arg6[%run_scoped3A_27, %dma_start3A_35] : memref<8x128xi32, #tpu.memory_space<vmem>> -> memref<1x128xi32, #tpu.memory_space<vmem>>
        %dma_start3A_37 = tpu.memref_squeeze %dma_start3A_36 : memref<1x128xi32, #tpu.memory_space<vmem>> -> memref<128xi32, #tpu.memory_space<vmem>>
        %dma_start3A_38 = arith.constant 0 : i32
        %dma_start3A_39 = arith.constant 0 : i32
        %dma_start3A_40 = tpu.memref_slice %arg8[%dma_start3A_38, %dma_start3A_39] : memref<50008x8xf32, #tpu.memory_space<vmem_shared>> -> memref<50008x8xf32, #tpu.memory_space<vmem_shared>>
        tpu.enqueue_indirect_dma source(%dma_start3A_34 : memref<128x8xf32, #tpu.memory_space<vmem>>) target(%dma_start3A_40 : memref<50008x8xf32, #tpu.memory_space<vmem_shared>>) offsets(%dma_start3A_37 : memref<128xi32, #tpu.memory_space<vmem>>) semaphore(%run_scoped3A_32 : memref<!tpu.dma_semaphore, #tpu.memory_space<semaphore_mem>>) {add = true}
        %dma_wait3A = arith.constant 384 : i32
        %dma_wait3A_41 = arith.constant 0 : i32
        %dma_wait3A_42 = tpu.memref_slice %arg7[%dma_wait3A, %dma_wait3A_41] : memref<1024x8xf32, #tpu.memory_space<vmem>> -> memref<128x8xf32, #tpu.memory_space<vmem>>
        %dma_wait3A_43 = arith.constant 0 : i32
        %dma_wait3A_44 = tpu.memref_slice %arg6[%run_scoped3A_27, %dma_wait3A_43] : memref<8x128xi32, #tpu.memory_space<vmem>> -> memref<1x128xi32, #tpu.memory_space<vmem>>
        %dma_wait3A_45 = tpu.memref_squeeze %dma_wait3A_44 : memref<1x128xi32, #tpu.memory_space<vmem>> -> memref<128xi32, #tpu.memory_space<vmem>>
        %dma_wait3A_46 = arith.constant 0 : i32
        %dma_wait3A_47 = arith.constant 0 : i32
        %dma_wait3A_48 = tpu.memref_slice %arg8[%dma_wait3A_46, %dma_wait3A_47] : memref<50008x8xf32, #tpu.memory_space<vmem_shared>> -> memref<50008x8xf32, #tpu.memory_space<vmem_shared>>
        tpu.wait_indirect_dma semaphore(%run_scoped3A_32 : memref<!tpu.dma_semaphore, #tpu.memory_space<semaphore_mem>>) src(%dma_wait3A_42 : memref<128x8xf32, #tpu.memory_space<vmem>>) dst(%dma_wait3A_48 : memref<50008x8xf32, #tpu.memory_space<vmem_shared>>)
        tpu.yield
      }) : () -> ()
      %run_scoped3A_28 = arith.constant 4 : i32
      "tpu.region"() ({
        %run_scoped3A_32 = tpu.sem_alloc : memref<!tpu.dma_semaphore, #tpu.memory_space<semaphore_mem>>
        %dma_start3A = arith.constant 512 : i32
        %dma_start3A_33 = arith.constant 0 : i32
        %dma_start3A_34 = tpu.memref_slice %arg7[%dma_start3A, %dma_start3A_33] : memref<1024x8xf32, #tpu.memory_space<vmem>> -> memref<128x8xf32, #tpu.memory_space<vmem>>
        %dma_start3A_35 = arith.constant 0 : i32
        %dma_start3A_36 = tpu.memref_slice %arg6[%run_scoped3A_28, %dma_start3A_35] : memref<8x128xi32, #tpu.memory_space<vmem>> -> memref<1x128xi32, #tpu.memory_space<vmem>>
        %dma_start3A_37 = tpu.memref_squeeze %dma_start3A_36 : memref<1x128xi32, #tpu.memory_space<vmem>> -> memref<128xi32, #tpu.memory_space<vmem>>
        %dma_start3A_38 = arith.constant 0 : i32
        %dma_start3A_39 = arith.constant 0 : i32
        %dma_start3A_40 = tpu.memref_slice %arg8[%dma_start3A_38, %dma_start3A_39] : memref<50008x8xf32, #tpu.memory_space<vmem_shared>> -> memref<50008x8xf32, #tpu.memory_space<vmem_shared>>
        tpu.enqueue_indirect_dma source(%dma_start3A_34 : memref<128x8xf32, #tpu.memory_space<vmem>>) target(%dma_start3A_40 : memref<50008x8xf32, #tpu.memory_space<vmem_shared>>) offsets(%dma_start3A_37 : memref<128xi32, #tpu.memory_space<vmem>>) semaphore(%run_scoped3A_32 : memref<!tpu.dma_semaphore, #tpu.memory_space<semaphore_mem>>) {add = true}
        %dma_wait3A = arith.constant 512 : i32
        %dma_wait3A_41 = arith.constant 0 : i32
        %dma_wait3A_42 = tpu.memref_slice %arg7[%dma_wait3A, %dma_wait3A_41] : memref<1024x8xf32, #tpu.memory_space<vmem>> -> memref<128x8xf32, #tpu.memory_space<vmem>>
        %dma_wait3A_43 = arith.constant 0 : i32
        %dma_wait3A_44 = tpu.memref_slice %arg6[%run_scoped3A_28, %dma_wait3A_43] : memref<8x128xi32, #tpu.memory_space<vmem>> -> memref<1x128xi32, #tpu.memory_space<vmem>>
        %dma_wait3A_45 = tpu.memref_squeeze %dma_wait3A_44 : memref<1x128xi32, #tpu.memory_space<vmem>> -> memref<128xi32, #tpu.memory_space<vmem>>
        %dma_wait3A_46 = arith.constant 0 : i32
        %dma_wait3A_47 = arith.constant 0 : i32
        %dma_wait3A_48 = tpu.memref_slice %arg8[%dma_wait3A_46, %dma_wait3A_47] : memref<50008x8xf32, #tpu.memory_space<vmem_shared>> -> memref<50008x8xf32, #tpu.memory_space<vmem_shared>>
        tpu.wait_indirect_dma semaphore(%run_scoped3A_32 : memref<!tpu.dma_semaphore, #tpu.memory_space<semaphore_mem>>) src(%dma_wait3A_42 : memref<128x8xf32, #tpu.memory_space<vmem>>) dst(%dma_wait3A_48 : memref<50008x8xf32, #tpu.memory_space<vmem_shared>>)
        tpu.yield
      }) : () -> ()
      %run_scoped3A_29 = arith.constant 5 : i32
      "tpu.region"() ({
        %run_scoped3A_32 = tpu.sem_alloc : memref<!tpu.dma_semaphore, #tpu.memory_space<semaphore_mem>>
        %dma_start3A = arith.constant 640 : i32
        %dma_start3A_33 = arith.constant 0 : i32
        %dma_start3A_34 = tpu.memref_slice %arg7[%dma_start3A, %dma_start3A_33] : memref<1024x8xf32, #tpu.memory_space<vmem>> -> memref<128x8xf32, #tpu.memory_space<vmem>>
        %dma_start3A_35 = arith.constant 0 : i32
        %dma_start3A_36 = tpu.memref_slice %arg6[%run_scoped3A_29, %dma_start3A_35] : memref<8x128xi32, #tpu.memory_space<vmem>> -> memref<1x128xi32, #tpu.memory_space<vmem>>
        %dma_start3A_37 = tpu.memref_squeeze %dma_start3A_36 : memref<1x128xi32, #tpu.memory_space<vmem>> -> memref<128xi32, #tpu.memory_space<vmem>>
        %dma_start3A_38 = arith.constant 0 : i32
        %dma_start3A_39 = arith.constant 0 : i32
        %dma_start3A_40 = tpu.memref_slice %arg8[%dma_start3A_38, %dma_start3A_39] : memref<50008x8xf32, #tpu.memory_space<vmem_shared>> -> memref<50008x8xf32, #tpu.memory_space<vmem_shared>>
        tpu.enqueue_indirect_dma source(%dma_start3A_34 : memref<128x8xf32, #tpu.memory_space<vmem>>) target(%dma_start3A_40 : memref<50008x8xf32, #tpu.memory_space<vmem_shared>>) offsets(%dma_start3A_37 : memref<128xi32, #tpu.memory_space<vmem>>) semaphore(%run_scoped3A_32 : memref<!tpu.dma_semaphore, #tpu.memory_space<semaphore_mem>>) {add = true}
        %dma_wait3A = arith.constant 640 : i32
        %dma_wait3A_41 = arith.constant 0 : i32
        %dma_wait3A_42 = tpu.memref_slice %arg7[%dma_wait3A, %dma_wait3A_41] : memref<1024x8xf32, #tpu.memory_space<vmem>> -> memref<128x8xf32, #tpu.memory_space<vmem>>
        %dma_wait3A_43 = arith.constant 0 : i32
        %dma_wait3A_44 = tpu.memref_slice %arg6[%run_scoped3A_29, %dma_wait3A_43] : memref<8x128xi32, #tpu.memory_space<vmem>> -> memref<1x128xi32, #tpu.memory_space<vmem>>
        %dma_wait3A_45 = tpu.memref_squeeze %dma_wait3A_44 : memref<1x128xi32, #tpu.memory_space<vmem>> -> memref<128xi32, #tpu.memory_space<vmem>>
        %dma_wait3A_46 = arith.constant 0 : i32
        %dma_wait3A_47 = arith.constant 0 : i32
        %dma_wait3A_48 = tpu.memref_slice %arg8[%dma_wait3A_46, %dma_wait3A_47] : memref<50008x8xf32, #tpu.memory_space<vmem_shared>> -> memref<50008x8xf32, #tpu.memory_space<vmem_shared>>
        tpu.wait_indirect_dma semaphore(%run_scoped3A_32 : memref<!tpu.dma_semaphore, #tpu.memory_space<semaphore_mem>>) src(%dma_wait3A_42 : memref<128x8xf32, #tpu.memory_space<vmem>>) dst(%dma_wait3A_48 : memref<50008x8xf32, #tpu.memory_space<vmem_shared>>)
        tpu.yield
      }) : () -> ()
      %run_scoped3A_30 = arith.constant 6 : i32
      "tpu.region"() ({
        %run_scoped3A_32 = tpu.sem_alloc : memref<!tpu.dma_semaphore, #tpu.memory_space<semaphore_mem>>
        %dma_start3A = arith.constant 768 : i32
        %dma_start3A_33 = arith.constant 0 : i32
        %dma_start3A_34 = tpu.memref_slice %arg7[%dma_start3A, %dma_start3A_33] : memref<1024x8xf32, #tpu.memory_space<vmem>> -> memref<128x8xf32, #tpu.memory_space<vmem>>
        %dma_start3A_35 = arith.constant 0 : i32
        %dma_start3A_36 = tpu.memref_slice %arg6[%run_scoped3A_30, %dma_start3A_35] : memref<8x128xi32, #tpu.memory_space<vmem>> -> memref<1x128xi32, #tpu.memory_space<vmem>>
        %dma_start3A_37 = tpu.memref_squeeze %dma_start3A_36 : memref<1x128xi32, #tpu.memory_space<vmem>> -> memref<128xi32, #tpu.memory_space<vmem>>
        %dma_start3A_38 = arith.constant 0 : i32
        %dma_start3A_39 = arith.constant 0 : i32
        %dma_start3A_40 = tpu.memref_slice %arg8[%dma_start3A_38, %dma_start3A_39] : memref<50008x8xf32, #tpu.memory_space<vmem_shared>> -> memref<50008x8xf32, #tpu.memory_space<vmem_shared>>
        tpu.enqueue_indirect_dma source(%dma_start3A_34 : memref<128x8xf32, #tpu.memory_space<vmem>>) target(%dma_start3A_40 : memref<50008x8xf32, #tpu.memory_space<vmem_shared>>) offsets(%dma_start3A_37 : memref<128xi32, #tpu.memory_space<vmem>>) semaphore(%run_scoped3A_32 : memref<!tpu.dma_semaphore, #tpu.memory_space<semaphore_mem>>) {add = true}
        %dma_wait3A = arith.constant 768 : i32
        %dma_wait3A_41 = arith.constant 0 : i32
        %dma_wait3A_42 = tpu.memref_slice %arg7[%dma_wait3A, %dma_wait3A_41] : memref<1024x8xf32, #tpu.memory_space<vmem>> -> memref<128x8xf32, #tpu.memory_space<vmem>>
        %dma_wait3A_43 = arith.constant 0 : i32
        %dma_wait3A_44 = tpu.memref_slice %arg6[%run_scoped3A_30, %dma_wait3A_43] : memref<8x128xi32, #tpu.memory_space<vmem>> -> memref<1x128xi32, #tpu.memory_space<vmem>>
        %dma_wait3A_45 = tpu.memref_squeeze %dma_wait3A_44 : memref<1x128xi32, #tpu.memory_space<vmem>> -> memref<128xi32, #tpu.memory_space<vmem>>
        %dma_wait3A_46 = arith.constant 0 : i32
        %dma_wait3A_47 = arith.constant 0 : i32
        %dma_wait3A_48 = tpu.memref_slice %arg8[%dma_wait3A_46, %dma_wait3A_47] : memref<50008x8xf32, #tpu.memory_space<vmem_shared>> -> memref<50008x8xf32, #tpu.memory_space<vmem_shared>>
        tpu.wait_indirect_dma semaphore(%run_scoped3A_32 : memref<!tpu.dma_semaphore, #tpu.memory_space<semaphore_mem>>) src(%dma_wait3A_42 : memref<128x8xf32, #tpu.memory_space<vmem>>) dst(%dma_wait3A_48 : memref<50008x8xf32, #tpu.memory_space<vmem_shared>>)
        tpu.yield
      }) : () -> ()
      %run_scoped3A_31 = arith.constant 7 : i32
      "tpu.region"() ({
        %run_scoped3A_32 = tpu.sem_alloc : memref<!tpu.dma_semaphore, #tpu.memory_space<semaphore_mem>>
        %dma_start3A = arith.constant 896 : i32
        %dma_start3A_33 = arith.constant 0 : i32
        %dma_start3A_34 = tpu.memref_slice %arg7[%dma_start3A, %dma_start3A_33] : memref<1024x8xf32, #tpu.memory_space<vmem>> -> memref<128x8xf32, #tpu.memory_space<vmem>>
        %dma_start3A_35 = arith.constant 0 : i32
        %dma_start3A_36 = tpu.memref_slice %arg6[%run_scoped3A_31, %dma_start3A_35] : memref<8x128xi32, #tpu.memory_space<vmem>> -> memref<1x128xi32, #tpu.memory_space<vmem>>
        %dma_start3A_37 = tpu.memref_squeeze %dma_start3A_36 : memref<1x128xi32, #tpu.memory_space<vmem>> -> memref<128xi32, #tpu.memory_space<vmem>>
        %dma_start3A_38 = arith.constant 0 : i32
        %dma_start3A_39 = arith.constant 0 : i32
        %dma_start3A_40 = tpu.memref_slice %arg8[%dma_start3A_38, %dma_start3A_39] : memref<50008x8xf32, #tpu.memory_space<vmem_shared>> -> memref<50008x8xf32, #tpu.memory_space<vmem_shared>>
        tpu.enqueue_indirect_dma source(%dma_start3A_34 : memref<128x8xf32, #tpu.memory_space<vmem>>) target(%dma_start3A_40 : memref<50008x8xf32, #tpu.memory_space<vmem_shared>>) offsets(%dma_start3A_37 : memref<128xi32, #tpu.memory_space<vmem>>) semaphore(%run_scoped3A_32 : memref<!tpu.dma_semaphore, #tpu.memory_space<semaphore_mem>>) {add = true}
        %dma_wait3A = arith.constant 896 : i32
        %dma_wait3A_41 = arith.constant 0 : i32
        %dma_wait3A_42 = tpu.memref_slice %arg7[%dma_wait3A, %dma_wait3A_41] : memref<1024x8xf32, #tpu.memory_space<vmem>> -> memref<128x8xf32, #tpu.memory_space<vmem>>
        %dma_wait3A_43 = arith.constant 0 : i32
        %dma_wait3A_44 = tpu.memref_slice %arg6[%run_scoped3A_31, %dma_wait3A_43] : memref<8x128xi32, #tpu.memory_space<vmem>> -> memref<1x128xi32, #tpu.memory_space<vmem>>
        %dma_wait3A_45 = tpu.memref_squeeze %dma_wait3A_44 : memref<1x128xi32, #tpu.memory_space<vmem>> -> memref<128xi32, #tpu.memory_space<vmem>>
        %dma_wait3A_46 = arith.constant 0 : i32
        %dma_wait3A_47 = arith.constant 0 : i32
        %dma_wait3A_48 = tpu.memref_slice %arg8[%dma_wait3A_46, %dma_wait3A_47] : memref<50008x8xf32, #tpu.memory_space<vmem_shared>> -> memref<50008x8xf32, #tpu.memory_space<vmem_shared>>
        tpu.wait_indirect_dma semaphore(%run_scoped3A_32 : memref<!tpu.dma_semaphore, #tpu.memory_space<semaphore_mem>>) src(%dma_wait3A_42 : memref<128x8xf32, #tpu.memory_space<vmem>>) dst(%dma_wait3A_48 : memref<50008x8xf32, #tpu.memory_space<vmem_shared>>)
        tpu.yield
      }) : () -> ()
    }
    %scan3A_7 = arith.constant 25 : i32
    %barrier3A_8 = arith.constant 0 : index
    tpu.barrier barrier_id(%barrier3A_8)
    %eq3A_9 = arith.constant 0 : i32
    %eq3A_10 = arith.cmpi eq, %arg1, %eq3A_9 : i32
    %convert_element_type3A_11 = arith.extui %eq3A_10 : i1 to i32
    %cond3A_12 = arith.constant 0 : i32
    %cond3A_13 = arith.cmpi ne, %convert_element_type3A_11, %cond3A_12 : i32
    scf.if %cond3A_13 {
      "tpu.region"() ({
        %run_scoped3A = tpu.sem_alloc : memref<!tpu.dma_semaphore, #tpu.memory_space<semaphore_mem>>
        %dma_start3A = arith.constant 0 : i32
        %dma_start3A_14 = arith.constant 0 : i32
        %dma_start3A_15 = tpu.memref_slice %arg5[%arg0, %dma_start3A, %dma_start3A_14] : memref<2x50008x8xf32, #tpu.memory_space<hbm>> -> memref<1x50008x8xf32, #tpu.memory_space<hbm>>
        %dma_start3A_16 = tpu.memref_squeeze %dma_start3A_15 : memref<1x50008x8xf32, #tpu.memory_space<hbm>> -> memref<50008x8xf32, #tpu.memory_space<hbm>>
        tpu.enqueue_dma source(%arg8 : memref<50008x8xf32, #tpu.memory_space<vmem_shared>>) target(%dma_start3A_16 : memref<50008x8xf32, #tpu.memory_space<hbm>>) target_semaphore(%run_scoped3A : memref<!tpu.dma_semaphore, #tpu.memory_space<semaphore_mem>>)
        %dma_wait3A = arith.constant 0 : i32
        %dma_wait3A_17 = arith.constant 0 : i32
        %dma_wait3A_18 = tpu.memref_slice %arg5[%arg0, %dma_wait3A, %dma_wait3A_17] : memref<2x50008x8xf32, #tpu.memory_space<hbm>> -> memref<1x50008x8xf32, #tpu.memory_space<hbm>>
        %dma_wait3A_19 = tpu.memref_squeeze %dma_wait3A_18 : memref<1x50008x8xf32, #tpu.memory_space<hbm>> -> memref<50008x8xf32, #tpu.memory_space<hbm>>
        tpu.wait_dma2 semaphore(%run_scoped3A : memref<!tpu.dma_semaphore, #tpu.memory_space<semaphore_mem>>) src(%arg8 : memref<50008x8xf32, #tpu.memory_space<vmem_shared>>) dst(%dma_wait3A_19 : memref<50008x8xf32, #tpu.memory_space<hbm>>)
        tpu.yield
      }) : () -> ()
    } else {
    }
    return
  }
}

#map = affine_map<(d0, d1) -> (0, 0)>
#map1 = affine_map<(d0, d1) -> (0, 0, 0)>
module attributes {stable_mosaic.version = 14 : i64} {
  func.func @scatter_kernel(%arg0: i32, %arg1: i32, %arg2: memref<819200x8xf32, #tpu.memory_space<hbm>>, %arg3: memref<6400x128xi32, #tpu.memory_space<hbm>>, %arg4: memref<50008x8xf32, #tpu.memory_space<hbm>>, %arg5: memref<2x50008x8xf32, #tpu.memory_space<hbm>>, %arg6: memref<8x128xi32, #tpu.memory_space<vmem>>, %arg7: memref<1024x8xf32, #tpu.memory_space<vmem>>, %arg8: memref<50008x8xf32, #tpu.memory_space<vmem_shared>>) attributes {dimension_semantics = [#tpu.dimension_semantics<core_parallel>, #tpu.dimension_semantics<subcore_parallel>], iteration_bounds = array<i64: 2, 16>, scalar_prefetch = 0 : i64, scratch_operands = 3 : i64, tpu.core_type = #tpu.core_type<sc_vector_subcore>, window_params = [{transform_indices = #map}, {transform_indices = #map}, {transform_indices = #map}, {transform_indices = #map1}]} {
    %mul3A = arith.constant 2 : i32
    %mul3A_0 = arith.muli %arg1, %mul3A : i32
    %add3A = arith.addi %mul3A_0, %arg0 : i32
    %eq3A = arith.constant 0 : i32
    %eq3A_1 = arith.cmpi eq, %arg1, %eq3A : i32
    %convert_element_type3A = arith.extui %eq3A_1 : i1 to i32
    %cond3A = arith.constant 0 : i32
    %cond3A_2 = arith.cmpi ne, %convert_element_type3A, %cond3A : i32
    scf.if %cond3A_2 {
      "tpu.region"() ({
        %run_scoped3A = tpu.sem_alloc : memref<!tpu.dma_semaphore, #tpu.memory_space<semaphore_mem>>
        tpu.enqueue_dma source(%arg4 : memref<50008x8xf32, #tpu.memory_space<hbm>>) target(%arg8 : memref<50008x8xf32, #tpu.memory_space<vmem_shared>>) target_semaphore(%run_scoped3A : memref<!tpu.dma_semaphore, #tpu.memory_space<semaphore_mem>>)
        tpu.wait_dma2 semaphore(%run_scoped3A : memref<!tpu.dma_semaphore, #tpu.memory_space<semaphore_mem>>) src(%arg4 : memref<50008x8xf32, #tpu.memory_space<hbm>>) dst(%arg8 : memref<50008x8xf32, #tpu.memory_space<vmem_shared>>)
        tpu.yield
      }) : () -> ()
    } else {
    }
    %barrier3A = arith.constant 0 : index
    tpu.barrier barrier_id(%barrier3A)
    %scan3A = arith.constant 0 : i32
    %scan3A_3 = arith.constant 0 : i32
    %scan3A_4 = arith.constant 25 : i32
    %scan3A_5 = arith.addi %scan3A_3, %scan3A_4 : i32
    %scan3A_6 = arith.constant 1 : i32
    scf.for %scan3A_14 = %scan3A_3 to %scan3A_5 step %scan3A_6  : i32 {
      %mul3A_15 = arith.constant 200 : i32
      %mul3A_16 = arith.muli %add3A, %mul3A_15 : i32
      %mul3A_17 = arith.constant 8 : i32
      %mul3A_18 = arith.muli %scan3A_14, %mul3A_17 : i32
      %add3A_19 = arith.addi %mul3A_16, %mul3A_18 : i32
      %mul3A_20 = arith.constant 25600 : i32
      %mul3A_21 = arith.muli %add3A, %mul3A_20 : i32
      %mul3A_22 = arith.constant 1024 : i32
      %mul3A_23 = arith.muli %scan3A_14, %mul3A_22 : i32
      %add3A_24 = arith.addi %mul3A_21, %mul3A_23 : i32
      "tpu.region"() ({
        %run_scoped3A_32 = tpu.sem_alloc : memref<!tpu.dma_semaphore, #tpu.memory_space<semaphore_mem>>
        %dma_start3A = arith.constant 0 : i32
        %dma_start3A_33 = tpu.memref_slice %arg3[%add3A_19, %dma_start3A] : memref<6400x128xi32, #tpu.memory_space<hbm>> -> memref<8x128xi32, #tpu.memory_space<hbm>>
        %dma_start3A_34 = arith.constant 0 : i32
        %dma_start3A_35 = tpu.memref_slice %arg3[%add3A_19, %dma_start3A_34] : memref<6400x128xi32, #tpu.memory_space<hbm>> -> memref<8x128xi32, #tpu.memory_space<hbm>>
        tpu.enqueue_dma source(%dma_start3A_35 : memref<8x128xi32, #tpu.memory_space<hbm>>) target(%arg6 : memref<8x128xi32, #tpu.memory_space<vmem>>) target_semaphore(%run_scoped3A_32 : memref<!tpu.dma_semaphore, #tpu.memory_space<semaphore_mem>>)
        %dma_wait3A = arith.constant 0 : i32
        %dma_wait3A_36 = tpu.memref_slice %arg3[%add3A_19, %dma_wait3A] : memref<6400x128xi32, #tpu.memory_space<hbm>> -> memref<8x128xi32, #tpu.memory_space<hbm>>
        %dma_wait3A_37 = arith.constant 0 : i32
        %dma_wait3A_38 = tpu.memref_slice %arg3[%add3A_19, %dma_wait3A_37] : memref<6400x128xi32, #tpu.memory_space<hbm>> -> memref<8x128xi32, #tpu.memory_space<hbm>>
        tpu.wait_dma2 semaphore(%run_scoped3A_32 : memref<!tpu.dma_semaphore, #tpu.memory_space<semaphore_mem>>) src(%dma_wait3A_38 : memref<8x128xi32, #tpu.memory_space<hbm>>) dst(%arg6 : memref<8x128xi32, #tpu.memory_space<vmem>>)
        tpu.yield
      }) : () -> ()
      "tpu.region"() ({
        %run_scoped3A_32 = tpu.sem_alloc : memref<!tpu.dma_semaphore, #tpu.memory_space<semaphore_mem>>
        %dma_start3A = arith.constant 0 : i32
        %dma_start3A_33 = tpu.memref_slice %arg2[%add3A_24, %dma_start3A] : memref<819200x8xf32, #tpu.memory_space<hbm>> -> memref<1024x8xf32, #tpu.memory_space<hbm>>
        %dma_start3A_34 = arith.constant 0 : i32
        %dma_start3A_35 = tpu.memref_slice %arg2[%add3A_24, %dma_start3A_34] : memref<819200x8xf32, #tpu.memory_space<hbm>> -> memref<1024x8xf32, #tpu.memory_space<hbm>>
        tpu.enqueue_dma source(%dma_start3A_35 : memref<1024x8xf32, #tpu.memory_space<hbm>>) target(%arg7 : memref<1024x8xf32, #tpu.memory_space<vmem>>) target_semaphore(%run_scoped3A_32 : memref<!tpu.dma_semaphore, #tpu.memory_space<semaphore_mem>>)
        %dma_wait3A = arith.constant 0 : i32
        %dma_wait3A_36 = tpu.memref_slice %arg2[%add3A_24, %dma_wait3A] : memref<819200x8xf32, #tpu.memory_space<hbm>> -> memref<1024x8xf32, #tpu.memory_space<hbm>>
        %dma_wait3A_37 = arith.constant 0 : i32
        %dma_wait3A_38 = tpu.memref_slice %arg2[%add3A_24, %dma_wait3A_37] : memref<819200x8xf32, #tpu.memory_space<hbm>> -> memref<1024x8xf32, #tpu.memory_space<hbm>>
        tpu.wait_dma2 semaphore(%run_scoped3A_32 : memref<!tpu.dma_semaphore, #tpu.memory_space<semaphore_mem>>) src(%dma_wait3A_38 : memref<1024x8xf32, #tpu.memory_space<hbm>>) dst(%arg7 : memref<1024x8xf32, #tpu.memory_space<vmem>>)
        tpu.yield
      }) : () -> ()
      %run_scoped3A = arith.constant 0 : i32
      "tpu.region"() ({
        %run_scoped3A_32 = tpu.sem_alloc : memref<!tpu.dma_semaphore, #tpu.memory_space<semaphore_mem>>
        %dma_start3A = arith.constant 0 : i32
        %dma_start3A_33 = arith.constant 0 : i32
        %dma_start3A_34 = tpu.memref_slice %arg7[%dma_start3A, %dma_start3A_33] : memref<1024x8xf32, #tpu.memory_space<vmem>> -> memref<128x8xf32, #tpu.memory_space<vmem>>
        %dma_start3A_35 = arith.constant 0 : i32
        %dma_start3A_36 = tpu.memref_slice %arg6[%run_scoped3A, %dma_start3A_35] : memref<8x128xi32, #tpu.memory_space<vmem>> -> memref<1x128xi32, #tpu.memory_space<vmem>>
        %dma_start3A_37 = tpu.memref_squeeze %dma_start3A_36 : memref<1x128xi32, #tpu.memory_space<vmem>> -> memref<128xi32, #tpu.memory_space<vmem>>
        %dma_start3A_38 = arith.constant 0 : i32
        %dma_start3A_39 = arith.constant 0 : i32
        %dma_start3A_40 = tpu.memref_slice %arg8[%dma_start3A_38, %dma_start3A_39] : memref<50008x8xf32, #tpu.memory_space<vmem_shared>> -> memref<50008x8xf32, #tpu.memory_space<vmem_shared>>
        tpu.enqueue_indirect_dma source(%dma_start3A_34 : memref<128x8xf32, #tpu.memory_space<vmem>>) target(%dma_start3A_40 : memref<50008x8xf32, #tpu.memory_space<vmem_shared>>) offsets(%dma_start3A_37 : memref<128xi32, #tpu.memory_space<vmem>>) semaphore(%run_scoped3A_32 : memref<!tpu.dma_semaphore, #tpu.memory_space<semaphore_mem>>) {add = true}
        %dma_wait3A = arith.constant 0 : i32
        %dma_wait3A_41 = arith.constant 0 : i32
        %dma_wait3A_42 = tpu.memref_slice %arg7[%dma_wait3A, %dma_wait3A_41] : memref<1024x8xf32, #tpu.memory_space<vmem>> -> memref<128x8xf32, #tpu.memory_space<vmem>>
        %dma_wait3A_43 = arith.constant 0 : i32
        %dma_wait3A_44 = tpu.memref_slice %arg6[%run_scoped3A, %dma_wait3A_43] : memref<8x128xi32, #tpu.memory_space<vmem>> -> memref<1x128xi32, #tpu.memory_space<vmem>>
        %dma_wait3A_45 = tpu.memref_squeeze %dma_wait3A_44 : memref<1x128xi32, #tpu.memory_space<vmem>> -> memref<128xi32, #tpu.memory_space<vmem>>
        %dma_wait3A_46 = arith.constant 0 : i32
        %dma_wait3A_47 = arith.constant 0 : i32
        %dma_wait3A_48 = tpu.memref_slice %arg8[%dma_wait3A_46, %dma_wait3A_47] : memref<50008x8xf32, #tpu.memory_space<vmem_shared>> -> memref<50008x8xf32, #tpu.memory_space<vmem_shared>>
        tpu.wait_indirect_dma semaphore(%run_scoped3A_32 : memref<!tpu.dma_semaphore, #tpu.memory_space<semaphore_mem>>) src(%dma_wait3A_42 : memref<128x8xf32, #tpu.memory_space<vmem>>) dst(%dma_wait3A_48 : memref<50008x8xf32, #tpu.memory_space<vmem_shared>>)
        tpu.yield
      }) : () -> ()
      %run_scoped3A_25 = arith.constant 1 : i32
      "tpu.region"() ({
        %run_scoped3A_32 = tpu.sem_alloc : memref<!tpu.dma_semaphore, #tpu.memory_space<semaphore_mem>>
        %dma_start3A = arith.constant 128 : i32
        %dma_start3A_33 = arith.constant 0 : i32
        %dma_start3A_34 = tpu.memref_slice %arg7[%dma_start3A, %dma_start3A_33] : memref<1024x8xf32, #tpu.memory_space<vmem>> -> memref<128x8xf32, #tpu.memory_space<vmem>>
        %dma_start3A_35 = arith.constant 0 : i32
        %dma_start3A_36 = tpu.memref_slice %arg6[%run_scoped3A_25, %dma_start3A_35] : memref<8x128xi32, #tpu.memory_space<vmem>> -> memref<1x128xi32, #tpu.memory_space<vmem>>
        %dma_start3A_37 = tpu.memref_squeeze %dma_start3A_36 : memref<1x128xi32, #tpu.memory_space<vmem>> -> memref<128xi32, #tpu.memory_space<vmem>>
        %dma_start3A_38 = arith.constant 0 : i32
        %dma_start3A_39 = arith.constant 0 : i32
        %dma_start3A_40 = tpu.memref_slice %arg8[%dma_start3A_38, %dma_start3A_39] : memref<50008x8xf32, #tpu.memory_space<vmem_shared>> -> memref<50008x8xf32, #tpu.memory_space<vmem_shared>>
        tpu.enqueue_indirect_dma source(%dma_start3A_34 : memref<128x8xf32, #tpu.memory_space<vmem>>) target(%dma_start3A_40 : memref<50008x8xf32, #tpu.memory_space<vmem_shared>>) offsets(%dma_start3A_37 : memref<128xi32, #tpu.memory_space<vmem>>) semaphore(%run_scoped3A_32 : memref<!tpu.dma_semaphore, #tpu.memory_space<semaphore_mem>>) {add = true}
        %dma_wait3A = arith.constant 128 : i32
        %dma_wait3A_41 = arith.constant 0 : i32
        %dma_wait3A_42 = tpu.memref_slice %arg7[%dma_wait3A, %dma_wait3A_41] : memref<1024x8xf32, #tpu.memory_space<vmem>> -> memref<128x8xf32, #tpu.memory_space<vmem>>
        %dma_wait3A_43 = arith.constant 0 : i32
        %dma_wait3A_44 = tpu.memref_slice %arg6[%run_scoped3A_25, %dma_wait3A_43] : memref<8x128xi32, #tpu.memory_space<vmem>> -> memref<1x128xi32, #tpu.memory_space<vmem>>
        %dma_wait3A_45 = tpu.memref_squeeze %dma_wait3A_44 : memref<1x128xi32, #tpu.memory_space<vmem>> -> memref<128xi32, #tpu.memory_space<vmem>>
        %dma_wait3A_46 = arith.constant 0 : i32
        %dma_wait3A_47 = arith.constant 0 : i32
        %dma_wait3A_48 = tpu.memref_slice %arg8[%dma_wait3A_46, %dma_wait3A_47] : memref<50008x8xf32, #tpu.memory_space<vmem_shared>> -> memref<50008x8xf32, #tpu.memory_space<vmem_shared>>
        tpu.wait_indirect_dma semaphore(%run_scoped3A_32 : memref<!tpu.dma_semaphore, #tpu.memory_space<semaphore_mem>>) src(%dma_wait3A_42 : memref<128x8xf32, #tpu.memory_space<vmem>>) dst(%dma_wait3A_48 : memref<50008x8xf32, #tpu.memory_space<vmem_shared>>)
        tpu.yield
      }) : () -> ()
      %run_scoped3A_26 = arith.constant 2 : i32
      "tpu.region"() ({
        %run_scoped3A_32 = tpu.sem_alloc : memref<!tpu.dma_semaphore, #tpu.memory_space<semaphore_mem>>
        %dma_start3A = arith.constant 256 : i32
        %dma_start3A_33 = arith.constant 0 : i32
        %dma_start3A_34 = tpu.memref_slice %arg7[%dma_start3A, %dma_start3A_33] : memref<1024x8xf32, #tpu.memory_space<vmem>> -> memref<128x8xf32, #tpu.memory_space<vmem>>
        %dma_start3A_35 = arith.constant 0 : i32
        %dma_start3A_36 = tpu.memref_slice %arg6[%run_scoped3A_26, %dma_start3A_35] : memref<8x128xi32, #tpu.memory_space<vmem>> -> memref<1x128xi32, #tpu.memory_space<vmem>>
        %dma_start3A_37 = tpu.memref_squeeze %dma_start3A_36 : memref<1x128xi32, #tpu.memory_space<vmem>> -> memref<128xi32, #tpu.memory_space<vmem>>
        %dma_start3A_38 = arith.constant 0 : i32
        %dma_start3A_39 = arith.constant 0 : i32
        %dma_start3A_40 = tpu.memref_slice %arg8[%dma_start3A_38, %dma_start3A_39] : memref<50008x8xf32, #tpu.memory_space<vmem_shared>> -> memref<50008x8xf32, #tpu.memory_space<vmem_shared>>
        tpu.enqueue_indirect_dma source(%dma_start3A_34 : memref<128x8xf32, #tpu.memory_space<vmem>>) target(%dma_start3A_40 : memref<50008x8xf32, #tpu.memory_space<vmem_shared>>) offsets(%dma_start3A_37 : memref<128xi32, #tpu.memory_space<vmem>>) semaphore(%run_scoped3A_32 : memref<!tpu.dma_semaphore, #tpu.memory_space<semaphore_mem>>) {add = true}
        %dma_wait3A = arith.constant 256 : i32
        %dma_wait3A_41 = arith.constant 0 : i32
        %dma_wait3A_42 = tpu.memref_slice %arg7[%dma_wait3A, %dma_wait3A_41] : memref<1024x8xf32, #tpu.memory_space<vmem>> -> memref<128x8xf32, #tpu.memory_space<vmem>>
        %dma_wait3A_43 = arith.constant 0 : i32
        %dma_wait3A_44 = tpu.memref_slice %arg6[%run_scoped3A_26, %dma_wait3A_43] : memref<8x128xi32, #tpu.memory_space<vmem>> -> memref<1x128xi32, #tpu.memory_space<vmem>>
        %dma_wait3A_45 = tpu.memref_squeeze %dma_wait3A_44 : memref<1x128xi32, #tpu.memory_space<vmem>> -> memref<128xi32, #tpu.memory_space<vmem>>
        %dma_wait3A_46 = arith.constant 0 : i32
        %dma_wait3A_47 = arith.constant 0 : i32
        %dma_wait3A_48 = tpu.memref_slice %arg8[%dma_wait3A_46, %dma_wait3A_47] : memref<50008x8xf32, #tpu.memory_space<vmem_shared>> -> memref<50008x8xf32, #tpu.memory_space<vmem_shared>>
        tpu.wait_indirect_dma semaphore(%run_scoped3A_32 : memref<!tpu.dma_semaphore, #tpu.memory_space<semaphore_mem>>) src(%dma_wait3A_42 : memref<128x8xf32, #tpu.memory_space<vmem>>) dst(%dma_wait3A_48 : memref<50008x8xf32, #tpu.memory_space<vmem_shared>>)
        tpu.yield
      }) : () -> ()
      %run_scoped3A_27 = arith.constant 3 : i32
      "tpu.region"() ({
        %run_scoped3A_32 = tpu.sem_alloc : memref<!tpu.dma_semaphore, #tpu.memory_space<semaphore_mem>>
        %dma_start3A = arith.constant 384 : i32
        %dma_start3A_33 = arith.constant 0 : i32
        %dma_start3A_34 = tpu.memref_slice %arg7[%dma_start3A, %dma_start3A_33] : memref<1024x8xf32, #tpu.memory_space<vmem>> -> memref<128x8xf32, #tpu.memory_space<vmem>>
        %dma_start3A_35 = arith.constant 0 : i32
        %dma_start3A_36 = tpu.memref_slice %arg6[%run_scoped3A_27, %dma_start3A_35] : memref<8x128xi32, #tpu.memory_space<vmem>> -> memref<1x128xi32, #tpu.memory_space<vmem>>
        %dma_start3A_37 = tpu.memref_squeeze %dma_start3A_36 : memref<1x128xi32, #tpu.memory_space<vmem>> -> memref<128xi32, #tpu.memory_space<vmem>>
        %dma_start3A_38 = arith.constant 0 : i32
        %dma_start3A_39 = arith.constant 0 : i32
        %dma_start3A_40 = tpu.memref_slice %arg8[%dma_start3A_38, %dma_start3A_39] : memref<50008x8xf32, #tpu.memory_space<vmem_shared>> -> memref<50008x8xf32, #tpu.memory_space<vmem_shared>>
        tpu.enqueue_indirect_dma source(%dma_start3A_34 : memref<128x8xf32, #tpu.memory_space<vmem>>) target(%dma_start3A_40 : memref<50008x8xf32, #tpu.memory_space<vmem_shared>>) offsets(%dma_start3A_37 : memref<128xi32, #tpu.memory_space<vmem>>) semaphore(%run_scoped3A_32 : memref<!tpu.dma_semaphore, #tpu.memory_space<semaphore_mem>>) {add = true}
        %dma_wait3A = arith.constant 384 : i32
        %dma_wait3A_41 = arith.constant 0 : i32
        %dma_wait3A_42 = tpu.memref_slice %arg7[%dma_wait3A, %dma_wait3A_41] : memref<1024x8xf32, #tpu.memory_space<vmem>> -> memref<128x8xf32, #tpu.memory_space<vmem>>
        %dma_wait3A_43 = arith.constant 0 : i32
        %dma_wait3A_44 = tpu.memref_slice %arg6[%run_scoped3A_27, %dma_wait3A_43] : memref<8x128xi32, #tpu.memory_space<vmem>> -> memref<1x128xi32, #tpu.memory_space<vmem>>
        %dma_wait3A_45 = tpu.memref_squeeze %dma_wait3A_44 : memref<1x128xi32, #tpu.memory_space<vmem>> -> memref<128xi32, #tpu.memory_space<vmem>>
        %dma_wait3A_46 = arith.constant 0 : i32
        %dma_wait3A_47 = arith.constant 0 : i32
        %dma_wait3A_48 = tpu.memref_slice %arg8[%dma_wait3A_46, %dma_wait3A_47] : memref<50008x8xf32, #tpu.memory_space<vmem_shared>> -> memref<50008x8xf32, #tpu.memory_space<vmem_shared>>
        tpu.wait_indirect_dma semaphore(%run_scoped3A_32 : memref<!tpu.dma_semaphore, #tpu.memory_space<semaphore_mem>>) src(%dma_wait3A_42 : memref<128x8xf32, #tpu.memory_space<vmem>>) dst(%dma_wait3A_48 : memref<50008x8xf32, #tpu.memory_space<vmem_shared>>)
        tpu.yield
      }) : () -> ()
      %run_scoped3A_28 = arith.constant 4 : i32
      "tpu.region"() ({
        %run_scoped3A_32 = tpu.sem_alloc : memref<!tpu.dma_semaphore, #tpu.memory_space<semaphore_mem>>
        %dma_start3A = arith.constant 512 : i32
        %dma_start3A_33 = arith.constant 0 : i32
        %dma_start3A_34 = tpu.memref_slice %arg7[%dma_start3A, %dma_start3A_33] : memref<1024x8xf32, #tpu.memory_space<vmem>> -> memref<128x8xf32, #tpu.memory_space<vmem>>
        %dma_start3A_35 = arith.constant 0 : i32
        %dma_start3A_36 = tpu.memref_slice %arg6[%run_scoped3A_28, %dma_start3A_35] : memref<8x128xi32, #tpu.memory_space<vmem>> -> memref<1x128xi32, #tpu.memory_space<vmem>>
        %dma_start3A_37 = tpu.memref_squeeze %dma_start3A_36 : memref<1x128xi32, #tpu.memory_space<vmem>> -> memref<128xi32, #tpu.memory_space<vmem>>
        %dma_start3A_38 = arith.constant 0 : i32
        %dma_start3A_39 = arith.constant 0 : i32
        %dma_start3A_40 = tpu.memref_slice %arg8[%dma_start3A_38, %dma_start3A_39] : memref<50008x8xf32, #tpu.memory_space<vmem_shared>> -> memref<50008x8xf32, #tpu.memory_space<vmem_shared>>
        tpu.enqueue_indirect_dma source(%dma_start3A_34 : memref<128x8xf32, #tpu.memory_space<vmem>>) target(%dma_start3A_40 : memref<50008x8xf32, #tpu.memory_space<vmem_shared>>) offsets(%dma_start3A_37 : memref<128xi32, #tpu.memory_space<vmem>>) semaphore(%run_scoped3A_32 : memref<!tpu.dma_semaphore, #tpu.memory_space<semaphore_mem>>) {add = true}
        %dma_wait3A = arith.constant 512 : i32
        %dma_wait3A_41 = arith.constant 0 : i32
        %dma_wait3A_42 = tpu.memref_slice %arg7[%dma_wait3A, %dma_wait3A_41] : memref<1024x8xf32, #tpu.memory_space<vmem>> -> memref<128x8xf32, #tpu.memory_space<vmem>>
        %dma_wait3A_43 = arith.constant 0 : i32
        %dma_wait3A_44 = tpu.memref_slice %arg6[%run_scoped3A_28, %dma_wait3A_43] : memref<8x128xi32, #tpu.memory_space<vmem>> -> memref<1x128xi32, #tpu.memory_space<vmem>>
        %dma_wait3A_45 = tpu.memref_squeeze %dma_wait3A_44 : memref<1x128xi32, #tpu.memory_space<vmem>> -> memref<128xi32, #tpu.memory_space<vmem>>
        %dma_wait3A_46 = arith.constant 0 : i32
        %dma_wait3A_47 = arith.constant 0 : i32
        %dma_wait3A_48 = tpu.memref_slice %arg8[%dma_wait3A_46, %dma_wait3A_47] : memref<50008x8xf32, #tpu.memory_space<vmem_shared>> -> memref<50008x8xf32, #tpu.memory_space<vmem_shared>>
        tpu.wait_indirect_dma semaphore(%run_scoped3A_32 : memref<!tpu.dma_semaphore, #tpu.memory_space<semaphore_mem>>) src(%dma_wait3A_42 : memref<128x8xf32, #tpu.memory_space<vmem>>) dst(%dma_wait3A_48 : memref<50008x8xf32, #tpu.memory_space<vmem_shared>>)
        tpu.yield
      }) : () -> ()
      %run_scoped3A_29 = arith.constant 5 : i32
      "tpu.region"() ({
        %run_scoped3A_32 = tpu.sem_alloc : memref<!tpu.dma_semaphore, #tpu.memory_space<semaphore_mem>>
        %dma_start3A = arith.constant 640 : i32
        %dma_start3A_33 = arith.constant 0 : i32
        %dma_start3A_34 = tpu.memref_slice %arg7[%dma_start3A, %dma_start3A_33] : memref<1024x8xf32, #tpu.memory_space<vmem>> -> memref<128x8xf32, #tpu.memory_space<vmem>>
        %dma_start3A_35 = arith.constant 0 : i32
        %dma_start3A_36 = tpu.memref_slice %arg6[%run_scoped3A_29, %dma_start3A_35] : memref<8x128xi32, #tpu.memory_space<vmem>> -> memref<1x128xi32, #tpu.memory_space<vmem>>
        %dma_start3A_37 = tpu.memref_squeeze %dma_start3A_36 : memref<1x128xi32, #tpu.memory_space<vmem>> -> memref<128xi32, #tpu.memory_space<vmem>>
        %dma_start3A_38 = arith.constant 0 : i32
        %dma_start3A_39 = arith.constant 0 : i32
        %dma_start3A_40 = tpu.memref_slice %arg8[%dma_start3A_38, %dma_start3A_39] : memref<50008x8xf32, #tpu.memory_space<vmem_shared>> -> memref<50008x8xf32, #tpu.memory_space<vmem_shared>>
        tpu.enqueue_indirect_dma source(%dma_start3A_34 : memref<128x8xf32, #tpu.memory_space<vmem>>) target(%dma_start3A_40 : memref<50008x8xf32, #tpu.memory_space<vmem_shared>>) offsets(%dma_start3A_37 : memref<128xi32, #tpu.memory_space<vmem>>) semaphore(%run_scoped3A_32 : memref<!tpu.dma_semaphore, #tpu.memory_space<semaphore_mem>>) {add = true}
        %dma_wait3A = arith.constant 640 : i32
        %dma_wait3A_41 = arith.constant 0 : i32
        %dma_wait3A_42 = tpu.memref_slice %arg7[%dma_wait3A, %dma_wait3A_41] : memref<1024x8xf32, #tpu.memory_space<vmem>> -> memref<128x8xf32, #tpu.memory_space<vmem>>
        %dma_wait3A_43 = arith.constant 0 : i32
        %dma_wait3A_44 = tpu.memref_slice %arg6[%run_scoped3A_29, %dma_wait3A_43] : memref<8x128xi32, #tpu.memory_space<vmem>> -> memref<1x128xi32, #tpu.memory_space<vmem>>
        %dma_wait3A_45 = tpu.memref_squeeze %dma_wait3A_44 : memref<1x128xi32, #tpu.memory_space<vmem>> -> memref<128xi32, #tpu.memory_space<vmem>>
        %dma_wait3A_46 = arith.constant 0 : i32
        %dma_wait3A_47 = arith.constant 0 : i32
        %dma_wait3A_48 = tpu.memref_slice %arg8[%dma_wait3A_46, %dma_wait3A_47] : memref<50008x8xf32, #tpu.memory_space<vmem_shared>> -> memref<50008x8xf32, #tpu.memory_space<vmem_shared>>
        tpu.wait_indirect_dma semaphore(%run_scoped3A_32 : memref<!tpu.dma_semaphore, #tpu.memory_space<semaphore_mem>>) src(%dma_wait3A_42 : memref<128x8xf32, #tpu.memory_space<vmem>>) dst(%dma_wait3A_48 : memref<50008x8xf32, #tpu.memory_space<vmem_shared>>)
        tpu.yield
      }) : () -> ()
      %run_scoped3A_30 = arith.constant 6 : i32
      "tpu.region"() ({
        %run_scoped3A_32 = tpu.sem_alloc : memref<!tpu.dma_semaphore, #tpu.memory_space<semaphore_mem>>
        %dma_start3A = arith.constant 768 : i32
        %dma_start3A_33 = arith.constant 0 : i32
        %dma_start3A_34 = tpu.memref_slice %arg7[%dma_start3A, %dma_start3A_33] : memref<1024x8xf32, #tpu.memory_space<vmem>> -> memref<128x8xf32, #tpu.memory_space<vmem>>
        %dma_start3A_35 = arith.constant 0 : i32
        %dma_start3A_36 = tpu.memref_slice %arg6[%run_scoped3A_30, %dma_start3A_35] : memref<8x128xi32, #tpu.memory_space<vmem>> -> memref<1x128xi32, #tpu.memory_space<vmem>>
        %dma_start3A_37 = tpu.memref_squeeze %dma_start3A_36 : memref<1x128xi32, #tpu.memory_space<vmem>> -> memref<128xi32, #tpu.memory_space<vmem>>
        %dma_start3A_38 = arith.constant 0 : i32
        %dma_start3A_39 = arith.constant 0 : i32
        %dma_start3A_40 = tpu.memref_slice %arg8[%dma_start3A_38, %dma_start3A_39] : memref<50008x8xf32, #tpu.memory_space<vmem_shared>> -> memref<50008x8xf32, #tpu.memory_space<vmem_shared>>
        tpu.enqueue_indirect_dma source(%dma_start3A_34 : memref<128x8xf32, #tpu.memory_space<vmem>>) target(%dma_start3A_40 : memref<50008x8xf32, #tpu.memory_space<vmem_shared>>) offsets(%dma_start3A_37 : memref<128xi32, #tpu.memory_space<vmem>>) semaphore(%run_scoped3A_32 : memref<!tpu.dma_semaphore, #tpu.memory_space<semaphore_mem>>) {add = true}
        %dma_wait3A = arith.constant 768 : i32
        %dma_wait3A_41 = arith.constant 0 : i32
        %dma_wait3A_42 = tpu.memref_slice %arg7[%dma_wait3A, %dma_wait3A_41] : memref<1024x8xf32, #tpu.memory_space<vmem>> -> memref<128x8xf32, #tpu.memory_space<vmem>>
        %dma_wait3A_43 = arith.constant 0 : i32
        %dma_wait3A_44 = tpu.memref_slice %arg6[%run_scoped3A_30, %dma_wait3A_43] : memref<8x128xi32, #tpu.memory_space<vmem>> -> memref<1x128xi32, #tpu.memory_space<vmem>>
        %dma_wait3A_45 = tpu.memref_squeeze %dma_wait3A_44 : memref<1x128xi32, #tpu.memory_space<vmem>> -> memref<128xi32, #tpu.memory_space<vmem>>
        %dma_wait3A_46 = arith.constant 0 : i32
        %dma_wait3A_47 = arith.constant 0 : i32
        %dma_wait3A_48 = tpu.memref_slice %arg8[%dma_wait3A_46, %dma_wait3A_47] : memref<50008x8xf32, #tpu.memory_space<vmem_shared>> -> memref<50008x8xf32, #tpu.memory_space<vmem_shared>>
        tpu.wait_indirect_dma semaphore(%run_scoped3A_32 : memref<!tpu.dma_semaphore, #tpu.memory_space<semaphore_mem>>) src(%dma_wait3A_42 : memref<128x8xf32, #tpu.memory_space<vmem>>) dst(%dma_wait3A_48 : memref<50008x8xf32, #tpu.memory_space<vmem_shared>>)
        tpu.yield
      }) : () -> ()
      %run_scoped3A_31 = arith.constant 7 : i32
      "tpu.region"() ({
        %run_scoped3A_32 = tpu.sem_alloc : memref<!tpu.dma_semaphore, #tpu.memory_space<semaphore_mem>>
        %dma_start3A = arith.constant 896 : i32
        %dma_start3A_33 = arith.constant 0 : i32
        %dma_start3A_34 = tpu.memref_slice %arg7[%dma_start3A, %dma_start3A_33] : memref<1024x8xf32, #tpu.memory_space<vmem>> -> memref<128x8xf32, #tpu.memory_space<vmem>>
        %dma_start3A_35 = arith.constant 0 : i32
        %dma_start3A_36 = tpu.memref_slice %arg6[%run_scoped3A_31, %dma_start3A_35] : memref<8x128xi32, #tpu.memory_space<vmem>> -> memref<1x128xi32, #tpu.memory_space<vmem>>
        %dma_start3A_37 = tpu.memref_squeeze %dma_start3A_36 : memref<1x128xi32, #tpu.memory_space<vmem>> -> memref<128xi32, #tpu.memory_space<vmem>>
        %dma_start3A_38 = arith.constant 0 : i32
        %dma_start3A_39 = arith.constant 0 : i32
        %dma_start3A_40 = tpu.memref_slice %arg8[%dma_start3A_38, %dma_start3A_39] : memref<50008x8xf32, #tpu.memory_space<vmem_shared>> -> memref<50008x8xf32, #tpu.memory_space<vmem_shared>>
        tpu.enqueue_indirect_dma source(%dma_start3A_34 : memref<128x8xf32, #tpu.memory_space<vmem>>) target(%dma_start3A_40 : memref<50008x8xf32, #tpu.memory_space<vmem_shared>>) offsets(%dma_start3A_37 : memref<128xi32, #tpu.memory_space<vmem>>) semaphore(%run_scoped3A_32 : memref<!tpu.dma_semaphore, #tpu.memory_space<semaphore_mem>>) {add = true}
        %dma_wait3A = arith.constant 896 : i32
        %dma_wait3A_41 = arith.constant 0 : i32
        %dma_wait3A_42 = tpu.memref_slice %arg7[%dma_wait3A, %dma_wait3A_41] : memref<1024x8xf32, #tpu.memory_space<vmem>> -> memref<128x8xf32, #tpu.memory_space<vmem>>
        %dma_wait3A_43 = arith.constant 0 : i32
        %dma_wait3A_44 = tpu.memref_slice %arg6[%run_scoped3A_31, %dma_wait3A_43] : memref<8x128xi32, #tpu.memory_space<vmem>> -> memref<1x128xi32, #tpu.memory_space<vmem>>
        %dma_wait3A_45 = tpu.memref_squeeze %dma_wait3A_44 : memref<1x128xi32, #tpu.memory_space<vmem>> -> memref<128xi32, #tpu.memory_space<vmem>>
        %dma_wait3A_46 = arith.constant 0 : i32
        %dma_wait3A_47 = arith.constant 0 : i32
        %dma_wait3A_48 = tpu.memref_slice %arg8[%dma_wait3A_46, %dma_wait3A_47] : memref<50008x8xf32, #tpu.memory_space<vmem_shared>> -> memref<50008x8xf32, #tpu.memory_space<vmem_shared>>
        tpu.wait_indirect_dma semaphore(%run_scoped3A_32 : memref<!tpu.dma_semaphore, #tpu.memory_space<semaphore_mem>>) src(%dma_wait3A_42 : memref<128x8xf32, #tpu.memory_space<vmem>>) dst(%dma_wait3A_48 : memref<50008x8xf32, #tpu.memory_space<vmem_shared>>)
        tpu.yield
      }) : () -> ()
    }
    %scan3A_7 = arith.constant 25 : i32
    %barrier3A_8 = arith.constant 0 : index
    tpu.barrier barrier_id(%barrier3A_8)
    %eq3A_9 = arith.constant 0 : i32
    %eq3A_10 = arith.cmpi eq, %arg1, %eq3A_9 : i32
    %convert_element_type3A_11 = arith.extui %eq3A_10 : i1 to i32
    %cond3A_12 = arith.constant 0 : i32
    %cond3A_13 = arith.cmpi ne, %convert_element_type3A_11, %cond3A_12 : i32
    scf.if %cond3A_13 {
      "tpu.region"() ({
        %run_scoped3A = tpu.sem_alloc : memref<!tpu.dma_semaphore, #tpu.memory_space<semaphore_mem>>
        %dma_start3A = arith.constant 0 : i32
        %dma_start3A_14 = arith.constant 0 : i32
        %dma_start3A_15 = tpu.memref_slice %arg5[%arg0, %dma_start3A, %dma_start3A_14] : memref<2x50008x8xf32, #tpu.memory_space<hbm>> -> memref<1x50008x8xf32, #tpu.memory_space<hbm>>
        %dma_start3A_16 = tpu.memref_squeeze %dma_start3A_15 : memref<1x50008x8xf32, #tpu.memory_space<hbm>> -> memref<50008x8xf32, #tpu.memory_space<hbm>>
        tpu.enqueue_dma source(%arg8 : memref<50008x8xf32, #tpu.memory_space<vmem_shared>>) target(%dma_start3A_16 : memref<50008x8xf32, #tpu.memory_space<hbm>>) target_semaphore(%run_scoped3A : memref<!tpu.dma_semaphore, #tpu.memory_space<semaphore_mem>>)
        %dma_wait3A = arith.constant 0 : i32
        %dma_wait3A_17 = arith.constant 0 : i32
        %dma_wait3A_18 = tpu.memref_slice %arg5[%arg0, %dma_wait3A, %dma_wait3A_17] : memref<2x50008x8xf32, #tpu.memory_space<hbm>> -> memref<1x50008x8xf32, #tpu.memory_space<hbm>>
        %dma_wait3A_19 = tpu.memref_squeeze %dma_wait3A_18 : memref<1x50008x8xf32, #tpu.memory_space<hbm>> -> memref<50008x8xf32, #tpu.memory_space<hbm>>
        tpu.wait_dma2 semaphore(%run_scoped3A : memref<!tpu.dma_semaphore, #tpu.memory_space<semaphore_mem>>) src(%arg8 : memref<50008x8xf32, #tpu.memory_space<vmem_shared>>) dst(%dma_wait3A_19 : memref<50008x8xf32, #tpu.memory_space<hbm>>)
        tpu.yield
      }) : () -> ()
    } else {
    }
    return
  }
}

#map = affine_map<(d0, d1) -> (0, 0)>
module attributes {stable_mosaic.version = 14 : i64} {
  func.func @gather_kernel(%arg0: i32, %arg1: i32, %arg2: memref<50008x16xf32, #tpu.memory_space<hbm>>, %arg3: memref<6400x128xi32, #tpu.memory_space<hbm>>, %arg4: memref<6400x128xi32, #tpu.memory_space<hbm>>, %arg5: memref<819200x16xf32, #tpu.memory_space<hbm>>, %arg6: memref<819200x16xf32, #tpu.memory_space<hbm>>, %arg7: memref<200x128xi32, #tpu.memory_space<vmem>>, %arg8: memref<200x128xi32, #tpu.memory_space<vmem>>, %arg9: memref<512x16xf32, #tpu.memory_space<vmem>>, %arg10: memref<512x16xf32, #tpu.memory_space<vmem>>, %arg11: memref<512x16xf32, #tpu.memory_space<vmem>>, %arg12: memref<512x16xf32, #tpu.memory_space<vmem>>, %arg13: memref<!tpu.dma_semaphore, #tpu.memory_space<semaphore_mem>>, %arg14: memref<!tpu.dma_semaphore, #tpu.memory_space<semaphore_mem>>, %arg15: memref<!tpu.dma_semaphore, #tpu.memory_space<semaphore_mem>>, %arg16: memref<!tpu.dma_semaphore, #tpu.memory_space<semaphore_mem>>) attributes {dimension_semantics = [#tpu.dimension_semantics<core_parallel>, #tpu.dimension_semantics<subcore_parallel>], iteration_bounds = array<i64: 2, 16>, scalar_prefetch = 0 : i64, scratch_operands = 10 : i64, tpu.core_type = #tpu.core_type<sc_vector_subcore>, window_params = [{transform_indices = #map}, {transform_indices = #map}, {transform_indices = #map}, {transform_indices = #map}, {transform_indices = #map}]} {
    %mul3A = arith.constant 2 : i32
    %mul3A_0 = arith.muli %arg1, %mul3A : i32
    %add3A = arith.addi %mul3A_0, %arg0 : i32
    %mul3A_1 = arith.constant 200 : i32
    %mul3A_2 = arith.muli %add3A, %mul3A_1 : i32
    %mul3A_3 = arith.constant 25600 : i32
    %mul3A_4 = arith.muli %add3A, %mul3A_3 : i32
    "tpu.region"() ({
      %run_scoped3A = tpu.sem_alloc : memref<!tpu.dma_semaphore, #tpu.memory_space<semaphore_mem>>
      %dma_start3A_118 = arith.constant 0 : i32
      %dma_start3A_119 = tpu.memref_slice %arg3[%mul3A_2, %dma_start3A_118] : memref<6400x128xi32, #tpu.memory_space<hbm>> -> memref<200x128xi32, #tpu.memory_space<hbm>>
      %dma_start3A_120 = arith.constant 0 : i32
      %dma_start3A_121 = tpu.memref_slice %arg3[%mul3A_2, %dma_start3A_120] : memref<6400x128xi32, #tpu.memory_space<hbm>> -> memref<200x128xi32, #tpu.memory_space<hbm>>
      tpu.enqueue_dma source(%dma_start3A_121 : memref<200x128xi32, #tpu.memory_space<hbm>>) target(%arg7 : memref<200x128xi32, #tpu.memory_space<vmem>>) target_semaphore(%run_scoped3A : memref<!tpu.dma_semaphore, #tpu.memory_space<semaphore_mem>>)
      %dma_wait3A_122 = arith.constant 0 : i32
      %dma_wait3A_123 = tpu.memref_slice %arg3[%mul3A_2, %dma_wait3A_122] : memref<6400x128xi32, #tpu.memory_space<hbm>> -> memref<200x128xi32, #tpu.memory_space<hbm>>
      %dma_wait3A_124 = arith.constant 0 : i32
      %dma_wait3A_125 = tpu.memref_slice %arg3[%mul3A_2, %dma_wait3A_124] : memref<6400x128xi32, #tpu.memory_space<hbm>> -> memref<200x128xi32, #tpu.memory_space<hbm>>
      tpu.wait_dma2 semaphore(%run_scoped3A : memref<!tpu.dma_semaphore, #tpu.memory_space<semaphore_mem>>) src(%dma_wait3A_125 : memref<200x128xi32, #tpu.memory_space<hbm>>) dst(%arg7 : memref<200x128xi32, #tpu.memory_space<vmem>>)
      tpu.yield
    }) : () -> ()
    "tpu.region"() ({
      %run_scoped3A = tpu.sem_alloc : memref<!tpu.dma_semaphore, #tpu.memory_space<semaphore_mem>>
      %dma_start3A_118 = arith.constant 0 : i32
      %dma_start3A_119 = tpu.memref_slice %arg4[%mul3A_2, %dma_start3A_118] : memref<6400x128xi32, #tpu.memory_space<hbm>> -> memref<200x128xi32, #tpu.memory_space<hbm>>
      %dma_start3A_120 = arith.constant 0 : i32
      %dma_start3A_121 = tpu.memref_slice %arg4[%mul3A_2, %dma_start3A_120] : memref<6400x128xi32, #tpu.memory_space<hbm>> -> memref<200x128xi32, #tpu.memory_space<hbm>>
      tpu.enqueue_dma source(%dma_start3A_121 : memref<200x128xi32, #tpu.memory_space<hbm>>) target(%arg8 : memref<200x128xi32, #tpu.memory_space<vmem>>) target_semaphore(%run_scoped3A : memref<!tpu.dma_semaphore, #tpu.memory_space<semaphore_mem>>)
      %dma_wait3A_122 = arith.constant 0 : i32
      %dma_wait3A_123 = tpu.memref_slice %arg4[%mul3A_2, %dma_wait3A_122] : memref<6400x128xi32, #tpu.memory_space<hbm>> -> memref<200x128xi32, #tpu.memory_space<hbm>>
      %dma_wait3A_124 = arith.constant 0 : i32
      %dma_wait3A_125 = tpu.memref_slice %arg4[%mul3A_2, %dma_wait3A_124] : memref<6400x128xi32, #tpu.memory_space<hbm>> -> memref<200x128xi32, #tpu.memory_space<hbm>>
      tpu.wait_dma2 semaphore(%run_scoped3A : memref<!tpu.dma_semaphore, #tpu.memory_space<semaphore_mem>>) src(%dma_wait3A_125 : memref<200x128xi32, #tpu.memory_space<hbm>>) dst(%arg8 : memref<200x128xi32, #tpu.memory_space<vmem>>)
      tpu.yield
    }) : () -> ()
    %scan3A = arith.constant 0 : i32
    %scan3A_5 = arith.constant 0 : i32
    %scan3A_6 = arith.constant 25 : i32
    %scan3A_7 = arith.addi %scan3A_5, %scan3A_6 : i32
    %scan3A_8 = arith.constant 1 : i32
    scf.for %scan3A_118 = %scan3A_5 to %scan3A_7 step %scan3A_8  : i32 {
      %mul3A_119 = arith.constant 2 : i32
      %mul3A_120 = arith.muli %mul3A_119, %scan3A_118 : i32
      %add3A_121 = arith.constant 0 : i32
      %add3A_122 = arith.addi %mul3A_120, %add3A_121 : i32
      %gt3A = arith.constant 0 : i32
      %gt3A_123 = arith.cmpi sgt, %scan3A_118, %gt3A : i32
      %convert_element_type3A = arith.extui %gt3A_123 : i1 to i32
      %cond3A = arith.constant 0 : i32
      %cond3A_124 = arith.cmpi ne, %convert_element_type3A, %cond3A : i32
      scf.if %cond3A_124 {
        %sub3A_423 = arith.constant 2 : i32
        %sub3A_424 = arith.subi %add3A_122, %sub3A_423 : i32
        %mul3A_425 = arith.constant 512 : i32
        %mul3A_426 = arith.muli %sub3A_424, %mul3A_425 : i32
        %add3A_427 = arith.addi %mul3A_4, %mul3A_426 : i32
        %dma_wait3A_428 = arith.constant 0 : i32
        %dma_wait3A_429 = tpu.memref_slice %arg5[%add3A_427, %dma_wait3A_428] : memref<819200x16xf32, #tpu.memory_space<hbm>> -> memref<512x16xf32, #tpu.memory_space<hbm>>
        %dma_wait3A_430 = arith.constant 0 : i32
        %dma_wait3A_431 = tpu.memref_slice %arg5[%add3A_427, %dma_wait3A_430] : memref<819200x16xf32, #tpu.memory_space<hbm>> -> memref<512x16xf32, #tpu.memory_space<hbm>>
        tpu.wait_dma2 semaphore(%arg15 : memref<!tpu.dma_semaphore, #tpu.memory_space<semaphore_mem>>) src(%arg9 : memref<512x16xf32, #tpu.memory_space<vmem>>) dst(%dma_wait3A_431 : memref<512x16xf32, #tpu.memory_space<hbm>>)
        %dma_wait3A_432 = arith.constant 0 : i32
        %dma_wait3A_433 = tpu.memref_slice %arg6[%add3A_427, %dma_wait3A_432] : memref<819200x16xf32, #tpu.memory_space<hbm>> -> memref<512x16xf32, #tpu.memory_space<hbm>>
        %dma_wait3A_434 = arith.constant 0 : i32
        %dma_wait3A_435 = tpu.memref_slice %arg6[%add3A_427, %dma_wait3A_434] : memref<819200x16xf32, #tpu.memory_space<hbm>> -> memref<512x16xf32, #tpu.memory_space<hbm>>
        tpu.wait_dma2 semaphore(%arg15 : memref<!tpu.dma_semaphore, #tpu.memory_space<semaphore_mem>>) src(%arg11 : memref<512x16xf32, #tpu.memory_space<vmem>>) dst(%dma_wait3A_435 : memref<512x16xf32, #tpu.memory_space<hbm>>)
      } else {
      }
      %mul3A_125 = arith.constant 4 : i32
      %mul3A_126 = arith.muli %add3A_122, %mul3A_125 : i32
      %add3A_127 = arith.constant 0 : i32
      %add3A_128 = arith.addi %mul3A_126, %add3A_127 : i32
      %add3A_129 = arith.constant 0 : i32
      %add3A_130 = arith.addi %mul3A_126, %add3A_129 : i32
      %add3A_131 = arith.constant 1 : i32
      %add3A_132 = arith.addi %mul3A_126, %add3A_131 : i32
      %add3A_133 = arith.constant 1 : i32
      %add3A_134 = arith.addi %mul3A_126, %add3A_133 : i32
      %add3A_135 = arith.constant 2 : i32
      %add3A_136 = arith.addi %mul3A_126, %add3A_135 : i32
      %add3A_137 = arith.constant 2 : i32
      %add3A_138 = arith.addi %mul3A_126, %add3A_137 : i32
      %add3A_139 = arith.constant 3 : i32
      %add3A_140 = arith.addi %mul3A_126, %add3A_139 : i32
      %add3A_141 = arith.constant 3 : i32
      %add3A_142 = arith.addi %mul3A_126, %add3A_141 : i32
      %dma_start3A_143 = arith.constant 0 : i32
      %dma_start3A_144 = arith.constant 0 : i32
      %dma_start3A_145 = tpu.memref_slice %arg9[%dma_start3A_143, %dma_start3A_144] : memref<512x16xf32, #tpu.memory_space<vmem>> -> memref<128x16xf32, #tpu.memory_space<vmem>>
      %dma_start3A_146 = arith.constant 0 : i32
      %dma_start3A_147 = tpu.memref_slice %arg7[%add3A_128, %dma_start3A_146] : memref<200x128xi32, #tpu.memory_space<vmem>> -> memref<1x128xi32, #tpu.memory_space<vmem>>
      %dma_start3A_148 = tpu.memref_squeeze %dma_start3A_147 : memref<1x128xi32, #tpu.memory_space<vmem>> -> memref<128xi32, #tpu.memory_space<vmem>>
      %dma_start3A_149 = arith.constant 0 : i32
      %dma_start3A_150 = arith.constant 0 : i32
      %dma_start3A_151 = tpu.memref_slice %arg2[%dma_start3A_149, %dma_start3A_150] : memref<50008x16xf32, #tpu.memory_space<hbm>> -> memref<50008x16xf32, #tpu.memory_space<hbm>>
      tpu.enqueue_indirect_dma source(%dma_start3A_151 : memref<50008x16xf32, #tpu.memory_space<hbm>>) target(%dma_start3A_145 : memref<128x16xf32, #tpu.memory_space<vmem>>) offsets(%dma_start3A_148 : memref<128xi32, #tpu.memory_space<vmem>>) semaphore(%arg13 : memref<!tpu.dma_semaphore, #tpu.memory_space<semaphore_mem>>)
      %dma_start3A_152 = arith.constant 0 : i32
      %dma_start3A_153 = arith.constant 0 : i32
      %dma_start3A_154 = tpu.memref_slice %arg11[%dma_start3A_152, %dma_start3A_153] : memref<512x16xf32, #tpu.memory_space<vmem>> -> memref<128x16xf32, #tpu.memory_space<vmem>>
      %dma_start3A_155 = arith.constant 0 : i32
      %dma_start3A_156 = tpu.memref_slice %arg8[%add3A_130, %dma_start3A_155] : memref<200x128xi32, #tpu.memory_space<vmem>> -> memref<1x128xi32, #tpu.memory_space<vmem>>
      %dma_start3A_157 = tpu.memref_squeeze %dma_start3A_156 : memref<1x128xi32, #tpu.memory_space<vmem>> -> memref<128xi32, #tpu.memory_space<vmem>>
      %dma_start3A_158 = arith.constant 0 : i32
      %dma_start3A_159 = arith.constant 0 : i32
      %dma_start3A_160 = tpu.memref_slice %arg2[%dma_start3A_158, %dma_start3A_159] : memref<50008x16xf32, #tpu.memory_space<hbm>> -> memref<50008x16xf32, #tpu.memory_space<hbm>>
      tpu.enqueue_indirect_dma source(%dma_start3A_160 : memref<50008x16xf32, #tpu.memory_space<hbm>>) target(%dma_start3A_154 : memref<128x16xf32, #tpu.memory_space<vmem>>) offsets(%dma_start3A_157 : memref<128xi32, #tpu.memory_space<vmem>>) semaphore(%arg13 : memref<!tpu.dma_semaphore, #tpu.memory_space<semaphore_mem>>)
      %dma_start3A_161 = arith.constant 128 : i32
      %dma_start3A_162 = arith.constant 0 : i32
      %dma_start3A_163 = tpu.memref_slice %arg9[%dma_start3A_161, %dma_start3A_162] : memref<512x16xf32, #tpu.memory_space<vmem>> -> memref<128x16xf32, #tpu.memory_space<vmem>>
      %dma_start3A_164 = arith.constant 0 : i32
      %dma_start3A_165 = tpu.memref_slice %arg7[%add3A_132, %dma_start3A_164] : memref<200x128xi32, #tpu.memory_space<vmem>> -> memref<1x128xi32, #tpu.memory_space<vmem>>
      %dma_start3A_166 = tpu.memref_squeeze %dma_start3A_165 : memref<1x128xi32, #tpu.memory_space<vmem>> -> memref<128xi32, #tpu.memory_space<vmem>>
      %dma_start3A_167 = arith.constant 0 : i32
      %dma_start3A_168 = arith.constant 0 : i32
      %dma_start3A_169 = tpu.memref_slice %arg2[%dma_start3A_167, %dma_start3A_168] : memref<50008x16xf32, #tpu.memory_space<hbm>> -> memref<50008x16xf32, #tpu.memory_space<hbm>>
      tpu.enqueue_indirect_dma source(%dma_start3A_169 : memref<50008x16xf32, #tpu.memory_space<hbm>>) target(%dma_start3A_163 : memref<128x16xf32, #tpu.memory_space<vmem>>) offsets(%dma_start3A_166 : memref<128xi32, #tpu.memory_space<vmem>>) semaphore(%arg13 : memref<!tpu.dma_semaphore, #tpu.memory_space<semaphore_mem>>)
      %dma_start3A_170 = arith.constant 128 : i32
      %dma_start3A_171 = arith.constant 0 : i32
      %dma_start3A_172 = tpu.memref_slice %arg11[%dma_start3A_170, %dma_start3A_171] : memref<512x16xf32, #tpu.memory_space<vmem>> -> memref<128x16xf32, #tpu.memory_space<vmem>>
      %dma_start3A_173 = arith.constant 0 : i32
      %dma_start3A_174 = tpu.memref_slice %arg8[%add3A_134, %dma_start3A_173] : memref<200x128xi32, #tpu.memory_space<vmem>> -> memref<1x128xi32, #tpu.memory_space<vmem>>
      %dma_start3A_175 = tpu.memref_squeeze %dma_start3A_174 : memref<1x128xi32, #tpu.memory_space<vmem>> -> memref<128xi32, #tpu.memory_space<vmem>>
      %dma_start3A_176 = arith.constant 0 : i32
      %dma_start3A_177 = arith.constant 0 : i32
      %dma_start3A_178 = tpu.memref_slice %arg2[%dma_start3A_176, %dma_start3A_177] : memref<50008x16xf32, #tpu.memory_space<hbm>> -> memref<50008x16xf32, #tpu.memory_space<hbm>>
      tpu.enqueue_indirect_dma source(%dma_start3A_178 : memref<50008x16xf32, #tpu.memory_space<hbm>>) target(%dma_start3A_172 : memref<128x16xf32, #tpu.memory_space<vmem>>) offsets(%dma_start3A_175 : memref<128xi32, #tpu.memory_space<vmem>>) semaphore(%arg13 : memref<!tpu.dma_semaphore, #tpu.memory_space<semaphore_mem>>)
      %dma_start3A_179 = arith.constant 256 : i32
      %dma_start3A_180 = arith.constant 0 : i32
      %dma_start3A_181 = tpu.memref_slice %arg9[%dma_start3A_179, %dma_start3A_180] : memref<512x16xf32, #tpu.memory_space<vmem>> -> memref<128x16xf32, #tpu.memory_space<vmem>>
      %dma_start3A_182 = arith.constant 0 : i32
      %dma_start3A_183 = tpu.memref_slice %arg7[%add3A_136, %dma_start3A_182] : memref<200x128xi32, #tpu.memory_space<vmem>> -> memref<1x128xi32, #tpu.memory_space<vmem>>
      %dma_start3A_184 = tpu.memref_squeeze %dma_start3A_183 : memref<1x128xi32, #tpu.memory_space<vmem>> -> memref<128xi32, #tpu.memory_space<vmem>>
      %dma_start3A_185 = arith.constant 0 : i32
      %dma_start3A_186 = arith.constant 0 : i32
      %dma_start3A_187 = tpu.memref_slice %arg2[%dma_start3A_185, %dma_start3A_186] : memref<50008x16xf32, #tpu.memory_space<hbm>> -> memref<50008x16xf32, #tpu.memory_space<hbm>>
      tpu.enqueue_indirect_dma source(%dma_start3A_187 : memref<50008x16xf32, #tpu.memory_space<hbm>>) target(%dma_start3A_181 : memref<128x16xf32, #tpu.memory_space<vmem>>) offsets(%dma_start3A_184 : memref<128xi32, #tpu.memory_space<vmem>>) semaphore(%arg13 : memref<!tpu.dma_semaphore, #tpu.memory_space<semaphore_mem>>)
      %dma_start3A_188 = arith.constant 256 : i32
      %dma_start3A_189 = arith.constant 0 : i32
      %dma_start3A_190 = tpu.memref_slice %arg11[%dma_start3A_188, %dma_start3A_189] : memref<512x16xf32, #tpu.memory_space<vmem>> -> memref<128x16xf32, #tpu.memory_space<vmem>>
      %dma_start3A_191 = arith.constant 0 : i32
      %dma_start3A_192 = tpu.memref_slice %arg8[%add3A_138, %dma_start3A_191] : memref<200x128xi32, #tpu.memory_space<vmem>> -> memref<1x128xi32, #tpu.memory_space<vmem>>
      %dma_start3A_193 = tpu.memref_squeeze %dma_start3A_192 : memref<1x128xi32, #tpu.memory_space<vmem>> -> memref<128xi32, #tpu.memory_space<vmem>>
      %dma_start3A_194 = arith.constant 0 : i32
      %dma_start3A_195 = arith.constant 0 : i32
      %dma_start3A_196 = tpu.memref_slice %arg2[%dma_start3A_194, %dma_start3A_195] : memref<50008x16xf32, #tpu.memory_space<hbm>> -> memref<50008x16xf32, #tpu.memory_space<hbm>>
      tpu.enqueue_indirect_dma source(%dma_start3A_196 : memref<50008x16xf32, #tpu.memory_space<hbm>>) target(%dma_start3A_190 : memref<128x16xf32, #tpu.memory_space<vmem>>) offsets(%dma_start3A_193 : memref<128xi32, #tpu.memory_space<vmem>>) semaphore(%arg13 : memref<!tpu.dma_semaphore, #tpu.memory_space<semaphore_mem>>)
      %dma_start3A_197 = arith.constant 384 : i32
      %dma_start3A_198 = arith.constant 0 : i32
      %dma_start3A_199 = tpu.memref_slice %arg9[%dma_start3A_197, %dma_start3A_198] : memref<512x16xf32, #tpu.memory_space<vmem>> -> memref<128x16xf32, #tpu.memory_space<vmem>>
      %dma_start3A_200 = arith.constant 0 : i32
      %dma_start3A_201 = tpu.memref_slice %arg7[%add3A_140, %dma_start3A_200] : memref<200x128xi32, #tpu.memory_space<vmem>> -> memref<1x128xi32, #tpu.memory_space<vmem>>
      %dma_start3A_202 = tpu.memref_squeeze %dma_start3A_201 : memref<1x128xi32, #tpu.memory_space<vmem>> -> memref<128xi32, #tpu.memory_space<vmem>>
      %dma_start3A_203 = arith.constant 0 : i32
      %dma_start3A_204 = arith.constant 0 : i32
      %dma_start3A_205 = tpu.memref_slice %arg2[%dma_start3A_203, %dma_start3A_204] : memref<50008x16xf32, #tpu.memory_space<hbm>> -> memref<50008x16xf32, #tpu.memory_space<hbm>>
      tpu.enqueue_indirect_dma source(%dma_start3A_205 : memref<50008x16xf32, #tpu.memory_space<hbm>>) target(%dma_start3A_199 : memref<128x16xf32, #tpu.memory_space<vmem>>) offsets(%dma_start3A_202 : memref<128xi32, #tpu.memory_space<vmem>>) semaphore(%arg13 : memref<!tpu.dma_semaphore, #tpu.memory_space<semaphore_mem>>)
      %dma_start3A_206 = arith.constant 384 : i32
      %dma_start3A_207 = arith.constant 0 : i32
      %dma_start3A_208 = tpu.memref_slice %arg11[%dma_start3A_206, %dma_start3A_207] : memref<512x16xf32, #tpu.memory_space<vmem>> -> memref<128x16xf32, #tpu.memory_space<vmem>>
      %dma_start3A_209 = arith.constant 0 : i32
      %dma_start3A_210 = tpu.memref_slice %arg8[%add3A_142, %dma_start3A_209] : memref<200x128xi32, #tpu.memory_space<vmem>> -> memref<1x128xi32, #tpu.memory_space<vmem>>
      %dma_start3A_211 = tpu.memref_squeeze %dma_start3A_210 : memref<1x128xi32, #tpu.memory_space<vmem>> -> memref<128xi32, #tpu.memory_space<vmem>>
      %dma_start3A_212 = arith.constant 0 : i32
      %dma_start3A_213 = arith.constant 0 : i32
      %dma_start3A_214 = tpu.memref_slice %arg2[%dma_start3A_212, %dma_start3A_213] : memref<50008x16xf32, #tpu.memory_space<hbm>> -> memref<50008x16xf32, #tpu.memory_space<hbm>>
      tpu.enqueue_indirect_dma source(%dma_start3A_214 : memref<50008x16xf32, #tpu.memory_space<hbm>>) target(%dma_start3A_208 : memref<128x16xf32, #tpu.memory_space<vmem>>) offsets(%dma_start3A_211 : memref<128xi32, #tpu.memory_space<vmem>>) semaphore(%arg13 : memref<!tpu.dma_semaphore, #tpu.memory_space<semaphore_mem>>)
      %gt3A_215 = arith.constant 0 : i32
      %gt3A_216 = arith.cmpi sgt, %scan3A_118, %gt3A_215 : i32
      %convert_element_type3A_217 = arith.extui %gt3A_216 : i1 to i32
      %cond3A_218 = arith.constant 0 : i32
      %cond3A_219 = arith.cmpi ne, %convert_element_type3A_217, %cond3A_218 : i32
      scf.if %cond3A_219 {
        %sub3A_423 = arith.constant 1 : i32
        %sub3A_424 = arith.subi %add3A_122, %sub3A_423 : i32
        %mul3A_425 = arith.constant 4 : i32
        %mul3A_426 = arith.muli %sub3A_424, %mul3A_425 : i32
        %add3A_427 = arith.constant 0 : i32
        %add3A_428 = arith.addi %mul3A_426, %add3A_427 : i32
        %add3A_429 = arith.constant 0 : i32
        %add3A_430 = arith.addi %mul3A_426, %add3A_429 : i32
        %add3A_431 = arith.constant 1 : i32
        %add3A_432 = arith.addi %mul3A_426, %add3A_431 : i32
        %add3A_433 = arith.constant 1 : i32
        %add3A_434 = arith.addi %mul3A_426, %add3A_433 : i32
        %add3A_435 = arith.constant 2 : i32
        %add3A_436 = arith.addi %mul3A_426, %add3A_435 : i32
        %add3A_437 = arith.constant 2 : i32
        %add3A_438 = arith.addi %mul3A_426, %add3A_437 : i32
        %add3A_439 = arith.constant 3 : i32
        %add3A_440 = arith.addi %mul3A_426, %add3A_439 : i32
        %add3A_441 = arith.constant 3 : i32
        %add3A_442 = arith.addi %mul3A_426, %add3A_441 : i32
        %dma_wait3A_443 = arith.constant 0 : i32
        %dma_wait3A_444 = arith.constant 0 : i32
        %dma_wait3A_445 = tpu.memref_slice %arg10[%dma_wait3A_443, %dma_wait3A_444] : memref<512x16xf32, #tpu.memory_space<vmem>> -> memref<128x16xf32, #tpu.memory_space<vmem>>
        %dma_wait3A_446 = arith.constant 0 : i32
        %dma_wait3A_447 = tpu.memref_slice %arg7[%add3A_428, %dma_wait3A_446] : memref<200x128xi32, #tpu.memory_space<vmem>> -> memref<1x128xi32, #tpu.memory_space<vmem>>
        %dma_wait3A_448 = tpu.memref_squeeze %dma_wait3A_447 : memref<1x128xi32, #tpu.memory_space<vmem>> -> memref<128xi32, #tpu.memory_space<vmem>>
        %dma_wait3A_449 = arith.constant 0 : i32
        %dma_wait3A_450 = arith.constant 0 : i32
        %dma_wait3A_451 = tpu.memref_slice %arg2[%dma_wait3A_449, %dma_wait3A_450] : memref<50008x16xf32, #tpu.memory_space<hbm>> -> memref<50008x16xf32, #tpu.memory_space<hbm>>
        tpu.wait_indirect_dma semaphore(%arg14 : memref<!tpu.dma_semaphore, #tpu.memory_space<semaphore_mem>>) src(%dma_wait3A_451 : memref<50008x16xf32, #tpu.memory_space<hbm>>) dst(%dma_wait3A_445 : memref<128x16xf32, #tpu.memory_space<vmem>>)
        %dma_wait3A_452 = arith.constant 0 : i32
        %dma_wait3A_453 = arith.constant 0 : i32
        %dma_wait3A_454 = tpu.memref_slice %arg12[%dma_wait3A_452, %dma_wait3A_453] : memref<512x16xf32, #tpu.memory_space<vmem>> -> memref<128x16xf32, #tpu.memory_space<vmem>>
        %dma_wait3A_455 = arith.constant 0 : i32
        %dma_wait3A_456 = tpu.memref_slice %arg8[%add3A_430, %dma_wait3A_455] : memref<200x128xi32, #tpu.memory_space<vmem>> -> memref<1x128xi32, #tpu.memory_space<vmem>>
        %dma_wait3A_457 = tpu.memref_squeeze %dma_wait3A_456 : memref<1x128xi32, #tpu.memory_space<vmem>> -> memref<128xi32, #tpu.memory_space<vmem>>
        %dma_wait3A_458 = arith.constant 0 : i32
        %dma_wait3A_459 = arith.constant 0 : i32
        %dma_wait3A_460 = tpu.memref_slice %arg2[%dma_wait3A_458, %dma_wait3A_459] : memref<50008x16xf32, #tpu.memory_space<hbm>> -> memref<50008x16xf32, #tpu.memory_space<hbm>>
        tpu.wait_indirect_dma semaphore(%arg14 : memref<!tpu.dma_semaphore, #tpu.memory_space<semaphore_mem>>) src(%dma_wait3A_460 : memref<50008x16xf32, #tpu.memory_space<hbm>>) dst(%dma_wait3A_454 : memref<128x16xf32, #tpu.memory_space<vmem>>)
        %dma_wait3A_461 = arith.constant 128 : i32
        %dma_wait3A_462 = arith.constant 0 : i32
        %dma_wait3A_463 = tpu.memref_slice %arg10[%dma_wait3A_461, %dma_wait3A_462] : memref<512x16xf32, #tpu.memory_space<vmem>> -> memref<128x16xf32, #tpu.memory_space<vmem>>
        %dma_wait3A_464 = arith.constant 0 : i32
        %dma_wait3A_465 = tpu.memref_slice %arg7[%add3A_432, %dma_wait3A_464] : memref<200x128xi32, #tpu.memory_space<vmem>> -> memref<1x128xi32, #tpu.memory_space<vmem>>
        %dma_wait3A_466 = tpu.memref_squeeze %dma_wait3A_465 : memref<1x128xi32, #tpu.memory_space<vmem>> -> memref<128xi32, #tpu.memory_space<vmem>>
        %dma_wait3A_467 = arith.constant 0 : i32
        %dma_wait3A_468 = arith.constant 0 : i32
        %dma_wait3A_469 = tpu.memref_slice %arg2[%dma_wait3A_467, %dma_wait3A_468] : memref<50008x16xf32, #tpu.memory_space<hbm>> -> memref<50008x16xf32, #tpu.memory_space<hbm>>
        tpu.wait_indirect_dma semaphore(%arg14 : memref<!tpu.dma_semaphore, #tpu.memory_space<semaphore_mem>>) src(%dma_wait3A_469 : memref<50008x16xf32, #tpu.memory_space<hbm>>) dst(%dma_wait3A_463 : memref<128x16xf32, #tpu.memory_space<vmem>>)
        %dma_wait3A_470 = arith.constant 128 : i32
        %dma_wait3A_471 = arith.constant 0 : i32
        %dma_wait3A_472 = tpu.memref_slice %arg12[%dma_wait3A_470, %dma_wait3A_471] : memref<512x16xf32, #tpu.memory_space<vmem>> -> memref<128x16xf32, #tpu.memory_space<vmem>>
        %dma_wait3A_473 = arith.constant 0 : i32
        %dma_wait3A_474 = tpu.memref_slice %arg8[%add3A_434, %dma_wait3A_473] : memref<200x128xi32, #tpu.memory_space<vmem>> -> memref<1x128xi32, #tpu.memory_space<vmem>>
        %dma_wait3A_475 = tpu.memref_squeeze %dma_wait3A_474 : memref<1x128xi32, #tpu.memory_space<vmem>> -> memref<128xi32, #tpu.memory_space<vmem>>
        %dma_wait3A_476 = arith.constant 0 : i32
        %dma_wait3A_477 = arith.constant 0 : i32
        %dma_wait3A_478 = tpu.memref_slice %arg2[%dma_wait3A_476, %dma_wait3A_477] : memref<50008x16xf32, #tpu.memory_space<hbm>> -> memref<50008x16xf32, #tpu.memory_space<hbm>>
        tpu.wait_indirect_dma semaphore(%arg14 : memref<!tpu.dma_semaphore, #tpu.memory_space<semaphore_mem>>) src(%dma_wait3A_478 : memref<50008x16xf32, #tpu.memory_space<hbm>>) dst(%dma_wait3A_472 : memref<128x16xf32, #tpu.memory_space<vmem>>)
        %dma_wait3A_479 = arith.constant 256 : i32
        %dma_wait3A_480 = arith.constant 0 : i32
        %dma_wait3A_481 = tpu.memref_slice %arg10[%dma_wait3A_479, %dma_wait3A_480] : memref<512x16xf32, #tpu.memory_space<vmem>> -> memref<128x16xf32, #tpu.memory_space<vmem>>
        %dma_wait3A_482 = arith.constant 0 : i32
        %dma_wait3A_483 = tpu.memref_slice %arg7[%add3A_436, %dma_wait3A_482] : memref<200x128xi32, #tpu.memory_space<vmem>> -> memref<1x128xi32, #tpu.memory_space<vmem>>
        %dma_wait3A_484 = tpu.memref_squeeze %dma_wait3A_483 : memref<1x128xi32, #tpu.memory_space<vmem>> -> memref<128xi32, #tpu.memory_space<vmem>>
        %dma_wait3A_485 = arith.constant 0 : i32
        %dma_wait3A_486 = arith.constant 0 : i32
        %dma_wait3A_487 = tpu.memref_slice %arg2[%dma_wait3A_485, %dma_wait3A_486] : memref<50008x16xf32, #tpu.memory_space<hbm>> -> memref<50008x16xf32, #tpu.memory_space<hbm>>
        tpu.wait_indirect_dma semaphore(%arg14 : memref<!tpu.dma_semaphore, #tpu.memory_space<semaphore_mem>>) src(%dma_wait3A_487 : memref<50008x16xf32, #tpu.memory_space<hbm>>) dst(%dma_wait3A_481 : memref<128x16xf32, #tpu.memory_space<vmem>>)
        %dma_wait3A_488 = arith.constant 256 : i32
        %dma_wait3A_489 = arith.constant 0 : i32
        %dma_wait3A_490 = tpu.memref_slice %arg12[%dma_wait3A_488, %dma_wait3A_489] : memref<512x16xf32, #tpu.memory_space<vmem>> -> memref<128x16xf32, #tpu.memory_space<vmem>>
        %dma_wait3A_491 = arith.constant 0 : i32
        %dma_wait3A_492 = tpu.memref_slice %arg8[%add3A_438, %dma_wait3A_491] : memref<200x128xi32, #tpu.memory_space<vmem>> -> memref<1x128xi32, #tpu.memory_space<vmem>>
        %dma_wait3A_493 = tpu.memref_squeeze %dma_wait3A_492 : memref<1x128xi32, #tpu.memory_space<vmem>> -> memref<128xi32, #tpu.memory_space<vmem>>
        %dma_wait3A_494 = arith.constant 0 : i32
        %dma_wait3A_495 = arith.constant 0 : i32
        %dma_wait3A_496 = tpu.memref_slice %arg2[%dma_wait3A_494, %dma_wait3A_495] : memref<50008x16xf32, #tpu.memory_space<hbm>> -> memref<50008x16xf32, #tpu.memory_space<hbm>>
        tpu.wait_indirect_dma semaphore(%arg14 : memref<!tpu.dma_semaphore, #tpu.memory_space<semaphore_mem>>) src(%dma_wait3A_496 : memref<50008x16xf32, #tpu.memory_space<hbm>>) dst(%dma_wait3A_490 : memref<128x16xf32, #tpu.memory_space<vmem>>)
        %dma_wait3A_497 = arith.constant 384 : i32
        %dma_wait3A_498 = arith.constant 0 : i32
        %dma_wait3A_499 = tpu.memref_slice %arg10[%dma_wait3A_497, %dma_wait3A_498] : memref<512x16xf32, #tpu.memory_space<vmem>> -> memref<128x16xf32, #tpu.memory_space<vmem>>
        %dma_wait3A_500 = arith.constant 0 : i32
        %dma_wait3A_501 = tpu.memref_slice %arg7[%add3A_440, %dma_wait3A_500] : memref<200x128xi32, #tpu.memory_space<vmem>> -> memref<1x128xi32, #tpu.memory_space<vmem>>
        %dma_wait3A_502 = tpu.memref_squeeze %dma_wait3A_501 : memref<1x128xi32, #tpu.memory_space<vmem>> -> memref<128xi32, #tpu.memory_space<vmem>>
        %dma_wait3A_503 = arith.constant 0 : i32
        %dma_wait3A_504 = arith.constant 0 : i32
        %dma_wait3A_505 = tpu.memref_slice %arg2[%dma_wait3A_503, %dma_wait3A_504] : memref<50008x16xf32, #tpu.memory_space<hbm>> -> memref<50008x16xf32, #tpu.memory_space<hbm>>
        tpu.wait_indirect_dma semaphore(%arg14 : memref<!tpu.dma_semaphore, #tpu.memory_space<semaphore_mem>>) src(%dma_wait3A_505 : memref<50008x16xf32, #tpu.memory_space<hbm>>) dst(%dma_wait3A_499 : memref<128x16xf32, #tpu.memory_space<vmem>>)
        %dma_wait3A_506 = arith.constant 384 : i32
        %dma_wait3A_507 = arith.constant 0 : i32
        %dma_wait3A_508 = tpu.memref_slice %arg12[%dma_wait3A_506, %dma_wait3A_507] : memref<512x16xf32, #tpu.memory_space<vmem>> -> memref<128x16xf32, #tpu.memory_space<vmem>>
        %dma_wait3A_509 = arith.constant 0 : i32
        %dma_wait3A_510 = tpu.memref_slice %arg8[%add3A_442, %dma_wait3A_509] : memref<200x128xi32, #tpu.memory_space<vmem>> -> memref<1x128xi32, #tpu.memory_space<vmem>>
        %dma_wait3A_511 = tpu.memref_squeeze %dma_wait3A_510 : memref<1x128xi32, #tpu.memory_space<vmem>> -> memref<128xi32, #tpu.memory_space<vmem>>
        %dma_wait3A_512 = arith.constant 0 : i32
        %dma_wait3A_513 = arith.constant 0 : i32
        %dma_wait3A_514 = tpu.memref_slice %arg2[%dma_wait3A_512, %dma_wait3A_513] : memref<50008x16xf32, #tpu.memory_space<hbm>> -> memref<50008x16xf32, #tpu.memory_space<hbm>>
        tpu.wait_indirect_dma semaphore(%arg14 : memref<!tpu.dma_semaphore, #tpu.memory_space<semaphore_mem>>) src(%dma_wait3A_514 : memref<50008x16xf32, #tpu.memory_space<hbm>>) dst(%dma_wait3A_508 : memref<128x16xf32, #tpu.memory_space<vmem>>)
        %sub3A_515 = arith.constant 1 : i32
        %sub3A_516 = arith.subi %add3A_122, %sub3A_515 : i32
        %mul3A_517 = arith.constant 512 : i32
        %mul3A_518 = arith.muli %sub3A_516, %mul3A_517 : i32
        %add3A_519 = arith.addi %mul3A_4, %mul3A_518 : i32
        %dma_start3A_520 = arith.constant 0 : i32
        %dma_start3A_521 = tpu.memref_slice %arg5[%add3A_519, %dma_start3A_520] : memref<819200x16xf32, #tpu.memory_space<hbm>> -> memref<512x16xf32, #tpu.memory_space<hbm>>
        %dma_start3A_522 = arith.constant 0 : i32
        %dma_start3A_523 = tpu.memref_slice %arg5[%add3A_519, %dma_start3A_522] : memref<819200x16xf32, #tpu.memory_space<hbm>> -> memref<512x16xf32, #tpu.memory_space<hbm>>
        tpu.enqueue_dma source(%arg10 : memref<512x16xf32, #tpu.memory_space<vmem>>) target(%dma_start3A_523 : memref<512x16xf32, #tpu.memory_space<hbm>>) target_semaphore(%arg16 : memref<!tpu.dma_semaphore, #tpu.memory_space<semaphore_mem>>)
        %dma_start3A_524 = arith.constant 0 : i32
        %dma_start3A_525 = tpu.memref_slice %arg6[%add3A_519, %dma_start3A_524] : memref<819200x16xf32, #tpu.memory_space<hbm>> -> memref<512x16xf32, #tpu.memory_space<hbm>>
        %dma_start3A_526 = arith.constant 0 : i32
        %dma_start3A_527 = tpu.memref_slice %arg6[%add3A_519, %dma_start3A_526] : memref<819200x16xf32, #tpu.memory_space<hbm>> -> memref<512x16xf32, #tpu.memory_space<hbm>>
        tpu.enqueue_dma source(%arg12 : memref<512x16xf32, #tpu.memory_space<vmem>>) target(%dma_start3A_527 : memref<512x16xf32, #tpu.memory_space<hbm>>) target_semaphore(%arg16 : memref<!tpu.dma_semaphore, #tpu.memory_space<semaphore_mem>>)
      } else {
      }
      %mul3A_220 = arith.constant 2 : i32
      %mul3A_221 = arith.muli %mul3A_220, %scan3A_118 : i32
      %add3A_222 = arith.constant 1 : i32
      %add3A_223 = arith.addi %mul3A_221, %add3A_222 : i32
      %gt3A_224 = arith.constant 0 : i32
      %gt3A_225 = arith.cmpi sgt, %scan3A_118, %gt3A_224 : i32
      %convert_element_type3A_226 = arith.extui %gt3A_225 : i1 to i32
      %cond3A_227 = arith.constant 0 : i32
      %cond3A_228 = arith.cmpi ne, %convert_element_type3A_226, %cond3A_227 : i32
      scf.if %cond3A_228 {
        %sub3A_423 = arith.constant 2 : i32
        %sub3A_424 = arith.subi %add3A_223, %sub3A_423 : i32
        %mul3A_425 = arith.constant 512 : i32
        %mul3A_426 = arith.muli %sub3A_424, %mul3A_425 : i32
        %add3A_427 = arith.addi %mul3A_4, %mul3A_426 : i32
        %dma_wait3A_428 = arith.constant 0 : i32
        %dma_wait3A_429 = tpu.memref_slice %arg5[%add3A_427, %dma_wait3A_428] : memref<819200x16xf32, #tpu.memory_space<hbm>> -> memref<512x16xf32, #tpu.memory_space<hbm>>
        %dma_wait3A_430 = arith.constant 0 : i32
        %dma_wait3A_431 = tpu.memref_slice %arg5[%add3A_427, %dma_wait3A_430] : memref<819200x16xf32, #tpu.memory_space<hbm>> -> memref<512x16xf32, #tpu.memory_space<hbm>>
        tpu.wait_dma2 semaphore(%arg16 : memref<!tpu.dma_semaphore, #tpu.memory_space<semaphore_mem>>) src(%arg10 : memref<512x16xf32, #tpu.memory_space<vmem>>) dst(%dma_wait3A_431 : memref<512x16xf32, #tpu.memory_space<hbm>>)
        %dma_wait3A_432 = arith.constant 0 : i32
        %dma_wait3A_433 = tpu.memref_slice %arg6[%add3A_427, %dma_wait3A_432] : memref<819200x16xf32, #tpu.memory_space<hbm>> -> memref<512x16xf32, #tpu.memory_space<hbm>>
        %dma_wait3A_434 = arith.constant 0 : i32
        %dma_wait3A_435 = tpu.memref_slice %arg6[%add3A_427, %dma_wait3A_434] : memref<819200x16xf32, #tpu.memory_space<hbm>> -> memref<512x16xf32, #tpu.memory_space<hbm>>
        tpu.wait_dma2 semaphore(%arg16 : memref<!tpu.dma_semaphore, #tpu.memory_space<semaphore_mem>>) src(%arg12 : memref<512x16xf32, #tpu.memory_space<vmem>>) dst(%dma_wait3A_435 : memref<512x16xf32, #tpu.memory_space<hbm>>)
      } else {
      }
      %mul3A_229 = arith.constant 4 : i32
      %mul3A_230 = arith.muli %add3A_223, %mul3A_229 : i32
      %add3A_231 = arith.constant 0 : i32
      %add3A_232 = arith.addi %mul3A_230, %add3A_231 : i32
      %add3A_233 = arith.constant 0 : i32
      %add3A_234 = arith.addi %mul3A_230, %add3A_233 : i32
      %add3A_235 = arith.constant 1 : i32
      %add3A_236 = arith.addi %mul3A_230, %add3A_235 : i32
      %add3A_237 = arith.constant 1 : i32
      %add3A_238 = arith.addi %mul3A_230, %add3A_237 : i32
      %add3A_239 = arith.constant 2 : i32
      %add3A_240 = arith.addi %mul3A_230, %add3A_239 : i32
      %add3A_241 = arith.constant 2 : i32
      %add3A_242 = arith.addi %mul3A_230, %add3A_241 : i32
      %add3A_243 = arith.constant 3 : i32
      %add3A_244 = arith.addi %mul3A_230, %add3A_243 : i32
      %add3A_245 = arith.constant 3 : i32
      %add3A_246 = arith.addi %mul3A_230, %add3A_245 : i32
      %dma_start3A_247 = arith.constant 0 : i32
      %dma_start3A_248 = arith.constant 0 : i32
      %dma_start3A_249 = tpu.memref_slice %arg10[%dma_start3A_247, %dma_start3A_248] : memref<512x16xf32, #tpu.memory_space<vmem>> -> memref<128x16xf32, #tpu.memory_space<vmem>>
      %dma_start3A_250 = arith.constant 0 : i32
      %dma_start3A_251 = tpu.memref_slice %arg7[%add3A_232, %dma_start3A_250] : memref<200x128xi32, #tpu.memory_space<vmem>> -> memref<1x128xi32, #tpu.memory_space<vmem>>
      %dma_start3A_252 = tpu.memref_squeeze %dma_start3A_251 : memref<1x128xi32, #tpu.memory_space<vmem>> -> memref<128xi32, #tpu.memory_space<vmem>>
      %dma_start3A_253 = arith.constant 0 : i32
      %dma_start3A_254 = arith.constant 0 : i32
      %dma_start3A_255 = tpu.memref_slice %arg2[%dma_start3A_253, %dma_start3A_254] : memref<50008x16xf32, #tpu.memory_space<hbm>> -> memref<50008x16xf32, #tpu.memory_space<hbm>>
      tpu.enqueue_indirect_dma source(%dma_start3A_255 : memref<50008x16xf32, #tpu.memory_space<hbm>>) target(%dma_start3A_249 : memref<128x16xf32, #tpu.memory_space<vmem>>) offsets(%dma_start3A_252 : memref<128xi32, #tpu.memory_space<vmem>>) semaphore(%arg14 : memref<!tpu.dma_semaphore, #tpu.memory_space<semaphore_mem>>)
      %dma_start3A_256 = arith.constant 0 : i32
      %dma_start3A_257 = arith.constant 0 : i32
      %dma_start3A_258 = tpu.memref_slice %arg12[%dma_start3A_256, %dma_start3A_257] : memref<512x16xf32, #tpu.memory_space<vmem>> -> memref<128x16xf32, #tpu.memory_space<vmem>>
      %dma_start3A_259 = arith.constant 0 : i32
      %dma_start3A_260 = tpu.memref_slice %arg8[%add3A_234, %dma_start3A_259] : memref<200x128xi32, #tpu.memory_space<vmem>> -> memref<1x128xi32, #tpu.memory_space<vmem>>
      %dma_start3A_261 = tpu.memref_squeeze %dma_start3A_260 : memref<1x128xi32, #tpu.memory_space<vmem>> -> memref<128xi32, #tpu.memory_space<vmem>>
      %dma_start3A_262 = arith.constant 0 : i32
      %dma_start3A_263 = arith.constant 0 : i32
      %dma_start3A_264 = tpu.memref_slice %arg2[%dma_start3A_262, %dma_start3A_263] : memref<50008x16xf32, #tpu.memory_space<hbm>> -> memref<50008x16xf32, #tpu.memory_space<hbm>>
      tpu.enqueue_indirect_dma source(%dma_start3A_264 : memref<50008x16xf32, #tpu.memory_space<hbm>>) target(%dma_start3A_258 : memref<128x16xf32, #tpu.memory_space<vmem>>) offsets(%dma_start3A_261 : memref<128xi32, #tpu.memory_space<vmem>>) semaphore(%arg14 : memref<!tpu.dma_semaphore, #tpu.memory_space<semaphore_mem>>)
      %dma_start3A_265 = arith.constant 128 : i32
      %dma_start3A_266 = arith.constant 0 : i32
      %dma_start3A_267 = tpu.memref_slice %arg10[%dma_start3A_265, %dma_start3A_266] : memref<512x16xf32, #tpu.memory_space<vmem>> -> memref<128x16xf32, #tpu.memory_space<vmem>>
      %dma_start3A_268 = arith.constant 0 : i32
      %dma_start3A_269 = tpu.memref_slice %arg7[%add3A_236, %dma_start3A_268] : memref<200x128xi32, #tpu.memory_space<vmem>> -> memref<1x128xi32, #tpu.memory_space<vmem>>
      %dma_start3A_270 = tpu.memref_squeeze %dma_start3A_269 : memref<1x128xi32, #tpu.memory_space<vmem>> -> memref<128xi32, #tpu.memory_space<vmem>>
      %dma_start3A_271 = arith.constant 0 : i32
      %dma_start3A_272 = arith.constant 0 : i32
      %dma_start3A_273 = tpu.memref_slice %arg2[%dma_start3A_271, %dma_start3A_272] : memref<50008x16xf32, #tpu.memory_space<hbm>> -> memref<50008x16xf32, #tpu.memory_space<hbm>>
      tpu.enqueue_indirect_dma source(%dma_start3A_273 : memref<50008x16xf32, #tpu.memory_space<hbm>>) target(%dma_start3A_267 : memref<128x16xf32, #tpu.memory_space<vmem>>) offsets(%dma_start3A_270 : memref<128xi32, #tpu.memory_space<vmem>>) semaphore(%arg14 : memref<!tpu.dma_semaphore, #tpu.memory_space<semaphore_mem>>)
      %dma_start3A_274 = arith.constant 128 : i32
      %dma_start3A_275 = arith.constant 0 : i32
      %dma_start3A_276 = tpu.memref_slice %arg12[%dma_start3A_274, %dma_start3A_275] : memref<512x16xf32, #tpu.memory_space<vmem>> -> memref<128x16xf32, #tpu.memory_space<vmem>>
      %dma_start3A_277 = arith.constant 0 : i32
      %dma_start3A_278 = tpu.memref_slice %arg8[%add3A_238, %dma_start3A_277] : memref<200x128xi32, #tpu.memory_space<vmem>> -> memref<1x128xi32, #tpu.memory_space<vmem>>
      %dma_start3A_279 = tpu.memref_squeeze %dma_start3A_278 : memref<1x128xi32, #tpu.memory_space<vmem>> -> memref<128xi32, #tpu.memory_space<vmem>>
      %dma_start3A_280 = arith.constant 0 : i32
      %dma_start3A_281 = arith.constant 0 : i32
      %dma_start3A_282 = tpu.memref_slice %arg2[%dma_start3A_280, %dma_start3A_281] : memref<50008x16xf32, #tpu.memory_space<hbm>> -> memref<50008x16xf32, #tpu.memory_space<hbm>>
      tpu.enqueue_indirect_dma source(%dma_start3A_282 : memref<50008x16xf32, #tpu.memory_space<hbm>>) target(%dma_start3A_276 : memref<128x16xf32, #tpu.memory_space<vmem>>) offsets(%dma_start3A_279 : memref<128xi32, #tpu.memory_space<vmem>>) semaphore(%arg14 : memref<!tpu.dma_semaphore, #tpu.memory_space<semaphore_mem>>)
      %dma_start3A_283 = arith.constant 256 : i32
      %dma_start3A_284 = arith.constant 0 : i32
      %dma_start3A_285 = tpu.memref_slice %arg10[%dma_start3A_283, %dma_start3A_284] : memref<512x16xf32, #tpu.memory_space<vmem>> -> memref<128x16xf32, #tpu.memory_space<vmem>>
      %dma_start3A_286 = arith.constant 0 : i32
      %dma_start3A_287 = tpu.memref_slice %arg7[%add3A_240, %dma_start3A_286] : memref<200x128xi32, #tpu.memory_space<vmem>> -> memref<1x128xi32, #tpu.memory_space<vmem>>
      %dma_start3A_288 = tpu.memref_squeeze %dma_start3A_287 : memref<1x128xi32, #tpu.memory_space<vmem>> -> memref<128xi32, #tpu.memory_space<vmem>>
      %dma_start3A_289 = arith.constant 0 : i32
      %dma_start3A_290 = arith.constant 0 : i32
      %dma_start3A_291 = tpu.memref_slice %arg2[%dma_start3A_289, %dma_start3A_290] : memref<50008x16xf32, #tpu.memory_space<hbm>> -> memref<50008x16xf32, #tpu.memory_space<hbm>>
      tpu.enqueue_indirect_dma source(%dma_start3A_291 : memref<50008x16xf32, #tpu.memory_space<hbm>>) target(%dma_start3A_285 : memref<128x16xf32, #tpu.memory_space<vmem>>) offsets(%dma_start3A_288 : memref<128xi32, #tpu.memory_space<vmem>>) semaphore(%arg14 : memref<!tpu.dma_semaphore, #tpu.memory_space<semaphore_mem>>)
      %dma_start3A_292 = arith.constant 256 : i32
      %dma_start3A_293 = arith.constant 0 : i32
      %dma_start3A_294 = tpu.memref_slice %arg12[%dma_start3A_292, %dma_start3A_293] : memref<512x16xf32, #tpu.memory_space<vmem>> -> memref<128x16xf32, #tpu.memory_space<vmem>>
      %dma_start3A_295 = arith.constant 0 : i32
      %dma_start3A_296 = tpu.memref_slice %arg8[%add3A_242, %dma_start3A_295] : memref<200x128xi32, #tpu.memory_space<vmem>> -> memref<1x128xi32, #tpu.memory_space<vmem>>
      %dma_start3A_297 = tpu.memref_squeeze %dma_start3A_296 : memref<1x128xi32, #tpu.memory_space<vmem>> -> memref<128xi32, #tpu.memory_space<vmem>>
      %dma_start3A_298 = arith.constant 0 : i32
      %dma_start3A_299 = arith.constant 0 : i32
      %dma_start3A_300 = tpu.memref_slice %arg2[%dma_start3A_298, %dma_start3A_299] : memref<50008x16xf32, #tpu.memory_space<hbm>> -> memref<50008x16xf32, #tpu.memory_space<hbm>>
      tpu.enqueue_indirect_dma source(%dma_start3A_300 : memref<50008x16xf32, #tpu.memory_space<hbm>>) target(%dma_start3A_294 : memref<128x16xf32, #tpu.memory_space<vmem>>) offsets(%dma_start3A_297 : memref<128xi32, #tpu.memory_space<vmem>>) semaphore(%arg14 : memref<!tpu.dma_semaphore, #tpu.memory_space<semaphore_mem>>)
      %dma_start3A_301 = arith.constant 384 : i32
      %dma_start3A_302 = arith.constant 0 : i32
      %dma_start3A_303 = tpu.memref_slice %arg10[%dma_start3A_301, %dma_start3A_302] : memref<512x16xf32, #tpu.memory_space<vmem>> -> memref<128x16xf32, #tpu.memory_space<vmem>>
      %dma_start3A_304 = arith.constant 0 : i32
      %dma_start3A_305 = tpu.memref_slice %arg7[%add3A_244, %dma_start3A_304] : memref<200x128xi32, #tpu.memory_space<vmem>> -> memref<1x128xi32, #tpu.memory_space<vmem>>
      %dma_start3A_306 = tpu.memref_squeeze %dma_start3A_305 : memref<1x128xi32, #tpu.memory_space<vmem>> -> memref<128xi32, #tpu.memory_space<vmem>>
      %dma_start3A_307 = arith.constant 0 : i32
      %dma_start3A_308 = arith.constant 0 : i32
      %dma_start3A_309 = tpu.memref_slice %arg2[%dma_start3A_307, %dma_start3A_308] : memref<50008x16xf32, #tpu.memory_space<hbm>> -> memref<50008x16xf32, #tpu.memory_space<hbm>>
      tpu.enqueue_indirect_dma source(%dma_start3A_309 : memref<50008x16xf32, #tpu.memory_space<hbm>>) target(%dma_start3A_303 : memref<128x16xf32, #tpu.memory_space<vmem>>) offsets(%dma_start3A_306 : memref<128xi32, #tpu.memory_space<vmem>>) semaphore(%arg14 : memref<!tpu.dma_semaphore, #tpu.memory_space<semaphore_mem>>)
      %dma_start3A_310 = arith.constant 384 : i32
      %dma_start3A_311 = arith.constant 0 : i32
      %dma_start3A_312 = tpu.memref_slice %arg12[%dma_start3A_310, %dma_start3A_311] : memref<512x16xf32, #tpu.memory_space<vmem>> -> memref<128x16xf32, #tpu.memory_space<vmem>>
      %dma_start3A_313 = arith.constant 0 : i32
      %dma_start3A_314 = tpu.memref_slice %arg8[%add3A_246, %dma_start3A_313] : memref<200x128xi32, #tpu.memory_space<vmem>> -> memref<1x128xi32, #tpu.memory_space<vmem>>
      %dma_start3A_315 = tpu.memref_squeeze %dma_start3A_314 : memref<1x128xi32, #tpu.memory_space<vmem>> -> memref<128xi32, #tpu.memory_space<vmem>>
      %dma_start3A_316 = arith.constant 0 : i32
      %dma_start3A_317 = arith.constant 0 : i32
      %dma_start3A_318 = tpu.memref_slice %arg2[%dma_start3A_316, %dma_start3A_317] : memref<50008x16xf32, #tpu.memory_space<hbm>> -> memref<50008x16xf32, #tpu.memory_space<hbm>>
      tpu.enqueue_indirect_dma source(%dma_start3A_318 : memref<50008x16xf32, #tpu.memory_space<hbm>>) target(%dma_start3A_312 : memref<128x16xf32, #tpu.memory_space<vmem>>) offsets(%dma_start3A_315 : memref<128xi32, #tpu.memory_space<vmem>>) semaphore(%arg14 : memref<!tpu.dma_semaphore, #tpu.memory_space<semaphore_mem>>)
      %sub3A = arith.constant 1 : i32
      %sub3A_319 = arith.subi %add3A_223, %sub3A : i32
      %mul3A_320 = arith.constant 4 : i32
      %mul3A_321 = arith.muli %sub3A_319, %mul3A_320 : i32
      %add3A_322 = arith.constant 0 : i32
      %add3A_323 = arith.addi %mul3A_321, %add3A_322 : i32
      %add3A_324 = arith.constant 0 : i32
      %add3A_325 = arith.addi %mul3A_321, %add3A_324 : i32
      %add3A_326 = arith.constant 1 : i32
      %add3A_327 = arith.addi %mul3A_321, %add3A_326 : i32
      %add3A_328 = arith.constant 1 : i32
      %add3A_329 = arith.addi %mul3A_321, %add3A_328 : i32
      %add3A_330 = arith.constant 2 : i32
      %add3A_331 = arith.addi %mul3A_321, %add3A_330 : i32
      %add3A_332 = arith.constant 2 : i32
      %add3A_333 = arith.addi %mul3A_321, %add3A_332 : i32
      %add3A_334 = arith.constant 3 : i32
      %add3A_335 = arith.addi %mul3A_321, %add3A_334 : i32
      %add3A_336 = arith.constant 3 : i32
      %add3A_337 = arith.addi %mul3A_321, %add3A_336 : i32
      %dma_wait3A_338 = arith.constant 0 : i32
      %dma_wait3A_339 = arith.constant 0 : i32
      %dma_wait3A_340 = tpu.memref_slice %arg9[%dma_wait3A_338, %dma_wait3A_339] : memref<512x16xf32, #tpu.memory_space<vmem>> -> memref<128x16xf32, #tpu.memory_space<vmem>>
      %dma_wait3A_341 = arith.constant 0 : i32
      %dma_wait3A_342 = tpu.memref_slice %arg7[%add3A_323, %dma_wait3A_341] : memref<200x128xi32, #tpu.memory_space<vmem>> -> memref<1x128xi32, #tpu.memory_space<vmem>>
      %dma_wait3A_343 = tpu.memref_squeeze %dma_wait3A_342 : memref<1x128xi32, #tpu.memory_space<vmem>> -> memref<128xi32, #tpu.memory_space<vmem>>
      %dma_wait3A_344 = arith.constant 0 : i32
      %dma_wait3A_345 = arith.constant 0 : i32
      %dma_wait3A_346 = tpu.memref_slice %arg2[%dma_wait3A_344, %dma_wait3A_345] : memref<50008x16xf32, #tpu.memory_space<hbm>> -> memref<50008x16xf32, #tpu.memory_space<hbm>>
      tpu.wait_indirect_dma semaphore(%arg13 : memref<!tpu.dma_semaphore, #tpu.memory_space<semaphore_mem>>) src(%dma_wait3A_346 : memref<50008x16xf32, #tpu.memory_space<hbm>>) dst(%dma_wait3A_340 : memref<128x16xf32, #tpu.memory_space<vmem>>)
      %dma_wait3A_347 = arith.constant 0 : i32
      %dma_wait3A_348 = arith.constant 0 : i32
      %dma_wait3A_349 = tpu.memref_slice %arg11[%dma_wait3A_347, %dma_wait3A_348] : memref<512x16xf32, #tpu.memory_space<vmem>> -> memref<128x16xf32, #tpu.memory_space<vmem>>
      %dma_wait3A_350 = arith.constant 0 : i32
      %dma_wait3A_351 = tpu.memref_slice %arg8[%add3A_325, %dma_wait3A_350] : memref<200x128xi32, #tpu.memory_space<vmem>> -> memref<1x128xi32, #tpu.memory_space<vmem>>
      %dma_wait3A_352 = tpu.memref_squeeze %dma_wait3A_351 : memref<1x128xi32, #tpu.memory_space<vmem>> -> memref<128xi32, #tpu.memory_space<vmem>>
      %dma_wait3A_353 = arith.constant 0 : i32
      %dma_wait3A_354 = arith.constant 0 : i32
      %dma_wait3A_355 = tpu.memref_slice %arg2[%dma_wait3A_353, %dma_wait3A_354] : memref<50008x16xf32, #tpu.memory_space<hbm>> -> memref<50008x16xf32, #tpu.memory_space<hbm>>
      tpu.wait_indirect_dma semaphore(%arg13 : memref<!tpu.dma_semaphore, #tpu.memory_space<semaphore_mem>>) src(%dma_wait3A_355 : memref<50008x16xf32, #tpu.memory_space<hbm>>) dst(%dma_wait3A_349 : memref<128x16xf32, #tpu.memory_space<vmem>>)
      %dma_wait3A_356 = arith.constant 128 : i32
      %dma_wait3A_357 = arith.constant 0 : i32
      %dma_wait3A_358 = tpu.memref_slice %arg9[%dma_wait3A_356, %dma_wait3A_357] : memref<512x16xf32, #tpu.memory_space<vmem>> -> memref<128x16xf32, #tpu.memory_space<vmem>>
      %dma_wait3A_359 = arith.constant 0 : i32
      %dma_wait3A_360 = tpu.memref_slice %arg7[%add3A_327, %dma_wait3A_359] : memref<200x128xi32, #tpu.memory_space<vmem>> -> memref<1x128xi32, #tpu.memory_space<vmem>>
      %dma_wait3A_361 = tpu.memref_squeeze %dma_wait3A_360 : memref<1x128xi32, #tpu.memory_space<vmem>> -> memref<128xi32, #tpu.memory_space<vmem>>
      %dma_wait3A_362 = arith.constant 0 : i32
      %dma_wait3A_363 = arith.constant 0 : i32
      %dma_wait3A_364 = tpu.memref_slice %arg2[%dma_wait3A_362, %dma_wait3A_363] : memref<50008x16xf32, #tpu.memory_space<hbm>> -> memref<50008x16xf32, #tpu.memory_space<hbm>>
      tpu.wait_indirect_dma semaphore(%arg13 : memref<!tpu.dma_semaphore, #tpu.memory_space<semaphore_mem>>) src(%dma_wait3A_364 : memref<50008x16xf32, #tpu.memory_space<hbm>>) dst(%dma_wait3A_358 : memref<128x16xf32, #tpu.memory_space<vmem>>)
      %dma_wait3A_365 = arith.constant 128 : i32
      %dma_wait3A_366 = arith.constant 0 : i32
      %dma_wait3A_367 = tpu.memref_slice %arg11[%dma_wait3A_365, %dma_wait3A_366] : memref<512x16xf32, #tpu.memory_space<vmem>> -> memref<128x16xf32, #tpu.memory_space<vmem>>
      %dma_wait3A_368 = arith.constant 0 : i32
      %dma_wait3A_369 = tpu.memref_slice %arg8[%add3A_329, %dma_wait3A_368] : memref<200x128xi32, #tpu.memory_space<vmem>> -> memref<1x128xi32, #tpu.memory_space<vmem>>
      %dma_wait3A_370 = tpu.memref_squeeze %dma_wait3A_369 : memref<1x128xi32, #tpu.memory_space<vmem>> -> memref<128xi32, #tpu.memory_space<vmem>>
      %dma_wait3A_371 = arith.constant 0 : i32
      %dma_wait3A_372 = arith.constant 0 : i32
      %dma_wait3A_373 = tpu.memref_slice %arg2[%dma_wait3A_371, %dma_wait3A_372] : memref<50008x16xf32, #tpu.memory_space<hbm>> -> memref<50008x16xf32, #tpu.memory_space<hbm>>
      tpu.wait_indirect_dma semaphore(%arg13 : memref<!tpu.dma_semaphore, #tpu.memory_space<semaphore_mem>>) src(%dma_wait3A_373 : memref<50008x16xf32, #tpu.memory_space<hbm>>) dst(%dma_wait3A_367 : memref<128x16xf32, #tpu.memory_space<vmem>>)
      %dma_wait3A_374 = arith.constant 256 : i32
      %dma_wait3A_375 = arith.constant 0 : i32
      %dma_wait3A_376 = tpu.memref_slice %arg9[%dma_wait3A_374, %dma_wait3A_375] : memref<512x16xf32, #tpu.memory_space<vmem>> -> memref<128x16xf32, #tpu.memory_space<vmem>>
      %dma_wait3A_377 = arith.constant 0 : i32
      %dma_wait3A_378 = tpu.memref_slice %arg7[%add3A_331, %dma_wait3A_377] : memref<200x128xi32, #tpu.memory_space<vmem>> -> memref<1x128xi32, #tpu.memory_space<vmem>>
      %dma_wait3A_379 = tpu.memref_squeeze %dma_wait3A_378 : memref<1x128xi32, #tpu.memory_space<vmem>> -> memref<128xi32, #tpu.memory_space<vmem>>
      %dma_wait3A_380 = arith.constant 0 : i32
      %dma_wait3A_381 = arith.constant 0 : i32
      %dma_wait3A_382 = tpu.memref_slice %arg2[%dma_wait3A_380, %dma_wait3A_381] : memref<50008x16xf32, #tpu.memory_space<hbm>> -> memref<50008x16xf32, #tpu.memory_space<hbm>>
      tpu.wait_indirect_dma semaphore(%arg13 : memref<!tpu.dma_semaphore, #tpu.memory_space<semaphore_mem>>) src(%dma_wait3A_382 : memref<50008x16xf32, #tpu.memory_space<hbm>>) dst(%dma_wait3A_376 : memref<128x16xf32, #tpu.memory_space<vmem>>)
      %dma_wait3A_383 = arith.constant 256 : i32
      %dma_wait3A_384 = arith.constant 0 : i32
      %dma_wait3A_385 = tpu.memref_slice %arg11[%dma_wait3A_383, %dma_wait3A_384] : memref<512x16xf32, #tpu.memory_space<vmem>> -> memref<128x16xf32, #tpu.memory_space<vmem>>
      %dma_wait3A_386 = arith.constant 0 : i32
      %dma_wait3A_387 = tpu.memref_slice %arg8[%add3A_333, %dma_wait3A_386] : memref<200x128xi32, #tpu.memory_space<vmem>> -> memref<1x128xi32, #tpu.memory_space<vmem>>
      %dma_wait3A_388 = tpu.memref_squeeze %dma_wait3A_387 : memref<1x128xi32, #tpu.memory_space<vmem>> -> memref<128xi32, #tpu.memory_space<vmem>>
      %dma_wait3A_389 = arith.constant 0 : i32
      %dma_wait3A_390 = arith.constant 0 : i32
      %dma_wait3A_391 = tpu.memref_slice %arg2[%dma_wait3A_389, %dma_wait3A_390] : memref<50008x16xf32, #tpu.memory_space<hbm>> -> memref<50008x16xf32, #tpu.memory_space<hbm>>
      tpu.wait_indirect_dma semaphore(%arg13 : memref<!tpu.dma_semaphore, #tpu.memory_space<semaphore_mem>>) src(%dma_wait3A_391 : memref<50008x16xf32, #tpu.memory_space<hbm>>) dst(%dma_wait3A_385 : memref<128x16xf32, #tpu.memory_space<vmem>>)
      %dma_wait3A_392 = arith.constant 384 : i32
      %dma_wait3A_393 = arith.constant 0 : i32
      %dma_wait3A_394 = tpu.memref_slice %arg9[%dma_wait3A_392, %dma_wait3A_393] : memref<512x16xf32, #tpu.memory_space<vmem>> -> memref<128x16xf32, #tpu.memory_space<vmem>>
      %dma_wait3A_395 = arith.constant 0 : i32
      %dma_wait3A_396 = tpu.memref_slice %arg7[%add3A_335, %dma_wait3A_395] : memref<200x128xi32, #tpu.memory_space<vmem>> -> memref<1x128xi32, #tpu.memory_space<vmem>>
      %dma_wait3A_397 = tpu.memref_squeeze %dma_wait3A_396 : memref<1x128xi32, #tpu.memory_space<vmem>> -> memref<128xi32, #tpu.memory_space<vmem>>
      %dma_wait3A_398 = arith.constant 0 : i32
      %dma_wait3A_399 = arith.constant 0 : i32
      %dma_wait3A_400 = tpu.memref_slice %arg2[%dma_wait3A_398, %dma_wait3A_399] : memref<50008x16xf32, #tpu.memory_space<hbm>> -> memref<50008x16xf32, #tpu.memory_space<hbm>>
      tpu.wait_indirect_dma semaphore(%arg13 : memref<!tpu.dma_semaphore, #tpu.memory_space<semaphore_mem>>) src(%dma_wait3A_400 : memref<50008x16xf32, #tpu.memory_space<hbm>>) dst(%dma_wait3A_394 : memref<128x16xf32, #tpu.memory_space<vmem>>)
      %dma_wait3A_401 = arith.constant 384 : i32
      %dma_wait3A_402 = arith.constant 0 : i32
      %dma_wait3A_403 = tpu.memref_slice %arg11[%dma_wait3A_401, %dma_wait3A_402] : memref<512x16xf32, #tpu.memory_space<vmem>> -> memref<128x16xf32, #tpu.memory_space<vmem>>
      %dma_wait3A_404 = arith.constant 0 : i32
      %dma_wait3A_405 = tpu.memref_slice %arg8[%add3A_337, %dma_wait3A_404] : memref<200x128xi32, #tpu.memory_space<vmem>> -> memref<1x128xi32, #tpu.memory_space<vmem>>
      %dma_wait3A_406 = tpu.memref_squeeze %dma_wait3A_405 : memref<1x128xi32, #tpu.memory_space<vmem>> -> memref<128xi32, #tpu.memory_space<vmem>>
      %dma_wait3A_407 = arith.constant 0 : i32
      %dma_wait3A_408 = arith.constant 0 : i32
      %dma_wait3A_409 = tpu.memref_slice %arg2[%dma_wait3A_407, %dma_wait3A_408] : memref<50008x16xf32, #tpu.memory_space<hbm>> -> memref<50008x16xf32, #tpu.memory_space<hbm>>
      tpu.wait_indirect_dma semaphore(%arg13 : memref<!tpu.dma_semaphore, #tpu.memory_space<semaphore_mem>>) src(%dma_wait3A_409 : memref<50008x16xf32, #tpu.memory_space<hbm>>) dst(%dma_wait3A_403 : memref<128x16xf32, #tpu.memory_space<vmem>>)
      %sub3A_410 = arith.constant 1 : i32
      %sub3A_411 = arith.subi %add3A_223, %sub3A_410 : i32
      %mul3A_412 = arith.constant 512 : i32
      %mul3A_413 = arith.muli %sub3A_411, %mul3A_412 : i32
      %add3A_414 = arith.addi %mul3A_4, %mul3A_413 : i32
      %dma_start3A_415 = arith.constant 0 : i32
      %dma_start3A_416 = tpu.memref_slice %arg5[%add3A_414, %dma_start3A_415] : memref<819200x16xf32, #tpu.memory_space<hbm>> -> memref<512x16xf32, #tpu.memory_space<hbm>>
      %dma_start3A_417 = arith.constant 0 : i32
      %dma_start3A_418 = tpu.memref_slice %arg5[%add3A_414, %dma_start3A_417] : memref<819200x16xf32, #tpu.memory_space<hbm>> -> memref<512x16xf32, #tpu.memory_space<hbm>>
      tpu.enqueue_dma source(%arg9 : memref<512x16xf32, #tpu.memory_space<vmem>>) target(%dma_start3A_418 : memref<512x16xf32, #tpu.memory_space<hbm>>) target_semaphore(%arg15 : memref<!tpu.dma_semaphore, #tpu.memory_space<semaphore_mem>>)
      %dma_start3A_419 = arith.constant 0 : i32
      %dma_start3A_420 = tpu.memref_slice %arg6[%add3A_414, %dma_start3A_419] : memref<819200x16xf32, #tpu.memory_space<hbm>> -> memref<512x16xf32, #tpu.memory_space<hbm>>
      %dma_start3A_421 = arith.constant 0 : i32
      %dma_start3A_422 = tpu.memref_slice %arg6[%add3A_414, %dma_start3A_421] : memref<819200x16xf32, #tpu.memory_space<hbm>> -> memref<512x16xf32, #tpu.memory_space<hbm>>
      tpu.enqueue_dma source(%arg11 : memref<512x16xf32, #tpu.memory_space<vmem>>) target(%dma_start3A_422 : memref<512x16xf32, #tpu.memory_space<hbm>>) target_semaphore(%arg15 : memref<!tpu.dma_semaphore, #tpu.memory_space<semaphore_mem>>)
    }
    %scan3A_9 = arith.constant 25 : i32
    %dma_wait3A = arith.constant 196 : i32
    %dma_wait3A_10 = arith.constant 0 : i32
    %dma_wait3A_11 = arith.constant 0 : i32
    %dma_wait3A_12 = tpu.memref_slice %arg10[%dma_wait3A_10, %dma_wait3A_11] : memref<512x16xf32, #tpu.memory_space<vmem>> -> memref<128x16xf32, #tpu.memory_space<vmem>>
    %dma_wait3A_13 = arith.constant 0 : i32
    %dma_wait3A_14 = tpu.memref_slice %arg7[%dma_wait3A, %dma_wait3A_13] : memref<200x128xi32, #tpu.memory_space<vmem>> -> memref<1x128xi32, #tpu.memory_space<vmem>>
    %dma_wait3A_15 = tpu.memref_squeeze %dma_wait3A_14 : memref<1x128xi32, #tpu.memory_space<vmem>> -> memref<128xi32, #tpu.memory_space<vmem>>
    %dma_wait3A_16 = arith.constant 0 : i32
    %dma_wait3A_17 = arith.constant 0 : i32
    %dma_wait3A_18 = tpu.memref_slice %arg2[%dma_wait3A_16, %dma_wait3A_17] : memref<50008x16xf32, #tpu.memory_space<hbm>> -> memref<50008x16xf32, #tpu.memory_space<hbm>>
    tpu.wait_indirect_dma semaphore(%arg14 : memref<!tpu.dma_semaphore, #tpu.memory_space<semaphore_mem>>) src(%dma_wait3A_18 : memref<50008x16xf32, #tpu.memory_space<hbm>>) dst(%dma_wait3A_12 : memref<128x16xf32, #tpu.memory_space<vmem>>)
    %dma_wait3A_19 = arith.constant 196 : i32
    %dma_wait3A_20 = arith.constant 0 : i32
    %dma_wait3A_21 = arith.constant 0 : i32
    %dma_wait3A_22 = tpu.memref_slice %arg12[%dma_wait3A_20, %dma_wait3A_21] : memref<512x16xf32, #tpu.memory_space<vmem>> -> memref<128x16xf32, #tpu.memory_space<vmem>>
    %dma_wait3A_23 = arith.constant 0 : i32
    %dma_wait3A_24 = tpu.memref_slice %arg8[%dma_wait3A_19, %dma_wait3A_23] : memref<200x128xi32, #tpu.memory_space<vmem>> -> memref<1x128xi32, #tpu.memory_space<vmem>>
    %dma_wait3A_25 = tpu.memref_squeeze %dma_wait3A_24 : memref<1x128xi32, #tpu.memory_space<vmem>> -> memref<128xi32, #tpu.memory_space<vmem>>
    %dma_wait3A_26 = arith.constant 0 : i32
    %dma_wait3A_27 = arith.constant 0 : i32
    %dma_wait3A_28 = tpu.memref_slice %arg2[%dma_wait3A_26, %dma_wait3A_27] : memref<50008x16xf32, #tpu.memory_space<hbm>> -> memref<50008x16xf32, #tpu.memory_space<hbm>>
    tpu.wait_indirect_dma semaphore(%arg14 : memref<!tpu.dma_semaphore, #tpu.memory_space<semaphore_mem>>) src(%dma_wait3A_28 : memref<50008x16xf32, #tpu.memory_space<hbm>>) dst(%dma_wait3A_22 : memref<128x16xf32, #tpu.memory_space<vmem>>)
    %dma_wait3A_29 = arith.constant 197 : i32
    %dma_wait3A_30 = arith.constant 128 : i32
    %dma_wait3A_31 = arith.constant 0 : i32
    %dma_wait3A_32 = tpu.memref_slice %arg10[%dma_wait3A_30, %dma_wait3A_31] : memref<512x16xf32, #tpu.memory_space<vmem>> -> memref<128x16xf32, #tpu.memory_space<vmem>>
    %dma_wait3A_33 = arith.constant 0 : i32
    %dma_wait3A_34 = tpu.memref_slice %arg7[%dma_wait3A_29, %dma_wait3A_33] : memref<200x128xi32, #tpu.memory_space<vmem>> -> memref<1x128xi32, #tpu.memory_space<vmem>>
    %dma_wait3A_35 = tpu.memref_squeeze %dma_wait3A_34 : memref<1x128xi32, #tpu.memory_space<vmem>> -> memref<128xi32, #tpu.memory_space<vmem>>
    %dma_wait3A_36 = arith.constant 0 : i32
    %dma_wait3A_37 = arith.constant 0 : i32
    %dma_wait3A_38 = tpu.memref_slice %arg2[%dma_wait3A_36, %dma_wait3A_37] : memref<50008x16xf32, #tpu.memory_space<hbm>> -> memref<50008x16xf32, #tpu.memory_space<hbm>>
    tpu.wait_indirect_dma semaphore(%arg14 : memref<!tpu.dma_semaphore, #tpu.memory_space<semaphore_mem>>) src(%dma_wait3A_38 : memref<50008x16xf32, #tpu.memory_space<hbm>>) dst(%dma_wait3A_32 : memref<128x16xf32, #tpu.memory_space<vmem>>)
    %dma_wait3A_39 = arith.constant 197 : i32
    %dma_wait3A_40 = arith.constant 128 : i32
    %dma_wait3A_41 = arith.constant 0 : i32
    %dma_wait3A_42 = tpu.memref_slice %arg12[%dma_wait3A_40, %dma_wait3A_41] : memref<512x16xf32, #tpu.memory_space<vmem>> -> memref<128x16xf32, #tpu.memory_space<vmem>>
    %dma_wait3A_43 = arith.constant 0 : i32
    %dma_wait3A_44 = tpu.memref_slice %arg8[%dma_wait3A_39, %dma_wait3A_43] : memref<200x128xi32, #tpu.memory_space<vmem>> -> memref<1x128xi32, #tpu.memory_space<vmem>>
    %dma_wait3A_45 = tpu.memref_squeeze %dma_wait3A_44 : memref<1x128xi32, #tpu.memory_space<vmem>> -> memref<128xi32, #tpu.memory_space<vmem>>
    %dma_wait3A_46 = arith.constant 0 : i32
    %dma_wait3A_47 = arith.constant 0 : i32
    %dma_wait3A_48 = tpu.memref_slice %arg2[%dma_wait3A_46, %dma_wait3A_47] : memref<50008x16xf32, #tpu.memory_space<hbm>> -> memref<50008x16xf32, #tpu.memory_space<hbm>>
    tpu.wait_indirect_dma semaphore(%arg14 : memref<!tpu.dma_semaphore, #tpu.memory_space<semaphore_mem>>) src(%dma_wait3A_48 : memref<50008x16xf32, #tpu.memory_space<hbm>>) dst(%dma_wait3A_42 : memref<128x16xf32, #tpu.memory_space<vmem>>)
    %dma_wait3A_49 = arith.constant 198 : i32
    %dma_wait3A_50 = arith.constant 256 : i32
    %dma_wait3A_51 = arith.constant 0 : i32
    %dma_wait3A_52 = tpu.memref_slice %arg10[%dma_wait3A_50, %dma_wait3A_51] : memref<512x16xf32, #tpu.memory_space<vmem>> -> memref<128x16xf32, #tpu.memory_space<vmem>>
    %dma_wait3A_53 = arith.constant 0 : i32
    %dma_wait3A_54 = tpu.memref_slice %arg7[%dma_wait3A_49, %dma_wait3A_53] : memref<200x128xi32, #tpu.memory_space<vmem>> -> memref<1x128xi32, #tpu.memory_space<vmem>>
    %dma_wait3A_55 = tpu.memref_squeeze %dma_wait3A_54 : memref<1x128xi32, #tpu.memory_space<vmem>> -> memref<128xi32, #tpu.memory_space<vmem>>
    %dma_wait3A_56 = arith.constant 0 : i32
    %dma_wait3A_57 = arith.constant 0 : i32
    %dma_wait3A_58 = tpu.memref_slice %arg2[%dma_wait3A_56, %dma_wait3A_57] : memref<50008x16xf32, #tpu.memory_space<hbm>> -> memref<50008x16xf32, #tpu.memory_space<hbm>>
    tpu.wait_indirect_dma semaphore(%arg14 : memref<!tpu.dma_semaphore, #tpu.memory_space<semaphore_mem>>) src(%dma_wait3A_58 : memref<50008x16xf32, #tpu.memory_space<hbm>>) dst(%dma_wait3A_52 : memref<128x16xf32, #tpu.memory_space<vmem>>)
    %dma_wait3A_59 = arith.constant 198 : i32
    %dma_wait3A_60 = arith.constant 256 : i32
    %dma_wait3A_61 = arith.constant 0 : i32
    %dma_wait3A_62 = tpu.memref_slice %arg12[%dma_wait3A_60, %dma_wait3A_61] : memref<512x16xf32, #tpu.memory_space<vmem>> -> memref<128x16xf32, #tpu.memory_space<vmem>>
    %dma_wait3A_63 = arith.constant 0 : i32
    %dma_wait3A_64 = tpu.memref_slice %arg8[%dma_wait3A_59, %dma_wait3A_63] : memref<200x128xi32, #tpu.memory_space<vmem>> -> memref<1x128xi32, #tpu.memory_space<vmem>>
    %dma_wait3A_65 = tpu.memref_squeeze %dma_wait3A_64 : memref<1x128xi32, #tpu.memory_space<vmem>> -> memref<128xi32, #tpu.memory_space<vmem>>
    %dma_wait3A_66 = arith.constant 0 : i32
    %dma_wait3A_67 = arith.constant 0 : i32
    %dma_wait3A_68 = tpu.memref_slice %arg2[%dma_wait3A_66, %dma_wait3A_67] : memref<50008x16xf32, #tpu.memory_space<hbm>> -> memref<50008x16xf32, #tpu.memory_space<hbm>>
    tpu.wait_indirect_dma semaphore(%arg14 : memref<!tpu.dma_semaphore, #tpu.memory_space<semaphore_mem>>) src(%dma_wait3A_68 : memref<50008x16xf32, #tpu.memory_space<hbm>>) dst(%dma_wait3A_62 : memref<128x16xf32, #tpu.memory_space<vmem>>)
    %dma_wait3A_69 = arith.constant 199 : i32
    %dma_wait3A_70 = arith.constant 384 : i32
    %dma_wait3A_71 = arith.constant 0 : i32
    %dma_wait3A_72 = tpu.memref_slice %arg10[%dma_wait3A_70, %dma_wait3A_71] : memref<512x16xf32, #tpu.memory_space<vmem>> -> memref<128x16xf32, #tpu.memory_space<vmem>>
    %dma_wait3A_73 = arith.constant 0 : i32
    %dma_wait3A_74 = tpu.memref_slice %arg7[%dma_wait3A_69, %dma_wait3A_73] : memref<200x128xi32, #tpu.memory_space<vmem>> -> memref<1x128xi32, #tpu.memory_space<vmem>>
    %dma_wait3A_75 = tpu.memref_squeeze %dma_wait3A_74 : memref<1x128xi32, #tpu.memory_space<vmem>> -> memref<128xi32, #tpu.memory_space<vmem>>
    %dma_wait3A_76 = arith.constant 0 : i32
    %dma_wait3A_77 = arith.constant 0 : i32
    %dma_wait3A_78 = tpu.memref_slice %arg2[%dma_wait3A_76, %dma_wait3A_77] : memref<50008x16xf32, #tpu.memory_space<hbm>> -> memref<50008x16xf32, #tpu.memory_space<hbm>>
    tpu.wait_indirect_dma semaphore(%arg14 : memref<!tpu.dma_semaphore, #tpu.memory_space<semaphore_mem>>) src(%dma_wait3A_78 : memref<50008x16xf32, #tpu.memory_space<hbm>>) dst(%dma_wait3A_72 : memref<128x16xf32, #tpu.memory_space<vmem>>)
    %dma_wait3A_79 = arith.constant 199 : i32
    %dma_wait3A_80 = arith.constant 384 : i32
    %dma_wait3A_81 = arith.constant 0 : i32
    %dma_wait3A_82 = tpu.memref_slice %arg12[%dma_wait3A_80, %dma_wait3A_81] : memref<512x16xf32, #tpu.memory_space<vmem>> -> memref<128x16xf32, #tpu.memory_space<vmem>>
    %dma_wait3A_83 = arith.constant 0 : i32
    %dma_wait3A_84 = tpu.memref_slice %arg8[%dma_wait3A_79, %dma_wait3A_83] : memref<200x128xi32, #tpu.memory_space<vmem>> -> memref<1x128xi32, #tpu.memory_space<vmem>>
    %dma_wait3A_85 = tpu.memref_squeeze %dma_wait3A_84 : memref<1x128xi32, #tpu.memory_space<vmem>> -> memref<128xi32, #tpu.memory_space<vmem>>
    %dma_wait3A_86 = arith.constant 0 : i32
    %dma_wait3A_87 = arith.constant 0 : i32
    %dma_wait3A_88 = tpu.memref_slice %arg2[%dma_wait3A_86, %dma_wait3A_87] : memref<50008x16xf32, #tpu.memory_space<hbm>> -> memref<50008x16xf32, #tpu.memory_space<hbm>>
    tpu.wait_indirect_dma semaphore(%arg14 : memref<!tpu.dma_semaphore, #tpu.memory_space<semaphore_mem>>) src(%dma_wait3A_88 : memref<50008x16xf32, #tpu.memory_space<hbm>>) dst(%dma_wait3A_82 : memref<128x16xf32, #tpu.memory_space<vmem>>)
    %add3A_89 = arith.constant 25088 : i32
    %add3A_90 = arith.addi %mul3A_4, %add3A_89 : i32
    %dma_start3A = arith.constant 0 : i32
    %dma_start3A_91 = tpu.memref_slice %arg5[%add3A_90, %dma_start3A] : memref<819200x16xf32, #tpu.memory_space<hbm>> -> memref<512x16xf32, #tpu.memory_space<hbm>>
    %dma_start3A_92 = arith.constant 0 : i32
    %dma_start3A_93 = tpu.memref_slice %arg5[%add3A_90, %dma_start3A_92] : memref<819200x16xf32, #tpu.memory_space<hbm>> -> memref<512x16xf32, #tpu.memory_space<hbm>>
    tpu.enqueue_dma source(%arg10 : memref<512x16xf32, #tpu.memory_space<vmem>>) target(%dma_start3A_93 : memref<512x16xf32, #tpu.memory_space<hbm>>) target_semaphore(%arg16 : memref<!tpu.dma_semaphore, #tpu.memory_space<semaphore_mem>>)
    %dma_start3A_94 = arith.constant 0 : i32
    %dma_start3A_95 = tpu.memref_slice %arg6[%add3A_90, %dma_start3A_94] : memref<819200x16xf32, #tpu.memory_space<hbm>> -> memref<512x16xf32, #tpu.memory_space<hbm>>
    %dma_start3A_96 = arith.constant 0 : i32
    %dma_start3A_97 = tpu.memref_slice %arg6[%add3A_90, %dma_start3A_96] : memref<819200x16xf32, #tpu.memory_space<hbm>> -> memref<512x16xf32, #tpu.memory_space<hbm>>
    tpu.enqueue_dma source(%arg12 : memref<512x16xf32, #tpu.memory_space<vmem>>) target(%dma_start3A_97 : memref<512x16xf32, #tpu.memory_space<hbm>>) target_semaphore(%arg16 : memref<!tpu.dma_semaphore, #tpu.memory_space<semaphore_mem>>)
    %add3A_98 = arith.constant 24576 : i32
    %add3A_99 = arith.addi %mul3A_4, %add3A_98 : i32
    %dma_wait3A_100 = arith.constant 0 : i32
    %dma_wait3A_101 = tpu.memref_slice %arg5[%add3A_99, %dma_wait3A_100] : memref<819200x16xf32, #tpu.memory_space<hbm>> -> memref<512x16xf32, #tpu.memory_space<hbm>>
    %dma_wait3A_102 = arith.constant 0 : i32
    %dma_wait3A_103 = tpu.memref_slice %arg5[%add3A_99, %dma_wait3A_102] : memref<819200x16xf32, #tpu.memory_space<hbm>> -> memref<512x16xf32, #tpu.memory_space<hbm>>
    tpu.wait_dma2 semaphore(%arg15 : memref<!tpu.dma_semaphore, #tpu.memory_space<semaphore_mem>>) src(%arg9 : memref<512x16xf32, #tpu.memory_space<vmem>>) dst(%dma_wait3A_103 : memref<512x16xf32, #tpu.memory_space<hbm>>)
    %dma_wait3A_104 = arith.constant 0 : i32
    %dma_wait3A_105 = tpu.memref_slice %arg6[%add3A_99, %dma_wait3A_104] : memref<819200x16xf32, #tpu.memory_space<hbm>> -> memref<512x16xf32, #tpu.memory_space<hbm>>
    %dma_wait3A_106 = arith.constant 0 : i32
    %dma_wait3A_107 = tpu.memref_slice %arg6[%add3A_99, %dma_wait3A_106] : memref<819200x16xf32, #tpu.memory_space<hbm>> -> memref<512x16xf32, #tpu.memory_space<hbm>>
    tpu.wait_dma2 semaphore(%arg15 : memref<!tpu.dma_semaphore, #tpu.memory_space<semaphore_mem>>) src(%arg11 : memref<512x16xf32, #tpu.memory_space<vmem>>) dst(%dma_wait3A_107 : memref<512x16xf32, #tpu.memory_space<hbm>>)
    %add3A_108 = arith.constant 25088 : i32
    %add3A_109 = arith.addi %mul3A_4, %add3A_108 : i32
    %dma_wait3A_110 = arith.constant 0 : i32
    %dma_wait3A_111 = tpu.memref_slice %arg5[%add3A_109, %dma_wait3A_110] : memref<819200x16xf32, #tpu.memory_space<hbm>> -> memref<512x16xf32, #tpu.memory_space<hbm>>
    %dma_wait3A_112 = arith.constant 0 : i32
    %dma_wait3A_113 = tpu.memref_slice %arg5[%add3A_109, %dma_wait3A_112] : memref<819200x16xf32, #tpu.memory_space<hbm>> -> memref<512x16xf32, #tpu.memory_space<hbm>>
    tpu.wait_dma2 semaphore(%arg16 : memref<!tpu.dma_semaphore, #tpu.memory_space<semaphore_mem>>) src(%arg10 : memref<512x16xf32, #tpu.memory_space<vmem>>) dst(%dma_wait3A_113 : memref<512x16xf32, #tpu.memory_space<hbm>>)
    %dma_wait3A_114 = arith.constant 0 : i32
    %dma_wait3A_115 = tpu.memref_slice %arg6[%add3A_109, %dma_wait3A_114] : memref<819200x16xf32, #tpu.memory_space<hbm>> -> memref<512x16xf32, #tpu.memory_space<hbm>>
    %dma_wait3A_116 = arith.constant 0 : i32
    %dma_wait3A_117 = tpu.memref_slice %arg6[%add3A_109, %dma_wait3A_116] : memref<819200x16xf32, #tpu.memory_space<hbm>> -> memref<512x16xf32, #tpu.memory_space<hbm>>
    tpu.wait_dma2 semaphore(%arg16 : memref<!tpu.dma_semaphore, #tpu.memory_space<semaphore_mem>>) src(%arg12 : memref<512x16xf32, #tpu.memory_space<vmem>>) dst(%dma_wait3A_117 : memref<512x16xf32, #tpu.memory_space<hbm>>)
    return
  }
}

module attributes {stable_mosaic.version = 14 : i64} {
  func.func @_tc_prep_body(%arg0: i32, %arg1: memref<2000x13xf32, #tpu.memory_space<vmem>>, %arg2: memref<2000x1xi32, #tpu.memory_space<vmem>>, %arg3: memref<4x3xf32, #tpu.memory_space<vmem>>, %arg4: memref<16x12xf32, #tpu.memory_space<vmem>>, %arg5: memref<1x12xf32, #tpu.memory_space<vmem>>, %arg6: memref<12x8xf32, #tpu.memory_space<vmem>>, %arg7: memref<1x8xf32, #tpu.memory_space<vmem>>, %arg8: memref<2000x16xf32, #tpu.memory_space<vmem>>, %arg9: memref<2000x8xf32, #tpu.memory_space<vmem>>) attributes {dimension_semantics = [#tpu.dimension_semantics<arbitrary>], iteration_bounds = array<i64: 25>, scalar_prefetch = 0 : i64, scratch_operands = 0 : i64, tpu.core_type = #tpu.core_type<tc>, window_params = [{transform_indices = @transform_0, window_bounds = array<i64: 2000, 13>}, {transform_indices = @transform_1, window_bounds = array<i64: 2000, 1>}, {pipeline_mode = #tpu.pipeline_mode<synchronous>, transform_indices = @transform_2, window_bounds = array<i64: 4, 3>}, {pipeline_mode = #tpu.pipeline_mode<synchronous>, transform_indices = @transform_3, window_bounds = array<i64: 16, 12>}, {pipeline_mode = #tpu.pipeline_mode<synchronous>, transform_indices = @transform_4, window_bounds = array<i64: 1, 12>}, {pipeline_mode = #tpu.pipeline_mode<synchronous>, transform_indices = @transform_5, window_bounds = array<i64: 12, 8>}, {pipeline_mode = #tpu.pipeline_mode<synchronous>, transform_indices = @transform_6, window_bounds = array<i64: 1, 8>}, {transform_indices = @transform_7, window_bounds = array<i64: 2000, 16>}, {transform_indices = @transform_8, window_bounds = array<i64: 2000, 8>}]} {
    %get3A = arith.constant 0 : index
    %get3A_0 = arith.constant 0 : index
    %get3A_1 = vector.load %arg2[%get3A, %get3A_0] : memref<2000x1xi32, #tpu.memory_space<vmem>>, vector<2000x1xi32>
    %iota3A = tpu.iota {dimensions = array<i32: 1>} : vector<2000x4xi32>
    %eq3A = vector.broadcast %get3A_1 : vector<2000x1xi32> to vector<2000x4xi32>
    %eq3A_2 = arith.cmpi eq, %iota3A, %eq3A : vector<2000x4xi32>
    %convert_element_type3A = arith.extui %eq3A_2 : vector<2000x4xi1> to vector<2000x4xi32>
    %convert_element_type3A_3 = arith.sitofp %convert_element_type3A : vector<2000x4xi32> to vector<2000x4xf32>
    %get3A_4 = arith.constant 0 : index
    %get3A_5 = arith.constant 0 : index
    %get3A_6 = vector.load %arg1[%get3A_4, %get3A_5] : memref<2000x13xf32, #tpu.memory_space<vmem>>, vector<2000x13xf32>
    %get3A_7 = arith.constant 0 : index
    %get3A_8 = arith.constant 0 : index
    %get3A_9 = vector.load %arg3[%get3A_7, %get3A_8] : memref<4x3xf32, #tpu.memory_space<vmem>>, vector<4x3xf32>
    %dot_general3A = arith.constant dense<0.000000e+00> : vector<2000x3xf32>
    %dot_general3A_10 = tpu.matmul %convert_element_type3A_3, %get3A_9, %dot_general3A {dimension_numbers = #tpu.dot_dimension_numbers<[1], [0], [0], [1], [0, 0, 1, 1], [], []>, transpose_lhs_hint = false} : vector<2000x4xf32>, vector<4x3xf32>, vector<2000x3xf32> -> vector<2000x3xf32>
    %concatenate3A = tpu.concatenate %get3A_6, %dot_general3A_10 in 1 : vector<2000x13xf32>, vector<2000x3xf32> -> vector<2000x16xf32>
    %swap3A = arith.constant 0 : index
    %swap3A_11 = arith.constant 0 : index
    %swap3A_12 = vector.load %arg8[%swap3A, %swap3A_11] : memref<2000x16xf32, #tpu.memory_space<vmem>>, vector<2000x16xf32>
    tpu.vector_store %arg8[%swap3A, %swap3A_11], %concatenate3A {strides = array<i32>} : memref<2000x16xf32, #tpu.memory_space<vmem>>, vector<2000x16xf32>,
    %get3A_13 = arith.constant 0 : index
    %get3A_14 = arith.constant 0 : index
    %get3A_15 = vector.load %arg4[%get3A_13, %get3A_14] : memref<16x12xf32, #tpu.memory_space<vmem>>, vector<16x12xf32>
    %get3A_16 = arith.constant 0 : index
    %get3A_17 = arith.constant 0 : index
    %get3A_18 = vector.load %arg5[%get3A_16, %get3A_17] : memref<1x12xf32, #tpu.memory_space<vmem>>, vector<1x12xf32>
    %get3A_19 = arith.constant 0 : index
    %get3A_20 = arith.constant 0 : index
    %get3A_21 = vector.load %arg6[%get3A_19, %get3A_20] : memref<12x8xf32, #tpu.memory_space<vmem>>, vector<12x8xf32>
    %get3A_22 = arith.constant 0 : index
    %get3A_23 = arith.constant 0 : index
    %get3A_24 = vector.load %arg7[%get3A_22, %get3A_23] : memref<1x8xf32, #tpu.memory_space<vmem>>, vector<1x8xf32>
    %dot_general3A_25 = arith.constant dense<0.000000e+00> : vector<2000x12xf32>
    %dot_general3A_26 = tpu.matmul %concatenate3A, %get3A_15, %dot_general3A_25 {dimension_numbers = #tpu.dot_dimension_numbers<[1], [0], [0], [1], [0, 0, 1, 1], [], []>, transpose_lhs_hint = false} : vector<2000x16xf32>, vector<16x12xf32>, vector<2000x12xf32> -> vector<2000x12xf32>
    %add3A = vector.broadcast %get3A_18 : vector<1x12xf32> to vector<2000x12xf32>
    %add3A_27 = arith.addf %dot_general3A_26, %add3A : vector<2000x12xf32>
    %max3A = arith.constant 0.000000e+00 : f32
    %max3A_28 = vector.broadcast %max3A : f32 to vector<2000x12xf32>
    %max3A_29 = arith.maximumf %add3A_27, %max3A_28 : vector<2000x12xf32>
    %dot_general3A_30 = arith.constant dense<0.000000e+00> : vector<2000x8xf32>
    %dot_general3A_31 = tpu.matmul %max3A_29, %get3A_21, %dot_general3A_30 {dimension_numbers = #tpu.dot_dimension_numbers<[1], [0], [0], [1], [0, 0, 1, 1], [], []>, transpose_lhs_hint = false} : vector<2000x12xf32>, vector<12x8xf32>, vector<2000x8xf32> -> vector<2000x8xf32>
    %add3A_32 = vector.broadcast %get3A_24 : vector<1x8xf32> to vector<2000x8xf32>
    %add3A_33 = arith.addf %dot_general3A_31, %add3A_32 : vector<2000x8xf32>
    %tanh3A = math.tanh %add3A_33 : vector<2000x8xf32>
    %swap3A_34 = arith.constant 0 : index
    %swap3A_35 = arith.constant 0 : index
    %swap3A_36 = vector.load %arg9[%swap3A_34, %swap3A_35] : memref<2000x8xf32, #tpu.memory_space<vmem>>, vector<2000x8xf32>
    tpu.vector_store %arg9[%swap3A_34, %swap3A_35], %tanh3A {strides = array<i32>} : memref<2000x8xf32, #tpu.memory_space<vmem>>, vector<2000x8xf32>,
    return
  }
  func.func @transform_0(%arg0: i32) -> (i32, i32) {
    %c0_i32 = arith.constant 0 : i32
    %c0_i32_0 = arith.constant 0 : i32
    return %arg0, %c0_i32 : i32, i32
  }
  func.func @transform_1(%arg0: i32) -> (i32, i32) {
    %c0_i32 = arith.constant 0 : i32
    %c0_i32_0 = arith.constant 0 : i32
    return %arg0, %c0_i32 : i32, i32
  }
  func.func @transform_2(%arg0: i32) -> (i32, i32) {
    %c0_i32 = arith.constant 0 : i32
    %c0_i32_0 = arith.constant 0 : i32
    %c0_i32_1 = arith.constant 0 : i32
    return %c0_i32, %c0_i32_0 : i32, i32
  }
  func.func @transform_3(%arg0: i32) -> (i32, i32) {
    %c0_i32 = arith.constant 0 : i32
    %c0_i32_0 = arith.constant 0 : i32
    %c0_i32_1 = arith.constant 0 : i32
    return %c0_i32, %c0_i32_0 : i32, i32
  }
  func.func @transform_4(%arg0: i32) -> (i32, i32) {
    %c0_i32 = arith.constant 0 : i32
    %c0_i32_0 = arith.constant 0 : i32
    %c0_i32_1 = arith.constant 0 : i32
    return %c0_i32, %c0_i32_0 : i32, i32
  }
  func.func @transform_5(%arg0: i32) -> (i32, i32) {
    %c0_i32 = arith.constant 0 : i32
    %c0_i32_0 = arith.constant 0 : i32
    %c0_i32_1 = arith.constant 0 : i32
    return %c0_i32, %c0_i32_0 : i32, i32
  }
  func.func @transform_6(%arg0: i32) -> (i32, i32) {
    %c0_i32 = arith.constant 0 : i32
    %c0_i32_0 = arith.constant 0 : i32
    %c0_i32_1 = arith.constant 0 : i32
    return %c0_i32, %c0_i32_0 : i32, i32
  }
  func.func @transform_7(%arg0: i32) -> (i32, i32) {
    %c0_i32 = arith.constant 0 : i32
    %c0_i32_0 = arith.constant 0 : i32
    return %arg0, %c0_i32 : i32, i32
  }
  func.func @transform_8(%arg0: i32) -> (i32, i32) {
    %c0_i32 = arith.constant 0 : i32
    %c0_i32_0 = arith.constant 0 : i32
    return %arg0, %c0_i32 : i32, i32
  }
}

module attributes {stable_mosaic.version = 14 : i64} {
  func.func @body(%arg0: i32, %arg1: memref<1024x128xf32, #tpu.memory_space<vmem>>, %arg2: memref<1024x128xf32, #tpu.memory_space<vmem>>, %arg3: memref<1024x8xf32, #tpu.memory_space<vmem>>, %arg4: memref<256x160xbf16, #tpu.memory_space<vmem>>, %arg5: memref<8x160xf32, #tpu.memory_space<vmem>>, %arg6: memref<1x160xf32, #tpu.memory_space<vmem>>, %arg7: memref<160x64xbf16, #tpu.memory_space<vmem>>, %arg8: memref<1x64xf32, #tpu.memory_space<vmem>>, %arg9: memref<1024x64xf32, #tpu.memory_space<vmem>>) attributes {dimension_semantics = [#tpu.dimension_semantics<arbitrary>], iteration_bounds = array<i64: 100>, scalar_prefetch = 0 : i64, scratch_operands = 0 : i64, tpu.core_type = #tpu.core_type<tc>, window_params = [{transform_indices = @transform_0, window_bounds = array<i64: 1024, 128>}, {transform_indices = @transform_1, window_bounds = array<i64: 1024, 128>}, {transform_indices = @transform_2, window_bounds = array<i64: 1024, 8>}, {pipeline_mode = #tpu.pipeline_mode<synchronous>, transform_indices = @transform_3, window_bounds = array<i64: 256, 160>}, {pipeline_mode = #tpu.pipeline_mode<synchronous>, transform_indices = @transform_4, window_bounds = array<i64: 8, 160>}, {pipeline_mode = #tpu.pipeline_mode<synchronous>, transform_indices = @transform_5, window_bounds = array<i64: 1, 160>}, {pipeline_mode = #tpu.pipeline_mode<synchronous>, transform_indices = @transform_6, window_bounds = array<i64: 160, 64>}, {pipeline_mode = #tpu.pipeline_mode<synchronous>, transform_indices = @transform_7, window_bounds = array<i64: 1, 64>}, {transform_indices = @transform_8, window_bounds = array<i64: 1024, 64>}]} {
    %get3A = arith.constant 0 : index
    %get3A_0 = arith.constant 0 : index
    %get3A_1 = vector.load %arg1[%get3A, %get3A_0] : memref<1024x128xf32, #tpu.memory_space<vmem>>, vector<1024x128xf32>
    %get3A_2 = arith.constant 0 : index
    %get3A_3 = arith.constant 0 : index
    %get3A_4 = vector.load %arg2[%get3A_2, %get3A_3] : memref<1024x128xf32, #tpu.memory_space<vmem>>, vector<1024x128xf32>
    %concatenate3A = tpu.concatenate %get3A_1, %get3A_4 in 1 : vector<1024x128xf32>, vector<1024x128xf32> -> vector<1024x256xf32>
    %convert_element_type3A = arith.truncf %concatenate3A : vector<1024x256xf32> to vector<1024x256xbf16>
    %get3A_5 = arith.constant 0 : index
    %get3A_6 = arith.constant 0 : index
    %get3A_7 = vector.load %arg4[%get3A_5, %get3A_6] : memref<256x160xbf16, #tpu.memory_space<vmem>>, vector<256x160xbf16>
    %dot_general3A = arith.constant dense<0.000000e+00> : vector<1024x160xf32>
    %dot_general3A_8 = tpu.matmul %convert_element_type3A, %get3A_7, %dot_general3A {dimension_numbers = #tpu.dot_dimension_numbers<[1], [0], [0], [1], [0, 0, 1, 1], [], []>, transpose_lhs_hint = false} : vector<1024x256xbf16>, vector<256x160xbf16>, vector<1024x160xf32> -> vector<1024x160xf32>
    %get3A_9 = arith.constant 0 : index
    %get3A_10 = arith.constant 0 : index
    %get3A_11 = vector.load %arg3[%get3A_9, %get3A_10] : memref<1024x8xf32, #tpu.memory_space<vmem>>, vector<1024x8xf32>
    %get3A_12 = arith.constant 0 : index
    %get3A_13 = arith.constant 0 : index
    %get3A_14 = vector.load %arg5[%get3A_12, %get3A_13] : memref<8x160xf32, #tpu.memory_space<vmem>>, vector<8x160xf32>
    %dot_general3A_15 = arith.constant dense<0.000000e+00> : vector<1024x160xf32>
    %dot_general3A_16 = tpu.matmul %get3A_11, %get3A_14, %dot_general3A_15 {dimension_numbers = #tpu.dot_dimension_numbers<[1], [0], [0], [1], [0, 0, 1, 1], [], []>, transpose_lhs_hint = false} : vector<1024x8xf32>, vector<8x160xf32>, vector<1024x160xf32> -> vector<1024x160xf32>
    %add3A = arith.addf %dot_general3A_8, %dot_general3A_16 : vector<1024x160xf32>
    %get3A_17 = arith.constant 0 : index
    %get3A_18 = arith.constant 0 : index
    %get3A_19 = vector.load %arg6[%get3A_17, %get3A_18] : memref<1x160xf32, #tpu.memory_space<vmem>>, vector<1x160xf32>
    %add3A_20 = vector.broadcast %get3A_19 : vector<1x160xf32> to vector<1024x160xf32>
    %add3A_21 = arith.addf %add3A, %add3A_20 : vector<1024x160xf32>
    %max3A = arith.constant 0.000000e+00 : f32
    %max3A_22 = vector.broadcast %max3A : f32 to vector<1024x160xf32>
    %max3A_23 = arith.maximumf %add3A_21, %max3A_22 : vector<1024x160xf32>
    %convert_element_type3A_24 = arith.truncf %max3A_23 : vector<1024x160xf32> to vector<1024x160xbf16>
    %get3A_25 = arith.constant 0 : index
    %get3A_26 = arith.constant 0 : index
    %get3A_27 = vector.load %arg7[%get3A_25, %get3A_26] : memref<160x64xbf16, #tpu.memory_space<vmem>>, vector<160x64xbf16>
    %dot_general3A_28 = arith.constant dense<0.000000e+00> : vector<1024x64xf32>
    %dot_general3A_29 = tpu.matmul %convert_element_type3A_24, %get3A_27, %dot_general3A_28 {dimension_numbers = #tpu.dot_dimension_numbers<[1], [0], [0], [1], [0, 0, 1, 1], [], []>, transpose_lhs_hint = false} : vector<1024x160xbf16>, vector<160x64xbf16>, vector<1024x64xf32> -> vector<1024x64xf32>
    %get3A_30 = arith.constant 0 : index
    %get3A_31 = arith.constant 0 : index
    %get3A_32 = vector.load %arg8[%get3A_30, %get3A_31] : memref<1x64xf32, #tpu.memory_space<vmem>>, vector<1x64xf32>
    %add3A_33 = vector.broadcast %get3A_32 : vector<1x64xf32> to vector<1024x64xf32>
    %add3A_34 = arith.addf %dot_general3A_29, %add3A_33 : vector<1024x64xf32>
    %tanh3A = math.tanh %add3A_34 : vector<1024x64xf32>
    %swap3A = arith.constant 0 : index
    %swap3A_35 = arith.constant 0 : index
    %swap3A_36 = vector.load %arg9[%swap3A, %swap3A_35] : memref<1024x64xf32, #tpu.memory_space<vmem>>, vector<1024x64xf32>
    tpu.vector_store %arg9[%swap3A, %swap3A_35], %tanh3A {strides = array<i32>} : memref<1024x64xf32, #tpu.memory_space<vmem>>, vector<1024x64xf32>,
    return
  }
  func.func @transform_0(%arg0: i32) -> (i32, i32) {
    %c0_i32 = arith.constant 0 : i32
    %c0_i32_0 = arith.constant 0 : i32
    return %arg0, %c0_i32 : i32, i32
  }
  func.func @transform_1(%arg0: i32) -> (i32, i32) {
    %c0_i32 = arith.constant 0 : i32
    %c0_i32_0 = arith.constant 0 : i32
    return %arg0, %c0_i32 : i32, i32
  }
  func.func @transform_2(%arg0: i32) -> (i32, i32) {
    %c0_i32 = arith.constant 0 : i32
    %c0_i32_0 = arith.constant 0 : i32
    return %arg0, %c0_i32 : i32, i32
  }
  func.func @transform_3(%arg0: i32) -> (i32, i32) {
    %c0_i32 = arith.constant 0 : i32
    %c0_i32_0 = arith.constant 0 : i32
    %c0_i32_1 = arith.constant 0 : i32
    return %c0_i32, %c0_i32_0 : i32, i32
  }
  func.func @transform_4(%arg0: i32) -> (i32, i32) {
    %c0_i32 = arith.constant 0 : i32
    %c0_i32_0 = arith.constant 0 : i32
    %c0_i32_1 = arith.constant 0 : i32
    return %c0_i32, %c0_i32_0 : i32, i32
  }
  func.func @transform_5(%arg0: i32) -> (i32, i32) {
    %c0_i32 = arith.constant 0 : i32
    %c0_i32_0 = arith.constant 0 : i32
    %c0_i32_1 = arith.constant 0 : i32
    return %c0_i32, %c0_i32_0 : i32, i32
  }
  func.func @transform_6(%arg0: i32) -> (i32, i32) {
    %c0_i32 = arith.constant 0 : i32
    %c0_i32_0 = arith.constant 0 : i32
    %c0_i32_1 = arith.constant 0 : i32
    return %c0_i32, %c0_i32_0 : i32, i32
  }
  func.func @transform_7(%arg0: i32) -> (i32, i32) {
    %c0_i32 = arith.constant 0 : i32
    %c0_i32_0 = arith.constant 0 : i32
    %c0_i32_1 = arith.constant 0 : i32
    return %c0_i32, %c0_i32_0 : i32, i32
  }
  func.func @transform_8(%arg0: i32) -> (i32, i32) {
    %c0_i32 = arith.constant 0 : i32
    %c0_i32_0 = arith.constant 0 : i32
    return %arg0, %c0_i32 : i32, i32
  }
}

module attributes {stable_mosaic.version = 14 : i64} {
  func.func @_tc_node0_body(%arg0: i32, %arg1: memref<2x2000x8xf32, #tpu.memory_space<vmem>>, %arg2: memref<2000x8xf32, #tpu.memory_space<vmem>>, %arg3: memref<2000x16xf32, #tpu.memory_space<vmem>>, %arg4: memref<8x8xf32, #tpu.memory_space<vmem>>, %arg5: memref<1x8xf32, #tpu.memory_space<vmem>>, %arg6: memref<8x8xf32, #tpu.memory_space<vmem>>, %arg7: memref<1x8xf32, #tpu.memory_space<vmem>>, %arg8: memref<32x20xf32, #tpu.memory_space<vmem>>, %arg9: memref<1x20xf32, #tpu.memory_space<vmem>>, %arg10: memref<20x8xf32, #tpu.memory_space<vmem>>, %arg11: memref<1x8xf32, #tpu.memory_space<vmem>>, %arg12: memref<2000x16xf32, #tpu.memory_space<vmem>>, %arg13: memref<2000x8xf32, #tpu.memory_space<vmem>>) attributes {dimension_semantics = [#tpu.dimension_semantics<arbitrary>], iteration_bounds = array<i64: 25>, scalar_prefetch = 0 : i64, scratch_operands = 0 : i64, tpu.core_type = #tpu.core_type<tc>, window_params = [{transform_indices = @transform_0, window_bounds = array<i64: 2, 2000, 8>}, {transform_indices = @transform_1, window_bounds = array<i64: 2000, 8>}, {transform_indices = @transform_2, window_bounds = array<i64: 2000, 16>}, {pipeline_mode = #tpu.pipeline_mode<synchronous>, transform_indices = @transform_3, window_bounds = array<i64: 8, 8>}, {pipeline_mode = #tpu.pipeline_mode<synchronous>, transform_indices = @transform_4, window_bounds = array<i64: 1, 8>}, {pipeline_mode = #tpu.pipeline_mode<synchronous>, transform_indices = @transform_5, window_bounds = array<i64: 8, 8>}, {pipeline_mode = #tpu.pipeline_mode<synchronous>, transform_indices = @transform_6, window_bounds = array<i64: 1, 8>}, {pipeline_mode = #tpu.pipeline_mode<synchronous>, transform_indices = @transform_7, window_bounds = array<i64: 32, 20>}, {pipeline_mode = #tpu.pipeline_mode<synchronous>, transform_indices = @transform_8, window_bounds = array<i64: 1, 20>}, {pipeline_mode = #tpu.pipeline_mode<synchronous>, transform_indices = @transform_9, window_bounds = array<i64: 20, 8>}, {pipeline_mode = #tpu.pipeline_mode<synchronous>, transform_indices = @transform_10, window_bounds = array<i64: 1, 8>}, {transform_indices = @transform_11, window_bounds = array<i64: 2000, 16>}, {transform_indices = @transform_12, window_bounds = array<i64: 2000, 8>}]} {
    %get3A = arith.constant 0 : index
    %get3A_0 = arith.constant 0 : index
    %get3A_1 = arith.constant 0 : index
    %get3A_2 = vector.load %arg1[%get3A, %get3A_0, %get3A_1] : memref<2x2000x8xf32, #tpu.memory_space<vmem>>, vector<2x2000x8xf32>
    %slice3A = vector.extract_strided_slice %get3A_2 {offsets = [0, 0, 0], sizes = [1, 2000, 8], strides = [1, 1, 1]} : vector<2x2000x8xf32> to vector<1x2000x8xf32>
    %squeeze3A = vector.shape_cast %slice3A : vector<1x2000x8xf32> to vector<2000x8xf32>
    %slice3A_3 = vector.extract_strided_slice %get3A_2 {offsets = [1, 0, 0], sizes = [1, 2000, 8], strides = [1, 1, 1]} : vector<2x2000x8xf32> to vector<1x2000x8xf32>
    %squeeze3A_4 = vector.shape_cast %slice3A_3 : vector<1x2000x8xf32> to vector<2000x8xf32>
    %add3A = arith.addf %squeeze3A, %squeeze3A_4 : vector<2000x8xf32>
    %get3A_5 = arith.constant 0 : index
    %get3A_6 = arith.constant 0 : index
    %get3A_7 = vector.load %arg4[%get3A_5, %get3A_6] : memref<8x8xf32, #tpu.memory_space<vmem>>, vector<8x8xf32>
    %get3A_8 = arith.constant 0 : index
    %get3A_9 = arith.constant 0 : index
    %get3A_10 = vector.load %arg5[%get3A_8, %get3A_9] : memref<1x8xf32, #tpu.memory_space<vmem>>, vector<1x8xf32>
    %get3A_11 = arith.constant 0 : index
    %get3A_12 = arith.constant 0 : index
    %get3A_13 = vector.load %arg6[%get3A_11, %get3A_12] : memref<8x8xf32, #tpu.memory_space<vmem>>, vector<8x8xf32>
    %get3A_14 = arith.constant 0 : index
    %get3A_15 = arith.constant 0 : index
    %get3A_16 = vector.load %arg7[%get3A_14, %get3A_15] : memref<1x8xf32, #tpu.memory_space<vmem>>, vector<1x8xf32>
    %dot_general3A = arith.constant dense<0.000000e+00> : vector<2000x8xf32>
    %dot_general3A_17 = tpu.matmul %add3A, %get3A_7, %dot_general3A {dimension_numbers = #tpu.dot_dimension_numbers<[1], [0], [0], [1], [0, 0, 1, 1], [], []>, transpose_lhs_hint = false} : vector<2000x8xf32>, vector<8x8xf32>, vector<2000x8xf32> -> vector<2000x8xf32>
    %add3A_18 = vector.broadcast %get3A_10 : vector<1x8xf32> to vector<2000x8xf32>
    %add3A_19 = arith.addf %dot_general3A_17, %add3A_18 : vector<2000x8xf32>
    %max3A = arith.constant 0.000000e+00 : f32
    %max3A_20 = vector.broadcast %max3A : f32 to vector<2000x8xf32>
    %max3A_21 = arith.maximumf %add3A_19, %max3A_20 : vector<2000x8xf32>
    %dot_general3A_22 = arith.constant dense<0.000000e+00> : vector<2000x8xf32>
    %dot_general3A_23 = tpu.matmul %max3A_21, %get3A_13, %dot_general3A_22 {dimension_numbers = #tpu.dot_dimension_numbers<[1], [0], [0], [1], [0, 0, 1, 1], [], []>, transpose_lhs_hint = false} : vector<2000x8xf32>, vector<8x8xf32>, vector<2000x8xf32> -> vector<2000x8xf32>
    %add3A_24 = vector.broadcast %get3A_16 : vector<1x8xf32> to vector<2000x8xf32>
    %add3A_25 = arith.addf %dot_general3A_23, %add3A_24 : vector<2000x8xf32>
    %tanh3A = math.tanh %add3A_25 : vector<2000x8xf32>
    %get3A_26 = arith.constant 0 : index
    %get3A_27 = arith.constant 0 : index
    %get3A_28 = vector.load %arg2[%get3A_26, %get3A_27] : memref<2000x8xf32, #tpu.memory_space<vmem>>, vector<2000x8xf32>
    %concatenate3A = tpu.concatenate %get3A_28, %tanh3A in 1 : vector<2000x8xf32>, vector<2000x8xf32> -> vector<2000x16xf32>
    %mul3A = arith.mulf %concatenate3A, %concatenate3A : vector<2000x16xf32>
    %reduce_sum3A = arith.constant dense<0.000000e+00> : vector<2000xf32>
    %reduce_sum3A_29 = vector.multi_reduction <add>, %mul3A, %reduce_sum3A [1] : vector<2000x16xf32> to vector<2000xf32>
    %broadcast_in_dim3A = vector.shape_cast %reduce_sum3A_29 : vector<2000xf32> to vector<2000x1xf32>
    %rsqrt3A = math.rsqrt %broadcast_in_dim3A : vector<2000x1xf32>
    %mul3A_30 = vector.broadcast %rsqrt3A : vector<2000x1xf32> to vector<2000x16xf32>
    %mul3A_31 = arith.mulf %concatenate3A, %mul3A_30 : vector<2000x16xf32>
    %swap3A = arith.constant 0 : index
    %swap3A_32 = arith.constant 0 : index
    %swap3A_33 = vector.load %arg12[%swap3A, %swap3A_32] : memref<2000x16xf32, #tpu.memory_space<vmem>>, vector<2000x16xf32>
    tpu.vector_store %arg12[%swap3A, %swap3A_32], %mul3A_31 {strides = array<i32>} : memref<2000x16xf32, #tpu.memory_space<vmem>>, vector<2000x16xf32>,
    %get3A_34 = arith.constant 0 : index
    %get3A_35 = arith.constant 0 : index
    %get3A_36 = vector.load %arg3[%get3A_34, %get3A_35] : memref<2000x16xf32, #tpu.memory_space<vmem>>, vector<2000x16xf32>
    %concatenate3A_37 = tpu.concatenate %get3A_36, %mul3A_31 in 1 : vector<2000x16xf32>, vector<2000x16xf32> -> vector<2000x32xf32>
    %get3A_38 = arith.constant 0 : index
    %get3A_39 = arith.constant 0 : index
    %get3A_40 = vector.load %arg8[%get3A_38, %get3A_39] : memref<32x20xf32, #tpu.memory_space<vmem>>, vector<32x20xf32>
    %get3A_41 = arith.constant 0 : index
    %get3A_42 = arith.constant 0 : index
    %get3A_43 = vector.load %arg9[%get3A_41, %get3A_42] : memref<1x20xf32, #tpu.memory_space<vmem>>, vector<1x20xf32>
    %get3A_44 = arith.constant 0 : index
    %get3A_45 = arith.constant 0 : index
    %get3A_46 = vector.load %arg10[%get3A_44, %get3A_45] : memref<20x8xf32, #tpu.memory_space<vmem>>, vector<20x8xf32>
    %get3A_47 = arith.constant 0 : index
    %get3A_48 = arith.constant 0 : index
    %get3A_49 = vector.load %arg11[%get3A_47, %get3A_48] : memref<1x8xf32, #tpu.memory_space<vmem>>, vector<1x8xf32>
    %dot_general3A_50 = arith.constant dense<0.000000e+00> : vector<2000x20xf32>
    %dot_general3A_51 = tpu.matmul %concatenate3A_37, %get3A_40, %dot_general3A_50 {dimension_numbers = #tpu.dot_dimension_numbers<[1], [0], [0], [1], [0, 0, 1, 1], [], []>, transpose_lhs_hint = false} : vector<2000x32xf32>, vector<32x20xf32>, vector<2000x20xf32> -> vector<2000x20xf32>
    %add3A_52 = vector.broadcast %get3A_43 : vector<1x20xf32> to vector<2000x20xf32>
    %add3A_53 = arith.addf %dot_general3A_51, %add3A_52 : vector<2000x20xf32>
    %max3A_54 = arith.constant 0.000000e+00 : f32
    %max3A_55 = vector.broadcast %max3A_54 : f32 to vector<2000x20xf32>
    %max3A_56 = arith.maximumf %add3A_53, %max3A_55 : vector<2000x20xf32>
    %dot_general3A_57 = arith.constant dense<0.000000e+00> : vector<2000x8xf32>
    %dot_general3A_58 = tpu.matmul %max3A_56, %get3A_46, %dot_general3A_57 {dimension_numbers = #tpu.dot_dimension_numbers<[1], [0], [0], [1], [0, 0, 1, 1], [], []>, transpose_lhs_hint = false} : vector<2000x20xf32>, vector<20x8xf32>, vector<2000x8xf32> -> vector<2000x8xf32>
    %add3A_59 = vector.broadcast %get3A_49 : vector<1x8xf32> to vector<2000x8xf32>
    %add3A_60 = arith.addf %dot_general3A_58, %add3A_59 : vector<2000x8xf32>
    %tanh3A_61 = math.tanh %add3A_60 : vector<2000x8xf32>
    %swap3A_62 = arith.constant 0 : index
    %swap3A_63 = arith.constant 0 : index
    %swap3A_64 = vector.load %arg13[%swap3A_62, %swap3A_63] : memref<2000x8xf32, #tpu.memory_space<vmem>>, vector<2000x8xf32>
    tpu.vector_store %arg13[%swap3A_62, %swap3A_63], %tanh3A_61 {strides = array<i32>} : memref<2000x8xf32, #tpu.memory_space<vmem>>, vector<2000x8xf32>,
    return
  }
  func.func @transform_0(%arg0: i32) -> (i32, i32, i32) {
    %c0_i32 = arith.constant 0 : i32
    %c0_i32_0 = arith.constant 0 : i32
    %c0_i32_1 = arith.constant 0 : i32
    return %c0_i32, %arg0, %c0_i32_0 : i32, i32, i32
  }
  func.func @transform_1(%arg0: i32) -> (i32, i32) {
    %c0_i32 = arith.constant 0 : i32
    %c0_i32_0 = arith.constant 0 : i32
    return %arg0, %c0_i32 : i32, i32
  }
  func.func @transform_2(%arg0: i32) -> (i32, i32) {
    %c0_i32 = arith.constant 0 : i32
    %c0_i32_0 = arith.constant 0 : i32
    return %arg0, %c0_i32 : i32, i32
  }
  func.func @transform_3(%arg0: i32) -> (i32, i32) {
    %c0_i32 = arith.constant 0 : i32
    %c0_i32_0 = arith.constant 0 : i32
    %c0_i32_1 = arith.constant 0 : i32
    return %c0_i32, %c0_i32_0 : i32, i32
  }
  func.func @transform_4(%arg0: i32) -> (i32, i32) {
    %c0_i32 = arith.constant 0 : i32
    %c0_i32_0 = arith.constant 0 : i32
    %c0_i32_1 = arith.constant 0 : i32
    return %c0_i32, %c0_i32_0 : i32, i32
  }
  func.func @transform_5(%arg0: i32) -> (i32, i32) {
    %c0_i32 = arith.constant 0 : i32
    %c0_i32_0 = arith.constant 0 : i32
    %c0_i32_1 = arith.constant 0 : i32
    return %c0_i32, %c0_i32_0 : i32, i32
  }
  func.func @transform_6(%arg0: i32) -> (i32, i32) {
    %c0_i32 = arith.constant 0 : i32
    %c0_i32_0 = arith.constant 0 : i32
    %c0_i32_1 = arith.constant 0 : i32
    return %c0_i32, %c0_i32_0 : i32, i32
  }
  func.func @transform_7(%arg0: i32) -> (i32, i32) {
    %c0_i32 = arith.constant 0 : i32
    %c0_i32_0 = arith.constant 0 : i32
    %c0_i32_1 = arith.constant 0 : i32
    return %c0_i32, %c0_i32_0 : i32, i32
  }
  func.func @transform_8(%arg0: i32) -> (i32, i32) {
    %c0_i32 = arith.constant 0 : i32
    %c0_i32_0 = arith.constant 0 : i32
    %c0_i32_1 = arith.constant 0 : i32
    return %c0_i32, %c0_i32_0 : i32, i32
  }
  func.func @transform_9(%arg0: i32) -> (i32, i32) {
    %c0_i32 = arith.constant 0 : i32
    %c0_i32_0 = arith.constant 0 : i32
    %c0_i32_1 = arith.constant 0 : i32
    return %c0_i32, %c0_i32_0 : i32, i32
  }
  func.func @transform_10(%arg0: i32) -> (i32, i32) {
    %c0_i32 = arith.constant 0 : i32
    %c0_i32_0 = arith.constant 0 : i32
    %c0_i32_1 = arith.constant 0 : i32
    return %c0_i32, %c0_i32_0 : i32, i32
  }
  func.func @transform_11(%arg0: i32) -> (i32, i32) {
    %c0_i32 = arith.constant 0 : i32
    %c0_i32_0 = arith.constant 0 : i32
    return %arg0, %c0_i32 : i32, i32
  }
  func.func @transform_12(%arg0: i32) -> (i32, i32) {
    %c0_i32 = arith.constant 0 : i32
    %c0_i32_0 = arith.constant 0 : i32
    return %arg0, %c0_i32 : i32, i32
  }
}

module attributes {stable_mosaic.version = 14 : i64} {
  func.func @body(%arg0: i32, %arg1: memref<1024x64xf32, #tpu.memory_space<vmem>>, %arg2: memref<1024x64xf32, #tpu.memory_space<vmem>>, %arg3: memref<1024x64xf32, #tpu.memory_space<vmem>>, %arg4: memref<1024x64xf32, #tpu.memory_space<vmem>>, %arg5: memref<1024x4xf32, #tpu.memory_space<vmem>>, %arg6: memref<256x144xbf16, #tpu.memory_space<vmem>>, %arg7: memref<4x144xf32, #tpu.memory_space<vmem>>, %arg8: memref<1x144xf32, #tpu.memory_space<vmem>>, %arg9: memref<144x32xbf16, #tpu.memory_space<vmem>>, %arg10: memref<1x32xf32, #tpu.memory_space<vmem>>, %arg11: memref<1024x32xf32, #tpu.memory_space<vmem>>) attributes {dimension_semantics = [#tpu.dimension_semantics<arbitrary>], iteration_bounds = array<i64: 200>, scalar_prefetch = 0 : i64, scratch_operands = 0 : i64, tpu.core_type = #tpu.core_type<tc>, window_params = [{transform_indices = @transform_0, window_bounds = array<i64: 1024, 64>}, {transform_indices = @transform_1, window_bounds = array<i64: 1024, 64>}, {transform_indices = @transform_2, window_bounds = array<i64: 1024, 64>}, {transform_indices = @transform_3, window_bounds = array<i64: 1024, 64>}, {transform_indices = @transform_4, window_bounds = array<i64: 1024, 4>}, {pipeline_mode = #tpu.pipeline_mode<synchronous>, transform_indices = @transform_5, window_bounds = array<i64: 256, 144>}, {pipeline_mode = #tpu.pipeline_mode<synchronous>, transform_indices = @transform_6, window_bounds = array<i64: 4, 144>}, {pipeline_mode = #tpu.pipeline_mode<synchronous>, transform_indices = @transform_7, window_bounds = array<i64: 1, 144>}, {pipeline_mode = #tpu.pipeline_mode<synchronous>, transform_indices = @transform_8, window_bounds = array<i64: 144, 32>}, {pipeline_mode = #tpu.pipeline_mode<synchronous>, transform_indices = @transform_9, window_bounds = array<i64: 1, 32>}, {transform_indices = @transform_10, window_bounds = array<i64: 1024, 32>}]} {
    %get3A = arith.constant 0 : index
    %get3A_0 = arith.constant 0 : index
    %get3A_1 = vector.load %arg1[%get3A, %get3A_0] : memref<1024x64xf32, #tpu.memory_space<vmem>>, vector<1024x64xf32>
    %get3A_2 = arith.constant 0 : index
    %get3A_3 = arith.constant 0 : index
    %get3A_4 = vector.load %arg2[%get3A_2, %get3A_3] : memref<1024x64xf32, #tpu.memory_space<vmem>>, vector<1024x64xf32>
    %get3A_5 = arith.constant 0 : index
    %get3A_6 = arith.constant 0 : index
    %get3A_7 = vector.load %arg3[%get3A_5, %get3A_6] : memref<1024x64xf32, #tpu.memory_space<vmem>>, vector<1024x64xf32>
    %get3A_8 = arith.constant 0 : index
    %get3A_9 = arith.constant 0 : index
    %get3A_10 = vector.load %arg4[%get3A_8, %get3A_9] : memref<1024x64xf32, #tpu.memory_space<vmem>>, vector<1024x64xf32>
    %concatenate3A = tpu.concatenate %get3A_1, %get3A_4, %get3A_7, %get3A_10 in 1 : vector<1024x64xf32>, vector<1024x64xf32>, vector<1024x64xf32>, vector<1024x64xf32> -> vector<1024x256xf32>
    %convert_element_type3A = arith.truncf %concatenate3A : vector<1024x256xf32> to vector<1024x256xbf16>
    %get3A_11 = arith.constant 0 : index
    %get3A_12 = arith.constant 0 : index
    %get3A_13 = vector.load %arg6[%get3A_11, %get3A_12] : memref<256x144xbf16, #tpu.memory_space<vmem>>, vector<256x144xbf16>
    %dot_general3A = arith.constant dense<0.000000e+00> : vector<1024x144xf32>
    %dot_general3A_14 = tpu.matmul %convert_element_type3A, %get3A_13, %dot_general3A {dimension_numbers = #tpu.dot_dimension_numbers<[1], [0], [0], [1], [0, 0, 1, 1], [], []>, transpose_lhs_hint = false} : vector<1024x256xbf16>, vector<256x144xbf16>, vector<1024x144xf32> -> vector<1024x144xf32>
    %get3A_15 = arith.constant 0 : index
    %get3A_16 = arith.constant 0 : index
    %get3A_17 = vector.load %arg5[%get3A_15, %get3A_16] : memref<1024x4xf32, #tpu.memory_space<vmem>>, vector<1024x4xf32>
    %get3A_18 = arith.constant 0 : index
    %get3A_19 = arith.constant 0 : index
    %get3A_20 = vector.load %arg7[%get3A_18, %get3A_19] : memref<4x144xf32, #tpu.memory_space<vmem>>, vector<4x144xf32>
    %dot_general3A_21 = arith.constant dense<0.000000e+00> : vector<1024x144xf32>
    %dot_general3A_22 = tpu.matmul %get3A_17, %get3A_20, %dot_general3A_21 {dimension_numbers = #tpu.dot_dimension_numbers<[1], [0], [0], [1], [0, 0, 1, 1], [], []>, transpose_lhs_hint = false} : vector<1024x4xf32>, vector<4x144xf32>, vector<1024x144xf32> -> vector<1024x144xf32>
    %add3A = arith.addf %dot_general3A_14, %dot_general3A_22 : vector<1024x144xf32>
    %get3A_23 = arith.constant 0 : index
    %get3A_24 = arith.constant 0 : index
    %get3A_25 = vector.load %arg8[%get3A_23, %get3A_24] : memref<1x144xf32, #tpu.memory_space<vmem>>, vector<1x144xf32>
    %add3A_26 = vector.broadcast %get3A_25 : vector<1x144xf32> to vector<1024x144xf32>
    %add3A_27 = arith.addf %add3A, %add3A_26 : vector<1024x144xf32>
    %max3A = arith.constant 0.000000e+00 : f32
    %max3A_28 = vector.broadcast %max3A : f32 to vector<1024x144xf32>
    %max3A_29 = arith.maximumf %add3A_27, %max3A_28 : vector<1024x144xf32>
    %convert_element_type3A_30 = arith.truncf %max3A_29 : vector<1024x144xf32> to vector<1024x144xbf16>
    %get3A_31 = arith.constant 0 : index
    %get3A_32 = arith.constant 0 : index
    %get3A_33 = vector.load %arg9[%get3A_31, %get3A_32] : memref<144x32xbf16, #tpu.memory_space<vmem>>, vector<144x32xbf16>
    %dot_general3A_34 = arith.constant dense<0.000000e+00> : vector<1024x32xf32>
    %dot_general3A_35 = tpu.matmul %convert_element_type3A_30, %get3A_33, %dot_general3A_34 {dimension_numbers = #tpu.dot_dimension_numbers<[1], [0], [0], [1], [0, 0, 1, 1], [], []>, transpose_lhs_hint = false} : vector<1024x144xbf16>, vector<144x32xbf16>, vector<1024x32xf32> -> vector<1024x32xf32>
    %get3A_36 = arith.constant 0 : index
    %get3A_37 = arith.constant 0 : index
    %get3A_38 = vector.load %arg10[%get3A_36, %get3A_37] : memref<1x32xf32, #tpu.memory_space<vmem>>, vector<1x32xf32>
    %add3A_39 = vector.broadcast %get3A_38 : vector<1x32xf32> to vector<1024x32xf32>
    %add3A_40 = arith.addf %dot_general3A_35, %add3A_39 : vector<1024x32xf32>
    %tanh3A = math.tanh %add3A_40 : vector<1024x32xf32>
    %swap3A = arith.constant 0 : index
    %swap3A_41 = arith.constant 0 : index
    %swap3A_42 = vector.load %arg11[%swap3A, %swap3A_41] : memref<1024x32xf32, #tpu.memory_space<vmem>>, vector<1024x32xf32>
    tpu.vector_store %arg11[%swap3A, %swap3A_41], %tanh3A {strides = array<i32>} : memref<1024x32xf32, #tpu.memory_space<vmem>>, vector<1024x32xf32>,
    return
  }
  func.func @transform_0(%arg0: i32) -> (i32, i32) {
    %c0_i32 = arith.constant 0 : i32
    %c0_i32_0 = arith.constant 0 : i32
    return %arg0, %c0_i32 : i32, i32
  }
  func.func @transform_1(%arg0: i32) -> (i32, i32) {
    %c0_i32 = arith.constant 0 : i32
    %c0_i32_0 = arith.constant 0 : i32
    return %arg0, %c0_i32 : i32, i32
  }
  func.func @transform_2(%arg0: i32) -> (i32, i32) {
    %c0_i32 = arith.constant 0 : i32
    %c0_i32_0 = arith.constant 0 : i32
    return %arg0, %c0_i32 : i32, i32
  }
  func.func @transform_3(%arg0: i32) -> (i32, i32) {
    %c0_i32 = arith.constant 0 : i32
    %c0_i32_0 = arith.constant 0 : i32
    return %arg0, %c0_i32 : i32, i32
  }
  func.func @transform_4(%arg0: i32) -> (i32, i32) {
    %c0_i32 = arith.constant 0 : i32
    %c0_i32_0 = arith.constant 0 : i32
    return %arg0, %c0_i32 : i32, i32
  }
  func.func @transform_5(%arg0: i32) -> (i32, i32) {
    %c0_i32 = arith.constant 0 : i32
    %c0_i32_0 = arith.constant 0 : i32
    %c0_i32_1 = arith.constant 0 : i32
    return %c0_i32, %c0_i32_0 : i32, i32
  }
  func.func @transform_6(%arg0: i32) -> (i32, i32) {
    %c0_i32 = arith.constant 0 : i32
    %c0_i32_0 = arith.constant 0 : i32
    %c0_i32_1 = arith.constant 0 : i32
    return %c0_i32, %c0_i32_0 : i32, i32
  }
  func.func @transform_7(%arg0: i32) -> (i32, i32) {
    %c0_i32 = arith.constant 0 : i32
    %c0_i32_0 = arith.constant 0 : i32
    %c0_i32_1 = arith.constant 0 : i32
    return %c0_i32, %c0_i32_0 : i32, i32
  }
  func.func @transform_8(%arg0: i32) -> (i32, i32) {
    %c0_i32 = arith.constant 0 : i32
    %c0_i32_0 = arith.constant 0 : i32
    %c0_i32_1 = arith.constant 0 : i32
    return %c0_i32, %c0_i32_0 : i32, i32
  }
  func.func @transform_9(%arg0: i32) -> (i32, i32) {
    %c0_i32 = arith.constant 0 : i32
    %c0_i32_0 = arith.constant 0 : i32
    %c0_i32_1 = arith.constant 0 : i32
    return %c0_i32, %c0_i32_0 : i32, i32
  }
  func.func @transform_10(%arg0: i32) -> (i32, i32) {
    %c0_i32 = arith.constant 0 : i32
    %c0_i32_0 = arith.constant 0 : i32
    return %arg0, %c0_i32 : i32, i32
  }
}

module attributes {stable_mosaic.version = 14 : i64} {
  func.func @_tc_final_body(%arg0: i32, %arg1: memref<2x2000x8xf32, #tpu.memory_space<vmem>>, %arg2: memref<2000x8xf32, #tpu.memory_space<vmem>>, %arg3: memref<2000x16xf32, #tpu.memory_space<vmem>>, %arg4: memref<8x8xf32, #tpu.memory_space<vmem>>, %arg5: memref<1x8xf32, #tpu.memory_space<vmem>>, %arg6: memref<8x8xf32, #tpu.memory_space<vmem>>, %arg7: memref<1x8xf32, #tpu.memory_space<vmem>>, %arg8: memref<32x64xf32, #tpu.memory_space<vmem>>, %arg9: memref<1x64xf32, #tpu.memory_space<vmem>>, %arg10: memref<64x64xf32, #tpu.memory_space<vmem>>, %arg11: memref<1x64xf32, #tpu.memory_space<vmem>>, %arg12: memref<64x1xf32, #tpu.memory_space<vmem>>, %arg13: memref<1x1xf32, #tpu.memory_space<vmem>>, %arg14: memref<2000x1xf32, #tpu.memory_space<vmem>>) attributes {dimension_semantics = [#tpu.dimension_semantics<arbitrary>], iteration_bounds = array<i64: 25>, scalar_prefetch = 0 : i64, scratch_operands = 0 : i64, tpu.core_type = #tpu.core_type<tc>, window_params = [{transform_indices = @transform_0, window_bounds = array<i64: 2, 2000, 8>}, {transform_indices = @transform_1, window_bounds = array<i64: 2000, 8>}, {transform_indices = @transform_2, window_bounds = array<i64: 2000, 16>}, {pipeline_mode = #tpu.pipeline_mode<synchronous>, transform_indices = @transform_3, window_bounds = array<i64: 8, 8>}, {pipeline_mode = #tpu.pipeline_mode<synchronous>, transform_indices = @transform_4, window_bounds = array<i64: 1, 8>}, {pipeline_mode = #tpu.pipeline_mode<synchronous>, transform_indices = @transform_5, window_bounds = array<i64: 8, 8>}, {pipeline_mode = #tpu.pipeline_mode<synchronous>, transform_indices = @transform_6, window_bounds = array<i64: 1, 8>}, {pipeline_mode = #tpu.pipeline_mode<synchronous>, transform_indices = @transform_7, window_bounds = array<i64: 32, 64>}, {pipeline_mode = #tpu.pipeline_mode<synchronous>, transform_indices = @transform_8, window_bounds = array<i64: 1, 64>}, {pipeline_mode = #tpu.pipeline_mode<synchronous>, transform_indices = @transform_9, window_bounds = array<i64: 64, 64>}, {pipeline_mode = #tpu.pipeline_mode<synchronous>, transform_indices = @transform_10, window_bounds = array<i64: 1, 64>}, {pipeline_mode = #tpu.pipeline_mode<synchronous>, transform_indices = @transform_11, window_bounds = array<i64: 64, 1>}, {pipeline_mode = #tpu.pipeline_mode<synchronous>, transform_indices = @transform_12, window_bounds = array<i64: 1, 1>}, {transform_indices = @transform_13, window_bounds = array<i64: 2000, 1>}]} {
    %get3A = arith.constant 0 : index
    %get3A_0 = arith.constant 0 : index
    %get3A_1 = arith.constant 0 : index
    %get3A_2 = vector.load %arg1[%get3A, %get3A_0, %get3A_1] : memref<2x2000x8xf32, #tpu.memory_space<vmem>>, vector<2x2000x8xf32>
    %slice3A = vector.extract_strided_slice %get3A_2 {offsets = [0, 0, 0], sizes = [1, 2000, 8], strides = [1, 1, 1]} : vector<2x2000x8xf32> to vector<1x2000x8xf32>
    %squeeze3A = vector.shape_cast %slice3A : vector<1x2000x8xf32> to vector<2000x8xf32>
    %slice3A_3 = vector.extract_strided_slice %get3A_2 {offsets = [1, 0, 0], sizes = [1, 2000, 8], strides = [1, 1, 1]} : vector<2x2000x8xf32> to vector<1x2000x8xf32>
    %squeeze3A_4 = vector.shape_cast %slice3A_3 : vector<1x2000x8xf32> to vector<2000x8xf32>
    %add3A = arith.addf %squeeze3A, %squeeze3A_4 : vector<2000x8xf32>
    %get3A_5 = arith.constant 0 : index
    %get3A_6 = arith.constant 0 : index
    %get3A_7 = vector.load %arg4[%get3A_5, %get3A_6] : memref<8x8xf32, #tpu.memory_space<vmem>>, vector<8x8xf32>
    %get3A_8 = arith.constant 0 : index
    %get3A_9 = arith.constant 0 : index
    %get3A_10 = vector.load %arg5[%get3A_8, %get3A_9] : memref<1x8xf32, #tpu.memory_space<vmem>>, vector<1x8xf32>
    %get3A_11 = arith.constant 0 : index
    %get3A_12 = arith.constant 0 : index
    %get3A_13 = vector.load %arg6[%get3A_11, %get3A_12] : memref<8x8xf32, #tpu.memory_space<vmem>>, vector<8x8xf32>
    %get3A_14 = arith.constant 0 : index
    %get3A_15 = arith.constant 0 : index
    %get3A_16 = vector.load %arg7[%get3A_14, %get3A_15] : memref<1x8xf32, #tpu.memory_space<vmem>>, vector<1x8xf32>
    %dot_general3A = arith.constant dense<0.000000e+00> : vector<2000x8xf32>
    %dot_general3A_17 = tpu.matmul %add3A, %get3A_7, %dot_general3A {dimension_numbers = #tpu.dot_dimension_numbers<[1], [0], [0], [1], [0, 0, 1, 1], [], []>, transpose_lhs_hint = false} : vector<2000x8xf32>, vector<8x8xf32>, vector<2000x8xf32> -> vector<2000x8xf32>
    %add3A_18 = vector.broadcast %get3A_10 : vector<1x8xf32> to vector<2000x8xf32>
    %add3A_19 = arith.addf %dot_general3A_17, %add3A_18 : vector<2000x8xf32>
    %max3A = arith.constant 0.000000e+00 : f32
    %max3A_20 = vector.broadcast %max3A : f32 to vector<2000x8xf32>
    %max3A_21 = arith.maximumf %add3A_19, %max3A_20 : vector<2000x8xf32>
    %dot_general3A_22 = arith.constant dense<0.000000e+00> : vector<2000x8xf32>
    %dot_general3A_23 = tpu.matmul %max3A_21, %get3A_13, %dot_general3A_22 {dimension_numbers = #tpu.dot_dimension_numbers<[1], [0], [0], [1], [0, 0, 1, 1], [], []>, transpose_lhs_hint = false} : vector<2000x8xf32>, vector<8x8xf32>, vector<2000x8xf32> -> vector<2000x8xf32>
    %add3A_24 = vector.broadcast %get3A_16 : vector<1x8xf32> to vector<2000x8xf32>
    %add3A_25 = arith.addf %dot_general3A_23, %add3A_24 : vector<2000x8xf32>
    %tanh3A = math.tanh %add3A_25 : vector<2000x8xf32>
    %get3A_26 = arith.constant 0 : index
    %get3A_27 = arith.constant 0 : index
    %get3A_28 = vector.load %arg2[%get3A_26, %get3A_27] : memref<2000x8xf32, #tpu.memory_space<vmem>>, vector<2000x8xf32>
    %concatenate3A = tpu.concatenate %get3A_28, %tanh3A in 1 : vector<2000x8xf32>, vector<2000x8xf32> -> vector<2000x16xf32>
    %mul3A = arith.mulf %concatenate3A, %concatenate3A : vector<2000x16xf32>
    %reduce_sum3A = arith.constant dense<0.000000e+00> : vector<2000xf32>
    %reduce_sum3A_29 = vector.multi_reduction <add>, %mul3A, %reduce_sum3A [1] : vector<2000x16xf32> to vector<2000xf32>
    %broadcast_in_dim3A = vector.shape_cast %reduce_sum3A_29 : vector<2000xf32> to vector<2000x1xf32>
    %rsqrt3A = math.rsqrt %broadcast_in_dim3A : vector<2000x1xf32>
    %mul3A_30 = vector.broadcast %rsqrt3A : vector<2000x1xf32> to vector<2000x16xf32>
    %mul3A_31 = arith.mulf %concatenate3A, %mul3A_30 : vector<2000x16xf32>
    %get3A_32 = arith.constant 0 : index
    %get3A_33 = arith.constant 0 : index
    %get3A_34 = vector.load %arg3[%get3A_32, %get3A_33] : memref<2000x16xf32, #tpu.memory_space<vmem>>, vector<2000x16xf32>
    %concatenate3A_35 = tpu.concatenate %get3A_34, %mul3A_31 in 1 : vector<2000x16xf32>, vector<2000x16xf32> -> vector<2000x32xf32>
    %get3A_36 = arith.constant 0 : index
    %get3A_37 = arith.constant 0 : index
    %get3A_38 = vector.load %arg8[%get3A_36, %get3A_37] : memref<32x64xf32, #tpu.memory_space<vmem>>, vector<32x64xf32>
    %dot_general3A_39 = arith.constant dense<0.000000e+00> : vector<2000x64xf32>
    %dot_general3A_40 = tpu.matmul %concatenate3A_35, %get3A_38, %dot_general3A_39 {dimension_numbers = #tpu.dot_dimension_numbers<[1], [0], [0], [1], [0, 0, 1, 1], [], []>, transpose_lhs_hint = false} : vector<2000x32xf32>, vector<32x64xf32>, vector<2000x64xf32> -> vector<2000x64xf32>
    %get3A_41 = arith.constant 0 : index
    %get3A_42 = arith.constant 0 : index
    %get3A_43 = vector.load %arg9[%get3A_41, %get3A_42] : memref<1x64xf32, #tpu.memory_space<vmem>>, vector<1x64xf32>
    %add3A_44 = vector.broadcast %get3A_43 : vector<1x64xf32> to vector<2000x64xf32>
    %add3A_45 = arith.addf %dot_general3A_40, %add3A_44 : vector<2000x64xf32>
    %max3A_46 = arith.constant 0.000000e+00 : f32
    %max3A_47 = vector.broadcast %max3A_46 : f32 to vector<2000x64xf32>
    %max3A_48 = arith.maximumf %add3A_45, %max3A_47 : vector<2000x64xf32>
    %get3A_49 = arith.constant 0 : index
    %get3A_50 = arith.constant 0 : index
    %get3A_51 = vector.load %arg10[%get3A_49, %get3A_50] : memref<64x64xf32, #tpu.memory_space<vmem>>, vector<64x64xf32>
    %dot_general3A_52 = arith.constant dense<0.000000e+00> : vector<2000x64xf32>
    %dot_general3A_53 = tpu.matmul %max3A_48, %get3A_51, %dot_general3A_52 {dimension_numbers = #tpu.dot_dimension_numbers<[1], [0], [0], [1], [0, 0, 1, 1], [], []>, transpose_lhs_hint = false} : vector<2000x64xf32>, vector<64x64xf32>, vector<2000x64xf32> -> vector<2000x64xf32>
    %get3A_54 = arith.constant 0 : index
    %get3A_55 = arith.constant 0 : index
    %get3A_56 = vector.load %arg11[%get3A_54, %get3A_55] : memref<1x64xf32, #tpu.memory_space<vmem>>, vector<1x64xf32>
    %add3A_57 = vector.broadcast %get3A_56 : vector<1x64xf32> to vector<2000x64xf32>
    %add3A_58 = arith.addf %dot_general3A_53, %add3A_57 : vector<2000x64xf32>
    %max3A_59 = arith.constant 0.000000e+00 : f32
    %max3A_60 = vector.broadcast %max3A_59 : f32 to vector<2000x64xf32>
    %max3A_61 = arith.maximumf %add3A_58, %max3A_60 : vector<2000x64xf32>
    %get3A_62 = arith.constant 0 : index
    %get3A_63 = arith.constant 0 : index
    %get3A_64 = vector.load %arg12[%get3A_62, %get3A_63] : memref<64x1xf32, #tpu.memory_space<vmem>>, vector<64x1xf32>
    %dot_general3A_65 = arith.constant dense<0.000000e+00> : vector<2000x1xf32>
    %dot_general3A_66 = tpu.matmul %max3A_61, %get3A_64, %dot_general3A_65 {dimension_numbers = #tpu.dot_dimension_numbers<[1], [0], [0], [1], [0, 0, 1, 1], [], []>, transpose_lhs_hint = false} : vector<2000x64xf32>, vector<64x1xf32>, vector<2000x1xf32> -> vector<2000x1xf32>
    %get3A_67 = arith.constant 0 : index
    %get3A_68 = arith.constant 0 : index
    %get3A_69 = vector.load %arg13[%get3A_67, %get3A_68] : memref<1x1xf32, #tpu.memory_space<vmem>>, vector<1x1xf32>
    %add3A_70 = vector.broadcast %get3A_69 : vector<1x1xf32> to vector<2000x1xf32>
    %add3A_71 = arith.addf %dot_general3A_66, %add3A_70 : vector<2000x1xf32>
    %swap3A = arith.constant 0 : index
    %swap3A_72 = arith.constant 0 : index
    %swap3A_73 = vector.load %arg14[%swap3A, %swap3A_72] : memref<2000x1xf32, #tpu.memory_space<vmem>>, vector<2000x1xf32>
    tpu.vector_store %arg14[%swap3A, %swap3A_72], %add3A_71 {strides = array<i32>} : memref<2000x1xf32, #tpu.memory_space<vmem>>, vector<2000x1xf32>,
    return
  }
  func.func @transform_0(%arg0: i32) -> (i32, i32, i32) {
    %c0_i32 = arith.constant 0 : i32
    %c0_i32_0 = arith.constant 0 : i32
    %c0_i32_1 = arith.constant 0 : i32
    return %c0_i32, %arg0, %c0_i32_0 : i32, i32, i32
  }
  func.func @transform_1(%arg0: i32) -> (i32, i32) {
    %c0_i32 = arith.constant 0 : i32
    %c0_i32_0 = arith.constant 0 : i32
    return %arg0, %c0_i32 : i32, i32
  }
  func.func @transform_2(%arg0: i32) -> (i32, i32) {
    %c0_i32 = arith.constant 0 : i32
    %c0_i32_0 = arith.constant 0 : i32
    return %arg0, %c0_i32 : i32, i32
  }
  func.func @transform_3(%arg0: i32) -> (i32, i32) {
    %c0_i32 = arith.constant 0 : i32
    %c0_i32_0 = arith.constant 0 : i32
    %c0_i32_1 = arith.constant 0 : i32
    return %c0_i32, %c0_i32_0 : i32, i32
  }
  func.func @transform_4(%arg0: i32) -> (i32, i32) {
    %c0_i32 = arith.constant 0 : i32
    %c0_i32_0 = arith.constant 0 : i32
    %c0_i32_1 = arith.constant 0 : i32
    return %c0_i32, %c0_i32_0 : i32, i32
  }
  func.func @transform_5(%arg0: i32) -> (i32, i32) {
    %c0_i32 = arith.constant 0 : i32
    %c0_i32_0 = arith.constant 0 : i32
    %c0_i32_1 = arith.constant 0 : i32
    return %c0_i32, %c0_i32_0 : i32, i32
  }
  func.func @transform_6(%arg0: i32) -> (i32, i32) {
    %c0_i32 = arith.constant 0 : i32
    %c0_i32_0 = arith.constant 0 : i32
    %c0_i32_1 = arith.constant 0 : i32
    return %c0_i32, %c0_i32_0 : i32, i32
  }
  func.func @transform_7(%arg0: i32) -> (i32, i32) {
    %c0_i32 = arith.constant 0 : i32
    %c0_i32_0 = arith.constant 0 : i32
    %c0_i32_1 = arith.constant 0 : i32
    return %c0_i32, %c0_i32_0 : i32, i32
  }
  func.func @transform_8(%arg0: i32) -> (i32, i32) {
    %c0_i32 = arith.constant 0 : i32
    %c0_i32_0 = arith.constant 0 : i32
    %c0_i32_1 = arith.constant 0 : i32
    return %c0_i32, %c0_i32_0 : i32, i32
  }
  func.func @transform_9(%arg0: i32) -> (i32, i32) {
    %c0_i32 = arith.constant 0 : i32
    %c0_i32_0 = arith.constant 0 : i32
    %c0_i32_1 = arith.constant 0 : i32
    return %c0_i32, %c0_i32_0 : i32, i32
  }
  func.func @transform_10(%arg0: i32) -> (i32, i32) {
    %c0_i32 = arith.constant 0 : i32
    %c0_i32_0 = arith.constant 0 : i32
    %c0_i32_1 = arith.constant 0 : i32
    return %c0_i32, %c0_i32_0 : i32, i32
  }
  func.func @transform_11(%arg0: i32) -> (i32, i32) {
    %c0_i32 = arith.constant 0 : i32
    %c0_i32_0 = arith.constant 0 : i32
    %c0_i32_1 = arith.constant 0 : i32
    return %c0_i32, %c0_i32_0 : i32, i32
  }
  func.func @transform_12(%arg0: i32) -> (i32, i32) {
    %c0_i32 = arith.constant 0 : i32
    %c0_i32_0 = arith.constant 0 : i32
    %c0_i32_1 = arith.constant 0 : i32
    return %c0_i32, %c0_i32_0 : i32, i32
  }
  func.func @transform_13(%arg0: i32) -> (i32, i32) {
    %c0_i32 = arith.constant 0 : i32
    %c0_i32_0 = arith.constant 0 : i32
    return %arg0, %c0_i32 : i32, i32
  }
}

</mosaic_0001>

<sc_bundles>
// kernel: kernel.11.cloned.1.call-start
scs
__scs_entry_jumppad:
0x0: {  	(pc) =	sbr.rel $0x88, $3  }
0x1: {  	(tag) =	ssettag $0x0;
	lr =	simm.s32 $0x1  }
0x2: {  	[smem:$0x3F7E] =	sst lr;
	_ =	strace $0xD0000000  }
0x3: {  	_ = 	snop  }
0x4: {  	_ = 	snop  }
0x5: {  	_ = 	snop  }
0x6: {  	_ = 	snop  }
0x7: {  	_ = 	snop  }
__scs_overlays_trampoline_lowered:
0x8: {  	[smem:$0x3F8D] =	sst s0  }
0x9: {  	[smem:$0x3F8E] =	sst s1  }
0xa: {  	[smem:$0x3F8F] =	sst s2  }
0xb: {  	[smem:$0x3F90] =	sst s3  }
0xc: {  	[smem:$0x3F91] =	sst s4  }
0xd: {  	[smem:$0x3F92] =	sst s5  }
0xe: {  	[smem:$0x3F93] =	sst s6  }
0xf: {  	[smem:$0x3F94] =	sst s7  }
0x10: {  	[smem:$0x3F95] =	sst s8  }
0x11: {  	[smem:$0x3F96] =	sst s9;
	s0 =	simm.s32 @!p0 $0x0  }
0x12: {  	s1 =	sld [smem:$0x3F7C];
	s0 =	simm.s32 @p0 $0x1  }
0x13: {  	[smem:$0x3F97] =	sst s0;
	s0 =	simm.s32 @!p1 $0x0  }
0x14: {  	s2 =	sld [smem:$0x3F7B];
	s0 =	simm.s32 @p1 $0x1  }
0x15: {  	[smem:$0x3F98] =	sst s0;
	s0 =	simm.s32 @!p2 $0x0  }
0x16: {  	s3 =	sld [smem:$0x3FDB];
	s0 =	simm.s32 @p2 $0x1  }
0x17: {  	s4 =	simm.s32 $0x1BF5;
	[smem:$0x3F9A] =	sst s0  }
0x18: {  	s0 =	sld [smem:$0x3F7D];
	_ =	swait.ge [sflag:s4], $0x0  }
0x19: {  	s7 =	sld [smem:$0x3F7E]  }
0x1a: {  	s8 =	sadd.s32 $0xFFFFE003, lr  }
0x1b: {  	s9 =	sadd.s32 $0xFFFFFEF7, lr;
	s5 =	simm.s32 $0xFFFFFFFF;
	p2 =	slt.u32 s8, $0xFFFFF086  }
0x1c: {  	p1 =	slt.u32 s9, $0xF7A;
	s5 =	simm.s32 @!p2 $0x0  }
0x1d: {  	s5 =	simm.s32 @p1 $0x1;
	p0 =	seq.s32 s7, s2  }
0x1e: {  	s7 =	smul.u32 @!p0 $0xF7A, s2;
	p2 =	seq.s32 @!p0 s5, $0x0  }
0x1f: {  	s9 =	smul.u32 $0xF7A, s1;
	s8 =	simm.s32 @!p0 $0x1BF5;
	p2 =	por !p2, p0  }
0x20: {  	[sflag:s8] =	ssyncset.s32 @!p0 $0xFFFFF086;
	s6 =	sadd.s32 @!p0 s3, s7;
	s7 =	simm.s32 @!p0 $0x108  }
0x21: {  	s3 =	sadd.s32 s3, s9;
	s6 =	sadd.s32 @!p0 $0x88, s6;
	s7 =	simm.s32 @p2 $0x1082  }
0x22: {  	[simem:s7], [sflag:s8] =	dma.local @!p0 [hbm:s6], $0xF7A  }
0x23: {  	s9 =	sor.u32 $0xD0000000, s2;
	s6 =	simm.s32 $0x108;
	_ =	swait.ge @!p0 [sflag:s8], $0x0  }
0x24: {  	s3 =	sadd.s32 $0x88, s3;
	s6 =	simm.s32 @!p1 $0x1082;
	[sflag:s4] =	ssyncset.s32 $0xFFFFF086  }
0x25: {  	[simem:s6], [sflag:s4] =	dma.local [hbm:s3], $0xF7A  }
0x26: {  	[smem:$0x3F7E] =	sst s1;
	(tag) =	ssettag s2;
	_ =	strace s9  }
0x27: {  	s1 =	sld [smem:$0x3F8E]  }
0x28: {  	s2 =	sld [smem:$0x3F8F]  }
0x29: {  	s4 =	sld [smem:$0x3F91]  }
0x2a: {  	p0 =	seq.s32 s5, $0x0;
	s5 =	sld [smem:$0x3F92]  }
0x2b: {  	s6 =	sld [smem:$0x3F93]  }
0x2c: {  	s7 =	sld [smem:$0x3F94]  }
0x2d: {  	s3 =	simm.s32 $0x108;
	s8 =	sld [smem:$0x3F95]  }
0x2e: {  	s3 =	simm.s32 @!p0 $0x1082;
	s9 =	sld [smem:$0x3F96]  }
0x2f: {  	lr =	sadd.s32 s0, s3;
	s0 =	sld [smem:$0x3F8D]  }
0x30: {  	s3 =	sld [smem:$0x3F90]  }
0x31: {  	[smem:$0x3F99] =	sst s10  }
0x32: {  	s10 =	sld [smem:$0x3F97];
	_ =	sdelay $0x3  }
0x33: {  	p0 =	seq.s32 s10, $0x1;
	s10 =	sld [smem:$0x3F99];
	_ =	sdelay $0x3  }
0x34: {  	[smem:$0x3F99] =	sst s10  }
0x35: {  	s10 =	sld [smem:$0x3F98];
	_ =	sdelay $0x3  }
0x36: {  	p1 =	seq.s32 s10, $0x1;
	s10 =	sld [smem:$0x3F99];
	_ =	sdelay $0x3  }
0x37: {  	[smem:$0x3F99] =	sst s10  }
0x38: {  	s10 =	sld [smem:$0x3F9A]  }
0x39: {  	_ = 	snop;
	(pc) =	sbr.ind lr, $3  }
0x3a: {  	_ = 	snop  }
0x3b: {  	_ = 	snop  }
0x3c: {  	p2 =	seq.s32 s10, $0x1;
	s10 =	sld [smem:$0x3F99]  }
0x3d: {  	_ =	shalt  }
0x3e: {  	_ =	shalt  }
0x3f: {  	_ =	shalt  }
0x40: {  	_ =	shalt  }
0x41: {  	_ =	shalt  }
0x42: {  	_ =	shalt  }
0x43: {  	_ =	shalt  }
0x44: {  	_ =	shalt  }
0x45: {  	_ =	shalt  }
0x46: {  	_ =	shalt  }
0x47: {  	_ =	shalt  }
0x48: {  	_ =	shalt  }
0x49: {  	_ =	shalt  }
0x4a: {  	_ =	shalt  }
0x4b: {  	_ =	shalt  }
0x4c: {  	_ =	shalt  }
0x4d: {  	_ =	shalt  }
0x4e: {  	_ =	shalt  }
0x4f: {  	_ =	shalt  }
0x50: {  	_ =	shalt  }
0x51: {  	_ =	shalt  }
0x52: {  	_ =	shalt  }
0x53: {  	_ =	shalt  }
0x54: {  	_ =	shalt  }
0x55: {  	_ =	shalt  }
0x56: {  	_ =	shalt  }
0x57: {  	_ =	shalt  }
0x58: {  	_ =	shalt  }
0x59: {  	_ =	shalt  }
0x5a: {  	_ =	shalt  }
0x5b: {  	_ =	shalt  }
0x5c: {  	_ =	shalt  }
0x5d: {  	_ =	shalt  }
0x5e: {  	_ =	shalt  }
0x5f: {  	_ =	shalt  }
0x60: {  	_ =	shalt  }
0x61: {  	_ =	shalt  }
0x62: {  	_ =	shalt  }
0x63: {  	_ =	shalt  }
0x64: {  	_ =	shalt  }
0x65: {  	_ =	shalt  }
0x66: {  	_ =	shalt  }
0x67: {  	_ =	shalt  }
0x68: {  	_ =	shalt  }
0x69: {  	_ =	shalt  }
0x6a: {  	_ =	shalt  }
0x6b: {  	_ =	shalt  }
0x6c: {  	_ =	shalt  }
0x6d: {  	_ =	shalt  }
0x6e: {  	_ =	shalt  }
0x6f: {  	_ =	shalt  }
0x70: {  	_ =	shalt  }
0x71: {  	_ =	shalt  }
0x72: {  	_ =	shalt  }
0x73: {  	_ =	shalt  }
0x74: {  	_ =	shalt  }
0x75: {  	_ =	shalt  }
0x76: {  	_ =	shalt  }
0x77: {  	_ =	shalt  }
0x78: {  	_ =	shalt  }
0x79: {  	_ =	shalt  }
0x7a: {  	_ =	shalt  }
0x7b: {  	_ =	shalt  }
0x7c: {  	_ =	shalt  }
0x7d: {  	_ =	shalt  }
0x7e: {  	_ =	shalt  }
0x7f: {  	_ =	shalt  }
0x80: {  	_ =	shalt  }
0x81: {  	_ =	shalt  }
0x82: {  	_ =	shalt  }
0x83: {  	_ =	shalt  }
0x84: {  	_ =	shalt  }
0x85: {  	_ =	shalt  }
0x86: {  	_ =	shalt  }
0x87: {  	_ =	shalt  }
.Lfunc_end0:
.L_simem_size_0:
called_computation_lowered:
.L_overlay_start_0:
0x88: {  	s2 =	sld [smem:$0x3FD9]  }
0x89: {  	s3 =	sld [smem:$0x3FFE];
	_ =	sdelay $0x1  }
0x8a: {  	s1 =	srdreg.scid  }
0x8b: {  	s0 =	sand.u32 $0x1, s1  }
0x8c: {  	s16 =	sshll.u32 s0, $0xA;
	s2 =	sadd.s32 s3, s2  }
0x8d: {  	s2 =	sadd.s32 s2, s16  }
0x8e: {  	[smem:$0x3FA5] =	sst s2  }
0x8f: {  	_ = 	snop  }
0x90: {  	(tm) =	ssettm $0x1  }
0x91: {  	s17 =	sld [smem:$0x3FFB];
	_ =	sdelay $0x3  }
0x92: {  	_ =	strace s17  }
0x93: {  	s2 =	sld [smem:$0x3FFC];
	_ =	sdelay $0x3  }
0x94: {  	_ =	strace s2  }
0x95: {  	s2 =	sld [smem:$0x3FFD];
	_ =	sdelay $0x3  }
0x96: {  	_ =	strace s2  }
0x97: {  	_ =	strace $0x8FFFFFFF  }
0x98: {  	s18 =	sld [smem:$0x3FDB];
	_ =	sdelay $0x1  }
0x99: {  	s19 =	simm.s32 $_scs_section_size  }
0x9a: {  	s4 =	simm.s32 $_size__tile_overlayer_lowered;
	s5 =	simm.s32 $_tile_overlayer_lowered  }
0x9b: {  	s22 =	simm.s32 $0x1BFF;
	s21 =	sshll.u32 s5, $0x1;
	s2 =	sadd.s32 s19, s18  }
0x9c: {  	s6 =	simm.s32 $0x0;
	s20 =	sshll.u32 s4, $0x1;
	s4 =	sadd.s32 s21, s2  }
0x9d: {  	[timem:s6], [sflag:s22] =	dma.local [hbm:s4], s20  }
0x9e: {  	_ =	swait.ge [sflag:s22], s20  }
0x9f: {  	s3 =	ssub.s32 $0x0, s20;
	[sflag:s22] =	ssyncset.done $0x0  }
0xa0: {  	[sflag:s22] =	ssyncadd.s32 s3;
	_ =	sdelay $0x1  }
0xa1: {  	s23 =	simm.s32 $0x1B8B  }
0xa2: {  	_ =	swait.ge [sflag:s23], $0x1  }
0xa3: {  	[sflag:s23] =	ssyncset.done $0x0  }
0xa4: {  	s25 =	simm.s32 $0x1B8E;
	s24 =	sld [smem:$0x3FFE];
	[sflag:s23] =	ssyncadd.s32 $0xFFFFFFFF  }
0xa5: {  	s26 =	simm.s32 $execute0_lowered;
	[smem:$0x3FD2] =	sst s25  }
0xa6: {  	s4 =	sshll.u32 s26, $0x1;
	_ =	strace $0x80000046;
	[dreg:$0x1] =	wrdreg $0xFFFFFFFF  }
0xa7: {  	s28 =	simm.s32 $_size_execute0_lowered;
	s2 =	sadd.s32 s2, s4;
	[dreg:$0x0] =	wrdreg $0x0  }
0xa8: {  	s4 =	sshll.u32 s28, $0x1;
	[dreg:$0x2] =	wrdreg s2  }
0xa9: {  	[dreg:$0x3] =	wrdreg s4  }
0xaa: {  	[dreg:$0x4] =	wrdreg $0xC0  }
0xab: {  	_ =	task [dreg:s6], $0x5FFFF  }
0xac: {  	[dreg:$0x1] =	wrdreg $0xFFFFFFFF  }
0xad: {  	[dreg:$0x0] =	wrdreg $0x60  }
0xae: {  	[dreg:$0x2] =	wrdreg s24  }
0xaf: {  	[dreg:$0x3] =	wrdreg $0x9  }
0xb0: {  	_ =	task.clear_ibuf [dreg:s6], $0x4FFFF;
	_ =	strace $0x90000046  }
0xb1: {  	s29 =	simm.s32 $0x9;
	_ =	strace $0x80000048  }
0xb2: {  	_ =	swait.ge [sflag:s29], $0x1  }
0xb3: {  	[sflag:s29] =	ssyncadd.s32 $0xFFFFFFFF  }
0xb4: {  	_ =	strace $0x90000048  }
0xb5: {  	_ =	sfence  }
0xb6: {  	s30 =	sld [smem:$0x0];
	_ =	sdelay $0x2  }
0xb7: {  	s31 =	sshll.u32 s1, $0xD;
	s1 =	sshrl.u32 s1, $0x2  }
0xb8: {  	s3 =	sand.u32 $0x4000, s31;
	s1 =	sadd.s32 s1, s30  }
0xb9: {  	s0 =	sor.u32 s3, s0;
	s1 =	sshll.u32 s1, $0x11  }
0xba: {  	s0 =	sor.u32 s1, s0  }
0xbb: {  	s0 =	sadd.s32 $0x8F2B, s0  }
0xbc: {  	[sflag:s0] =	ssyncadd.remote.s32 $0x1  }
0xbd: {  	_ =	sfence.sel $0xFFFF  }
0xbe: {  	[dreg:$0x0] =	wrdreg $0xFFFFFFFF;
	(pc) =	sbr.abs _section_cstart, $3  }
0xbf: {  	[dreg:$0x1] =	wrdreg $0xFFFFFFFF  }
0xc0: {  	_ =	task.clear_ibuf [dreg:s6], $0x2FFFF;
	_ =	strace $0x9FFFFFFF  }
0xc1: {  	(tm) =	ssettm $0x7FFFFFFF  }
tec
execute0_lowered:
.L_overlay_start_1:
0x0: {  	(tag) =	ssettag $0x1  }
0x1: {  	s0 =	srdreg.scid;
	s5 =	rddreg [dreg:$0x0];
	s2 =	simm.s32 $0x0  }
0x2: {  	s9 =	stileid.u32;
	s14 =	simm.s32 $0xD000;
	[smem:$0x7FF] =	sst s2  }
0x3: {  	s20 =	simm.s32 $0x11000;
	_ =	strace $0x80000047;
	[dreg:$0x2] =	wrdreg s14  }
0x4: {  	s21 =	simm.s32 $0xD800;
	s22 =	simm.s32 $0x11800;
	[dreg:$0x3] =	wrdreg s20  }
0x5: {  	s23 =	simm.s32 $0xE000;
	s24 =	simm.s32 $0x12000;
	[dreg:$0x4] =	wrdreg s21  }
0x6: {  	s25 =	simm.s32 $0xF000;
	s26 =	simm.s32 $0x13000;
	[dreg:$0x5] =	wrdreg s22  }
0x7: {  	s28 =	simm.s32 $0xF800;
	s29 =	simm.s32 $0x13800;
	[dreg:$0x6] =	wrdreg s23  }
0x8: {  	s30 =	simm.s32 $0x10000;
	s31 =	simm.s32 $0x14000;
	[dreg:$0x7] =	wrdreg s24  }
0x9: {  	s0 =	sand.u32 $0x1, s0;
	s1 =	sshll.u32 s9, $0x1;
	[dreg:$0x8] =	wrdreg s25  }
0xa: {  	s3 =	sadd.s32 $0x5E00, s5;
	s10 =	smul.u32 $0xC8000, s9;
	[dreg:$0x9] =	wrdreg s26  }
0xb: {  	s13 =	smul.u32 $0xC800, s9;
	s1 =	sor.u32 s0, s1;
	[dreg:$0xa] =	wrdreg s28  }
0xc: {  	s6 =	ssub.s32 $0x2, s0;
	s12 =	smul.u32 $0x64000, s0;
	[dreg:$0xb] =	wrdreg s29  }
0xd: {  	s0 =	smul.u32 $0x6400, s0;
	s14 =	simm.s32 $0x5;
	[dreg:$0xc] =	wrdreg s30  }
0xe: {  	s20 =	simm.s32 $0x12800;
	[dreg:$0xd] =	wrdreg s31;
	s21 =	simm.s32 $0x1  }
0xf: {  	s22 =	simm.s32 $0x2;
	s23 =	simm.s32 $0x3;
	s24 =	simm.s32 $0x4  }
0x10: {  	s25 =	simm.s32 $0x0;
	s4 =	smul.u32 $0xC80, s1;
	s8 =	sshrl.u32 s6, $0x1  }
0x11: {  	s1 =	smul.u32 $0x64000, s1;
	s11 =	ssub.s32 s6, s8;
	s18 =	sadd.s32 s12, s10  }
0x12: {  	s0 =	sadd.s32 s0, s13;
	s7 =	sadd.s32 s4, s5;
	s4 =	sadd.s32 $0x313600, s5  }
0x13: {  	s5 =	sadd.s32 $0x4A3600, s5;
	s1 =	sshrl.u32 s1, $0x3;
	s10 =	smax.u32 s11, $0x1  }
0x14: {  	s19 =	sshrl.u32 s18, $0x3;
	s0 =	sshll.u32 s0, $0x1;
	s15 =	sadd.s32 $0x1E600, s7  }
0x15: {  	s16 =	sadd.s32 $0x37600, s7;
	s1 =	sadd.s32 $0xC400, s1;
	[dreg:$0xe] =	wrdreg s15  }
0x16: {  	s18 =	simm.s32 $0x10800;
	[dreg:$0xf] =	wrdreg s16;
	s17 =	sadd.s32 s4, s1  }
0x17: {  	s12 =	sadd.s32 s19, s4;
	s1 =	sadd.s32 s5, s1;
	[dreg:$0x10] =	wrdreg s17  }
0x18: {  	s13 =	sadd.s32 $0x1FFFFC00, s0;
	s16 =	simm.s32 $0x80;
	[dreg:$0x11] =	wrdreg s1  }
0x19: {  	s1 =	sadd.s32 s19, s5;
	s17 =	simm.s32 $0xC800;
	s19 =	simm.s32 $0xE800  }
.LBB2_1:
0x1a: {  	s0 =	rddreg [dreg:$0xe]  }
0x1b: {  	[tilespmem:s2], [sflag:$0x5] =	stream.linear.gather [hbm4b:s0+s2], $0x6400, $0x38;
	[tilespmem:$0x14800] =	vst v63  }
0x1c: {  	_ =	swait.ge [sflag:s14], $0x6400  }
0x1d: {  	[sflag:s14] =	ssyncset.done $0x0  }
0x1e: {  	s6 =	simm.s32 $0x6400;
	s9 =	rddreg [dreg:$0xf];
	[sflag:s14] =	ssyncadd.s32 $0xFFFF9C00  }
0x1f: {  	[tilespmem:s6], [sflag:$0x5] =	stream.linear.gather [hbm4b:s9+s2], $0x6400, $0x38;
	[tilespmem:$0x14800] =	vst v63  }
0x20: {  	_ =	swait.ge [sflag:s14], $0x6400  }
0x21: {  	p0 =	por $0x1, $0x1;
	[sflag:s14] =	ssyncset.done $0x0  }
0x22: {  	s0 =	simm.s32 @!p0 $0x3;
	[sflag:s14] =	ssyncadd.s32 $0xFFFF9C00  }
0x23: {  	_ =	swait.ge @!p0 [sflag:s0], $0x2000  }
0x24: {  	[sflag:s0] =	ssyncset.done @!p0 $0x0  }
0x25: {  	[sflag:s0] =	ssyncadd.s32 @!p0 $0xFFFFE000  }
0x26: {  	_ =	swait.ge @!p0 [sflag:s0], $0x2000  }
0x27: {  	[sflag:s0] =	ssyncset.done @!p0 $0x0  }
0x28: {  	s11 =	simm.s32 $0x0;
	[sflag:s0] =	ssyncadd.s32 @!p0 $0xFFFFE000  }
0x29: {  	[tilespmem:s17], [sflag:$0x1] =	stream.indirect.gather [hbm4b:s3+s16], $0x10, s11, s16, $0xb8;
	[tilespmem:$0x14800] =	vst v63  }
0x2a: {  	s15 =	simm.s32 $0x6400  }
0x2b: {  	[tilespmem:s18], [sflag:$0x1] =	stream.indirect.gather [hbm4b:s3+s16], $0x10, s15, s16, $0xb8;
	[tilespmem:$0x14800] =	vst v63  }
0x2c: {  	s26 =	simm.s32 $0x80;
	s11 =	rddreg [dreg:$0x2]  }
0x2d: {  	[tilespmem:s11], [sflag:$0x1] =	stream.indirect.gather [hbm4b:s3+s16], $0x10, s26, s16, $0xb8;
	[tilespmem:$0x14800] =	vst v63  }
0x2e: {  	s6 =	simm.s32 $0x6480;
	s15 =	rddreg [dreg:$0x3]  }
0x2f: {  	[tilespmem:s15], [sflag:$0x1] =	stream.indirect.gather [hbm4b:s3+s16], $0x10, s6, s16, $0xb8;
	[tilespmem:$0x14800] =	vst v63  }
0x30: {  	s8 =	simm.s32 $0x100;
	s7 =	rddreg [dreg:$0x4]  }
0x31: {  	[tilespmem:s7], [sflag:$0x1] =	stream.indirect.gather [hbm4b:s3+s16], $0x10, s8, s16, $0xb8;
	[tilespmem:$0x14800] =	vst v63  }
0x32: {  	s9 =	rddreg [dreg:$0x5];
	s26 =	simm.s32 $0x6500  }
0x33: {  	[tilespmem:s9], [sflag:$0x1] =	stream.indirect.gather [hbm4b:s3+s16], $0x10, s26, s16, $0xb8;
	[tilespmem:$0x14800] =	vst v63  }
0x34: {  	s6 =	rddreg [dreg:$0x6];
	s7 =	simm.s32 $0x180  }
0x35: {  	[tilespmem:s6], [sflag:$0x1] =	stream.indirect.gather [hbm4b:s3+s16], $0x10, s7, s16, $0xb8;
	[tilespmem:$0x14800] =	vst v63  }
0x36: {  	s11 =	simm.s32 @!p0 $0x2;
	s8 =	rddreg [dreg:$0x7];
	s9 =	simm.s32 $0x6580  }
0x37: {  	[tilespmem:s8], [sflag:$0x1] =	stream.indirect.gather [hbm4b:s3+s16], $0x10, s9, s16, $0xb8;
	[tilespmem:$0x14800] =	vst v63  }
0x38: {  	_ =	swait.ge @!p0 [sflag:s11], $0x800  }
0x39: {  	[sflag:s11] =	ssyncset.done @!p0 $0x0  }
0x3a: {  	[sflag:s11] =	ssyncadd.s32 @!p0 $0xFFFFF800  }
0x3b: {  	_ =	swait.ge @!p0 [sflag:s11], $0x800  }
0x3c: {  	[sflag:s11] =	ssyncset.done @!p0 $0x0  }
0x3d: {  	[sflag:s11] =	ssyncadd.s32 @!p0 $0xFFFFF800  }
0x3e: {  	_ =	swait.ge @!p0 [sflag:s11], $0x800  }
0x3f: {  	[sflag:s11] =	ssyncset.done @!p0 $0x0  }
0x40: {  	[sflag:s11] =	ssyncadd.s32 @!p0 $0xFFFFF800  }
0x41: {  	_ =	swait.ge @!p0 [sflag:s11], $0x800  }
0x42: {  	[sflag:s11] =	ssyncset.done @!p0 $0x0  }
0x43: {  	[sflag:s11] =	ssyncadd.s32 @!p0 $0xFFFFF800  }
0x44: {  	_ =	swait.ge @!p0 [sflag:s11], $0x800  }
0x45: {  	[sflag:s11] =	ssyncset.done @!p0 $0x0  }
0x46: {  	[sflag:s11] =	ssyncadd.s32 @!p0 $0xFFFFF800  }
0x47: {  	_ =	swait.ge @!p0 [sflag:s11], $0x800  }
0x48: {  	[sflag:s11] =	ssyncset.done @!p0 $0x0  }
0x49: {  	[sflag:s11] =	ssyncadd.s32 @!p0 $0xFFFFF800  }
0x4a: {  	_ =	swait.ge @!p0 [sflag:s11], $0x800  }
0x4b: {  	[sflag:s11] =	ssyncset.done @!p0 $0x0  }
0x4c: {  	[sflag:s11] =	ssyncadd.s32 @!p0 $0xFFFFF800  }
0x4d: {  	_ =	swait.ge @!p0 [sflag:s11], $0x800  }
0x4e: {  	s0 =	sand.u32 @!p0 $0x1FFFFC00, s13;
	s15 =	simm.s32 @!p0 $0xE800;
	[sflag:s11] =	ssyncset.done @!p0 $0x0  }
0x4f: {  	s26 =	simm.s32 @!p0 $0x0;
	[sflag:s11] =	ssyncadd.s32 @!p0 $0xFFFFF800;
	s11 =	sadd.s32 @!p0 s4, s0  }
0x50: {  	[hbm4b:s11+s26] =	stream.linear.scatter @!p0 [tilespmem:s15], [sflag:$0x4], $0x2000, $0x38;
	[tilespmem:$0x14800] =	vst v63  }
0x51: {  	s0 =	sadd.s32 @!p0 s5, s0;
	s11 =	simm.s32 @!p0 $0x12800;
	s15 =	simm.s32 @!p0 $0x4  }
0x52: {  	[hbm4b:s0+s26] =	stream.linear.scatter @!p0 [tilespmem:s11], [sflag:$0x4], $0x2000, $0x38;
	[tilespmem:$0x14800] =	vst v63  }
0x53: {  	_ =	swait.ge @!p0 [sflag:s15], $0x2000  }
0x54: {  	[sflag:s15] =	ssyncset.done @!p0 $0x0  }
0x55: {  	[sflag:s15] =	ssyncadd.s32 @!p0 $0xFFFFE000  }
0x56: {  	_ =	swait.ge @!p0 [sflag:s15], $0x2000  }
0x57: {  	[sflag:s15] =	ssyncset.done @!p0 $0x0  }
0x58: {  	s11 =	simm.s32 $0x200;
	[sflag:s15] =	ssyncadd.s32 @!p0 $0xFFFFE000  }
0x59: {  	[tilespmem:s19], [sflag:$0x2] =	stream.indirect.gather [hbm4b:s3+s16], $0x10, s11, s16, $0xb8;
	[tilespmem:$0x14800] =	vst v63  }
0x5a: {  	s15 =	simm.s32 $0x6600  }
0x5b: {  	[tilespmem:s20], [sflag:$0x2] =	stream.indirect.gather [hbm4b:s3+s16], $0x10, s15, s16, $0xb8;
	[tilespmem:$0x14800] =	vst v63  }
0x5c: {  	s6 =	simm.s32 $0x280;
	s26 =	rddreg [dreg:$0x8]  }
0x5d: {  	[tilespmem:s26], [sflag:$0x2] =	stream.indirect.gather [hbm4b:s3+s16], $0x10, s6, s16, $0xb8;
	[tilespmem:$0x14800] =	vst v63  }
0x5e: {  	s8 =	simm.s32 $0x6680;
	s7 =	rddreg [dreg:$0x9]  }
0x5f: {  	[tilespmem:s7], [sflag:$0x2] =	stream.indirect.gather [hbm4b:s3+s16], $0x10, s8, s16, $0xb8;
	[tilespmem:$0x14800] =	vst v63  }
0x60: {  	s9 =	rddreg [dreg:$0xa];
	s15 =	simm.s32 $0x300  }
0x61: {  	[tilespmem:s9], [sflag:$0x2] =	stream.indirect.gather [hbm4b:s3+s16], $0x10, s15, s16, $0xb8;
	[tilespmem:$0x14800] =	vst v63  }
0x62: {  	s26 =	rddreg [dreg:$0xb];
	s6 =	simm.s32 $0x6700  }
0x63: {  	[tilespmem:s26], [sflag:$0x2] =	stream.indirect.gather [hbm4b:s3+s16], $0x10, s6, s16, $0xb8;
	[tilespmem:$0x14800] =	vst v63  }
0x64: {  	s7 =	rddreg [dreg:$0xc];
	s8 =	simm.s32 $0x380  }
0x65: {  	[tilespmem:s7], [sflag:$0x2] =	stream.indirect.gather [hbm4b:s3+s16], $0x10, s8, s16, $0xb8;
	[tilespmem:$0x14800] =	vst v63  }
0x66: {  	s9 =	rddreg [dreg:$0xd];
	s26 =	simm.s32 $0x6780  }
0x67: {  	[tilespmem:s9], [sflag:$0x2] =	stream.indirect.gather [hbm4b:s3+s16], $0x10, s26, s16, $0xb8;
	[tilespmem:$0x14800] =	vst v63  }
0x68: {  	_ =	swait.ge [sflag:s21], $0x800  }
0x69: {  	[sflag:s21] =	ssyncset.done $0x0  }
0x6a: {  	[sflag:s21] =	ssyncadd.s32 $0xFFFFF800  }
0x6b: {  	_ =	swait.ge [sflag:s21], $0x800  }
0x6c: {  	[sflag:s21] =	ssyncset.done $0x0  }
0x6d: {  	[sflag:s21] =	ssyncadd.s32 $0xFFFFF800  }
0x6e: {  	_ =	swait.ge [sflag:s21], $0x800  }
0x6f: {  	[sflag:s21] =	ssyncset.done $0x0  }
0x70: {  	[sflag:s21] =	ssyncadd.s32 $0xFFFFF800  }
0x71: {  	_ =	swait.ge [sflag:s21], $0x800  }
0x72: {  	[sflag:s21] =	ssyncset.done $0x0  }
0x73: {  	[sflag:s21] =	ssyncadd.s32 $0xFFFFF800  }
0x74: {  	_ =	swait.ge [sflag:s21], $0x800  }
0x75: {  	[sflag:s21] =	ssyncset.done $0x0  }
0x76: {  	[sflag:s21] =	ssyncadd.s32 $0xFFFFF800  }
0x77: {  	_ =	swait.ge [sflag:s21], $0x800  }
0x78: {  	[sflag:s21] =	ssyncset.done $0x0  }
0x79: {  	[sflag:s21] =	ssyncadd.s32 $0xFFFFF800  }
0x7a: {  	_ =	swait.ge [sflag:s21], $0x800  }
0x7b: {  	[sflag:s21] =	ssyncset.done $0x0  }
0x7c: {  	s30 =	simm.s32 $0x1000;
	[sflag:s21] =	ssyncadd.s32 $0xFFFFF800  }
0x7d: {  	s31 =	simm.s32 $0x2000;
	s29 =	sadd.s32 $0x800, s13;
	_ =	swait.ge [sflag:s21], $0x800  }
0x7e: {  	p1 =	por $0x0, $0x0;
	s28 =	sadd.s32 $0x800, s12;
	[sflag:s21] =	ssyncset.done $0x0  }
0x7f: {  	s11 =	smov.u32 s1;
	s26 =	smov.u32 s1;
	[sflag:s21] =	ssyncadd.s32 $0xFFFFF800  }
0x80: {  	[hbm4b:s12+s2] =	stream.linear.scatter [tilespmem:s17], [sflag:$0x3], $0x2000, $0x38;
	[tilespmem:$0x14800] =	vst v63  }
.LBB2_2:
0x81: {  	s15 =	simm.s32 @!p1 $0x3  }
0x82: {  	[hbm4b:s11+s2] =	stream.linear.scatter [tilespmem:s18], [sflag:$0x3], $0x2000, $0x38;
	[tilespmem:$0x14800] =	vst v63  }
0x83: {  	_ =	swait.ge @!p1 [sflag:s15], $0x2000  }
0x84: {  	[sflag:s15] =	ssyncset.done @!p1 $0x0  }
0x85: {  	[sflag:s15] =	ssyncadd.s32 @!p1 $0xFFFFE000  }
0x86: {  	_ =	swait.ge @!p1 [sflag:s15], $0x2000  }
0x87: {  	[sflag:s15] =	ssyncset.done @!p1 $0x0  }
0x88: {  	[sflag:s15] =	ssyncadd.s32 @!p1 $0xFFFFE000;
	s15 =	sshra.s32 s30, $0x2  }
0x89: {  	[tilespmem:s17], [sflag:$0x1] =	stream.indirect.gather [hbm4b:s3+s16], $0x10, s15, s16, $0xb8;
	[tilespmem:$0x14800] =	vst v63  }
0x8a: {  	s8 =	sadd.s32 $0x6400, s15  }
0x8b: {  	[tilespmem:s18], [sflag:$0x1] =	stream.indirect.gather [hbm4b:s3+s16], $0x10, s8, s16, $0xb8;
	[tilespmem:$0x14800] =	vst v63  }
0x8c: {  	s7 =	rddreg [dreg:$0x2];
	s9 =	sadd.s32 $0x80, s15  }
0x8d: {  	[tilespmem:s7], [sflag:$0x1] =	stream.indirect.gather [hbm4b:s3+s16], $0x10, s9, s16, $0xb8;
	[tilespmem:$0x14800] =	vst v63  }
0x8e: {  	s8 =	rddreg [dreg:$0x3];
	s9 =	sadd.s32 $0x6480, s15  }
0x8f: {  	[tilespmem:s8], [sflag:$0x1] =	stream.indirect.gather [hbm4b:s3+s16], $0x10, s9, s16, $0xb8;
	[tilespmem:$0x14800] =	vst v63  }
0x90: {  	s7 =	rddreg [dreg:$0x4];
	s9 =	sadd.s32 $0x100, s15  }
0x91: {  	[tilespmem:s7], [sflag:$0x1] =	stream.indirect.gather [hbm4b:s3+s16], $0x10, s9, s16, $0xb8;
	[tilespmem:$0x14800] =	vst v63  }
0x92: {  	s8 =	rddreg [dreg:$0x5];
	s9 =	sadd.s32 $0x6500, s15  }
0x93: {  	[tilespmem:s8], [sflag:$0x1] =	stream.indirect.gather [hbm4b:s3+s16], $0x10, s9, s16, $0xb8;
	[tilespmem:$0x14800] =	vst v63  }
0x94: {  	s7 =	rddreg [dreg:$0x6];
	s9 =	sadd.s32 $0x180, s15  }
0x95: {  	[tilespmem:s7], [sflag:$0x1] =	stream.indirect.gather [hbm4b:s3+s16], $0x10, s9, s16, $0xb8;
	[tilespmem:$0x14800] =	vst v63  }
0x96: {  	s8 =	rddreg [dreg:$0x7];
	s9 =	sadd.s32 $0x6580, s15;
	s7 =	simm.s32 @!p1 $0x2  }
0x97: {  	[tilespmem:s8], [sflag:$0x1] =	stream.indirect.gather [hbm4b:s3+s16], $0x10, s9, s16, $0xb8;
	[tilespmem:$0x14800] =	vst v63  }
0x98: {  	_ =	swait.ge @!p1 [sflag:s7], $0x800  }
0x99: {  	[sflag:s7] =	ssyncset.done @!p1 $0x0  }
0x9a: {  	[sflag:s7] =	ssyncadd.s32 @!p1 $0xFFFFF800  }
0x9b: {  	_ =	swait.ge @!p1 [sflag:s7], $0x800  }
0x9c: {  	[sflag:s7] =	ssyncset.done @!p1 $0x0  }
0x9d: {  	[sflag:s7] =	ssyncadd.s32 @!p1 $0xFFFFF800  }
0x9e: {  	_ =	swait.ge @!p1 [sflag:s7], $0x800  }
0x9f: {  	[sflag:s7] =	ssyncset.done @!p1 $0x0  }
0xa0: {  	[sflag:s7] =	ssyncadd.s32 @!p1 $0xFFFFF800  }
0xa1: {  	_ =	swait.ge @!p1 [sflag:s7], $0x800  }
0xa2: {  	[sflag:s7] =	ssyncset.done @!p1 $0x0  }
0xa3: {  	[sflag:s7] =	ssyncadd.s32 @!p1 $0xFFFFF800  }
0xa4: {  	_ =	swait.ge @!p1 [sflag:s7], $0x800  }
0xa5: {  	[sflag:s7] =	ssyncset.done @!p1 $0x0  }
0xa6: {  	[sflag:s7] =	ssyncadd.s32 @!p1 $0xFFFFF800  }
0xa7: {  	_ =	swait.ge @!p1 [sflag:s7], $0x800  }
0xa8: {  	[sflag:s7] =	ssyncset.done @!p1 $0x0  }
0xa9: {  	[sflag:s7] =	ssyncadd.s32 @!p1 $0xFFFFF800  }
0xaa: {  	_ =	swait.ge @!p1 [sflag:s7], $0x800  }
0xab: {  	[sflag:s7] =	ssyncset.done @!p1 $0x0  }
0xac: {  	s6 =	smov.u32 s31;
	[sflag:s7] =	ssyncadd.s32 @!p1 $0xFFFFF800  }
0xad: {  	s30 =	smov.u32 s6;
	_ =	swait.ge @!p1 [sflag:s7], $0x800  }
0xae: {  	s6 =	sand.u32 @!p1 $0x1FFFFC00, s29;
	s8 =	simm.s32 @!p1 $0xE800;
	[sflag:s7] =	ssyncset.done @!p1 $0x0  }
0xaf: {  	s9 =	simm.s32 @!p1 $0x0;
	[sflag:s7] =	ssyncadd.s32 @!p1 $0xFFFFF800;
	s7 =	sadd.s32 @!p1 s4, s6  }
0xb0: {  	[hbm4b:s7+s9] =	stream.linear.scatter @!p1 [tilespmem:s8], [sflag:$0x4], $0x2000, $0x38;
	[tilespmem:$0x14800] =	vst v63  }
0xb1: {  	s6 =	sadd.s32 @!p1 s5, s6;
	s7 =	simm.s32 @!p1 $0x12800;
	s8 =	simm.s32 @!p1 $0x4  }
0xb2: {  	[hbm4b:s6+s9] =	stream.linear.scatter @!p1 [tilespmem:s7], [sflag:$0x4], $0x2000, $0x38;
	[tilespmem:$0x14800] =	vst v63  }
0xb3: {  	_ =	swait.ge @!p1 [sflag:s8], $0x2000  }
0xb4: {  	[sflag:s8] =	ssyncset.done @!p1 $0x0  }
0xb5: {  	[sflag:s8] =	ssyncadd.s32 @!p1 $0xFFFFE000  }
0xb6: {  	_ =	swait.ge @!p1 [sflag:s8], $0x2000  }
0xb7: {  	[sflag:s8] =	ssyncset.done @!p1 $0x0  }
0xb8: {  	s7 =	sadd.s32 $0x200, s15;
	[sflag:s8] =	ssyncadd.s32 @!p1 $0xFFFFE000  }
0xb9: {  	[tilespmem:s19], [sflag:$0x2] =	stream.indirect.gather [hbm4b:s3+s16], $0x10, s7, s16, $0xb8;
	[tilespmem:$0x14800] =	vst v63  }
0xba: {  	s8 =	sadd.s32 $0x6600, s15  }
0xbb: {  	[tilespmem:s20], [sflag:$0x2] =	stream.indirect.gather [hbm4b:s3+s16], $0x10, s8, s16, $0xb8;
	[tilespmem:$0x14800] =	vst v63  }
0xbc: {  	s9 =	sadd.s32 $0x280, s15;
	s7 =	rddreg [dreg:$0x8]  }
0xbd: {  	[tilespmem:s7], [sflag:$0x2] =	stream.indirect.gather [hbm4b:s3+s16], $0x10, s9, s16, $0xb8;
	[tilespmem:$0x14800] =	vst v63  }
0xbe: {  	s8 =	rddreg [dreg:$0x9];
	s9 =	sadd.s32 $0x6680, s15  }
0xbf: {  	[tilespmem:s8], [sflag:$0x2] =	stream.indirect.gather [hbm4b:s3+s16], $0x10, s9, s16, $0xb8;
	[tilespmem:$0x14800] =	vst v63  }
0xc0: {  	s7 =	rddreg [dreg:$0xa];
	s9 =	sadd.s32 $0x300, s15  }
0xc1: {  	[tilespmem:s7], [sflag:$0x2] =	stream.indirect.gather [hbm4b:s3+s16], $0x10, s9, s16, $0xb8;
	[tilespmem:$0x14800] =	vst v63  }
0xc2: {  	s8 =	rddreg [dreg:$0xb];
	s9 =	sadd.s32 $0x6700, s15  }
0xc3: {  	[tilespmem:s8], [sflag:$0x2] =	stream.indirect.gather [hbm4b:s3+s16], $0x10, s9, s16, $0xb8;
	[tilespmem:$0x14800] =	vst v63  }
0xc4: {  	s7 =	rddreg [dreg:$0xc];
	s8 =	sadd.s32 $0x380, s15  }
0xc5: {  	[tilespmem:s7], [sflag:$0x2] =	stream.indirect.gather [hbm4b:s3+s16], $0x10, s8, s16, $0xb8;
	[tilespmem:$0x14800] =	vst v63  }
0xc6: {  	s9 =	rddreg [dreg:$0xd];
	s15 =	sadd.s32 $0x6780, s15  }
0xc7: {  	[tilespmem:s9], [sflag:$0x2] =	stream.indirect.gather [hbm4b:s3+s16], $0x10, s15, s16, $0xb8;
	[tilespmem:$0x14800] =	vst v63  }
0xc8: {  	_ =	swait.ge [sflag:s21], $0x800  }
0xc9: {  	[sflag:s21] =	ssyncset.done $0x0  }
0xca: {  	[sflag:s21] =	ssyncadd.s32 $0xFFFFF800  }
0xcb: {  	_ =	swait.ge [sflag:s21], $0x800  }
0xcc: {  	[sflag:s21] =	ssyncset.done $0x0  }
0xcd: {  	[sflag:s21] =	ssyncadd.s32 $0xFFFFF800  }
0xce: {  	_ =	swait.ge [sflag:s21], $0x800  }
0xcf: {  	[sflag:s21] =	ssyncset.done $0x0  }
0xd0: {  	[sflag:s21] =	ssyncadd.s32 $0xFFFFF800  }
0xd1: {  	_ =	swait.ge [sflag:s21], $0x800  }
0xd2: {  	[sflag:s21] =	ssyncset.done $0x0  }
0xd3: {  	[sflag:s21] =	ssyncadd.s32 $0xFFFFF800  }
0xd4: {  	_ =	swait.ge [sflag:s21], $0x800  }
0xd5: {  	[sflag:s21] =	ssyncset.done $0x0  }
0xd6: {  	[sflag:s21] =	ssyncadd.s32 $0xFFFFF800  }
0xd7: {  	_ =	swait.ge [sflag:s21], $0x800  }
0xd8: {  	[sflag:s21] =	ssyncset.done $0x0  }
0xd9: {  	[sflag:s21] =	ssyncadd.s32 $0xFFFFF800  }
0xda: {  	s31 =	sadd.s32 $0x1000, s31;
	_ =	swait.ge [sflag:s21], $0x800  }
0xdb: {  	p0 =	sne.s32 s31, $0x19000;
	[sflag:s21] =	ssyncset.done $0x0  }
.Ltmp0:
0xdc: {  	[sflag:s21] =	ssyncadd.s32 $0xFFFFF800;
	(pc) =	sbr.rel @p0 .LBB2_2-.Ltmp0, $4  }
0xdd: {  	s26 =	sadd.s32 $0x800, s26;
	s0 =	smov.u32 s28;
	_ =	swait.ge [sflag:s21], $0x800  }
0xde: {  	s28 =	sadd.s32 $0x800, s28;
	s11 =	smov.u32 s26;
	[sflag:s21] =	ssyncset.done $0x0  }
0xdf: {  	s29 =	sadd.s32 $0x800, s29;
	p1 =	seq.s32 s30, $0x0;
	[sflag:s21] =	ssyncadd.s32 $0xFFFFF800  }
0xe0: {  	[hbm4b:s0+s2] =	stream.linear.scatter [tilespmem:s17], [sflag:$0x3], $0x2000, $0x38;
	[tilespmem:$0x14800] =	vst v63  }
0xe1: {  	s0 =	simm.s32 @!p1 $0x3  }
0xe2: {  	[hbm4b:s11+s2] =	stream.linear.scatter [tilespmem:s18], [sflag:$0x3], $0x2000, $0x38;
	[tilespmem:$0x14800] =	vst v63  }
0xe3: {  	_ =	swait.ge @!p1 [sflag:s0], $0x2000  }
0xe4: {  	[sflag:s0] =	ssyncset.done @!p1 $0x0  }
0xe5: {  	[sflag:s0] =	ssyncadd.s32 @!p1 $0xFFFFE000  }
0xe6: {  	_ =	swait.ge @!p1 [sflag:s0], $0x2000  }
0xe7: {  	[sflag:s0] =	ssyncset.done @!p1 $0x0  }
0xe8: {  	[sflag:s0] =	ssyncadd.s32 @!p1 $0xFFFFE000;
	s0 =	sshra.s32 s30, $0x2  }
0xe9: {  	[tilespmem:s17], [sflag:$0x1] =	stream.indirect.gather [hbm4b:s3+s16], $0x10, s0, s16, $0xb8;
	[tilespmem:$0x14800] =	vst v63  }
0xea: {  	s6 =	sadd.s32 $0x6400, s0  }
0xeb: {  	[tilespmem:s18], [sflag:$0x1] =	stream.indirect.gather [hbm4b:s3+s16], $0x10, s6, s16, $0xb8;
	[tilespmem:$0x14800] =	vst v63  }
0xec: {  	s7 =	rddreg [dreg:$0x2];
	s9 =	sadd.s32 $0x80, s0  }
0xed: {  	[tilespmem:s7], [sflag:$0x1] =	stream.indirect.gather [hbm4b:s3+s16], $0x10, s9, s16, $0xb8;
	[tilespmem:$0x14800] =	vst v63  }
0xee: {  	s8 =	rddreg [dreg:$0x3];
	s11 =	sadd.s32 $0x6480, s0  }
0xef: {  	[tilespmem:s8], [sflag:$0x1] =	stream.indirect.gather [hbm4b:s3+s16], $0x10, s11, s16, $0xb8;
	[tilespmem:$0x14800] =	vst v63  }
0xf0: {  	s15 =	rddreg [dreg:$0x4];
	s30 =	sadd.s32 $0x100, s0  }
0xf1: {  	[tilespmem:s15], [sflag:$0x1] =	stream.indirect.gather [hbm4b:s3+s16], $0x10, s30, s16, $0xb8;
	[tilespmem:$0x14800] =	vst v63  }
0xf2: {  	s31 =	rddreg [dreg:$0x5];
	s7 =	sadd.s32 $0x6500, s0  }
0xf3: {  	[tilespmem:s31], [sflag:$0x1] =	stream.indirect.gather [hbm4b:s3+s16], $0x10, s7, s16, $0xb8;
	[tilespmem:$0x14800] =	vst v63  }
0xf4: {  	s9 =	rddreg [dreg:$0x6];
	s11 =	sadd.s32 $0x180, s0  }
0xf5: {  	[tilespmem:s9], [sflag:$0x1] =	stream.indirect.gather [hbm4b:s3+s16], $0x10, s11, s16, $0xb8;
	[tilespmem:$0x14800] =	vst v63  }
0xf6: {  	s15 =	rddreg [dreg:$0x7];
	s30 =	sadd.s32 $0x6580, s0;
	s7 =	simm.s32 @!p1 $0x2  }
0xf7: {  	[tilespmem:s15], [sflag:$0x1] =	stream.indirect.gather [hbm4b:s3+s16], $0x10, s30, s16, $0xb8;
	[tilespmem:$0x14800] =	vst v63  }
0xf8: {  	_ =	swait.ge @!p1 [sflag:s7], $0x800  }
0xf9: {  	[sflag:s7] =	ssyncset.done @!p1 $0x0  }
0xfa: {  	[sflag:s7] =	ssyncadd.s32 @!p1 $0xFFFFF800  }
0xfb: {  	_ =	swait.ge @!p1 [sflag:s7], $0x800  }
0xfc: {  	[sflag:s7] =	ssyncset.done @!p1 $0x0  }
0xfd: {  	[sflag:s7] =	ssyncadd.s32 @!p1 $0xFFFFF800  }
0xfe: {  	_ =	swait.ge @!p1 [sflag:s7], $0x800  }
0xff: {  	[sflag:s7] =	ssyncset.done @!p1 $0x0  }
0x100: {  	[sflag:s7] =	ssyncadd.s32 @!p1 $0xFFFFF800  }
0x101: {  	_ =	swait.ge @!p1 [sflag:s7], $0x800  }
0x102: {  	[sflag:s7] =	ssyncset.done @!p1 $0x0  }
0x103: {  	[sflag:s7] =	ssyncadd.s32 @!p1 $0xFFFFF800  }
0x104: {  	_ =	swait.ge @!p1 [sflag:s7], $0x800  }
0x105: {  	[sflag:s7] =	ssyncset.done @!p1 $0x0  }
0x106: {  	[sflag:s7] =	ssyncadd.s32 @!p1 $0xFFFFF800  }
0x107: {  	_ =	swait.ge @!p1 [sflag:s7], $0x800  }
0x108: {  	[sflag:s7] =	ssyncset.done @!p1 $0x0  }
0x109: {  	[sflag:s7] =	ssyncadd.s32 @!p1 $0xFFFFF800  }
0x10a: {  	_ =	swait.ge @!p1 [sflag:s7], $0x800  }
0x10b: {  	[sflag:s7] =	ssyncset.done @!p1 $0x0  }
0x10c: {  	[sflag:s7] =	ssyncadd.s32 @!p1 $0xFFFFF800  }
0x10d: {  	_ =	swait.ge @!p1 [sflag:s7], $0x800  }
0x10e: {  	s6 =	sand.u32 @!p1 $0x1FFFFC00, s29;
	s8 =	simm.s32 @!p1 $0xE800;
	[sflag:s7] =	ssyncset.done @!p1 $0x0  }
0x10f: {  	s9 =	simm.s32 @!p1 $0x0;
	[sflag:s7] =	ssyncadd.s32 @!p1 $0xFFFFF800;
	s7 =	sadd.s32 @!p1 s4, s6  }
0x110: {  	[hbm4b:s7+s9] =	stream.linear.scatter @!p1 [tilespmem:s8], [sflag:$0x4], $0x2000, $0x38;
	[tilespmem:$0x14800] =	vst v63  }
0x111: {  	s6 =	sadd.s32 @!p1 s5, s6;
	s7 =	simm.s32 @!p1 $0x12800;
	s8 =	simm.s32 @!p1 $0x4  }
0x112: {  	[hbm4b:s6+s9] =	stream.linear.scatter @!p1 [tilespmem:s7], [sflag:$0x4], $0x2000, $0x38;
	[tilespmem:$0x14800] =	vst v63  }
0x113: {  	_ =	swait.ge @!p1 [sflag:s8], $0x2000  }
0x114: {  	[sflag:s8] =	ssyncset.done @!p1 $0x0  }
0x115: {  	[sflag:s8] =	ssyncadd.s32 @!p1 $0xFFFFE000  }
0x116: {  	_ =	swait.ge @!p1 [sflag:s8], $0x2000  }
0x117: {  	[sflag:s8] =	ssyncset.done @!p1 $0x0  }
0x118: {  	s31 =	sadd.s32 $0x200, s0;
	[sflag:s8] =	ssyncadd.s32 @!p1 $0xFFFFE000  }
0x119: {  	[tilespmem:s19], [sflag:$0x2] =	stream.indirect.gather [hbm4b:s3+s16], $0x10, s31, s16, $0xb8;
	[tilespmem:$0x14800] =	vst v63  }
0x11a: {  	s7 =	sadd.s32 $0x6600, s0  }
0x11b: {  	[tilespmem:s20], [sflag:$0x2] =	stream.indirect.gather [hbm4b:s3+s16], $0x10, s7, s16, $0xb8;
	[tilespmem:$0x14800] =	vst v63  }
0x11c: {  	s9 =	sadd.s32 $0x280, s0;
	s8 =	rddreg [dreg:$0x8]  }
0x11d: {  	[tilespmem:s8], [sflag:$0x2] =	stream.indirect.gather [hbm4b:s3+s16], $0x10, s9, s16, $0xb8;
	[tilespmem:$0x14800] =	vst v63  }
0x11e: {  	s15 =	sadd.s32 $0x6680, s0;
	s11 =	rddreg [dreg:$0x9]  }
0x11f: {  	[tilespmem:s11], [sflag:$0x2] =	stream.indirect.gather [hbm4b:s3+s16], $0x10, s15, s16, $0xb8;
	[tilespmem:$0x14800] =	vst v63  }
0x120: {  	s30 =	sadd.s32 $0x300, s0;
	s29 =	rddreg [dreg:$0xa]  }
0x121: {  	[tilespmem:s29], [sflag:$0x2] =	stream.indirect.gather [hbm4b:s3+s16], $0x10, s30, s16, $0xb8;
	[tilespmem:$0x14800] =	vst v63  }
0x122: {  	s31 =	rddreg [dreg:$0xb];
	s7 =	sadd.s32 $0x6700, s0  }
0x123: {  	[tilespmem:s31], [sflag:$0x2] =	stream.indirect.gather [hbm4b:s3+s16], $0x10, s7, s16, $0xb8;
	[tilespmem:$0x14800] =	vst v63  }
0x124: {  	s9 =	rddreg [dreg:$0xc];
	s11 =	sadd.s32 $0x380, s0  }
0x125: {  	[tilespmem:s9], [sflag:$0x2] =	stream.indirect.gather [hbm4b:s3+s16], $0x10, s11, s16, $0xb8;
	[tilespmem:$0x14800] =	vst v63  }
0x126: {  	s15 =	rddreg [dreg:$0xd];
	s0 =	sadd.s32 $0x6780, s0  }
0x127: {  	[tilespmem:s15], [sflag:$0x2] =	stream.indirect.gather [hbm4b:s3+s16], $0x10, s0, s16, $0xb8;
	[tilespmem:$0x14800] =	vst v63  }
0x128: {  	_ =	swait.ge [sflag:s21], $0x800  }
0x129: {  	[sflag:s21] =	ssyncset.done $0x0  }
0x12a: {  	[sflag:s21] =	ssyncadd.s32 $0xFFFFF800  }
0x12b: {  	_ =	swait.ge [sflag:s21], $0x800  }
0x12c: {  	[sflag:s21] =	ssyncset.done $0x0  }
0x12d: {  	[sflag:s21] =	ssyncadd.s32 $0xFFFFF800  }
0x12e: {  	_ =	swait.ge [sflag:s21], $0x800  }
0x12f: {  	[sflag:s21] =	ssyncset.done $0x0  }
0x130: {  	[sflag:s21] =	ssyncadd.s32 $0xFFFFF800  }
0x131: {  	_ =	swait.ge [sflag:s21], $0x800  }
0x132: {  	[sflag:s21] =	ssyncset.done $0x0  }
0x133: {  	[sflag:s21] =	ssyncadd.s32 $0xFFFFF800  }
0x134: {  	_ =	swait.ge [sflag:s21], $0x800  }
0x135: {  	[sflag:s21] =	ssyncset.done $0x0  }
0x136: {  	[sflag:s21] =	ssyncadd.s32 $0xFFFFF800  }
0x137: {  	_ =	swait.ge [sflag:s21], $0x800  }
0x138: {  	[sflag:s21] =	ssyncset.done $0x0  }
0x139: {  	[sflag:s21] =	ssyncadd.s32 $0xFFFFF800  }
0x13a: {  	_ =	swait.ge [sflag:s21], $0x800  }
0x13b: {  	[sflag:s21] =	ssyncset.done $0x0  }
0x13c: {  	[sflag:s21] =	ssyncadd.s32 $0xFFFFF800  }
0x13d: {  	_ =	swait.ge [sflag:s21], $0x800  }
0x13e: {  	[sflag:s21] =	ssyncset.done $0x0  }
0x13f: {  	[sflag:s21] =	ssyncadd.s32 $0xFFFFF800  }
0x140: {  	[hbm4b:s28+s2] =	stream.linear.scatter [tilespmem:s17], [sflag:$0x3], $0x2000, $0x38;
	[tilespmem:$0x14800] =	vst v63  }
0x141: {  	s29 =	sadd.s32 $0x800, s26  }
0x142: {  	[hbm4b:s29+s2] =	stream.linear.scatter [tilespmem:s18], [sflag:$0x3], $0x2000, $0x38;
	[tilespmem:$0x14800] =	vst v63  }
0x143: {  	_ =	swait.ge [sflag:s22], $0x800  }
0x144: {  	[sflag:s22] =	ssyncset.done $0x0  }
0x145: {  	[sflag:s22] =	ssyncadd.s32 $0xFFFFF800  }
0x146: {  	_ =	swait.ge [sflag:s22], $0x800  }
0x147: {  	[sflag:s22] =	ssyncset.done $0x0  }
0x148: {  	[sflag:s22] =	ssyncadd.s32 $0xFFFFF800  }
0x149: {  	_ =	swait.ge [sflag:s22], $0x800  }
0x14a: {  	[sflag:s22] =	ssyncset.done $0x0  }
0x14b: {  	[sflag:s22] =	ssyncadd.s32 $0xFFFFF800  }
0x14c: {  	_ =	swait.ge [sflag:s22], $0x800  }
0x14d: {  	[sflag:s22] =	ssyncset.done $0x0  }
0x14e: {  	[sflag:s22] =	ssyncadd.s32 $0xFFFFF800  }
0x14f: {  	_ =	swait.ge [sflag:s22], $0x800  }
0x150: {  	[sflag:s22] =	ssyncset.done $0x0  }
0x151: {  	[sflag:s22] =	ssyncadd.s32 $0xFFFFF800  }
0x152: {  	_ =	swait.ge [sflag:s22], $0x800  }
0x153: {  	[sflag:s22] =	ssyncset.done $0x0  }
0x154: {  	[sflag:s22] =	ssyncadd.s32 $0xFFFFF800  }
0x155: {  	_ =	swait.ge [sflag:s22], $0x800  }
0x156: {  	[sflag:s22] =	ssyncset.done $0x0  }
0x157: {  	[sflag:s22] =	ssyncadd.s32 $0xFFFFF800  }
0x158: {  	_ =	swait.ge [sflag:s22], $0x800  }
0x159: {  	[sflag:s22] =	ssyncset.done $0x0  }
0x15a: {  	s30 =	rddreg [dreg:$0x10];
	[sflag:s22] =	ssyncadd.s32 $0xFFFFF800  }
0x15b: {  	[hbm4b:s30+s2] =	stream.linear.scatter [tilespmem:s19], [sflag:$0x4], $0x2000, $0x38;
	[tilespmem:$0x14800] =	vst v63  }
0x15c: {  	s31 =	rddreg [dreg:$0x11]  }
0x15d: {  	[hbm4b:s31+s2] =	stream.linear.scatter [tilespmem:s20], [sflag:$0x4], $0x2000, $0x38;
	[tilespmem:$0x14800] =	vst v63  }
0x15e: {  	_ =	swait.ge [sflag:s23], $0x2000  }
0x15f: {  	[sflag:s23] =	ssyncset.done $0x0  }
0x160: {  	[sflag:s23] =	ssyncadd.s32 $0xFFFFE000  }
0x161: {  	_ =	swait.ge [sflag:s23], $0x2000  }
0x162: {  	[sflag:s23] =	ssyncset.done $0x0  }
0x163: {  	s25 =	sadd.s32 $0x1, s25;
	[sflag:s23] =	ssyncadd.s32 $0xFFFFE000  }
0x164: {  	p0 =	sne.s32 s25, s10;
	_ =	swait.ge [sflag:s24], $0x2000  }
.Ltmp1:
0x165: {  	[sflag:s24] =	ssyncset.done $0x0;
	(pc) =	sbr.rel @p0 .LBB2_1-.Ltmp1, $4  }
0x166: {  	[sflag:s24] =	ssyncadd.s32 $0xFFFFE000  }
0x167: {  	_ =	swait.ge [sflag:s24], $0x2000  }
0x168: {  	[sflag:s24] =	ssyncset.done $0x0  }
0x169: {  	[sflag:s24] =	ssyncadd.s32 $0xFFFFE000  }
0x16a: {  	_ =	sfence.sel $0x180000  }
0x16b: {  	[bflag:$0x0] =	sbarrier.arrive $0xFFFF  }
0x16c: {  	_ =	strace $0x90000047  }
0x16d: {  	s0 =	stileid.u32;
	[bflag:$0x2] =	sbarrier.arrive $0xFFFF  }
0x16e: {  	p0 =	sne.s32 s0, $0x0;
	s0 =	rddreg [dreg:$0x1]  }
0x16f: {  	s0 =	sadd.s32 @!p0 $0x100000, s0  }
0x170: {  	[sflag:s0] =	ssyncadd.tile.s32 @!p0 $0x1;
	_ =	shalt  }
.Lfunc_end2:
_tile_overlayer_lowered:
.L_overlay_start_2:
0x171: {  	(tag) =	ssettag $0x2  }
0x172: {  	s0 =	rddreg [dreg:$0x0];
	s2 =	stileid.u32  }
0x173: {  	s1 =	rddreg [dreg:$0x1];
	p0 =	sne.s32 s2, $0x0  }
0x174: {  	s3 =	rddreg [dreg:$0x2];
	[bflag:$0x3] =	sbarrier.arrive $0xFFFF;
	s2 =	simm.s32 @!p0 $0x1C05  }
0x175: {  	[timem:s3], [sflag:s2] =	dma.local @!p0 [hbm:s0], s1  }
0x176: {  	s0 =	simm.s32 @!p0 $0x5  }
0x177: {  	_ =	swait.ge @!p0 [sflag:s0], s1  }
0x178: {  	s1 =	ssub.s32 @!p0 $0x0, s1;
	[sflag:s0] =	ssyncset.done @!p0 $0x0  }
0x179: {  	[sflag:s0] =	ssyncadd.s32 @!p0 s1  }
0x17a: {  	[bflag:$0x3] =	sbarrier.arrive $0xFFFF  }
0x17b: {  	_ =	shalt  }

// kernel: kernel.14.cloned.1.call-start
scs
__scs_entry_jumppad:
0x0: {  	(pc) =	sbr.rel $0x88, $3  }
0x1: {  	(tag) =	ssettag $0x0;
	lr =	simm.s32 $0x1  }
0x2: {  	[smem:$0x3F7E] =	sst lr;
	_ =	strace $0xD0000000  }
0x3: {  	_ = 	snop  }
0x4: {  	_ = 	snop  }
0x5: {  	_ = 	snop  }
0x6: {  	_ = 	snop  }
0x7: {  	_ = 	snop  }
__scs_overlays_trampoline_lowered:
0x8: {  	[smem:$0x3F8D] =	sst s0  }
0x9: {  	[smem:$0x3F8E] =	sst s1  }
0xa: {  	[smem:$0x3F8F] =	sst s2  }
0xb: {  	[smem:$0x3F90] =	sst s3  }
0xc: {  	[smem:$0x3F91] =	sst s4  }
0xd: {  	[smem:$0x3F92] =	sst s5  }
0xe: {  	[smem:$0x3F93] =	sst s6  }
0xf: {  	[smem:$0x3F94] =	sst s7  }
0x10: {  	[smem:$0x3F95] =	sst s8  }
0x11: {  	[smem:$0x3F96] =	sst s9;
	s0 =	simm.s32 @!p0 $0x0  }
0x12: {  	s1 =	sld [smem:$0x3F7C];
	s0 =	simm.s32 @p0 $0x1  }
0x13: {  	[smem:$0x3F97] =	sst s0;
	s0 =	simm.s32 @!p1 $0x0  }
0x14: {  	s2 =	sld [smem:$0x3F7B];
	s0 =	simm.s32 @p1 $0x1  }
0x15: {  	[smem:$0x3F98] =	sst s0;
	s0 =	simm.s32 @!p2 $0x0  }
0x16: {  	s3 =	sld [smem:$0x3FDB];
	s0 =	simm.s32 @p2 $0x1  }
0x17: {  	s4 =	simm.s32 $0x1BF5;
	[smem:$0x3F9A] =	sst s0  }
0x18: {  	s0 =	sld [smem:$0x3F7D];
	_ =	swait.ge [sflag:s4], $0x0  }
0x19: {  	s7 =	sld [smem:$0x3F7E]  }
0x1a: {  	s8 =	sadd.s32 $0xFFFFE003, lr  }
0x1b: {  	s9 =	sadd.s32 $0xFFFFFEF7, lr;
	s5 =	simm.s32 $0xFFFFFFFF;
	p2 =	slt.u32 s8, $0xFFFFF086  }
0x1c: {  	p1 =	slt.u32 s9, $0xF7A;
	s5 =	simm.s32 @!p2 $0x0  }
0x1d: {  	s5 =	simm.s32 @p1 $0x1;
	p0 =	seq.s32 s7, s2  }
0x1e: {  	s7 =	smul.u32 @!p0 $0xF7A, s2;
	p2 =	seq.s32 @!p0 s5, $0x0  }
0x1f: {  	s9 =	smul.u32 $0xF7A, s1;
	s8 =	simm.s32 @!p0 $0x1BF5;
	p2 =	por !p2, p0  }
0x20: {  	[sflag:s8] =	ssyncset.s32 @!p0 $0xFFFFF086;
	s6 =	sadd.s32 @!p0 s3, s7;
	s7 =	simm.s32 @!p0 $0x108  }
0x21: {  	s3 =	sadd.s32 s3, s9;
	s6 =	sadd.s32 @!p0 $0x88, s6;
	s7 =	simm.s32 @p2 $0x1082  }
0x22: {  	[simem:s7], [sflag:s8] =	dma.local @!p0 [hbm:s6], $0xF7A  }
0x23: {  	s9 =	sor.u32 $0xD0000000, s2;
	s6 =	simm.s32 $0x108;
	_ =	swait.ge @!p0 [sflag:s8], $0x0  }
0x24: {  	s3 =	sadd.s32 $0x88, s3;
	s6 =	simm.s32 @!p1 $0x1082;
	[sflag:s4] =	ssyncset.s32 $0xFFFFF086  }
0x25: {  	[simem:s6], [sflag:s4] =	dma.local [hbm:s3], $0xF7A  }
0x26: {  	[smem:$0x3F7E] =	sst s1;
	(tag) =	ssettag s2;
	_ =	strace s9  }
0x27: {  	s1 =	sld [smem:$0x3F8E]  }
0x28: {  	s2 =	sld [smem:$0x3F8F]  }
0x29: {  	s4 =	sld [smem:$0x3F91]  }
0x2a: {  	p0 =	seq.s32 s5, $0x0;
	s5 =	sld [smem:$0x3F92]  }
0x2b: {  	s6 =	sld [smem:$0x3F93]  }
0x2c: {  	s7 =	sld [smem:$0x3F94]  }
0x2d: {  	s3 =	simm.s32 $0x108;
	s8 =	sld [smem:$0x3F95]  }
0x2e: {  	s3 =	simm.s32 @!p0 $0x1082;
	s9 =	sld [smem:$0x3F96]  }
0x2f: {  	lr =	sadd.s32 s0, s3;
	s0 =	sld [smem:$0x3F8D]  }
0x30: {  	s3 =	sld [smem:$0x3F90]  }
0x31: {  	[smem:$0x3F99] =	sst s10  }
0x32: {  	s10 =	sld [smem:$0x3F97];
	_ =	sdelay $0x3  }
0x33: {  	p0 =	seq.s32 s10, $0x1;
	s10 =	sld [smem:$0x3F99];
	_ =	sdelay $0x3  }
0x34: {  	[smem:$0x3F99] =	sst s10  }
0x35: {  	s10 =	sld [smem:$0x3F98];
	_ =	sdelay $0x3  }
0x36: {  	p1 =	seq.s32 s10, $0x1;
	s10 =	sld [smem:$0x3F99];
	_ =	sdelay $0x3  }
0x37: {  	[smem:$0x3F99] =	sst s10  }
0x38: {  	s10 =	sld [smem:$0x3F9A]  }
0x39: {  	_ = 	snop;
	(pc) =	sbr.ind lr, $3  }
0x3a: {  	_ = 	snop  }
0x3b: {  	_ = 	snop  }
0x3c: {  	p2 =	seq.s32 s10, $0x1;
	s10 =	sld [smem:$0x3F99]  }
0x3d: {  	_ =	shalt  }
0x3e: {  	_ =	shalt  }
0x3f: {  	_ =	shalt  }
0x40: {  	_ =	shalt  }
0x41: {  	_ =	shalt  }
0x42: {  	_ =	shalt  }
0x43: {  	_ =	shalt  }
0x44: {  	_ =	shalt  }
0x45: {  	_ =	shalt  }
0x46: {  	_ =	shalt  }
0x47: {  	_ =	shalt  }
0x48: {  	_ =	shalt  }
0x49: {  	_ =	shalt  }
0x4a: {  	_ =	shalt  }
0x4b: {  	_ =	shalt  }
0x4c: {  	_ =	shalt  }
0x4d: {  	_ =	shalt  }
0x4e: {  	_ =	shalt  }
0x4f: {  	_ =	shalt  }
0x50: {  	_ =	shalt  }
0x51: {  	_ =	shalt  }
0x52: {  	_ =	shalt  }
0x53: {  	_ =	shalt  }
0x54: {  	_ =	shalt  }
0x55: {  	_ =	shalt  }
0x56: {  	_ =	shalt  }
0x57: {  	_ =	shalt  }
0x58: {  	_ =	shalt  }
0x59: {  	_ =	shalt  }
0x5a: {  	_ =	shalt  }
0x5b: {  	_ =	shalt  }
0x5c: {  	_ =	shalt  }
0x5d: {  	_ =	shalt  }
0x5e: {  	_ =	shalt  }
0x5f: {  	_ =	shalt  }
0x60: {  	_ =	shalt  }
0x61: {  	_ =	shalt  }
0x62: {  	_ =	shalt  }
0x63: {  	_ =	shalt  }
0x64: {  	_ =	shalt  }
0x65: {  	_ =	shalt  }
0x66: {  	_ =	shalt  }
0x67: {  	_ =	shalt  }
0x68: {  	_ =	shalt  }
0x69: {  	_ =	shalt  }
0x6a: {  	_ =	shalt  }
0x6b: {  	_ =	shalt  }
0x6c: {  	_ =	shalt  }
0x6d: {  	_ =	shalt  }
0x6e: {  	_ =	shalt  }
0x6f: {  	_ =	shalt  }
0x70: {  	_ =	shalt  }
0x71: {  	_ =	shalt  }
0x72: {  	_ =	shalt  }
0x73: {  	_ =	shalt  }
0x74: {  	_ =	shalt  }
0x75: {  	_ =	shalt  }
0x76: {  	_ =	shalt  }
0x77: {  	_ =	shalt  }
0x78: {  	_ =	shalt  }
0x79: {  	_ =	shalt  }
0x7a: {  	_ =	shalt  }
0x7b: {  	_ =	shalt  }
0x7c: {  	_ =	shalt  }
0x7d: {  	_ =	shalt  }
0x7e: {  	_ =	shalt  }
0x7f: {  	_ =	shalt  }
0x80: {  	_ =	shalt  }
0x81: {  	_ =	shalt  }
0x82: {  	_ =	shalt  }
0x83: {  	_ =	shalt  }
0x84: {  	_ =	shalt  }
0x85: {  	_ =	shalt  }
0x86: {  	_ =	shalt  }
0x87: {  	_ =	shalt  }
.Lfunc_end0:
.L_simem_size_0:
called_computation.1_lowered:
.L_overlay_start_0:
0x88: {  	s2 =	sld [smem:$0x3FD9]  }
0x89: {  	s3 =	sld [smem:$0x3FFE];
	_ =	sdelay $0x1  }
0x8a: {  	s1 =	srdreg.scid  }
0x8b: {  	s0 =	sand.u32 $0x1, s1  }
0x8c: {  	s16 =	sshll.u32 s0, $0xA;
	s2 =	sadd.s32 s3, s2  }
0x8d: {  	s2 =	sadd.s32 s2, s16  }
0x8e: {  	[smem:$0x3FA5] =	sst s2  }
0x8f: {  	_ = 	snop  }
0x90: {  	(tm) =	ssettm $0x1  }
0x91: {  	s17 =	sld [smem:$0x3FFB];
	_ =	sdelay $0x3  }
0x92: {  	_ =	strace s17  }
0x93: {  	s2 =	sld [smem:$0x3FFC];
	_ =	sdelay $0x3  }
0x94: {  	_ =	strace s2  }
0x95: {  	s2 =	sld [smem:$0x3FFD];
	_ =	sdelay $0x3  }
0x96: {  	_ =	strace s2  }
0x97: {  	_ =	strace $0x8FFFFFFF  }
0x98: {  	s18 =	sld [smem:$0x3FDB];
	_ =	sdelay $0x1  }
0x99: {  	s19 =	simm.s32 $_scs_section_size  }
0x9a: {  	s4 =	simm.s32 $_size__tile_overlayer_lowered;
	s5 =	simm.s32 $_tile_overlayer_lowered  }
0x9b: {  	s22 =	simm.s32 $0x1BFF;
	s21 =	sshll.u32 s5, $0x1;
	s2 =	sadd.s32 s19, s18  }
0x9c: {  	s6 =	simm.s32 $0x0;
	s20 =	sshll.u32 s4, $0x1;
	s4 =	sadd.s32 s21, s2  }
0x9d: {  	[timem:s6], [sflag:s22] =	dma.local [hbm:s4], s20  }
0x9e: {  	_ =	swait.ge [sflag:s22], s20  }
0x9f: {  	s3 =	ssub.s32 $0x0, s20;
	[sflag:s22] =	ssyncset.done $0x0  }
0xa0: {  	[sflag:s22] =	ssyncadd.s32 s3;
	_ =	sdelay $0x1  }
0xa1: {  	s23 =	simm.s32 $0x1B8B  }
0xa2: {  	_ =	swait.ge [sflag:s23], $0x1  }
0xa3: {  	[sflag:s23] =	ssyncset.done $0x0  }
0xa4: {  	s25 =	simm.s32 $0x1B8E;
	s24 =	sld [smem:$0x3FFE];
	[sflag:s23] =	ssyncadd.s32 $0xFFFFFFFF  }
0xa5: {  	s26 =	simm.s32 $execute0_lowered;
	[smem:$0x3FD2] =	sst s25  }
0xa6: {  	s4 =	sshll.u32 s26, $0x1;
	_ =	strace $0x80000049;
	[dreg:$0x1] =	wrdreg $0xFFFFFFFF  }
0xa7: {  	s28 =	simm.s32 $_size_execute0_lowered;
	s2 =	sadd.s32 s2, s4;
	[dreg:$0x0] =	wrdreg $0x0  }
0xa8: {  	s4 =	sshll.u32 s28, $0x1;
	[dreg:$0x2] =	wrdreg s2  }
0xa9: {  	[dreg:$0x3] =	wrdreg s4  }
0xaa: {  	[dreg:$0x4] =	wrdreg $0xC0  }
0xab: {  	_ =	task [dreg:s6], $0x5FFFF  }
0xac: {  	[dreg:$0x1] =	wrdreg $0xFFFFFFFF  }
0xad: {  	[dreg:$0x0] =	wrdreg $0x60  }
0xae: {  	[dreg:$0x2] =	wrdreg s24  }
0xaf: {  	[dreg:$0x3] =	wrdreg $0x24000  }
0xb0: {  	[dreg:$0x4] =	wrdreg $0x9  }
0xb1: {  	_ =	task.clear_ibuf [dreg:s6], $0x5FFFF;
	_ =	strace $0x90000049  }
0xb2: {  	s29 =	simm.s32 $0x9;
	_ =	strace $0x8000004B  }
0xb3: {  	_ =	swait.ge [sflag:s29], $0x1  }
0xb4: {  	[sflag:s29] =	ssyncadd.s32 $0xFFFFFFFF  }
0xb5: {  	_ =	strace $0x9000004B  }
0xb6: {  	_ =	sfence  }
0xb7: {  	s30 =	sld [smem:$0x0];
	_ =	sdelay $0x2  }
0xb8: {  	s31 =	sshll.u32 s1, $0xD;
	s1 =	sshrl.u32 s1, $0x2  }
0xb9: {  	s3 =	sand.u32 $0x4000, s31;
	s1 =	sadd.s32 s1, s30  }
0xba: {  	s0 =	sor.u32 s3, s0;
	s1 =	sshll.u32 s1, $0x11  }
0xbb: {  	s0 =	sor.u32 s1, s0  }
0xbc: {  	s0 =	sadd.s32 $0x8F2B, s0  }
0xbd: {  	[sflag:s0] =	ssyncadd.remote.s32 $0x1  }
0xbe: {  	_ =	sfence.sel $0xFFFF  }
0xbf: {  	[dreg:$0x0] =	wrdreg $0xFFFFFFFF;
	(pc) =	sbr.abs _section_cstart, $3  }
0xc0: {  	[dreg:$0x1] =	wrdreg $0xFFFFFFFF  }
0xc1: {  	_ =	task.clear_ibuf [dreg:s6], $0x2FFFF;
	_ =	strace $0x9FFFFFFF  }
0xc2: {  	(tm) =	ssettm $0x7FFFFFFF  }
0xc3: {  	_ =	shalt  }
tec
execute0_lowered:
.L_overlay_start_1:
0x0: {  	(tag) =	ssettag $0x1  }
0x1: {  	s0 =	srdreg.scid  }
0x2: {  	s8 =	stileid.u32;
	s3 =	rddreg [dreg:$0x0]  }
0x3: {  	s1 =	rddreg [dreg:$0x1];
	s2 =	simm.s32 $0x0;
	s11 =	simm.s32 $0x80  }
0x4: {  	s12 =	simm.s32 $0x800;
	s13 =	simm.s32 $0x100;
	s14 =	simm.s32 $0xC00  }
0x5: {  	s15 =	simm.s32 $0x180;
	s16 =	simm.s32 $0x1000;
	s17 =	simm.s32 $0x200  }
0x6: {  	s18 =	simm.s32 $0x1400;
	s19 =	simm.s32 $0x280;
	s20 =	simm.s32 $0x1800  }
0x7: {  	s21 =	simm.s32 $0x300;
	s22 =	simm.s32 $0x1C00;
	s5 =	smul.u32 $0x64000, s8  }
0x8: {  	s23 =	simm.s32 $0x380;
	s4 =	sand.u32 $0x1, s0;
	s7 =	smul.u32 $0xC800, s8  }
0x9: {  	s24 =	simm.s32 $0x2000;
	s0 =	rddreg [dreg:$0x2];
	s6 =	smul.u32 $0x32000, s4  }
0xa: {  	s25 =	simm.s32 $0x0;
	[smem:$0x7FF] =	sst s2;
	s26 =	smul.u32 $0x6400, s4  }
0xb: {  	p0 =	sne.s32 s8, $0x0;
	s28 =	smul.u32 $0xC358, s4;
	s4 =	ssub.s32 $0x2, s4  }
0xc: {  	_ =	strace $0x8000004A;
	s8 =	sshrl.u32 @!p0 s1, $0x3;
	s30 =	sshrl.u32 s4, $0x1  }
0xd: {  	s5 =	sadd.s32 s6, s5;
	s6 =	sadd.s32 s26, s7;
	s31 =	sadd.s32 s28, s3  }
0xe: {  	s5 =	sshrl.u32 s5, $0x3;
	s29 =	sshrl.u32 s6, $0x3;
	s6 =	ssub.s32 s4, s30  }
0xf: {  	s4 =	sadd.s32 $0x131600, s31;
	s9 =	sadd.s32 s5, s3;
	s10 =	sadd.s32 s29, s3  }
0x10: {  	s3 =	sadd.s32 $0x5E00, s3;
	s5 =	smax.u32 s6, $0x1;
	s6 =	sadd.s32 $0x69600, s9  }
0x11: {  	s7 =	sadd.s32 $0x1E600, s10;
	s9 =	simm.s32 $0x1;
	s10 =	simm.s32 $0x400  }
.LBB2_1:
0x12: {  	s26 =	simm.s32 @!p0 $0x1C01  }
0x13: {  	[spmem:s8], [sflag:s26] =	dma.local @!p0 [hbm:s3], $0xC358  }
0x14: {  	s26 =	simm.s32 @!p0 $0x1  }
0x15: {  	_ =	swait.ge @!p0 [sflag:s26], $0xC358  }
0x16: {  	[sflag:s26] =	ssyncset.done @!p0 $0x0  }
0x17: {  	[sflag:s26] =	ssyncadd.s32 @!p0 $0xFFFF3CA8  }
0x18: {  	s31 =	sadd.s32 $0x0, s7;
	[bflag:$0x0] =	sbarrier.arrive $0xFFFF  }
0x19: {  	[tilespmem:s2], [sflag:$0x1] =	stream.linear.gather [hbm4b:s31+s2], $0x400, $0x38;
	[tilespmem:$0x85B0] =	vst v63  }
0x1a: {  	_ =	swait.ge [sflag:s9], $0x400  }
0x1b: {  	[sflag:s9] =	ssyncset.done $0x0  }
0x1c: {  	[sflag:s9] =	ssyncadd.s32 $0xFFFFFC00  }
0x1d: {  	[tilespmem:s10], [sflag:$0x1] =	stream.linear.gather [hbm4b:s6+s2], $0x2000, $0x38;
	[tilespmem:$0x85B0] =	vst v63  }
0x1e: {  	_ =	swait.ge [sflag:s9], $0x2000  }
0x1f: {  	[sflag:s9] =	ssyncset.done $0x0  }
0x20: {  	[sflag:s9] =	ssyncadd.s32 $0xFFFFE000  }
0x21: {  	[spmem:s1] =	stream.indirect.scatter.add.f32 [tilespmem:s10], [sflag:$0x1], $0x8, s2, s11, $0xb8;
	[tilespmem:$0x85B0] =	vst v63  }
0x22: {  	_ =	swait.ge [sflag:s9], $0x400  }
0x23: {  	[sflag:s9] =	ssyncset.done $0x0  }
0x24: {  	[sflag:s9] =	ssyncadd.s32 $0xFFFFFC00  }
0x25: {  	[spmem:s1] =	stream.indirect.scatter.add.f32 [tilespmem:s12], [sflag:$0x1], $0x8, s11, s11, $0xb8;
	[tilespmem:$0x85B0] =	vst v63  }
0x26: {  	_ =	swait.ge [sflag:s9], $0x400  }
0x27: {  	[sflag:s9] =	ssyncset.done $0x0  }
0x28: {  	[sflag:s9] =	ssyncadd.s32 $0xFFFFFC00  }
0x29: {  	[spmem:s1] =	stream.indirect.scatter.add.f32 [tilespmem:s14], [sflag:$0x1], $0x8, s13, s11, $0xb8;
	[tilespmem:$0x85B0] =	vst v63  }
0x2a: {  	_ =	swait.ge [sflag:s9], $0x400  }
0x2b: {  	[sflag:s9] =	ssyncset.done $0x0  }
0x2c: {  	[sflag:s9] =	ssyncadd.s32 $0xFFFFFC00  }
0x2d: {  	[spmem:s1] =	stream.indirect.scatter.add.f32 [tilespmem:s16], [sflag:$0x1], $0x8, s15, s11, $0xb8;
	[tilespmem:$0x85B0] =	vst v63  }
0x2e: {  	_ =	swait.ge [sflag:s9], $0x400  }
0x2f: {  	[sflag:s9] =	ssyncset.done $0x0  }
0x30: {  	[sflag:s9] =	ssyncadd.s32 $0xFFFFFC00  }
0x31: {  	[spmem:s1] =	stream.indirect.scatter.add.f32 [tilespmem:s18], [sflag:$0x1], $0x8, s17, s11, $0xb8;
	[tilespmem:$0x85B0] =	vst v63  }
0x32: {  	_ =	swait.ge [sflag:s9], $0x400  }
0x33: {  	[sflag:s9] =	ssyncset.done $0x0  }
0x34: {  	[sflag:s9] =	ssyncadd.s32 $0xFFFFFC00  }
0x35: {  	[spmem:s1] =	stream.indirect.scatter.add.f32 [tilespmem:s20], [sflag:$0x1], $0x8, s19, s11, $0xb8;
	[tilespmem:$0x85B0] =	vst v63  }
0x36: {  	_ =	swait.ge [sflag:s9], $0x400  }
0x37: {  	[sflag:s9] =	ssyncset.done $0x0  }
0x38: {  	[sflag:s9] =	ssyncadd.s32 $0xFFFFFC00  }
0x39: {  	[spmem:s1] =	stream.indirect.scatter.add.f32 [tilespmem:s22], [sflag:$0x1], $0x8, s21, s11, $0xb8;
	[tilespmem:$0x85B0] =	vst v63  }
0x3a: {  	_ =	swait.ge [sflag:s9], $0x400  }
0x3b: {  	[sflag:s9] =	ssyncset.done $0x0  }
0x3c: {  	[sflag:s9] =	ssyncadd.s32 $0xFFFFFC00  }
0x3d: {  	[spmem:s1] =	stream.indirect.scatter.add.f32 [tilespmem:s24], [sflag:$0x1], $0x8, s23, s11, $0xb8;
	[tilespmem:$0x85B0] =	vst v63  }
0x3e: {  	s28 =	simm.s32 $0x80;
	_ =	swait.ge [sflag:s9], $0x400  }
0x3f: {  	s30 =	simm.s32 $0x100;
	s26 =	sadd.s32 $0x400, s6;
	[sflag:s9] =	ssyncset.done $0x0  }
.LBB2_2:
0x40: {  	s31 =	sadd.s32 s28, s7  }
0x41: {  	[sflag:s9] =	ssyncadd.s32 $0xFFFFFC00;
	s28 =	smov.u32 s30;
	s29 =	sadd.s32 $0x80, s30  }
0x42: {  	[tilespmem:s2], [sflag:$0x1] =	stream.linear.gather [hbm4b:s31+s2], $0x400, $0x38;
	[tilespmem:$0x85B0] =	vst v63  }
0x43: {  	p1 =	sne.s32 s30, $0xC00;
	_ =	swait.ge [sflag:s9], $0x400  }
0x44: {  	[sflag:s9] =	ssyncset.done $0x0  }
0x45: {  	[sflag:s9] =	ssyncadd.s32 $0xFFFFFC00  }
0x46: {  	[tilespmem:s10], [sflag:$0x1] =	stream.linear.gather [hbm4b:s26+s2], $0x2000, $0x38;
	[tilespmem:$0x85B0] =	vst v63  }
0x47: {  	_ =	swait.ge [sflag:s9], $0x2000  }
0x48: {  	[sflag:s9] =	ssyncset.done $0x0  }
0x49: {  	[sflag:s9] =	ssyncadd.s32 $0xFFFFE000  }
0x4a: {  	[spmem:s1] =	stream.indirect.scatter.add.f32 [tilespmem:s10], [sflag:$0x1], $0x8, s2, s11, $0xb8;
	[tilespmem:$0x85B0] =	vst v63  }
0x4b: {  	_ =	swait.ge [sflag:s9], $0x400  }
0x4c: {  	[sflag:s9] =	ssyncset.done $0x0  }
0x4d: {  	[sflag:s9] =	ssyncadd.s32 $0xFFFFFC00  }
0x4e: {  	[spmem:s1] =	stream.indirect.scatter.add.f32 [tilespmem:s12], [sflag:$0x1], $0x8, s11, s11, $0xb8;
	[tilespmem:$0x85B0] =	vst v63  }
0x4f: {  	_ =	swait.ge [sflag:s9], $0x400  }
0x50: {  	[sflag:s9] =	ssyncset.done $0x0  }
0x51: {  	[sflag:s9] =	ssyncadd.s32 $0xFFFFFC00  }
0x52: {  	[spmem:s1] =	stream.indirect.scatter.add.f32 [tilespmem:s14], [sflag:$0x1], $0x8, s13, s11, $0xb8;
	[tilespmem:$0x85B0] =	vst v63  }
0x53: {  	_ =	swait.ge [sflag:s9], $0x400  }
0x54: {  	[sflag:s9] =	ssyncset.done $0x0  }
0x55: {  	[sflag:s9] =	ssyncadd.s32 $0xFFFFFC00  }
0x56: {  	[spmem:s1] =	stream.indirect.scatter.add.f32 [tilespmem:s16], [sflag:$0x1], $0x8, s15, s11, $0xb8;
	[tilespmem:$0x85B0] =	vst v63  }
0x57: {  	_ =	swait.ge [sflag:s9], $0x400  }
0x58: {  	[sflag:s9] =	ssyncset.done $0x0  }
0x59: {  	[sflag:s9] =	ssyncadd.s32 $0xFFFFFC00  }
0x5a: {  	[spmem:s1] =	stream.indirect.scatter.add.f32 [tilespmem:s18], [sflag:$0x1], $0x8, s17, s11, $0xb8;
	[tilespmem:$0x85B0] =	vst v63  }
0x5b: {  	_ =	swait.ge [sflag:s9], $0x400  }
0x5c: {  	[sflag:s9] =	ssyncset.done $0x0  }
0x5d: {  	[sflag:s9] =	ssyncadd.s32 $0xFFFFFC00  }
0x5e: {  	[spmem:s1] =	stream.indirect.scatter.add.f32 [tilespmem:s20], [sflag:$0x1], $0x8, s19, s11, $0xb8;
	[tilespmem:$0x85B0] =	vst v63  }
0x5f: {  	_ =	swait.ge [sflag:s9], $0x400  }
0x60: {  	[sflag:s9] =	ssyncset.done $0x0  }
0x61: {  	[sflag:s9] =	ssyncadd.s32 $0xFFFFFC00  }
0x62: {  	[spmem:s1] =	stream.indirect.scatter.add.f32 [tilespmem:s22], [sflag:$0x1], $0x8, s21, s11, $0xb8;
	[tilespmem:$0x85B0] =	vst v63  }
0x63: {  	_ =	swait.ge [sflag:s9], $0x400  }
.Ltmp0:
0x64: {  	[sflag:s9] =	ssyncset.done $0x0;
	(pc) =	sbr.rel @p1 .LBB2_2-.Ltmp0, $4  }
0x65: {  	[sflag:s9] =	ssyncadd.s32 $0xFFFFFC00  }
0x66: {  	[spmem:s1] =	stream.indirect.scatter.add.f32 [tilespmem:s24], [sflag:$0x1], $0x8, s23, s11, $0xb8;
	[tilespmem:$0x85B0] =	vst v63  }
0x67: {  	_ =	swait.ge [sflag:s9], $0x400  }
0x68: {  	s30 =	smov.u32 s29;
	s26 =	sadd.s32 $0x400, s26;
	[sflag:s9] =	ssyncset.done $0x0  }
0x69: {  	s28 =	sadd.s32 s28, s7;
	[sflag:s9] =	ssyncadd.s32 $0xFFFFFC00  }
0x6a: {  	[tilespmem:s2], [sflag:$0x1] =	stream.linear.gather [hbm4b:s28+s2], $0x400, $0x38;
	[tilespmem:$0x85B0] =	vst v63  }
0x6b: {  	_ =	swait.ge [sflag:s9], $0x400  }
0x6c: {  	[sflag:s9] =	ssyncset.done $0x0  }
0x6d: {  	[sflag:s9] =	ssyncadd.s32 $0xFFFFFC00  }
0x6e: {  	[tilespmem:s10], [sflag:$0x1] =	stream.linear.gather [hbm4b:s26+s2], $0x2000, $0x38;
	[tilespmem:$0x85B0] =	vst v63  }
0x6f: {  	_ =	swait.ge [sflag:s9], $0x2000  }
0x70: {  	[sflag:s9] =	ssyncset.done $0x0  }
0x71: {  	[sflag:s9] =	ssyncadd.s32 $0xFFFFE000  }
0x72: {  	[spmem:s1] =	stream.indirect.scatter.add.f32 [tilespmem:s10], [sflag:$0x1], $0x8, s2, s11, $0xb8;
	[tilespmem:$0x85B0] =	vst v63  }
0x73: {  	_ =	swait.ge [sflag:s9], $0x400  }
0x74: {  	[sflag:s9] =	ssyncset.done $0x0  }
0x75: {  	[sflag:s9] =	ssyncadd.s32 $0xFFFFFC00  }
0x76: {  	[spmem:s1] =	stream.indirect.scatter.add.f32 [tilespmem:s12], [sflag:$0x1], $0x8, s11, s11, $0xb8;
	[tilespmem:$0x85B0] =	vst v63  }
0x77: {  	_ =	swait.ge [sflag:s9], $0x400  }
0x78: {  	[sflag:s9] =	ssyncset.done $0x0  }
0x79: {  	[sflag:s9] =	ssyncadd.s32 $0xFFFFFC00  }
0x7a: {  	[spmem:s1] =	stream.indirect.scatter.add.f32 [tilespmem:s14], [sflag:$0x1], $0x8, s13, s11, $0xb8;
	[tilespmem:$0x85B0] =	vst v63  }
0x7b: {  	_ =	swait.ge [sflag:s9], $0x400  }
0x7c: {  	[sflag:s9] =	ssyncset.done $0x0  }
0x7d: {  	[sflag:s9] =	ssyncadd.s32 $0xFFFFFC00  }
0x7e: {  	[spmem:s1] =	stream.indirect.scatter.add.f32 [tilespmem:s16], [sflag:$0x1], $0x8, s15, s11, $0xb8;
	[tilespmem:$0x85B0] =	vst v63  }
0x7f: {  	_ =	swait.ge [sflag:s9], $0x400  }
0x80: {  	[sflag:s9] =	ssyncset.done $0x0  }
0x81: {  	[sflag:s9] =	ssyncadd.s32 $0xFFFFFC00  }
0x82: {  	[spmem:s1] =	stream.indirect.scatter.add.f32 [tilespmem:s18], [sflag:$0x1], $0x8, s17, s11, $0xb8;
	[tilespmem:$0x85B0] =	vst v63  }
0x83: {  	_ =	swait.ge [sflag:s9], $0x400  }
0x84: {  	[sflag:s9] =	ssyncset.done $0x0  }
0x85: {  	[sflag:s9] =	ssyncadd.s32 $0xFFFFFC00  }
0x86: {  	[spmem:s1] =	stream.indirect.scatter.add.f32 [tilespmem:s20], [sflag:$0x1], $0x8, s19, s11, $0xb8;
	[tilespmem:$0x85B0] =	vst v63  }
0x87: {  	_ =	swait.ge [sflag:s9], $0x400  }
0x88: {  	[sflag:s9] =	ssyncset.done $0x0  }
0x89: {  	[sflag:s9] =	ssyncadd.s32 $0xFFFFFC00  }
0x8a: {  	[spmem:s1] =	stream.indirect.scatter.add.f32 [tilespmem:s22], [sflag:$0x1], $0x8, s21, s11, $0xb8;
	[tilespmem:$0x85B0] =	vst v63  }
0x8b: {  	_ =	swait.ge [sflag:s9], $0x400  }
0x8c: {  	[sflag:s9] =	ssyncset.done $0x0  }
0x8d: {  	[sflag:s9] =	ssyncadd.s32 $0xFFFFFC00  }
0x8e: {  	[spmem:s1] =	stream.indirect.scatter.add.f32 [tilespmem:s24], [sflag:$0x1], $0x8, s23, s11, $0xb8;
	[tilespmem:$0x85B0] =	vst v63  }
0x8f: {  	_ =	swait.ge [sflag:s9], $0x400  }
0x90: {  	[sflag:s9] =	ssyncset.done $0x0  }
0x91: {  	s25 =	sadd.s32 $0x1, s25;
	[sflag:s9] =	ssyncadd.s32 $0xFFFFFC00  }
0x92: {  	p1 =	sne.s32 s25, s5;
	s26 =	simm.s32 @!p0 $0x1C01;
	[bflag:$0x0] =	sbarrier.arrive $0xFFFF  }
0x93: {  	[hbm:s4], [sflag:s26] =	dma.local @!p0 [spmem:s8], $0xC358  }
.Ltmp1:
0x94: {  	_ = 	snop;
	(pc) =	sbr.rel @p1 .LBB2_1-.Ltmp1, $4  }
0x95: {  	s26 =	simm.s32 @!p0 $0x1  }
0x96: {  	_ =	swait.ge @!p0 [sflag:s26], $0xC358  }
0x97: {  	[sflag:s26] =	ssyncset.done @!p0 $0x0  }
0x98: {  	[sflag:s26] =	ssyncadd.s32 @!p0 $0xFFFF3CA8  }
0x99: {  	_ =	sfence.sel $0x180000  }
0x9a: {  	[bflag:$0x0] =	sbarrier.arrive $0xFFFF  }
0x9b: {  	_ =	strace $0x9000004A  }
0x9c: {  	s0 =	sadd.s32 @!p0 $0x100000, s0;
	[bflag:$0x2] =	sbarrier.arrive $0xFFFF  }
0x9d: {  	[sflag:s0] =	ssyncadd.tile.s32 @!p0 $0x1;
	_ =	shalt  }
.Lfunc_end2:
_tile_overlayer_lowered:
.L_overlay_start_2:
0x9e: {  	(tag) =	ssettag $0x2  }
0x9f: {  	s0 =	rddreg [dreg:$0x0];
	s2 =	stileid.u32  }
0xa0: {  	s1 =	rddreg [dreg:$0x1];
	p0 =	sne.s32 s2, $0x0  }
0xa1: {  	s3 =	rddreg [dreg:$0x2];
	[bflag:$0x3] =	sbarrier.arrive $0xFFFF;
	s2 =	simm.s32 @!p0 $0x1C01  }
0xa2: {  	[timem:s3], [sflag:s2] =	dma.local @!p0 [hbm:s0], s1  }
0xa3: {  	s0 =	simm.s32 @!p0 $0x1  }
0xa4: {  	_ =	swait.ge @!p0 [sflag:s0], s1  }
0xa5: {  	s1 =	ssub.s32 @!p0 $0x0, s1;
	[sflag:s0] =	ssyncset.done @!p0 $0x0  }
0xa6: {  	[sflag:s0] =	ssyncadd.s32 @!p0 s1  }
0xa7: {  	[bflag:$0x3] =	sbarrier.arrive $0xFFFF  }
0xa8: {  	_ =	shalt  }

// kernel: kernel.17.cloned.1.call-start
scs
__scs_entry_jumppad:
0x0: {  	(pc) =	sbr.rel $0x88, $3  }
0x1: {  	(tag) =	ssettag $0x0;
	lr =	simm.s32 $0x1  }
0x2: {  	[smem:$0x3F7E] =	sst lr;
	_ =	strace $0xD0000000  }
0x3: {  	_ = 	snop  }
0x4: {  	_ = 	snop  }
0x5: {  	_ = 	snop  }
0x6: {  	_ = 	snop  }
0x7: {  	_ = 	snop  }
__scs_overlays_trampoline_lowered:
0x8: {  	[smem:$0x3F8D] =	sst s0  }
0x9: {  	[smem:$0x3F8E] =	sst s1  }
0xa: {  	[smem:$0x3F8F] =	sst s2  }
0xb: {  	[smem:$0x3F90] =	sst s3  }
0xc: {  	[smem:$0x3F91] =	sst s4  }
0xd: {  	[smem:$0x3F92] =	sst s5  }
0xe: {  	[smem:$0x3F93] =	sst s6  }
0xf: {  	[smem:$0x3F94] =	sst s7  }
0x10: {  	[smem:$0x3F95] =	sst s8  }
0x11: {  	[smem:$0x3F96] =	sst s9;
	s0 =	simm.s32 @!p0 $0x0  }
0x12: {  	s1 =	sld [smem:$0x3F7C];
	s0 =	simm.s32 @p0 $0x1  }
0x13: {  	[smem:$0x3F97] =	sst s0;
	s0 =	simm.s32 @!p1 $0x0  }
0x14: {  	s2 =	sld [smem:$0x3F7B];
	s0 =	simm.s32 @p1 $0x1  }
0x15: {  	[smem:$0x3F98] =	sst s0;
	s0 =	simm.s32 @!p2 $0x0  }
0x16: {  	s3 =	sld [smem:$0x3FDB];
	s0 =	simm.s32 @p2 $0x1  }
0x17: {  	s4 =	simm.s32 $0x1BF5;
	[smem:$0x3F9A] =	sst s0  }
0x18: {  	s0 =	sld [smem:$0x3F7D];
	_ =	swait.ge [sflag:s4], $0x0  }
0x19: {  	s7 =	sld [smem:$0x3F7E]  }
0x1a: {  	s8 =	sadd.s32 $0xFFFFE003, lr  }
0x1b: {  	s9 =	sadd.s32 $0xFFFFFEF7, lr;
	s5 =	simm.s32 $0xFFFFFFFF;
	p2 =	slt.u32 s8, $0xFFFFF086  }
0x1c: {  	p1 =	slt.u32 s9, $0xF7A;
	s5 =	simm.s32 @!p2 $0x0  }
0x1d: {  	s5 =	simm.s32 @p1 $0x1;
	p0 =	seq.s32 s7, s2  }
0x1e: {  	s7 =	smul.u32 @!p0 $0xF7A, s2;
	p2 =	seq.s32 @!p0 s5, $0x0  }
0x1f: {  	s9 =	smul.u32 $0xF7A, s1;
	s8 =	simm.s32 @!p0 $0x1BF5;
	p2 =	por !p2, p0  }
0x20: {  	[sflag:s8] =	ssyncset.s32 @!p0 $0xFFFFF086;
	s6 =	sadd.s32 @!p0 s3, s7;
	s7 =	simm.s32 @!p0 $0x108  }
0x21: {  	s3 =	sadd.s32 s3, s9;
	s6 =	sadd.s32 @!p0 $0x88, s6;
	s7 =	simm.s32 @p2 $0x1082  }
0x22: {  	[simem:s7], [sflag:s8] =	dma.local @!p0 [hbm:s6], $0xF7A  }
0x23: {  	s9 =	sor.u32 $0xD0000000, s2;
	s6 =	simm.s32 $0x108;
	_ =	swait.ge @!p0 [sflag:s8], $0x0  }
0x24: {  	s3 =	sadd.s32 $0x88, s3;
	s6 =	simm.s32 @!p1 $0x1082;
	[sflag:s4] =	ssyncset.s32 $0xFFFFF086  }
0x25: {  	[simem:s6], [sflag:s4] =	dma.local [hbm:s3], $0xF7A  }
0x26: {  	[smem:$0x3F7E] =	sst s1;
	(tag) =	ssettag s2;
	_ =	strace s9  }
0x27: {  	s1 =	sld [smem:$0x3F8E]  }
0x28: {  	s2 =	sld [smem:$0x3F8F]  }
0x29: {  	s4 =	sld [smem:$0x3F91]  }
0x2a: {  	p0 =	seq.s32 s5, $0x0;
	s5 =	sld [smem:$0x3F92]  }
0x2b: {  	s6 =	sld [smem:$0x3F93]  }
0x2c: {  	s7 =	sld [smem:$0x3F94]  }
0x2d: {  	s3 =	simm.s32 $0x108;
	s8 =	sld [smem:$0x3F95]  }
0x2e: {  	s3 =	simm.s32 @!p0 $0x1082;
	s9 =	sld [smem:$0x3F96]  }
0x2f: {  	lr =	sadd.s32 s0, s3;
	s0 =	sld [smem:$0x3F8D]  }
0x30: {  	s3 =	sld [smem:$0x3F90]  }
0x31: {  	[smem:$0x3F99] =	sst s10  }
0x32: {  	s10 =	sld [smem:$0x3F97];
	_ =	sdelay $0x3  }
0x33: {  	p0 =	seq.s32 s10, $0x1;
	s10 =	sld [smem:$0x3F99];
	_ =	sdelay $0x3  }
0x34: {  	[smem:$0x3F99] =	sst s10  }
0x35: {  	s10 =	sld [smem:$0x3F98];
	_ =	sdelay $0x3  }
0x36: {  	p1 =	seq.s32 s10, $0x1;
	s10 =	sld [smem:$0x3F99];
	_ =	sdelay $0x3  }
0x37: {  	[smem:$0x3F99] =	sst s10  }
0x38: {  	s10 =	sld [smem:$0x3F9A]  }
0x39: {  	_ = 	snop;
	(pc) =	sbr.ind lr, $3  }
0x3a: {  	_ = 	snop  }
0x3b: {  	_ = 	snop  }
0x3c: {  	p2 =	seq.s32 s10, $0x1;
	s10 =	sld [smem:$0x3F99]  }
0x3d: {  	_ =	shalt  }
0x3e: {  	_ =	shalt  }
0x3f: {  	_ =	shalt  }
0x40: {  	_ =	shalt  }
0x41: {  	_ =	shalt  }
0x42: {  	_ =	shalt  }
0x43: {  	_ =	shalt  }
0x44: {  	_ =	shalt  }
0x45: {  	_ =	shalt  }
0x46: {  	_ =	shalt  }
0x47: {  	_ =	shalt  }
0x48: {  	_ =	shalt  }
0x49: {  	_ =	shalt  }
0x4a: {  	_ =	shalt  }
0x4b: {  	_ =	shalt  }
0x4c: {  	_ =	shalt  }
0x4d: {  	_ =	shalt  }
0x4e: {  	_ =	shalt  }
0x4f: {  	_ =	shalt  }
0x50: {  	_ =	shalt  }
0x51: {  	_ =	shalt  }
0x52: {  	_ =	shalt  }
0x53: {  	_ =	shalt  }
0x54: {  	_ =	shalt  }
0x55: {  	_ =	shalt  }
0x56: {  	_ =	shalt  }
0x57: {  	_ =	shalt  }
0x58: {  	_ =	shalt  }
0x59: {  	_ =	shalt  }
0x5a: {  	_ =	shalt  }
0x5b: {  	_ =	shalt  }
0x5c: {  	_ =	shalt  }
0x5d: {  	_ =	shalt  }
0x5e: {  	_ =	shalt  }
0x5f: {  	_ =	shalt  }
0x60: {  	_ =	shalt  }
0x61: {  	_ =	shalt  }
0x62: {  	_ =	shalt  }
0x63: {  	_ =	shalt  }
0x64: {  	_ =	shalt  }
0x65: {  	_ =	shalt  }
0x66: {  	_ =	shalt  }
0x67: {  	_ =	shalt  }
0x68: {  	_ =	shalt  }
0x69: {  	_ =	shalt  }
0x6a: {  	_ =	shalt  }
0x6b: {  	_ =	shalt  }
0x6c: {  	_ =	shalt  }
0x6d: {  	_ =	shalt  }
0x6e: {  	_ =	shalt  }
0x6f: {  	_ =	shalt  }
0x70: {  	_ =	shalt  }
0x71: {  	_ =	shalt  }
0x72: {  	_ =	shalt  }
0x73: {  	_ =	shalt  }
0x74: {  	_ =	shalt  }
0x75: {  	_ =	shalt  }
0x76: {  	_ =	shalt  }
0x77: {  	_ =	shalt  }
0x78: {  	_ =	shalt  }
0x79: {  	_ =	shalt  }
0x7a: {  	_ =	shalt  }
0x7b: {  	_ =	shalt  }
0x7c: {  	_ =	shalt  }
0x7d: {  	_ =	shalt  }
0x7e: {  	_ =	shalt  }
0x7f: {  	_ =	shalt  }
0x80: {  	_ =	shalt  }
0x81: {  	_ =	shalt  }
0x82: {  	_ =	shalt  }
0x83: {  	_ =	shalt  }
0x84: {  	_ =	shalt  }
0x85: {  	_ =	shalt  }
0x86: {  	_ =	shalt  }
0x87: {  	_ =	shalt  }
.Lfunc_end0:
.L_simem_size_0:
called_computation.2_lowered:
.L_overlay_start_0:
0x88: {  	s2 =	sld [smem:$0x3FD9]  }
0x89: {  	s3 =	sld [smem:$0x3FFE];
	_ =	sdelay $0x1  }
0x8a: {  	s1 =	srdreg.scid  }
0x8b: {  	s0 =	sand.u32 $0x1, s1  }
0x8c: {  	s16 =	sshll.u32 s0, $0xA;
	s2 =	sadd.s32 s3, s2  }
0x8d: {  	s2 =	sadd.s32 s2, s16  }
0x8e: {  	[smem:$0x3FA5] =	sst s2  }
0x8f: {  	_ = 	snop  }
0x90: {  	(tm) =	ssettm $0x1  }
0x91: {  	s17 =	sld [smem:$0x3FFB];
	_ =	sdelay $0x3  }
0x92: {  	_ =	strace s17  }
0x93: {  	s2 =	sld [smem:$0x3FFC];
	_ =	sdelay $0x3  }
0x94: {  	_ =	strace s2  }
0x95: {  	s2 =	sld [smem:$0x3FFD];
	_ =	sdelay $0x3  }
0x96: {  	_ =	strace s2  }
0x97: {  	_ =	strace $0x8FFFFFFF  }
0x98: {  	s18 =	sld [smem:$0x3FDB];
	_ =	sdelay $0x1  }
0x99: {  	s19 =	simm.s32 $_scs_section_size  }
0x9a: {  	s4 =	simm.s32 $_size__tile_overlayer_lowered;
	s5 =	simm.s32 $_tile_overlayer_lowered  }
0x9b: {  	s22 =	simm.s32 $0x1BFF;
	s21 =	sshll.u32 s5, $0x1;
	s2 =	sadd.s32 s19, s18  }
0x9c: {  	s6 =	simm.s32 $0x0;
	s20 =	sshll.u32 s4, $0x1;
	s4 =	sadd.s32 s21, s2  }
0x9d: {  	[timem:s6], [sflag:s22] =	dma.local [hbm:s4], s20  }
0x9e: {  	_ =	swait.ge [sflag:s22], s20  }
0x9f: {  	s3 =	ssub.s32 $0x0, s20;
	[sflag:s22] =	ssyncset.done $0x0  }
0xa0: {  	[sflag:s22] =	ssyncadd.s32 s3;
	_ =	sdelay $0x1  }
0xa1: {  	s23 =	simm.s32 $0x1B8B  }
0xa2: {  	_ =	swait.ge [sflag:s23], $0x1  }
0xa3: {  	[sflag:s23] =	ssyncset.done $0x0  }
0xa4: {  	s25 =	simm.s32 $0x1B8E;
	s24 =	sld [smem:$0x3FFE];
	[sflag:s23] =	ssyncadd.s32 $0xFFFFFFFF  }
0xa5: {  	s26 =	simm.s32 $execute0_lowered;
	[smem:$0x3FD2] =	sst s25  }
0xa6: {  	s4 =	sshll.u32 s26, $0x1;
	_ =	strace $0x8000004C;
	[dreg:$0x1] =	wrdreg $0xFFFFFFFF  }
0xa7: {  	s28 =	simm.s32 $_size_execute0_lowered;
	s2 =	sadd.s32 s2, s4;
	[dreg:$0x0] =	wrdreg $0x0  }
0xa8: {  	s4 =	sshll.u32 s28, $0x1;
	[dreg:$0x2] =	wrdreg s2  }
0xa9: {  	[dreg:$0x3] =	wrdreg s4  }
0xaa: {  	[dreg:$0x4] =	wrdreg $0xC0  }
0xab: {  	_ =	task [dreg:s6], $0x5FFFF  }
0xac: {  	[dreg:$0x1] =	wrdreg $0xFFFFFFFF  }
0xad: {  	[dreg:$0x0] =	wrdreg $0x60  }
0xae: {  	[dreg:$0x2] =	wrdreg s24  }
0xaf: {  	[dreg:$0x3] =	wrdreg $0x9  }
0xb0: {  	_ =	task.clear_ibuf [dreg:s6], $0x4FFFF;
	_ =	strace $0x9000004C  }
0xb1: {  	s29 =	simm.s32 $0x9;
	_ =	strace $0x8000004E  }
0xb2: {  	_ =	swait.ge [sflag:s29], $0x1  }
0xb3: {  	[sflag:s29] =	ssyncadd.s32 $0xFFFFFFFF  }
0xb4: {  	_ =	strace $0x9000004E  }
0xb5: {  	_ =	sfence  }
0xb6: {  	s30 =	sld [smem:$0x0];
	_ =	sdelay $0x2  }
0xb7: {  	s31 =	sshll.u32 s1, $0xD;
	s1 =	sshrl.u32 s1, $0x2  }
0xb8: {  	s3 =	sand.u32 $0x4000, s31;
	s1 =	sadd.s32 s1, s30  }
0xb9: {  	s0 =	sor.u32 s3, s0;
	s1 =	sshll.u32 s1, $0x11  }
0xba: {  	s0 =	sor.u32 s1, s0  }
0xbb: {  	s0 =	sadd.s32 $0x8F2B, s0  }
0xbc: {  	[sflag:s0] =	ssyncadd.remote.s32 $0x1  }
0xbd: {  	_ =	sfence.sel $0xFFFF  }
0xbe: {  	[dreg:$0x0] =	wrdreg $0xFFFFFFFF;
	(pc) =	sbr.abs _section_cstart, $3  }
0xbf: {  	[dreg:$0x1] =	wrdreg $0xFFFFFFFF  }
0xc0: {  	_ =	task.clear_ibuf [dreg:s6], $0x2FFFF;
	_ =	strace $0x9FFFFFFF  }
0xc1: {  	(tm) =	ssettm $0x7FFFFFFF  }
tec
execute0_lowered:
.L_overlay_start_1:
0x0: {  	(tag) =	ssettag $0x1  }
0x1: {  	s0 =	srdreg.scid;
	s5 =	rddreg [dreg:$0x0];
	s2 =	simm.s32 $0x0  }
0x2: {  	s9 =	stileid.u32;
	s14 =	simm.s32 $0xD000;
	[smem:$0x7FF] =	sst s2  }
0x3: {  	s20 =	simm.s32 $0x11000;
	_ =	strace $0x8000004D;
	[dreg:$0x2] =	wrdreg s14  }
0x4: {  	s21 =	simm.s32 $0xD800;
	s22 =	simm.s32 $0x11800;
	[dreg:$0x3] =	wrdreg s20  }
0x5: {  	s23 =	simm.s32 $0xE000;
	s24 =	simm.s32 $0x12000;
	[dreg:$0x4] =	wrdreg s21  }
0x6: {  	s25 =	simm.s32 $0xF000;
	s26 =	simm.s32 $0x13000;
	[dreg:$0x5] =	wrdreg s22  }
0x7: {  	s28 =	simm.s32 $0xF800;
	s29 =	simm.s32 $0x13800;
	[dreg:$0x6] =	wrdreg s23  }
0x8: {  	s30 =	simm.s32 $0x10000;
	s31 =	simm.s32 $0x14000;
	[dreg:$0x7] =	wrdreg s24  }
0x9: {  	s0 =	sand.u32 $0x1, s0;
	s1 =	sshll.u32 s9, $0x1;
	[dreg:$0x8] =	wrdreg s25  }
0xa: {  	s3 =	sadd.s32 $0x633600, s5;
	s10 =	smul.u32 $0xC8000, s9;
	[dreg:$0x9] =	wrdreg s26  }
0xb: {  	s13 =	smul.u32 $0xC800, s9;
	s1 =	sor.u32 s0, s1;
	[dreg:$0xa] =	wrdreg s28  }
0xc: {  	s6 =	ssub.s32 $0x2, s0;
	s12 =	smul.u32 $0x64000, s0;
	[dreg:$0xb] =	wrdreg s29  }
0xd: {  	s0 =	smul.u32 $0x6400, s0;
	s14 =	simm.s32 $0x5;
	[dreg:$0xc] =	wrdreg s30  }
0xe: {  	s20 =	simm.s32 $0x12800;
	[dreg:$0xd] =	wrdreg s31;
	s21 =	simm.s32 $0x1  }
0xf: {  	s22 =	simm.s32 $0x2;
	s23 =	simm.s32 $0x3;
	s24 =	simm.s32 $0x4  }
0x10: {  	s25 =	simm.s32 $0x0;
	s4 =	smul.u32 $0xC80, s1;
	s8 =	sshrl.u32 s6, $0x1  }
0x11: {  	s1 =	smul.u32 $0x64000, s1;
	s11 =	ssub.s32 s6, s8;
	s18 =	sadd.s32 s12, s10  }
0x12: {  	s0 =	sadd.s32 s0, s13;
	s7 =	sadd.s32 s4, s5;
	s4 =	sadd.s32 $0x69600, s5  }
0x13: {  	s5 =	sadd.s32 $0x87D800, s5;
	s1 =	sshrl.u32 s1, $0x3;
	s10 =	smax.u32 s11, $0x1  }
0x14: {  	s19 =	sshrl.u32 s18, $0x3;
	s0 =	sshll.u32 s0, $0x1;
	s15 =	sadd.s32 $0x1E600, s7  }
0x15: {  	s16 =	sadd.s32 $0x37600, s7;
	s1 =	sadd.s32 $0xC400, s1;
	[dreg:$0xe] =	wrdreg s15  }
0x16: {  	s18 =	simm.s32 $0x10800;
	[dreg:$0xf] =	wrdreg s16;
	s17 =	sadd.s32 s4, s1  }
0x17: {  	s12 =	sadd.s32 s19, s4;
	s1 =	sadd.s32 s5, s1;
	[dreg:$0x10] =	wrdreg s17  }
0x18: {  	s13 =	sadd.s32 $0x1FFFFC00, s0;
	s16 =	simm.s32 $0x80;
	[dreg:$0x11] =	wrdreg s1  }
0x19: {  	s1 =	sadd.s32 s19, s5;
	s17 =	simm.s32 $0xC800;
	s19 =	simm.s32 $0xE800  }
.LBB2_1:
0x1a: {  	s0 =	rddreg [dreg:$0xe]  }
0x1b: {  	[tilespmem:s2], [sflag:$0x5] =	stream.linear.gather [hbm4b:s0+s2], $0x6400, $0x38;
	[tilespmem:$0x14800] =	vst v63  }
0x1c: {  	_ =	swait.ge [sflag:s14], $0x6400  }
0x1d: {  	[sflag:s14] =	ssyncset.done $0x0  }
0x1e: {  	s6 =	simm.s32 $0x6400;
	s9 =	rddreg [dreg:$0xf];
	[sflag:s14] =	ssyncadd.s32 $0xFFFF9C00  }
0x1f: {  	[tilespmem:s6], [sflag:$0x5] =	stream.linear.gather [hbm4b:s9+s2], $0x6400, $0x38;
	[tilespmem:$0x14800] =	vst v63  }
0x20: {  	_ =	swait.ge [sflag:s14], $0x6400  }
0x21: {  	p0 =	por $0x1, $0x1;
	[sflag:s14] =	ssyncset.done $0x0  }
0x22: {  	s0 =	simm.s32 @!p0 $0x3;
	[sflag:s14] =	ssyncadd.s32 $0xFFFF9C00  }
0x23: {  	_ =	swait.ge @!p0 [sflag:s0], $0x2000  }
0x24: {  	[sflag:s0] =	ssyncset.done @!p0 $0x0  }
0x25: {  	[sflag:s0] =	ssyncadd.s32 @!p0 $0xFFFFE000  }
0x26: {  	_ =	swait.ge @!p0 [sflag:s0], $0x2000  }
0x27: {  	[sflag:s0] =	ssyncset.done @!p0 $0x0  }
0x28: {  	s11 =	simm.s32 $0x0;
	[sflag:s0] =	ssyncadd.s32 @!p0 $0xFFFFE000  }
0x29: {  	[tilespmem:s17], [sflag:$0x1] =	stream.indirect.gather [hbm4b:s3+s16], $0x10, s11, s16, $0xb8;
	[tilespmem:$0x14800] =	vst v63  }
0x2a: {  	s15 =	simm.s32 $0x6400  }
0x2b: {  	[tilespmem:s18], [sflag:$0x1] =	stream.indirect.gather [hbm4b:s3+s16], $0x10, s15, s16, $0xb8;
	[tilespmem:$0x14800] =	vst v63  }
0x2c: {  	s26 =	simm.s32 $0x80;
	s11 =	rddreg [dreg:$0x2]  }
0x2d: {  	[tilespmem:s11], [sflag:$0x1] =	stream.indirect.gather [hbm4b:s3+s16], $0x10, s26, s16, $0xb8;
	[tilespmem:$0x14800] =	vst v63  }
0x2e: {  	s6 =	simm.s32 $0x6480;
	s15 =	rddreg [dreg:$0x3]  }
0x2f: {  	[tilespmem:s15], [sflag:$0x1] =	stream.indirect.gather [hbm4b:s3+s16], $0x10, s6, s16, $0xb8;
	[tilespmem:$0x14800] =	vst v63  }
0x30: {  	s8 =	simm.s32 $0x100;
	s7 =	rddreg [dreg:$0x4]  }
0x31: {  	[tilespmem:s7], [sflag:$0x1] =	stream.indirect.gather [hbm4b:s3+s16], $0x10, s8, s16, $0xb8;
	[tilespmem:$0x14800] =	vst v63  }
0x32: {  	s9 =	rddreg [dreg:$0x5];
	s26 =	simm.s32 $0x6500  }
0x33: {  	[tilespmem:s9], [sflag:$0x1] =	stream.indirect.gather [hbm4b:s3+s16], $0x10, s26, s16, $0xb8;
	[tilespmem:$0x14800] =	vst v63  }
0x34: {  	s6 =	rddreg [dreg:$0x6];
	s7 =	simm.s32 $0x180  }
0x35: {  	[tilespmem:s6], [sflag:$0x1] =	stream.indirect.gather [hbm4b:s3+s16], $0x10, s7, s16, $0xb8;
	[tilespmem:$0x14800] =	vst v63  }
0x36: {  	s11 =	simm.s32 @!p0 $0x2;
	s8 =	rddreg [dreg:$0x7];
	s9 =	simm.s32 $0x6580  }
0x37: {  	[tilespmem:s8], [sflag:$0x1] =	stream.indirect.gather [hbm4b:s3+s16], $0x10, s9, s16, $0xb8;
	[tilespmem:$0x14800] =	vst v63  }
0x38: {  	_ =	swait.ge @!p0 [sflag:s11], $0x800  }
0x39: {  	[sflag:s11] =	ssyncset.done @!p0 $0x0  }
0x3a: {  	[sflag:s11] =	ssyncadd.s32 @!p0 $0xFFFFF800  }
0x3b: {  	_ =	swait.ge @!p0 [sflag:s11], $0x800  }
0x3c: {  	[sflag:s11] =	ssyncset.done @!p0 $0x0  }
0x3d: {  	[sflag:s11] =	ssyncadd.s32 @!p0 $0xFFFFF800  }
0x3e: {  	_ =	swait.ge @!p0 [sflag:s11], $0x800  }
0x3f: {  	[sflag:s11] =	ssyncset.done @!p0 $0x0  }
0x40: {  	[sflag:s11] =	ssyncadd.s32 @!p0 $0xFFFFF800  }
0x41: {  	_ =	swait.ge @!p0 [sflag:s11], $0x800  }
0x42: {  	[sflag:s11] =	ssyncset.done @!p0 $0x0  }
0x43: {  	[sflag:s11] =	ssyncadd.s32 @!p0 $0xFFFFF800  }
0x44: {  	_ =	swait.ge @!p0 [sflag:s11], $0x800  }
0x45: {  	[sflag:s11] =	ssyncset.done @!p0 $0x0  }
0x46: {  	[sflag:s11] =	ssyncadd.s32 @!p0 $0xFFFFF800  }
0x47: {  	_ =	swait.ge @!p0 [sflag:s11], $0x800  }
0x48: {  	[sflag:s11] =	ssyncset.done @!p0 $0x0  }
0x49: {  	[sflag:s11] =	ssyncadd.s32 @!p0 $0xFFFFF800  }
0x4a: {  	_ =	swait.ge @!p0 [sflag:s11], $0x800  }
0x4b: {  	[sflag:s11] =	ssyncset.done @!p0 $0x0  }
0x4c: {  	[sflag:s11] =	ssyncadd.s32 @!p0 $0xFFFFF800  }
0x4d: {  	_ =	swait.ge @!p0 [sflag:s11], $0x800  }
0x4e: {  	s0 =	sand.u32 @!p0 $0x1FFFFC00, s13;
	s15 =	simm.s32 @!p0 $0xE800;
	[sflag:s11] =	ssyncset.done @!p0 $0x0  }
0x4f: {  	s26 =	simm.s32 @!p0 $0x0;
	[sflag:s11] =	ssyncadd.s32 @!p0 $0xFFFFF800;
	s11 =	sadd.s32 @!p0 s4, s0  }
0x50: {  	[hbm4b:s11+s26] =	stream.linear.scatter @!p0 [tilespmem:s15], [sflag:$0x4], $0x2000, $0x38;
	[tilespmem:$0x14800] =	vst v63  }
0x51: {  	s0 =	sadd.s32 @!p0 s5, s0;
	s11 =	simm.s32 @!p0 $0x12800;
	s15 =	simm.s32 @!p0 $0x4  }
0x52: {  	[hbm4b:s0+s26] =	stream.linear.scatter @!p0 [tilespmem:s11], [sflag:$0x4], $0x2000, $0x38;
	[tilespmem:$0x14800] =	vst v63  }
0x53: {  	_ =	swait.ge @!p0 [sflag:s15], $0x2000  }
0x54: {  	[sflag:s15] =	ssyncset.done @!p0 $0x0  }
0x55: {  	[sflag:s15] =	ssyncadd.s32 @!p0 $0xFFFFE000  }
0x56: {  	_ =	swait.ge @!p0 [sflag:s15], $0x2000  }
0x57: {  	[sflag:s15] =	ssyncset.done @!p0 $0x0  }
0x58: {  	s11 =	simm.s32 $0x200;
	[sflag:s15] =	ssyncadd.s32 @!p0 $0xFFFFE000  }
0x59: {  	[tilespmem:s19], [sflag:$0x2] =	stream.indirect.gather [hbm4b:s3+s16], $0x10, s11, s16, $0xb8;
	[tilespmem:$0x14800] =	vst v63  }
0x5a: {  	s15 =	simm.s32 $0x6600  }
0x5b: {  	[tilespmem:s20], [sflag:$0x2] =	stream.indirect.gather [hbm4b:s3+s16], $0x10, s15, s16, $0xb8;
	[tilespmem:$0x14800] =	vst v63  }
0x5c: {  	s6 =	simm.s32 $0x280;
	s26 =	rddreg [dreg:$0x8]  }
0x5d: {  	[tilespmem:s26], [sflag:$0x2] =	stream.indirect.gather [hbm4b:s3+s16], $0x10, s6, s16, $0xb8;
	[tilespmem:$0x14800] =	vst v63  }
0x5e: {  	s8 =	simm.s32 $0x6680;
	s7 =	rddreg [dreg:$0x9]  }
0x5f: {  	[tilespmem:s7], [sflag:$0x2] =	stream.indirect.gather [hbm4b:s3+s16], $0x10, s8, s16, $0xb8;
	[tilespmem:$0x14800] =	vst v63  }
0x60: {  	s9 =	rddreg [dreg:$0xa];
	s15 =	simm.s32 $0x300  }
0x61: {  	[tilespmem:s9], [sflag:$0x2] =	stream.indirect.gather [hbm4b:s3+s16], $0x10, s15, s16, $0xb8;
	[tilespmem:$0x14800] =	vst v63  }
0x62: {  	s26 =	rddreg [dreg:$0xb];
	s6 =	simm.s32 $0x6700  }
0x63: {  	[tilespmem:s26], [sflag:$0x2] =	stream.indirect.gather [hbm4b:s3+s16], $0x10, s6, s16, $0xb8;
	[tilespmem:$0x14800] =	vst v63  }
0x64: {  	s7 =	rddreg [dreg:$0xc];
	s8 =	simm.s32 $0x380  }
0x65: {  	[tilespmem:s7], [sflag:$0x2] =	stream.indirect.gather [hbm4b:s3+s16], $0x10, s8, s16, $0xb8;
	[tilespmem:$0x14800] =	vst v63  }
0x66: {  	s9 =	rddreg [dreg:$0xd];
	s26 =	simm.s32 $0x6780  }
0x67: {  	[tilespmem:s9], [sflag:$0x2] =	stream.indirect.gather [hbm4b:s3+s16], $0x10, s26, s16, $0xb8;
	[tilespmem:$0x14800] =	vst v63  }
0x68: {  	_ =	swait.ge [sflag:s21], $0x800  }
0x69: {  	[sflag:s21] =	ssyncset.done $0x0  }
0x6a: {  	[sflag:s21] =	ssyncadd.s32 $0xFFFFF800  }
0x6b: {  	_ =	swait.ge [sflag:s21], $0x800  }
0x6c: {  	[sflag:s21] =	ssyncset.done $0x0  }
0x6d: {  	[sflag:s21] =	ssyncadd.s32 $0xFFFFF800  }
0x6e: {  	_ =	swait.ge [sflag:s21], $0x800  }
0x6f: {  	[sflag:s21] =	ssyncset.done $0x0  }
0x70: {  	[sflag:s21] =	ssyncadd.s32 $0xFFFFF800  }
0x71: {  	_ =	swait.ge [sflag:s21], $0x800  }
0x72: {  	[sflag:s21] =	ssyncset.done $0x0  }
0x73: {  	[sflag:s21] =	ssyncadd.s32 $0xFFFFF800  }
0x74: {  	_ =	swait.ge [sflag:s21], $0x800  }
0x75: {  	[sflag:s21] =	ssyncset.done $0x0  }
0x76: {  	[sflag:s21] =	ssyncadd.s32 $0xFFFFF800  }
0x77: {  	_ =	swait.ge [sflag:s21], $0x800  }
0x78: {  	[sflag:s21] =	ssyncset.done $0x0  }
0x79: {  	[sflag:s21] =	ssyncadd.s32 $0xFFFFF800  }
0x7a: {  	_ =	swait.ge [sflag:s21], $0x800  }
0x7b: {  	[sflag:s21] =	ssyncset.done $0x0  }
0x7c: {  	s30 =	simm.s32 $0x1000;
	[sflag:s21] =	ssyncadd.s32 $0xFFFFF800  }
0x7d: {  	s31 =	simm.s32 $0x2000;
	s29 =	sadd.s32 $0x800, s13;
	_ =	swait.ge [sflag:s21], $0x800  }
0x7e: {  	p1 =	por $0x0, $0x0;
	s28 =	sadd.s32 $0x800, s12;
	[sflag:s21] =	ssyncset.done $0x0  }
0x7f: {  	s11 =	smov.u32 s1;
	s26 =	smov.u32 s1;
	[sflag:s21] =	ssyncadd.s32 $0xFFFFF800  }
0x80: {  	[hbm4b:s12+s2] =	stream.linear.scatter [tilespmem:s17], [sflag:$0x3], $0x2000, $0x38;
	[tilespmem:$0x14800] =	vst v63  }
.LBB2_2:
0x81: {  	s15 =	simm.s32 @!p1 $0x3  }
0x82: {  	[hbm4b:s11+s2] =	stream.linear.scatter [tilespmem:s18], [sflag:$0x3], $0x2000, $0x38;
	[tilespmem:$0x14800] =	vst v63  }
0x83: {  	_ =	swait.ge @!p1 [sflag:s15], $0x2000  }
0x84: {  	[sflag:s15] =	ssyncset.done @!p1 $0x0  }
0x85: {  	[sflag:s15] =	ssyncadd.s32 @!p1 $0xFFFFE000  }
0x86: {  	_ =	swait.ge @!p1 [sflag:s15], $0x2000  }
0x87: {  	[sflag:s15] =	ssyncset.done @!p1 $0x0  }
0x88: {  	[sflag:s15] =	ssyncadd.s32 @!p1 $0xFFFFE000;
	s15 =	sshra.s32 s30, $0x2  }
0x89: {  	[tilespmem:s17], [sflag:$0x1] =	stream.indirect.gather [hbm4b:s3+s16], $0x10, s15, s16, $0xb8;
	[tilespmem:$0x14800] =	vst v63  }
0x8a: {  	s8 =	sadd.s32 $0x6400, s15  }
0x8b: {  	[tilespmem:s18], [sflag:$0x1] =	stream.indirect.gather [hbm4b:s3+s16], $0x10, s8, s16, $0xb8;
	[tilespmem:$0x14800] =	vst v63  }
0x8c: {  	s7 =	rddreg [dreg:$0x2];
	s9 =	sadd.s32 $0x80, s15  }
0x8d: {  	[tilespmem:s7], [sflag:$0x1] =	stream.indirect.gather [hbm4b:s3+s16], $0x10, s9, s16, $0xb8;
	[tilespmem:$0x14800] =	vst v63  }
0x8e: {  	s8 =	rddreg [dreg:$0x3];
	s9 =	sadd.s32 $0x6480, s15  }
0x8f: {  	[tilespmem:s8], [sflag:$0x1] =	stream.indirect.gather [hbm4b:s3+s16], $0x10, s9, s16, $0xb8;
	[tilespmem:$0x14800] =	vst v63  }
0x90: {  	s7 =	rddreg [dreg:$0x4];
	s9 =	sadd.s32 $0x100, s15  }
0x91: {  	[tilespmem:s7], [sflag:$0x1] =	stream.indirect.gather [hbm4b:s3+s16], $0x10, s9, s16, $0xb8;
	[tilespmem:$0x14800] =	vst v63  }
0x92: {  	s8 =	rddreg [dreg:$0x5];
	s9 =	sadd.s32 $0x6500, s15  }
0x93: {  	[tilespmem:s8], [sflag:$0x1] =	stream.indirect.gather [hbm4b:s3+s16], $0x10, s9, s16, $0xb8;
	[tilespmem:$0x14800] =	vst v63  }
0x94: {  	s7 =	rddreg [dreg:$0x6];
	s9 =	sadd.s32 $0x180, s15  }
0x95: {  	[tilespmem:s7], [sflag:$0x1] =	stream.indirect.gather [hbm4b:s3+s16], $0x10, s9, s16, $0xb8;
	[tilespmem:$0x14800] =	vst v63  }
0x96: {  	s8 =	rddreg [dreg:$0x7];
	s9 =	sadd.s32 $0x6580, s15;
	s7 =	simm.s32 @!p1 $0x2  }
0x97: {  	[tilespmem:s8], [sflag:$0x1] =	stream.indirect.gather [hbm4b:s3+s16], $0x10, s9, s16, $0xb8;
	[tilespmem:$0x14800] =	vst v63  }
0x98: {  	_ =	swait.ge @!p1 [sflag:s7], $0x800  }
0x99: {  	[sflag:s7] =	ssyncset.done @!p1 $0x0  }
0x9a: {  	[sflag:s7] =	ssyncadd.s32 @!p1 $0xFFFFF800  }
0x9b: {  	_ =	swait.ge @!p1 [sflag:s7], $0x800  }
0x9c: {  	[sflag:s7] =	ssyncset.done @!p1 $0x0  }
0x9d: {  	[sflag:s7] =	ssyncadd.s32 @!p1 $0xFFFFF800  }
0x9e: {  	_ =	swait.ge @!p1 [sflag:s7], $0x800  }
0x9f: {  	[sflag:s7] =	ssyncset.done @!p1 $0x0  }
0xa0: {  	[sflag:s7] =	ssyncadd.s32 @!p1 $0xFFFFF800  }
0xa1: {  	_ =	swait.ge @!p1 [sflag:s7], $0x800  }
0xa2: {  	[sflag:s7] =	ssyncset.done @!p1 $0x0  }
0xa3: {  	[sflag:s7] =	ssyncadd.s32 @!p1 $0xFFFFF800  }
0xa4: {  	_ =	swait.ge @!p1 [sflag:s7], $0x800  }
0xa5: {  	[sflag:s7] =	ssyncset.done @!p1 $0x0  }
0xa6: {  	[sflag:s7] =	ssyncadd.s32 @!p1 $0xFFFFF800  }
0xa7: {  	_ =	swait.ge @!p1 [sflag:s7], $0x800  }
0xa8: {  	[sflag:s7] =	ssyncset.done @!p1 $0x0  }
0xa9: {  	[sflag:s7] =	ssyncadd.s32 @!p1 $0xFFFFF800  }
0xaa: {  	_ =	swait.ge @!p1 [sflag:s7], $0x800  }
0xab: {  	[sflag:s7] =	ssyncset.done @!p1 $0x0  }
0xac: {  	s6 =	smov.u32 s31;
	[sflag:s7] =	ssyncadd.s32 @!p1 $0xFFFFF800  }
0xad: {  	s30 =	smov.u32 s6;
	_ =	swait.ge @!p1 [sflag:s7], $0x800  }
0xae: {  	s6 =	sand.u32 @!p1 $0x1FFFFC00, s29;
	s8 =	simm.s32 @!p1 $0xE800;
	[sflag:s7] =	ssyncset.done @!p1 $0x0  }
0xaf: {  	s9 =	simm.s32 @!p1 $0x0;
	[sflag:s7] =	ssyncadd.s32 @!p1 $0xFFFFF800;
	s7 =	sadd.s32 @!p1 s4, s6  }
0xb0: {  	[hbm4b:s7+s9] =	stream.linear.scatter @!p1 [tilespmem:s8], [sflag:$0x4], $0x2000, $0x38;
	[tilespmem:$0x14800] =	vst v63  }
0xb1: {  	s6 =	sadd.s32 @!p1 s5, s6;
	s7 =	simm.s32 @!p1 $0x12800;
	s8 =	simm.s32 @!p1 $0x4  }
0xb2: {  	[hbm4b:s6+s9] =	stream.linear.scatter @!p1 [tilespmem:s7], [sflag:$0x4], $0x2000, $0x38;
	[tilespmem:$0x14800] =	vst v63  }
0xb3: {  	_ =	swait.ge @!p1 [sflag:s8], $0x2000  }
0xb4: {  	[sflag:s8] =	ssyncset.done @!p1 $0x0  }
0xb5: {  	[sflag:s8] =	ssyncadd.s32 @!p1 $0xFFFFE000  }
0xb6: {  	_ =	swait.ge @!p1 [sflag:s8], $0x2000  }
0xb7: {  	[sflag:s8] =	ssyncset.done @!p1 $0x0  }
0xb8: {  	s7 =	sadd.s32 $0x200, s15;
	[sflag:s8] =	ssyncadd.s32 @!p1 $0xFFFFE000  }
0xb9: {  	[tilespmem:s19], [sflag:$0x2] =	stream.indirect.gather [hbm4b:s3+s16], $0x10, s7, s16, $0xb8;
	[tilespmem:$0x14800] =	vst v63  }
0xba: {  	s8 =	sadd.s32 $0x6600, s15  }
0xbb: {  	[tilespmem:s20], [sflag:$0x2] =	stream.indirect.gather [hbm4b:s3+s16], $0x10, s8, s16, $0xb8;
	[tilespmem:$0x14800] =	vst v63  }
0xbc: {  	s9 =	sadd.s32 $0x280, s15;
	s7 =	rddreg [dreg:$0x8]  }
0xbd: {  	[tilespmem:s7], [sflag:$0x2] =	stream.indirect.gather [hbm4b:s3+s16], $0x10, s9, s16, $0xb8;
	[tilespmem:$0x14800] =	vst v63  }
0xbe: {  	s8 =	rddreg [dreg:$0x9];
	s9 =	sadd.s32 $0x6680, s15  }
0xbf: {  	[tilespmem:s8], [sflag:$0x2] =	stream.indirect.gather [hbm4b:s3+s16], $0x10, s9, s16, $0xb8;
	[tilespmem:$0x14800] =	vst v63  }
0xc0: {  	s7 =	rddreg [dreg:$0xa];
	s9 =	sadd.s32 $0x300, s15  }
0xc1: {  	[tilespmem:s7], [sflag:$0x2] =	stream.indirect.gather [hbm4b:s3+s16], $0x10, s9, s16, $0xb8;
	[tilespmem:$0x14800] =	vst v63  }
0xc2: {  	s8 =	rddreg [dreg:$0xb];
	s9 =	sadd.s32 $0x6700, s15  }
0xc3: {  	[tilespmem:s8], [sflag:$0x2] =	stream.indirect.gather [hbm4b:s3+s16], $0x10, s9, s16, $0xb8;
	[tilespmem:$0x14800] =	vst v63  }
0xc4: {  	s7 =	rddreg [dreg:$0xc];
	s8 =	sadd.s32 $0x380, s15  }
0xc5: {  	[tilespmem:s7], [sflag:$0x2] =	stream.indirect.gather [hbm4b:s3+s16], $0x10, s8, s16, $0xb8;
	[tilespmem:$0x14800] =	vst v63  }
0xc6: {  	s9 =	rddreg [dreg:$0xd];
	s15 =	sadd.s32 $0x6780, s15  }
0xc7: {  	[tilespmem:s9], [sflag:$0x2] =	stream.indirect.gather [hbm4b:s3+s16], $0x10, s15, s16, $0xb8;
	[tilespmem:$0x14800] =	vst v63  }
0xc8: {  	_ =	swait.ge [sflag:s21], $0x800  }
0xc9: {  	[sflag:s21] =	ssyncset.done $0x0  }
0xca: {  	[sflag:s21] =	ssyncadd.s32 $0xFFFFF800  }
0xcb: {  	_ =	swait.ge [sflag:s21], $0x800  }
0xcc: {  	[sflag:s21] =	ssyncset.done $0x0  }
0xcd: {  	[sflag:s21] =	ssyncadd.s32 $0xFFFFF800  }
0xce: {  	_ =	swait.ge [sflag:s21], $0x800  }
0xcf: {  	[sflag:s21] =	ssyncset.done $0x0  }
0xd0: {  	[sflag:s21] =	ssyncadd.s32 $0xFFFFF800  }
0xd1: {  	_ =	swait.ge [sflag:s21], $0x800  }
0xd2: {  	[sflag:s21] =	ssyncset.done $0x0  }
0xd3: {  	[sflag:s21] =	ssyncadd.s32 $0xFFFFF800  }
0xd4: {  	_ =	swait.ge [sflag:s21], $0x800  }
0xd5: {  	[sflag:s21] =	ssyncset.done $0x0  }
0xd6: {  	[sflag:s21] =	ssyncadd.s32 $0xFFFFF800  }
0xd7: {  	_ =	swait.ge [sflag:s21], $0x800  }
0xd8: {  	[sflag:s21] =	ssyncset.done $0x0  }
0xd9: {  	[sflag:s21] =	ssyncadd.s32 $0xFFFFF800  }
0xda: {  	s31 =	sadd.s32 $0x1000, s31;
	_ =	swait.ge [sflag:s21], $0x800  }
0xdb: {  	p0 =	sne.s32 s31, $0x19000;
	[sflag:s21] =	ssyncset.done $0x0  }
.Ltmp0:
0xdc: {  	[sflag:s21] =	ssyncadd.s32 $0xFFFFF800;
	(pc) =	sbr.rel @p0 .LBB2_2-.Ltmp0, $4  }
0xdd: {  	s26 =	sadd.s32 $0x800, s26;
	s0 =	smov.u32 s28;
	_ =	swait.ge [sflag:s21], $0x800  }
0xde: {  	s28 =	sadd.s32 $0x800, s28;
	s11 =	smov.u32 s26;
	[sflag:s21] =	ssyncset.done $0x0  }
0xdf: {  	s29 =	sadd.s32 $0x800, s29;
	p1 =	seq.s32 s30, $0x0;
	[sflag:s21] =	ssyncadd.s32 $0xFFFFF800  }
0xe0: {  	[hbm4b:s0+s2] =	stream.linear.scatter [tilespmem:s17], [sflag:$0x3], $0x2000, $0x38;
	[tilespmem:$0x14800] =	vst v63  }
0xe1: {  	s0 =	simm.s32 @!p1 $0x3  }
0xe2: {  	[hbm4b:s11+s2] =	stream.linear.scatter [tilespmem:s18], [sflag:$0x3], $0x2000, $0x38;
	[tilespmem:$0x14800] =	vst v63  }
0xe3: {  	_ =	swait.ge @!p1 [sflag:s0], $0x2000  }
0xe4: {  	[sflag:s0] =	ssyncset.done @!p1 $0x0  }
0xe5: {  	[sflag:s0] =	ssyncadd.s32 @!p1 $0xFFFFE000  }
0xe6: {  	_ =	swait.ge @!p1 [sflag:s0], $0x2000  }
0xe7: {  	[sflag:s0] =	ssyncset.done @!p1 $0x0  }
0xe8: {  	[sflag:s0] =	ssyncadd.s32 @!p1 $0xFFFFE000;
	s0 =	sshra.s32 s30, $0x2  }
0xe9: {  	[tilespmem:s17], [sflag:$0x1] =	stream.indirect.gather [hbm4b:s3+s16], $0x10, s0, s16, $0xb8;
	[tilespmem:$0x14800] =	vst v63  }
0xea: {  	s6 =	sadd.s32 $0x6400, s0  }
0xeb: {  	[tilespmem:s18], [sflag:$0x1] =	stream.indirect.gather [hbm4b:s3+s16], $0x10, s6, s16, $0xb8;
	[tilespmem:$0x14800] =	vst v63  }
0xec: {  	s7 =	rddreg [dreg:$0x2];
	s9 =	sadd.s32 $0x80, s0  }
0xed: {  	[tilespmem:s7], [sflag:$0x1] =	stream.indirect.gather [hbm4b:s3+s16], $0x10, s9, s16, $0xb8;
	[tilespmem:$0x14800] =	vst v63  }
0xee: {  	s8 =	rddreg [dreg:$0x3];
	s11 =	sadd.s32 $0x6480, s0  }
0xef: {  	[tilespmem:s8], [sflag:$0x1] =	stream.indirect.gather [hbm4b:s3+s16], $0x10, s11, s16, $0xb8;
	[tilespmem:$0x14800] =	vst v63  }
0xf0: {  	s15 =	rddreg [dreg:$0x4];
	s30 =	sadd.s32 $0x100, s0  }
0xf1: {  	[tilespmem:s15], [sflag:$0x1] =	stream.indirect.gather [hbm4b:s3+s16], $0x10, s30, s16, $0xb8;
	[tilespmem:$0x14800] =	vst v63  }
0xf2: {  	s31 =	rddreg [dreg:$0x5];
	s7 =	sadd.s32 $0x6500, s0  }
0xf3: {  	[tilespmem:s31], [sflag:$0x1] =	stream.indirect.gather [hbm4b:s3+s16], $0x10, s7, s16, $0xb8;
	[tilespmem:$0x14800] =	vst v63  }
0xf4: {  	s9 =	rddreg [dreg:$0x6];
	s11 =	sadd.s32 $0x180, s0  }
0xf5: {  	[tilespmem:s9], [sflag:$0x1] =	stream.indirect.gather [hbm4b:s3+s16], $0x10, s11, s16, $0xb8;
	[tilespmem:$0x14800] =	vst v63  }
0xf6: {  	s15 =	rddreg [dreg:$0x7];
	s30 =	sadd.s32 $0x6580, s0;
	s7 =	simm.s32 @!p1 $0x2  }
0xf7: {  	[tilespmem:s15], [sflag:$0x1] =	stream.indirect.gather [hbm4b:s3+s16], $0x10, s30, s16, $0xb8;
	[tilespmem:$0x14800] =	vst v63  }
0xf8: {  	_ =	swait.ge @!p1 [sflag:s7], $0x800  }
0xf9: {  	[sflag:s7] =	ssyncset.done @!p1 $0x0  }
0xfa: {  	[sflag:s7] =	ssyncadd.s32 @!p1 $0xFFFFF800  }
0xfb: {  	_ =	swait.ge @!p1 [sflag:s7], $0x800  }
0xfc: {  	[sflag:s7] =	ssyncset.done @!p1 $0x0  }
0xfd: {  	[sflag:s7] =	ssyncadd.s32 @!p1 $0xFFFFF800  }
0xfe: {  	_ =	swait.ge @!p1 [sflag:s7], $0x800  }
0xff: {  	[sflag:s7] =	ssyncset.done @!p1 $0x0  }
0x100: {  	[sflag:s7] =	ssyncadd.s32 @!p1 $0xFFFFF800  }
0x101: {  	_ =	swait.ge @!p1 [sflag:s7], $0x800  }
0x102: {  	[sflag:s7] =	ssyncset.done @!p1 $0x0  }
0x103: {  	[sflag:s7] =	ssyncadd.s32 @!p1 $0xFFFFF800  }
0x104: {  	_ =	swait.ge @!p1 [sflag:s7], $0x800  }
0x105: {  	[sflag:s7] =	ssyncset.done @!p1 $0x0  }
0x106: {  	[sflag:s7] =	ssyncadd.s32 @!p1 $0xFFFFF800  }
0x107: {  	_ =	swait.ge @!p1 [sflag:s7], $0x800  }
0x108: {  	[sflag:s7] =	ssyncset.done @!p1 $0x0  }
0x109: {  	[sflag:s7] =	ssyncadd.s32 @!p1 $0xFFFFF800  }
0x10a: {  	_ =	swait.ge @!p1 [sflag:s7], $0x800  }
0x10b: {  	[sflag:s7] =	ssyncset.done @!p1 $0x0  }
0x10c: {  	[sflag:s7] =	ssyncadd.s32 @!p1 $0xFFFFF800  }
0x10d: {  	_ =	swait.ge @!p1 [sflag:s7], $0x800  }
0x10e: {  	s6 =	sand.u32 @!p1 $0x1FFFFC00, s29;
	s8 =	simm.s32 @!p1 $0xE800;
	[sflag:s7] =	ssyncset.done @!p1 $0x0  }
0x10f: {  	s9 =	simm.s32 @!p1 $0x0;
	[sflag:s7] =	ssyncadd.s32 @!p1 $0xFFFFF800;
	s7 =	sadd.s32 @!p1 s4, s6  }
0x110: {  	[hbm4b:s7+s9] =	stream.linear.scatter @!p1 [tilespmem:s8], [sflag:$0x4], $0x2000, $0x38;
	[tilespmem:$0x14800] =	vst v63  }
0x111: {  	s6 =	sadd.s32 @!p1 s5, s6;
	s7 =	simm.s32 @!p1 $0x12800;
	s8 =	simm.s32 @!p1 $0x4  }
0x112: {  	[hbm4b:s6+s9] =	stream.linear.scatter @!p1 [tilespmem:s7], [sflag:$0x4], $0x2000, $0x38;
	[tilespmem:$0x14800] =	vst v63  }
0x113: {  	_ =	swait.ge @!p1 [sflag:s8], $0x2000  }
0x114: {  	[sflag:s8] =	ssyncset.done @!p1 $0x0  }
0x115: {  	[sflag:s8] =	ssyncadd.s32 @!p1 $0xFFFFE000  }
0x116: {  	_ =	swait.ge @!p1 [sflag:s8], $0x2000  }
0x117: {  	[sflag:s8] =	ssyncset.done @!p1 $0x0  }
0x118: {  	s31 =	sadd.s32 $0x200, s0;
	[sflag:s8] =	ssyncadd.s32 @!p1 $0xFFFFE000  }
0x119: {  	[tilespmem:s19], [sflag:$0x2] =	stream.indirect.gather [hbm4b:s3+s16], $0x10, s31, s16, $0xb8;
	[tilespmem:$0x14800] =	vst v63  }
0x11a: {  	s7 =	sadd.s32 $0x6600, s0  }
0x11b: {  	[tilespmem:s20], [sflag:$0x2] =	stream.indirect.gather [hbm4b:s3+s16], $0x10, s7, s16, $0xb8;
	[tilespmem:$0x14800] =	vst v63  }
0x11c: {  	s9 =	sadd.s32 $0x280, s0;
	s8 =	rddreg [dreg:$0x8]  }
0x11d: {  	[tilespmem:s8], [sflag:$0x2] =	stream.indirect.gather [hbm4b:s3+s16], $0x10, s9, s16, $0xb8;
	[tilespmem:$0x14800] =	vst v63  }
0x11e: {  	s15 =	sadd.s32 $0x6680, s0;
	s11 =	rddreg [dreg:$0x9]  }
0x11f: {  	[tilespmem:s11], [sflag:$0x2] =	stream.indirect.gather [hbm4b:s3+s16], $0x10, s15, s16, $0xb8;
	[tilespmem:$0x14800] =	vst v63  }
0x120: {  	s30 =	sadd.s32 $0x300, s0;
	s29 =	rddreg [dreg:$0xa]  }
0x121: {  	[tilespmem:s29], [sflag:$0x2] =	stream.indirect.gather [hbm4b:s3+s16], $0x10, s30, s16, $0xb8;
	[tilespmem:$0x14800] =	vst v63  }
0x122: {  	s31 =	rddreg [dreg:$0xb];
	s7 =	sadd.s32 $0x6700, s0  }
0x123: {  	[tilespmem:s31], [sflag:$0x2] =	stream.indirect.gather [hbm4b:s3+s16], $0x10, s7, s16, $0xb8;
	[tilespmem:$0x14800] =	vst v63  }
0x124: {  	s9 =	rddreg [dreg:$0xc];
	s11 =	sadd.s32 $0x380, s0  }
0x125: {  	[tilespmem:s9], [sflag:$0x2] =	stream.indirect.gather [hbm4b:s3+s16], $0x10, s11, s16, $0xb8;
	[tilespmem:$0x14800] =	vst v63  }
0x126: {  	s15 =	rddreg [dreg:$0xd];
	s0 =	sadd.s32 $0x6780, s0  }
0x127: {  	[tilespmem:s15], [sflag:$0x2] =	stream.indirect.gather [hbm4b:s3+s16], $0x10, s0, s16, $0xb8;
	[tilespmem:$0x14800] =	vst v63  }
0x128: {  	_ =	swait.ge [sflag:s21], $0x800  }
0x129: {  	[sflag:s21] =	ssyncset.done $0x0  }
0x12a: {  	[sflag:s21] =	ssyncadd.s32 $0xFFFFF800  }
0x12b: {  	_ =	swait.ge [sflag:s21], $0x800  }
0x12c: {  	[sflag:s21] =	ssyncset.done $0x0  }
0x12d: {  	[sflag:s21] =	ssyncadd.s32 $0xFFFFF800  }
0x12e: {  	_ =	swait.ge [sflag:s21], $0x800  }
0x12f: {  	[sflag:s21] =	ssyncset.done $0x0  }
0x130: {  	[sflag:s21] =	ssyncadd.s32 $0xFFFFF800  }
0x131: {  	_ =	swait.ge [sflag:s21], $0x800  }
0x132: {  	[sflag:s21] =	ssyncset.done $0x0  }
0x133: {  	[sflag:s21] =	ssyncadd.s32 $0xFFFFF800  }
0x134: {  	_ =	swait.ge [sflag:s21], $0x800  }
0x135: {  	[sflag:s21] =	ssyncset.done $0x0  }
0x136: {  	[sflag:s21] =	ssyncadd.s32 $0xFFFFF800  }
0x137: {  	_ =	swait.ge [sflag:s21], $0x800  }
0x138: {  	[sflag:s21] =	ssyncset.done $0x0  }
0x139: {  	[sflag:s21] =	ssyncadd.s32 $0xFFFFF800  }
0x13a: {  	_ =	swait.ge [sflag:s21], $0x800  }
0x13b: {  	[sflag:s21] =	ssyncset.done $0x0  }
0x13c: {  	[sflag:s21] =	ssyncadd.s32 $0xFFFFF800  }
0x13d: {  	_ =	swait.ge [sflag:s21], $0x800  }
0x13e: {  	[sflag:s21] =	ssyncset.done $0x0  }
0x13f: {  	[sflag:s21] =	ssyncadd.s32 $0xFFFFF800  }
0x140: {  	[hbm4b:s28+s2] =	stream.linear.scatter [tilespmem:s17], [sflag:$0x3], $0x2000, $0x38;
	[tilespmem:$0x14800] =	vst v63  }
0x141: {  	s29 =	sadd.s32 $0x800, s26  }
0x142: {  	[hbm4b:s29+s2] =	stream.linear.scatter [tilespmem:s18], [sflag:$0x3], $0x2000, $0x38;
	[tilespmem:$0x14800] =	vst v63  }
0x143: {  	_ =	swait.ge [sflag:s22], $0x800  }
0x144: {  	[sflag:s22] =	ssyncset.done $0x0  }
0x145: {  	[sflag:s22] =	ssyncadd.s32 $0xFFFFF800  }
0x146: {  	_ =	swait.ge [sflag:s22], $0x800  }
0x147: {  	[sflag:s22] =	ssyncset.done $0x0  }
0x148: {  	[sflag:s22] =	ssyncadd.s32 $0xFFFFF800  }
0x149: {  	_ =	swait.ge [sflag:s22], $0x800  }
0x14a: {  	[sflag:s22] =	ssyncset.done $0x0  }
0x14b: {  	[sflag:s22] =	ssyncadd.s32 $0xFFFFF800  }
0x14c: {  	_ =	swait.ge [sflag:s22], $0x800  }
0x14d: {  	[sflag:s22] =	ssyncset.done $0x0  }
0x14e: {  	[sflag:s22] =	ssyncadd.s32 $0xFFFFF800  }
0x14f: {  	_ =	swait.ge [sflag:s22], $0x800  }
0x150: {  	[sflag:s22] =	ssyncset.done $0x0  }
0x151: {  	[sflag:s22] =	ssyncadd.s32 $0xFFFFF800  }
0x152: {  	_ =	swait.ge [sflag:s22], $0x800  }
0x153: {  	[sflag:s22] =	ssyncset.done $0x0  }
0x154: {  	[sflag:s22] =	ssyncadd.s32 $0xFFFFF800  }
0x155: {  	_ =	swait.ge [sflag:s22], $0x800  }
0x156: {  	[sflag:s22] =	ssyncset.done $0x0  }
0x157: {  	[sflag:s22] =	ssyncadd.s32 $0xFFFFF800  }
0x158: {  	_ =	swait.ge [sflag:s22], $0x800  }
0x159: {  	[sflag:s22] =	ssyncset.done $0x0  }
0x15a: {  	s30 =	rddreg [dreg:$0x10];
	[sflag:s22] =	ssyncadd.s32 $0xFFFFF800  }
0x15b: {  	[hbm4b:s30+s2] =	stream.linear.scatter [tilespmem:s19], [sflag:$0x4], $0x2000, $0x38;
	[tilespmem:$0x14800] =	vst v63  }
0x15c: {  	s31 =	rddreg [dreg:$0x11]  }
0x15d: {  	[hbm4b:s31+s2] =	stream.linear.scatter [tilespmem:s20], [sflag:$0x4], $0x2000, $0x38;
	[tilespmem:$0x14800] =	vst v63  }
0x15e: {  	_ =	swait.ge [sflag:s23], $0x2000  }
0x15f: {  	[sflag:s23] =	ssyncset.done $0x0  }
0x160: {  	[sflag:s23] =	ssyncadd.s32 $0xFFFFE000  }
0x161: {  	_ =	swait.ge [sflag:s23], $0x2000  }
0x162: {  	[sflag:s23] =	ssyncset.done $0x0  }
0x163: {  	s25 =	sadd.s32 $0x1, s25;
	[sflag:s23] =	ssyncadd.s32 $0xFFFFE000  }
0x164: {  	p0 =	sne.s32 s25, s10;
	_ =	swait.ge [sflag:s24], $0x2000  }
.Ltmp1:
0x165: {  	[sflag:s24] =	ssyncset.done $0x0;
	(pc) =	sbr.rel @p0 .LBB2_1-.Ltmp1, $4  }
0x166: {  	[sflag:s24] =	ssyncadd.s32 $0xFFFFE000  }
0x167: {  	_ =	swait.ge [sflag:s24], $0x2000  }
0x168: {  	[sflag:s24] =	ssyncset.done $0x0  }
0x169: {  	[sflag:s24] =	ssyncadd.s32 $0xFFFFE000  }
0x16a: {  	_ =	sfence.sel $0x180000  }
0x16b: {  	[bflag:$0x0] =	sbarrier.arrive $0xFFFF  }
0x16c: {  	_ =	strace $0x9000004D  }
0x16d: {  	s0 =	stileid.u32;
	[bflag:$0x2] =	sbarrier.arrive $0xFFFF  }
0x16e: {  	p0 =	sne.s32 s0, $0x0;
	s0 =	rddreg [dreg:$0x1]  }
0x16f: {  	s0 =	sadd.s32 @!p0 $0x100000, s0  }
0x170: {  	[sflag:s0] =	ssyncadd.tile.s32 @!p0 $0x1;
	_ =	shalt  }
.Lfunc_end2:
_tile_overlayer_lowered:
.L_overlay_start_2:
0x171: {  	(tag) =	ssettag $0x2  }
0x172: {  	s0 =	rddreg [dreg:$0x0];
	s2 =	stileid.u32  }
0x173: {  	s1 =	rddreg [dreg:$0x1];
	p0 =	sne.s32 s2, $0x0  }
0x174: {  	s3 =	rddreg [dreg:$0x2];
	[bflag:$0x3] =	sbarrier.arrive $0xFFFF;
	s2 =	simm.s32 @!p0 $0x1C05  }
0x175: {  	[timem:s3], [sflag:s2] =	dma.local @!p0 [hbm:s0], s1  }
0x176: {  	s0 =	simm.s32 @!p0 $0x5  }
0x177: {  	_ =	swait.ge @!p0 [sflag:s0], s1  }
0x178: {  	s1 =	ssub.s32 @!p0 $0x0, s1;
	[sflag:s0] =	ssyncset.done @!p0 $0x0  }
0x179: {  	[sflag:s0] =	ssyncadd.s32 @!p0 s1  }
0x17a: {  	[bflag:$0x3] =	sbarrier.arrive $0xFFFF  }
0x17b: {  	_ =	shalt  }

// kernel: kernel.20.cloned.1.call-start
scs
__scs_entry_jumppad:
0x0: {  	(pc) =	sbr.rel $0x88, $3  }
0x1: {  	(tag) =	ssettag $0x0;
	lr =	simm.s32 $0x1  }
0x2: {  	[smem:$0x3F7E] =	sst lr;
	_ =	strace $0xD0000000  }
0x3: {  	_ = 	snop  }
0x4: {  	_ = 	snop  }
0x5: {  	_ = 	snop  }
0x6: {  	_ = 	snop  }
0x7: {  	_ = 	snop  }
__scs_overlays_trampoline_lowered:
0x8: {  	[smem:$0x3F8D] =	sst s0  }
0x9: {  	[smem:$0x3F8E] =	sst s1  }
0xa: {  	[smem:$0x3F8F] =	sst s2  }
0xb: {  	[smem:$0x3F90] =	sst s3  }
0xc: {  	[smem:$0x3F91] =	sst s4  }
0xd: {  	[smem:$0x3F92] =	sst s5  }
0xe: {  	[smem:$0x3F93] =	sst s6  }
0xf: {  	[smem:$0x3F94] =	sst s7  }
0x10: {  	[smem:$0x3F95] =	sst s8  }
0x11: {  	[smem:$0x3F96] =	sst s9;
	s0 =	simm.s32 @!p0 $0x0  }
0x12: {  	s1 =	sld [smem:$0x3F7C];
	s0 =	simm.s32 @p0 $0x1  }
0x13: {  	[smem:$0x3F97] =	sst s0;
	s0 =	simm.s32 @!p1 $0x0  }
0x14: {  	s2 =	sld [smem:$0x3F7B];
	s0 =	simm.s32 @p1 $0x1  }
0x15: {  	[smem:$0x3F98] =	sst s0;
	s0 =	simm.s32 @!p2 $0x0  }
0x16: {  	s3 =	sld [smem:$0x3FDB];
	s0 =	simm.s32 @p2 $0x1  }
0x17: {  	s4 =	simm.s32 $0x1BF5;
	[smem:$0x3F9A] =	sst s0  }
0x18: {  	s0 =	sld [smem:$0x3F7D];
	_ =	swait.ge [sflag:s4], $0x0  }
0x19: {  	s7 =	sld [smem:$0x3F7E]  }
0x1a: {  	s8 =	sadd.s32 $0xFFFFE003, lr  }
0x1b: {  	s9 =	sadd.s32 $0xFFFFFEF7, lr;
	s5 =	simm.s32 $0xFFFFFFFF;
	p2 =	slt.u32 s8, $0xFFFFF086  }
0x1c: {  	p1 =	slt.u32 s9, $0xF7A;
	s5 =	simm.s32 @!p2 $0x0  }
0x1d: {  	s5 =	simm.s32 @p1 $0x1;
	p0 =	seq.s32 s7, s2  }
0x1e: {  	s7 =	smul.u32 @!p0 $0xF7A, s2;
	p2 =	seq.s32 @!p0 s5, $0x0  }
0x1f: {  	s9 =	smul.u32 $0xF7A, s1;
	s8 =	simm.s32 @!p0 $0x1BF5;
	p2 =	por !p2, p0  }
0x20: {  	[sflag:s8] =	ssyncset.s32 @!p0 $0xFFFFF086;
	s6 =	sadd.s32 @!p0 s3, s7;
	s7 =	simm.s32 @!p0 $0x108  }
0x21: {  	s3 =	sadd.s32 s3, s9;
	s6 =	sadd.s32 @!p0 $0x88, s6;
	s7 =	simm.s32 @p2 $0x1082  }
0x22: {  	[simem:s7], [sflag:s8] =	dma.local @!p0 [hbm:s6], $0xF7A  }
0x23: {  	s9 =	sor.u32 $0xD0000000, s2;
	s6 =	simm.s32 $0x108;
	_ =	swait.ge @!p0 [sflag:s8], $0x0  }
0x24: {  	s3 =	sadd.s32 $0x88, s3;
	s6 =	simm.s32 @!p1 $0x1082;
	[sflag:s4] =	ssyncset.s32 $0xFFFFF086  }
0x25: {  	[simem:s6], [sflag:s4] =	dma.local [hbm:s3], $0xF7A  }
0x26: {  	[smem:$0x3F7E] =	sst s1;
	(tag) =	ssettag s2;
	_ =	strace s9  }
0x27: {  	s1 =	sld [smem:$0x3F8E]  }
0x28: {  	s2 =	sld [smem:$0x3F8F]  }
0x29: {  	s4 =	sld [smem:$0x3F91]  }
0x2a: {  	p0 =	seq.s32 s5, $0x0;
	s5 =	sld [smem:$0x3F92]  }
0x2b: {  	s6 =	sld [smem:$0x3F93]  }
0x2c: {  	s7 =	sld [smem:$0x3F94]  }
0x2d: {  	s3 =	simm.s32 $0x108;
	s8 =	sld [smem:$0x3F95]  }
0x2e: {  	s3 =	simm.s32 @!p0 $0x1082;
	s9 =	sld [smem:$0x3F96]  }
0x2f: {  	lr =	sadd.s32 s0, s3;
	s0 =	sld [smem:$0x3F8D]  }
0x30: {  	s3 =	sld [smem:$0x3F90]  }
0x31: {  	[smem:$0x3F99] =	sst s10  }
0x32: {  	s10 =	sld [smem:$0x3F97];
	_ =	sdelay $0x3  }
0x33: {  	p0 =	seq.s32 s10, $0x1;
	s10 =	sld [smem:$0x3F99];
	_ =	sdelay $0x3  }
0x34: {  	[smem:$0x3F99] =	sst s10  }
0x35: {  	s10 =	sld [smem:$0x3F98];
	_ =	sdelay $0x3  }
0x36: {  	p1 =	seq.s32 s10, $0x1;
	s10 =	sld [smem:$0x3F99];
	_ =	sdelay $0x3  }
0x37: {  	[smem:$0x3F99] =	sst s10  }
0x38: {  	s10 =	sld [smem:$0x3F9A]  }
0x39: {  	_ = 	snop;
	(pc) =	sbr.ind lr, $3  }
0x3a: {  	_ = 	snop  }
0x3b: {  	_ = 	snop  }
0x3c: {  	p2 =	seq.s32 s10, $0x1;
	s10 =	sld [smem:$0x3F99]  }
0x3d: {  	_ =	shalt  }
0x3e: {  	_ =	shalt  }
0x3f: {  	_ =	shalt  }
0x40: {  	_ =	shalt  }
0x41: {  	_ =	shalt  }
0x42: {  	_ =	shalt  }
0x43: {  	_ =	shalt  }
0x44: {  	_ =	shalt  }
0x45: {  	_ =	shalt  }
0x46: {  	_ =	shalt  }
0x47: {  	_ =	shalt  }
0x48: {  	_ =	shalt  }
0x49: {  	_ =	shalt  }
0x4a: {  	_ =	shalt  }
0x4b: {  	_ =	shalt  }
0x4c: {  	_ =	shalt  }
0x4d: {  	_ =	shalt  }
0x4e: {  	_ =	shalt  }
0x4f: {  	_ =	shalt  }
0x50: {  	_ =	shalt  }
0x51: {  	_ =	shalt  }
0x52: {  	_ =	shalt  }
0x53: {  	_ =	shalt  }
0x54: {  	_ =	shalt  }
0x55: {  	_ =	shalt  }
0x56: {  	_ =	shalt  }
0x57: {  	_ =	shalt  }
0x58: {  	_ =	shalt  }
0x59: {  	_ =	shalt  }
0x5a: {  	_ =	shalt  }
0x5b: {  	_ =	shalt  }
0x5c: {  	_ =	shalt  }
0x5d: {  	_ =	shalt  }
0x5e: {  	_ =	shalt  }
0x5f: {  	_ =	shalt  }
0x60: {  	_ =	shalt  }
0x61: {  	_ =	shalt  }
0x62: {  	_ =	shalt  }
0x63: {  	_ =	shalt  }
0x64: {  	_ =	shalt  }
0x65: {  	_ =	shalt  }
0x66: {  	_ =	shalt  }
0x67: {  	_ =	shalt  }
0x68: {  	_ =	shalt  }
0x69: {  	_ =	shalt  }
0x6a: {  	_ =	shalt  }
0x6b: {  	_ =	shalt  }
0x6c: {  	_ =	shalt  }
0x6d: {  	_ =	shalt  }
0x6e: {  	_ =	shalt  }
0x6f: {  	_ =	shalt  }
0x70: {  	_ =	shalt  }
0x71: {  	_ =	shalt  }
0x72: {  	_ =	shalt  }
0x73: {  	_ =	shalt  }
0x74: {  	_ =	shalt  }
0x75: {  	_ =	shalt  }
0x76: {  	_ =	shalt  }
0x77: {  	_ =	shalt  }
0x78: {  	_ =	shalt  }
0x79: {  	_ =	shalt  }
0x7a: {  	_ =	shalt  }
0x7b: {  	_ =	shalt  }
0x7c: {  	_ =	shalt  }
0x7d: {  	_ =	shalt  }
0x7e: {  	_ =	shalt  }
0x7f: {  	_ =	shalt  }
0x80: {  	_ =	shalt  }
0x81: {  	_ =	shalt  }
0x82: {  	_ =	shalt  }
0x83: {  	_ =	shalt  }
0x84: {  	_ =	shalt  }
0x85: {  	_ =	shalt  }
0x86: {  	_ =	shalt  }
0x87: {  	_ =	shalt  }
.Lfunc_end0:
.L_simem_size_0:
called_computation.3_lowered:
.L_overlay_start_0:
0x88: {  	s2 =	sld [smem:$0x3FD9]  }
0x89: {  	s3 =	sld [smem:$0x3FFE];
	_ =	sdelay $0x1  }
0x8a: {  	s1 =	srdreg.scid  }
0x8b: {  	s0 =	sand.u32 $0x1, s1  }
0x8c: {  	s16 =	sshll.u32 s0, $0xA;
	s2 =	sadd.s32 s3, s2  }
0x8d: {  	s2 =	sadd.s32 s2, s16  }
0x8e: {  	[smem:$0x3FA5] =	sst s2  }
0x8f: {  	_ = 	snop  }
0x90: {  	(tm) =	ssettm $0x1  }
0x91: {  	s17 =	sld [smem:$0x3FFB];
	_ =	sdelay $0x3  }
0x92: {  	_ =	strace s17  }
0x93: {  	s2 =	sld [smem:$0x3FFC];
	_ =	sdelay $0x3  }
0x94: {  	_ =	strace s2  }
0x95: {  	s2 =	sld [smem:$0x3FFD];
	_ =	sdelay $0x3  }
0x96: {  	_ =	strace s2  }
0x97: {  	_ =	strace $0x8FFFFFFF  }
0x98: {  	s18 =	sld [smem:$0x3FDB];
	_ =	sdelay $0x1  }
0x99: {  	s19 =	simm.s32 $_scs_section_size  }
0x9a: {  	s4 =	simm.s32 $_size__tile_overlayer_lowered;
	s5 =	simm.s32 $_tile_overlayer_lowered  }
0x9b: {  	s22 =	simm.s32 $0x1BFF;
	s21 =	sshll.u32 s5, $0x1;
	s2 =	sadd.s32 s19, s18  }
0x9c: {  	s6 =	simm.s32 $0x0;
	s20 =	sshll.u32 s4, $0x1;
	s4 =	sadd.s32 s21, s2  }
0x9d: {  	[timem:s6], [sflag:s22] =	dma.local [hbm:s4], s20  }
0x9e: {  	_ =	swait.ge [sflag:s22], s20  }
0x9f: {  	s3 =	ssub.s32 $0x0, s20;
	[sflag:s22] =	ssyncset.done $0x0  }
0xa0: {  	[sflag:s22] =	ssyncadd.s32 s3;
	_ =	sdelay $0x1  }
0xa1: {  	s23 =	simm.s32 $0x1B8B  }
0xa2: {  	_ =	swait.ge [sflag:s23], $0x1  }
0xa3: {  	[sflag:s23] =	ssyncset.done $0x0  }
0xa4: {  	s25 =	simm.s32 $0x1B8E;
	s24 =	sld [smem:$0x3FFE];
	[sflag:s23] =	ssyncadd.s32 $0xFFFFFFFF  }
0xa5: {  	s26 =	simm.s32 $execute0_lowered;
	[smem:$0x3FD2] =	sst s25  }
0xa6: {  	s4 =	sshll.u32 s26, $0x1;
	_ =	strace $0x8000004F;
	[dreg:$0x1] =	wrdreg $0xFFFFFFFF  }
0xa7: {  	s28 =	simm.s32 $_size_execute0_lowered;
	s2 =	sadd.s32 s2, s4;
	[dreg:$0x0] =	wrdreg $0x0  }
0xa8: {  	s4 =	sshll.u32 s28, $0x1;
	[dreg:$0x2] =	wrdreg s2  }
0xa9: {  	[dreg:$0x3] =	wrdreg s4  }
0xaa: {  	[dreg:$0x4] =	wrdreg $0xC0  }
0xab: {  	_ =	task [dreg:s6], $0x5FFFF  }
0xac: {  	[dreg:$0x1] =	wrdreg $0xFFFFFFFF  }
0xad: {  	[dreg:$0x0] =	wrdreg $0x60  }
0xae: {  	[dreg:$0x2] =	wrdreg s24  }
0xaf: {  	[dreg:$0x3] =	wrdreg $0x24000  }
0xb0: {  	[dreg:$0x4] =	wrdreg $0x9  }
0xb1: {  	_ =	task.clear_ibuf [dreg:s6], $0x5FFFF;
	_ =	strace $0x9000004F  }
0xb2: {  	s29 =	simm.s32 $0x9;
	_ =	strace $0x80000051  }
0xb3: {  	_ =	swait.ge [sflag:s29], $0x1  }
0xb4: {  	[sflag:s29] =	ssyncadd.s32 $0xFFFFFFFF  }
0xb5: {  	_ =	strace $0x90000051  }
0xb6: {  	_ =	sfence  }
0xb7: {  	s30 =	sld [smem:$0x0];
	_ =	sdelay $0x2  }
0xb8: {  	s31 =	sshll.u32 s1, $0xD;
	s1 =	sshrl.u32 s1, $0x2  }
0xb9: {  	s3 =	sand.u32 $0x4000, s31;
	s1 =	sadd.s32 s1, s30  }
0xba: {  	s0 =	sor.u32 s3, s0;
	s1 =	sshll.u32 s1, $0x11  }
0xbb: {  	s0 =	sor.u32 s1, s0  }
0xbc: {  	s0 =	sadd.s32 $0x8F2B, s0  }
0xbd: {  	[sflag:s0] =	ssyncadd.remote.s32 $0x1  }
0xbe: {  	_ =	sfence.sel $0xFFFF  }
0xbf: {  	[dreg:$0x0] =	wrdreg $0xFFFFFFFF;
	(pc) =	sbr.abs _section_cstart, $3  }
0xc0: {  	[dreg:$0x1] =	wrdreg $0xFFFFFFFF  }
0xc1: {  	_ =	task.clear_ibuf [dreg:s6], $0x2FFFF;
	_ =	strace $0x9FFFFFFF  }
0xc2: {  	(tm) =	ssettm $0x7FFFFFFF  }
0xc3: {  	_ =	shalt  }
tec
execute0_lowered:
.L_overlay_start_1:
0x0: {  	(tag) =	ssettag $0x1  }
0x1: {  	s0 =	srdreg.scid  }
0x2: {  	s8 =	stileid.u32;
	s3 =	rddreg [dreg:$0x0]  }
0x3: {  	s1 =	rddreg [dreg:$0x1];
	s2 =	simm.s32 $0x0;
	s11 =	simm.s32 $0x80  }
0x4: {  	s12 =	simm.s32 $0x800;
	s13 =	simm.s32 $0x100;
	s14 =	simm.s32 $0xC00  }
0x5: {  	s15 =	simm.s32 $0x180;
	s16 =	simm.s32 $0x1000;
	s17 =	simm.s32 $0x200  }
0x6: {  	s18 =	simm.s32 $0x1400;
	s19 =	simm.s32 $0x280;
	s20 =	simm.s32 $0x1800  }
0x7: {  	s21 =	simm.s32 $0x300;
	s22 =	simm.s32 $0x1C00;
	s5 =	smul.u32 $0x64000, s8  }
0x8: {  	s23 =	simm.s32 $0x380;
	s4 =	sand.u32 $0x1, s0;
	s7 =	smul.u32 $0xC800, s8  }
0x9: {  	s24 =	simm.s32 $0x2000;
	s0 =	rddreg [dreg:$0x2];
	s6 =	smul.u32 $0x32000, s4  }
0xa: {  	s25 =	simm.s32 $0x0;
	[smem:$0x7FF] =	sst s2;
	s26 =	smul.u32 $0x6400, s4  }
0xb: {  	p0 =	sne.s32 s8, $0x0;
	s28 =	smul.u32 $0xC358, s4;
	s4 =	ssub.s32 $0x2, s4  }
0xc: {  	_ =	strace $0x80000050;
	s8 =	sshrl.u32 @!p0 s1, $0x3;
	s30 =	sshrl.u32 s4, $0x1  }
0xd: {  	s5 =	sadd.s32 s6, s5;
	s6 =	sadd.s32 s26, s7;
	s31 =	sadd.s32 s28, s3  }
0xe: {  	s5 =	sshrl.u32 s5, $0x3;
	s29 =	sshrl.u32 s6, $0x3;
	s6 =	ssub.s32 s4, s30  }
0xf: {  	s4 =	sadd.s32 $0xFF600, s31;
	s9 =	sadd.s32 s5, s3;
	s10 =	sadd.s32 s29, s3  }
0x10: {  	s3 =	sadd.s32 $0x5E00, s3;
	s5 =	smax.u32 s6, $0x1;
	s6 =	sadd.s32 $0x37600, s9  }
0x11: {  	s7 =	sadd.s32 $0x1E600, s10;
	s9 =	simm.s32 $0x1;
	s10 =	simm.s32 $0x400  }
.LBB2_1:
0x12: {  	s26 =	simm.s32 @!p0 $0x1C01  }
0x13: {  	[spmem:s8], [sflag:s26] =	dma.local @!p0 [hbm:s3], $0xC358  }
0x14: {  	s26 =	simm.s32 @!p0 $0x1  }
0x15: {  	_ =	swait.ge @!p0 [sflag:s26], $0xC358  }
0x16: {  	[sflag:s26] =	ssyncset.done @!p0 $0x0  }
0x17: {  	[sflag:s26] =	ssyncadd.s32 @!p0 $0xFFFF3CA8  }
0x18: {  	s31 =	sadd.s32 $0x0, s7;
	[bflag:$0x0] =	sbarrier.arrive $0xFFFF  }
0x19: {  	[tilespmem:s2], [sflag:$0x1] =	stream.linear.gather [hbm4b:s31+s2], $0x400, $0x38;
	[tilespmem:$0x85B0] =	vst v63  }
0x1a: {  	_ =	swait.ge [sflag:s9], $0x400  }
0x1b: {  	[sflag:s9] =	ssyncset.done $0x0  }
0x1c: {  	[sflag:s9] =	ssyncadd.s32 $0xFFFFFC00  }
0x1d: {  	[tilespmem:s10], [sflag:$0x1] =	stream.linear.gather [hbm4b:s6+s2], $0x2000, $0x38;
	[tilespmem:$0x85B0] =	vst v63  }
0x1e: {  	_ =	swait.ge [sflag:s9], $0x2000  }
0x1f: {  	[sflag:s9] =	ssyncset.done $0x0  }
0x20: {  	[sflag:s9] =	ssyncadd.s32 $0xFFFFE000  }
0x21: {  	[spmem:s1] =	stream.indirect.scatter.add.f32 [tilespmem:s10], [sflag:$0x1], $0x8, s2, s11, $0xb8;
	[tilespmem:$0x85B0] =	vst v63  }
0x22: {  	_ =	swait.ge [sflag:s9], $0x400  }
0x23: {  	[sflag:s9] =	ssyncset.done $0x0  }
0x24: {  	[sflag:s9] =	ssyncadd.s32 $0xFFFFFC00  }
0x25: {  	[spmem:s1] =	stream.indirect.scatter.add.f32 [tilespmem:s12], [sflag:$0x1], $0x8, s11, s11, $0xb8;
	[tilespmem:$0x85B0] =	vst v63  }
0x26: {  	_ =	swait.ge [sflag:s9], $0x400  }
0x27: {  	[sflag:s9] =	ssyncset.done $0x0  }
0x28: {  	[sflag:s9] =	ssyncadd.s32 $0xFFFFFC00  }
0x29: {  	[spmem:s1] =	stream.indirect.scatter.add.f32 [tilespmem:s14], [sflag:$0x1], $0x8, s13, s11, $0xb8;
	[tilespmem:$0x85B0] =	vst v63  }
0x2a: {  	_ =	swait.ge [sflag:s9], $0x400  }
0x2b: {  	[sflag:s9] =	ssyncset.done $0x0  }
0x2c: {  	[sflag:s9] =	ssyncadd.s32 $0xFFFFFC00  }
0x2d: {  	[spmem:s1] =	stream.indirect.scatter.add.f32 [tilespmem:s16], [sflag:$0x1], $0x8, s15, s11, $0xb8;
	[tilespmem:$0x85B0] =	vst v63  }
0x2e: {  	_ =	swait.ge [sflag:s9], $0x400  }
0x2f: {  	[sflag:s9] =	ssyncset.done $0x0  }
0x30: {  	[sflag:s9] =	ssyncadd.s32 $0xFFFFFC00  }
0x31: {  	[spmem:s1] =	stream.indirect.scatter.add.f32 [tilespmem:s18], [sflag:$0x1], $0x8, s17, s11, $0xb8;
	[tilespmem:$0x85B0] =	vst v63  }
0x32: {  	_ =	swait.ge [sflag:s9], $0x400  }
0x33: {  	[sflag:s9] =	ssyncset.done $0x0  }
0x34: {  	[sflag:s9] =	ssyncadd.s32 $0xFFFFFC00  }
0x35: {  	[spmem:s1] =	stream.indirect.scatter.add.f32 [tilespmem:s20], [sflag:$0x1], $0x8, s19, s11, $0xb8;
	[tilespmem:$0x85B0] =	vst v63  }
0x36: {  	_ =	swait.ge [sflag:s9], $0x400  }
0x37: {  	[sflag:s9] =	ssyncset.done $0x0  }
0x38: {  	[sflag:s9] =	ssyncadd.s32 $0xFFFFFC00  }
0x39: {  	[spmem:s1] =	stream.indirect.scatter.add.f32 [tilespmem:s22], [sflag:$0x1], $0x8, s21, s11, $0xb8;
	[tilespmem:$0x85B0] =	vst v63  }
0x3a: {  	_ =	swait.ge [sflag:s9], $0x400  }
0x3b: {  	[sflag:s9] =	ssyncset.done $0x0  }
0x3c: {  	[sflag:s9] =	ssyncadd.s32 $0xFFFFFC00  }
0x3d: {  	[spmem:s1] =	stream.indirect.scatter.add.f32 [tilespmem:s24], [sflag:$0x1], $0x8, s23, s11, $0xb8;
	[tilespmem:$0x85B0] =	vst v63  }
0x3e: {  	s28 =	simm.s32 $0x80;
	_ =	swait.ge [sflag:s9], $0x400  }
0x3f: {  	s30 =	simm.s32 $0x100;
	s26 =	sadd.s32 $0x400, s6;
	[sflag:s9] =	ssyncset.done $0x0  }
.LBB2_2:
0x40: {  	s31 =	sadd.s32 s28, s7  }
0x41: {  	[sflag:s9] =	ssyncadd.s32 $0xFFFFFC00;
	s28 =	smov.u32 s30;
	s29 =	sadd.s32 $0x80, s30  }
0x42: {  	[tilespmem:s2], [sflag:$0x1] =	stream.linear.gather [hbm4b:s31+s2], $0x400, $0x38;
	[tilespmem:$0x85B0] =	vst v63  }
0x43: {  	p1 =	sne.s32 s30, $0xC00;
	_ =	swait.ge [sflag:s9], $0x400  }
0x44: {  	[sflag:s9] =	ssyncset.done $0x0  }
0x45: {  	[sflag:s9] =	ssyncadd.s32 $0xFFFFFC00  }
0x46: {  	[tilespmem:s10], [sflag:$0x1] =	stream.linear.gather [hbm4b:s26+s2], $0x2000, $0x38;
	[tilespmem:$0x85B0] =	vst v63  }
0x47: {  	_ =	swait.ge [sflag:s9], $0x2000  }
0x48: {  	[sflag:s9] =	ssyncset.done $0x0  }
0x49: {  	[sflag:s9] =	ssyncadd.s32 $0xFFFFE000  }
0x4a: {  	[spmem:s1] =	stream.indirect.scatter.add.f32 [tilespmem:s10], [sflag:$0x1], $0x8, s2, s11, $0xb8;
	[tilespmem:$0x85B0] =	vst v63  }
0x4b: {  	_ =	swait.ge [sflag:s9], $0x400  }
0x4c: {  	[sflag:s9] =	ssyncset.done $0x0  }
0x4d: {  	[sflag:s9] =	ssyncadd.s32 $0xFFFFFC00  }
0x4e: {  	[spmem:s1] =	stream.indirect.scatter.add.f32 [tilespmem:s12], [sflag:$0x1], $0x8, s11, s11, $0xb8;
	[tilespmem:$0x85B0] =	vst v63  }
0x4f: {  	_ =	swait.ge [sflag:s9], $0x400  }
0x50: {  	[sflag:s9] =	ssyncset.done $0x0  }
0x51: {  	[sflag:s9] =	ssyncadd.s32 $0xFFFFFC00  }
0x52: {  	[spmem:s1] =	stream.indirect.scatter.add.f32 [tilespmem:s14], [sflag:$0x1], $0x8, s13, s11, $0xb8;
	[tilespmem:$0x85B0] =	vst v63  }
0x53: {  	_ =	swait.ge [sflag:s9], $0x400  }
0x54: {  	[sflag:s9] =	ssyncset.done $0x0  }
0x55: {  	[sflag:s9] =	ssyncadd.s32 $0xFFFFFC00  }
0x56: {  	[spmem:s1] =	stream.indirect.scatter.add.f32 [tilespmem:s16], [sflag:$0x1], $0x8, s15, s11, $0xb8;
	[tilespmem:$0x85B0] =	vst v63  }
0x57: {  	_ =	swait.ge [sflag:s9], $0x400  }
0x58: {  	[sflag:s9] =	ssyncset.done $0x0  }
0x59: {  	[sflag:s9] =	ssyncadd.s32 $0xFFFFFC00  }
0x5a: {  	[spmem:s1] =	stream.indirect.scatter.add.f32 [tilespmem:s18], [sflag:$0x1], $0x8, s17, s11, $0xb8;
	[tilespmem:$0x85B0] =	vst v63  }
0x5b: {  	_ =	swait.ge [sflag:s9], $0x400  }
0x5c: {  	[sflag:s9] =	ssyncset.done $0x0  }
0x5d: {  	[sflag:s9] =	ssyncadd.s32 $0xFFFFFC00  }
0x5e: {  	[spmem:s1] =	stream.indirect.scatter.add.f32 [tilespmem:s20], [sflag:$0x1], $0x8, s19, s11, $0xb8;
	[tilespmem:$0x85B0] =	vst v63  }
0x5f: {  	_ =	swait.ge [sflag:s9], $0x400  }
0x60: {  	[sflag:s9] =	ssyncset.done $0x0  }
0x61: {  	[sflag:s9] =	ssyncadd.s32 $0xFFFFFC00  }
0x62: {  	[spmem:s1] =	stream.indirect.scatter.add.f32 [tilespmem:s22], [sflag:$0x1], $0x8, s21, s11, $0xb8;
	[tilespmem:$0x85B0] =	vst v63  }
0x63: {  	_ =	swait.ge [sflag:s9], $0x400  }
.Ltmp0:
0x64: {  	[sflag:s9] =	ssyncset.done $0x0;
	(pc) =	sbr.rel @p1 .LBB2_2-.Ltmp0, $4  }
0x65: {  	[sflag:s9] =	ssyncadd.s32 $0xFFFFFC00  }
0x66: {  	[spmem:s1] =	stream.indirect.scatter.add.f32 [tilespmem:s24], [sflag:$0x1], $0x8, s23, s11, $0xb8;
	[tilespmem:$0x85B0] =	vst v63  }
0x67: {  	_ =	swait.ge [sflag:s9], $0x400  }
0x68: {  	s30 =	smov.u32 s29;
	s26 =	sadd.s32 $0x400, s26;
	[sflag:s9] =	ssyncset.done $0x0  }
0x69: {  	s28 =	sadd.s32 s28, s7;
	[sflag:s9] =	ssyncadd.s32 $0xFFFFFC00  }
0x6a: {  	[tilespmem:s2], [sflag:$0x1] =	stream.linear.gather [hbm4b:s28+s2], $0x400, $0x38;
	[tilespmem:$0x85B0] =	vst v63  }
0x6b: {  	_ =	swait.ge [sflag:s9], $0x400  }
0x6c: {  	[sflag:s9] =	ssyncset.done $0x0  }
0x6d: {  	[sflag:s9] =	ssyncadd.s32 $0xFFFFFC00  }
0x6e: {  	[tilespmem:s10], [sflag:$0x1] =	stream.linear.gather [hbm4b:s26+s2], $0x2000, $0x38;
	[tilespmem:$0x85B0] =	vst v63  }
0x6f: {  	_ =	swait.ge [sflag:s9], $0x2000  }
0x70: {  	[sflag:s9] =	ssyncset.done $0x0  }
0x71: {  	[sflag:s9] =	ssyncadd.s32 $0xFFFFE000  }
0x72: {  	[spmem:s1] =	stream.indirect.scatter.add.f32 [tilespmem:s10], [sflag:$0x1], $0x8, s2, s11, $0xb8;
	[tilespmem:$0x85B0] =	vst v63  }
0x73: {  	_ =	swait.ge [sflag:s9], $0x400  }
0x74: {  	[sflag:s9] =	ssyncset.done $0x0  }
0x75: {  	[sflag:s9] =	ssyncadd.s32 $0xFFFFFC00  }
0x76: {  	[spmem:s1] =	stream.indirect.scatter.add.f32 [tilespmem:s12], [sflag:$0x1], $0x8, s11, s11, $0xb8;
	[tilespmem:$0x85B0] =	vst v63  }
0x77: {  	_ =	swait.ge [sflag:s9], $0x400  }
0x78: {  	[sflag:s9] =	ssyncset.done $0x0  }
0x79: {  	[sflag:s9] =	ssyncadd.s32 $0xFFFFFC00  }
0x7a: {  	[spmem:s1] =	stream.indirect.scatter.add.f32 [tilespmem:s14], [sflag:$0x1], $0x8, s13, s11, $0xb8;
	[tilespmem:$0x85B0] =	vst v63  }
0x7b: {  	_ =	swait.ge [sflag:s9], $0x400  }
0x7c: {  	[sflag:s9] =	ssyncset.done $0x0  }
0x7d: {  	[sflag:s9] =	ssyncadd.s32 $0xFFFFFC00  }
0x7e: {  	[spmem:s1] =	stream.indirect.scatter.add.f32 [tilespmem:s16], [sflag:$0x1], $0x8, s15, s11, $0xb8;
	[tilespmem:$0x85B0] =	vst v63  }
0x7f: {  	_ =	swait.ge [sflag:s9], $0x400  }
0x80: {  	[sflag:s9] =	ssyncset.done $0x0  }
0x81: {  	[sflag:s9] =	ssyncadd.s32 $0xFFFFFC00  }
0x82: {  	[spmem:s1] =	stream.indirect.scatter.add.f32 [tilespmem:s18], [sflag:$0x1], $0x8, s17, s11, $0xb8;
	[tilespmem:$0x85B0] =	vst v63  }
0x83: {  	_ =	swait.ge [sflag:s9], $0x400  }
0x84: {  	[sflag:s9] =	ssyncset.done $0x0  }
0x85: {  	[sflag:s9] =	ssyncadd.s32 $0xFFFFFC00  }
0x86: {  	[spmem:s1] =	stream.indirect.scatter.add.f32 [tilespmem:s20], [sflag:$0x1], $0x8, s19, s11, $0xb8;
	[tilespmem:$0x85B0] =	vst v63  }
0x87: {  	_ =	swait.ge [sflag:s9], $0x400  }
0x88: {  	[sflag:s9] =	ssyncset.done $0x0  }
0x89: {  	[sflag:s9] =	ssyncadd.s32 $0xFFFFFC00  }
0x8a: {  	[spmem:s1] =	stream.indirect.scatter.add.f32 [tilespmem:s22], [sflag:$0x1], $0x8, s21, s11, $0xb8;
	[tilespmem:$0x85B0] =	vst v63  }
0x8b: {  	_ =	swait.ge [sflag:s9], $0x400  }
0x8c: {  	[sflag:s9] =	ssyncset.done $0x0  }
0x8d: {  	[sflag:s9] =	ssyncadd.s32 $0xFFFFFC00  }
0x8e: {  	[spmem:s1] =	stream.indirect.scatter.add.f32 [tilespmem:s24], [sflag:$0x1], $0x8, s23, s11, $0xb8;
	[tilespmem:$0x85B0] =	vst v63  }
0x8f: {  	_ =	swait.ge [sflag:s9], $0x400  }
0x90: {  	[sflag:s9] =	ssyncset.done $0x0  }
0x91: {  	s25 =	sadd.s32 $0x1, s25;
	[sflag:s9] =	ssyncadd.s32 $0xFFFFFC00  }
0x92: {  	p1 =	sne.s32 s25, s5;
	s26 =	simm.s32 @!p0 $0x1C01;
	[bflag:$0x0] =	sbarrier.arrive $0xFFFF  }
0x93: {  	[hbm:s4], [sflag:s26] =	dma.local @!p0 [spmem:s8], $0xC358  }
.Ltmp1:
0x94: {  	_ = 	snop;
	(pc) =	sbr.rel @p1 .LBB2_1-.Ltmp1, $4  }
0x95: {  	s26 =	simm.s32 @!p0 $0x1  }
0x96: {  	_ =	swait.ge @!p0 [sflag:s26], $0xC358  }
0x97: {  	[sflag:s26] =	ssyncset.done @!p0 $0x0  }
0x98: {  	[sflag:s26] =	ssyncadd.s32 @!p0 $0xFFFF3CA8  }
0x99: {  	_ =	sfence.sel $0x180000  }
0x9a: {  	[bflag:$0x0] =	sbarrier.arrive $0xFFFF  }
0x9b: {  	_ =	strace $0x90000050  }
0x9c: {  	s0 =	sadd.s32 @!p0 $0x100000, s0;
	[bflag:$0x2] =	sbarrier.arrive $0xFFFF  }
0x9d: {  	[sflag:s0] =	ssyncadd.tile.s32 @!p0 $0x1;
	_ =	shalt  }
.Lfunc_end2:
_tile_overlayer_lowered:
.L_overlay_start_2:
0x9e: {  	(tag) =	ssettag $0x2  }
0x9f: {  	s0 =	rddreg [dreg:$0x0];
	s2 =	stileid.u32  }
0xa0: {  	s1 =	rddreg [dreg:$0x1];
	p0 =	sne.s32 s2, $0x0  }
0xa1: {  	s3 =	rddreg [dreg:$0x2];
	[bflag:$0x3] =	sbarrier.arrive $0xFFFF;
	s2 =	simm.s32 @!p0 $0x1C01  }
0xa2: {  	[timem:s3], [sflag:s2] =	dma.local @!p0 [hbm:s0], s1  }
0xa3: {  	s0 =	simm.s32 @!p0 $0x1  }
0xa4: {  	_ =	swait.ge @!p0 [sflag:s0], s1  }
0xa5: {  	s1 =	ssub.s32 @!p0 $0x0, s1;
	[sflag:s0] =	ssyncset.done @!p0 $0x0  }
0xa6: {  	[sflag:s0] =	ssyncadd.s32 @!p0 s1  }
0xa7: {  	[bflag:$0x3] =	sbarrier.arrive $0xFFFF  }
0xa8: {  	_ =	shalt  }

</sc_bundles>
